<compile_context>
chip_gen: v7x
topology: tpu7x:2x2x1
jax: 0.10.2.dev20260603
libtpu: 0.0.44.dev20260713+nightly
codegen_flags: <defaults>
</compile_context>

<pallas_src>
import functools

import jax
import jax.numpy as jnp
from jax import lax
from jax.experimental import pallas as pl
from jax.experimental.pallas import tpu as pltpu
from jax.experimental.pallas import tpu_sc as plsc

N_PAD = 10240
D = 128
HD = 64
CHUNK = 128
TOT_CHUNKS = 2560
CPT = 160
IDX_BLK = 32
CPW = 80
PAGES = N_PAD // D
ROWS_PER_TILE = N_PAD // 16
E_PAD = TOT_CHUNKS * CHUNK
BLK = 1024


def _make_deg_kernel():
    mesh = plsc.VectorSubcoreMesh(core_axis_name="c", subcore_axis_name="s")

    @functools.partial(
        pl.kernel,
        mesh=mesh,
        compiler_params=pltpu.CompilerParams(needs_layout_passes=False, use_tc_tiling_on_sc=False),
        out_type=jax.ShapeDtypeStruct((2, PAGES, D), jnp.float32),
        scratch_types=[
            pltpu.VMEM((CPW, CHUNK), jnp.int32),
            pltpu.VMEM((N_PAD,), jnp.float32),
            pltpu.VMEM((PAGES, D), jnp.float32),
            pltpu.VMEM((PAGES,), jnp.int32),
            pltpu.VMEM_SHARED((PAGES, D), jnp.float32),
        ],
    )
    def deg_k(dst_hbm, out_hbm, dst_v, hist1_v, hist_v, pages_v, acc):
        cid = lax.axis_index("c")
        sid = lax.axis_index("s")
        w = sid * 2 + cid
        pltpu.sync_copy(dst_hbm.at[pl.ds(w * CPW, CPW)], dst_v)
        zeros = jnp.zeros((16,), jnp.float32)

        def zb(i, _):
            hist1_v[pl.ds(i * 16, 16)] = zeros
            return 0

        lax.fori_loop(0, N_PAD // 16, zb, 0)
        for j in range(PAGES // 16):
            pages_v[pl.ds(j * 16, 16)] = lax.iota(jnp.int32, 16) + j * 16

        ones = jnp.ones((16,), jnp.float32)

        def hbody(i, _):
            idx = dst_v[i // 8, pl.ds((i % 8) * 16, 16)]
            plsc.addupdate_scatter(hist1_v, [idx], ones)
            return 0

        lax.fori_loop(0, CPW * 8, hbody, 0)

        def repack(i, _):
            hist_v[i // 8, pl.ds((i % 8) * 16, 16)] = hist1_v[pl.ds(i * 16, 16)]
            return 0

        lax.fori_loop(0, PAGES * 8, repack, 0)

        @pl.when(sid == 0)
        def _():
            pltpu.sync_copy(hist_v, acc)

        plsc.subcore_barrier()

        @pl.when(sid != 0)
        def _():
            pltpu.sync_copy(hist_v, acc.at[pages_v], add=True)

        plsc.subcore_barrier()

        @pl.when(sid == 0)
        def _():
            pltpu.sync_copy(acc, out_hbm.at[cid])

    return deg_k


def _make_scatter_kernel():
    mesh = plsc.VectorSubcoreMesh(core_axis_name="c", subcore_axis_name="s")

    @functools.partial(
        pl.kernel,
        mesh=mesh,
        compiler_params=pltpu.CompilerParams(needs_layout_passes=False, use_tc_tiling_on_sc=False),
        out_type=jax.ShapeDtypeStruct((2, N_PAD, HD), jnp.float32),
        scratch_types=[
            pltpu.VMEM((IDX_BLK, CHUNK), jnp.int32),
            pltpu.VMEM((IDX_BLK, CHUNK), jnp.int32),
            pltpu.VMEM((CHUNK, HD), jnp.float32),
            pltpu.VMEM((CHUNK, HD), jnp.float32),
            pltpu.VMEM((CHUNK, HD), jnp.float32),
            pltpu.VMEM((CHUNK, HD), jnp.float32),
            pltpu.VMEM_SHARED((N_PAD, HD), jnp.float32),
            pltpu.VMEM_SHARED((N_PAD, HD), jnp.float32),
            pltpu.SemaphoreType.DMA,
            pltpu.SemaphoreType.DMA,
            pltpu.SemaphoreType.DMA,
            pltpu.SemaphoreType.DMA,
        ],
    )
    def scat_k(g_hbm, src_hbm, dst_hbm, out_hbm,
               src_v, dst_v, rows0, rows1, rows2, rows3, g_sh, acc,
               sem0, sem1, sem2, sem3):
        cid = lax.axis_index("c")
        sid = lax.axis_index("s")

        pltpu.sync_copy(
            g_hbm.at[cid, pl.ds(sid * ROWS_PER_TILE, ROWS_PER_TILE)],
            g_sh.at[pl.ds(sid * ROWS_PER_TILE, ROWS_PER_TILE)],
        )

        zeros = jnp.zeros((16,), jnp.float32)

        def zrows(i, _):
            rows0[i // 4, pl.ds((i % 4) * 16, 16)] = zeros
            return 0

        lax.fori_loop(0, CHUNK * (HD // 16), zrows, 0)

        def zs(r, _):
            pltpu.sync_copy(
                rows0, acc.at[pl.ds(sid * ROWS_PER_TILE + r * CHUNK, CHUNK)]
            )
            return 0

        lax.fori_loop(0, ROWS_PER_TILE // CHUNK, zs, 0)
        plsc.subcore_barrier()

        bufs = (rows0, rows1, rows2, rows3)
        sems = (sem0, sem1, sem2, sem3)

        def g_start(c, j):
            pltpu.make_async_copy(g_sh.at[src_v.at[c]], bufs[j], sems[j]).start()

        def g_wait(c, j):
            pltpu.make_async_copy(g_sh.at[src_v.at[c]], bufs[j], sems[j]).wait()

        def s_start(c, j):
            pltpu.make_async_copy(
                bufs[j], acc.at[dst_v.at[c]], sems[j]
            ).start(add=True)

        def s_wait(j):
            pltpu.make_async_copy(
                bufs[j], acc.at[dst_v.at[0]], sems[j]
            ).wait()

        base = sid * CPT
        for blk in range(CPT // IDX_BLK):
            pltpu.sync_copy(
                src_hbm.at[pl.ds(base + blk * IDX_BLK, IDX_BLK)], src_v
            )
            pltpu.sync_copy(
                dst_hbm.at[pl.ds(base + blk * IDX_BLK, IDX_BLK)], dst_v
            )
            g_start(0, 0)
            g_start(1, 1)

            def pbody(i, _):
                for j in range(4):
                    c = i * 4 + j
                    j2 = (j + 2) % 4
                    g_wait(c, j)
                    s_start(c, j)

                    @pl.when(c >= 2)
                    def _():
                        s_wait(j2)

                    @pl.when(c + 2 < IDX_BLK)
                    def _():
                        g_start(c + 2, j2)
                return 0

            lax.fori_loop(0, IDX_BLK // 4, pbody, 0)
            s_wait((IDX_BLK - 2) % 4)
            s_wait((IDX_BLK - 1) % 4)
        plsc.subcore_barrier()
        pltpu.sync_copy(
            acc.at[pl.ds(sid * ROWS_PER_TILE, ROWS_PER_TILE)],
            out_hbm.at[cid, pl.ds(sid * ROWS_PER_TILE, ROWS_PER_TILE)],
        )

    return scat_k


def _row_spec():
    return pl.BlockSpec((BLK, D), lambda i: (i, 0))


def _half_spec():
    return pl.BlockSpec((2, BLK, HD), lambda i: (0, i, 0))


def _deg_spec():
    return pl.BlockSpec((BLK, 1), lambda i: (i, 0))


def _full_spec(shape):
    return pl.BlockSpec(shape, lambda i: (0, 0))


def _tc_call(body, out_spec, out_shape, *args_specs):
    return pl.pallas_call(
        body,
        grid=(N_PAD // BLK,),
        in_specs=[s for _, s in args_specs],
        out_specs=out_spec,
        out_shape=out_shape,
    )(*[a for a, _ in args_specs])


def _halves(ref):
    return jnp.concatenate([ref[0], ref[1]], axis=1)


def _split_store(o_ref, x):
    o_ref[0] = x[:, :HD]
    o_ref[1] = x[:, HD:]


def _g1_body(x_ref, d0_ref, d1_ref, w_ref, o_ref):
    dinv = lax.rsqrt(d0_ref[...] + d1_ref[...] + 1.0)
    h = jnp.dot(x_ref[...], w_ref[...], preferred_element_type=jnp.float32)
    _split_store(o_ref, dinv * h)


def _g2_body(p_ref, g1_ref, d0_ref, d1_ref, b_ref, w_ref, o_ref):
    dinv = lax.rsqrt(d0_ref[...] + d1_ref[...] + 1.0)
    pre = dinv * (_halves(p_ref) + _halves(g1_ref)) + b_ref[...]
    a = jnp.maximum(pre, 0.0)
    _split_store(
        o_ref, dinv * jnp.dot(a, w_ref[...], preferred_element_type=jnp.float32)
    )


def _out_body(q_ref, g2_ref, d0_ref, d1_ref, b_ref, o_ref):
    dinv = lax.rsqrt(d0_ref[...] + d1_ref[...] + 1.0)
    o_ref[...] = dinv * (_halves(q_ref) + _halves(g2_ref)) + b_ref[...]


def kernel(x, adj, W1, b1, W2, b2):
    n = x.shape[0]
    src = adj[0].astype(jnp.int32)
    dst = adj[1].astype(jnp.int32)
    pad = E_PAD - src.shape[0]
    fill = jnp.full((pad,), n, jnp.int32)
    src_p = jnp.concatenate([src, fill]).reshape(TOT_CHUNKS, CHUNK)
    dst_p = jnp.concatenate([dst, fill]).reshape(TOT_CHUNKS, CHUNK)
    x_p = jnp.zeros((N_PAD, D), jnp.float32).at[:n].set(x)
    w1t = W1.T
    w2t = W2.T
    b1r = b1.reshape(1, D)
    b2r = b2.reshape(1, D)

    deg2 = _make_deg_kernel()(dst_p)
    d0 = deg2[0].reshape(N_PAD, 1)
    d1 = deg2[1].reshape(N_PAD, 1)

    halves_shape = jax.ShapeDtypeStruct((2, N_PAD, HD), jnp.float32)

    g1 = _tc_call(
        _g1_body, _half_spec(), halves_shape,
        (x_p, _row_spec()), (d0, _deg_spec()), (d1, _deg_spec()),
        (w1t, _full_spec((D, D))),
    )

    scat = _make_scatter_kernel()
    p = scat(g1, src_p, dst_p)

    g2 = _tc_call(
        _g2_body, _half_spec(), halves_shape,
        (p, _half_spec()), (g1, _half_spec()),
        (d0, _deg_spec()), (d1, _deg_spec()),
        (b1r, _full_spec((1, D))), (w2t, _full_spec((D, D))),
    )

    q = scat(g2, src_p, dst_p)

    out = _tc_call(
        _out_body, _row_spec(), jax.ShapeDtypeStruct((N_PAD, D), jnp.float32),
        (q, _half_spec()), (g2, _half_spec()),
        (d0, _deg_spec()), (d1, _deg_spec()),
        (b2r, _full_spec((1, D))),
    )
    return out[:n]

# --- scband reference (transcript-rebuilt; emitter-appended) ---
"""Pipeline reference for scband-gcn-22316650070243 (READ-ONLY COPY).

The authoritative reference and input builder live on the scoring server;
editing this copy changes nothing except your own understanding.
"""

import jax, jax.numpy as jnp
import numpy as np

N_NODES = 10000
N_EDGES = 320000
D_IN = 128
D_HID = 128
D_OUT = 128


def setup_inputs(seed: int = 0) -> dict:
    key = jax.random.key(seed)
    k1, k2, k3, k4, k5, k6 = jax.random.split(key, 6)
    x = jax.random.normal(k1, (N_NODES, D_IN), dtype=jnp.float32)
    adj = jax.random.randint(k2, (2, N_EDGES), 0, N_NODES, dtype=jnp.int64)
    W1 = jax.random.normal(k3, (D_HID, D_IN), dtype=jnp.float32) * (1.0 / np.sqrt(D_IN))
    b1 = jnp.zeros((D_HID,), dtype=jnp.float32)
    W2 = jax.random.normal(k4, (D_OUT, D_HID), dtype=jnp.float32) * (1.0 / np.sqrt(D_HID))
    b2 = jnp.zeros((D_OUT,), dtype=jnp.float32)
    return {"x": x, "adj": adj, "W1": W1, "b1": b1, "W2": W2, "b2": b2}


def _gcn_conv(x, W, b, src, dst, num_nodes):
    # PyG GCNConv: h = x @ W^T; symmetric normalization with self-loops; scatter-add; + bias
    h = x @ W.T
    deg = jnp.zeros((num_nodes,), dtype=x.dtype).at[dst].add(1.0)
    deg_inv_sqrt = jnp.where(deg > 0, jax.lax.rsqrt(deg), 0.0)
    norm = deg_inv_sqrt[src] * deg_inv_sqrt[dst]
    msgs = norm[:, None] * jnp.take(h, src, axis=0)
    out = jnp.zeros((num_nodes, W.shape[0]), dtype=x.dtype).at[dst].add(msgs)
    return out + b


def reference(x, adj, W1, b1, W2, b2):
    num_nodes = x.shape[0]
    # add self-loops once (same adj used for every layer)
    loop = jnp.arange(num_nodes, dtype=adj.dtype)
    src = jnp.concatenate([adj[0], loop])
    dst = jnp.concatenate([adj[1], loop])
    # layer 1 + relu (dropout p=0.0 is a no-op)
    h = _gcn_conv(x, W1, b1, src, dst, num_nodes)
    h = jax.nn.relu(h)
    # layer 2 (no activation)
    out = _gcn_conv(h, W2, b2, src, dst, num_nodes)
    return out

if __name__ == "__main__":
    import jax
    _d = setup_inputs()
    print(jax.jit(kernel)(*tuple(_d.values())))

</pallas_src>

<mosaic_0001>
#map = affine_map<(d0, d1) -> (0, 0)>
#map1 = affine_map<(d0, d1) -> (0, 0, 0)>
module attributes {stable_mosaic.version = 14 : i64} {
  func.func @deg_k(%arg0: i32, %arg1: i32, %arg2: memref<2560x128xi32, #tpu.memory_space<hbm>>, %arg3: memref<2x80x128xf32, #tpu.memory_space<hbm>>, %arg4: memref<80x128xi32, #tpu.memory_space<vmem>>, %arg5: memref<10240xf32, #tpu.memory_space<vmem>>, %arg6: memref<80x128xf32, #tpu.memory_space<vmem>>, %arg7: memref<80xi32, #tpu.memory_space<vmem>>, %arg8: memref<80x128xf32, #tpu.memory_space<vmem_shared>>) attributes {dimension_semantics = [#tpu.dimension_semantics<core_parallel>, #tpu.dimension_semantics<subcore_parallel>], iteration_bounds = array<i64: 2, 16>, scalar_prefetch = 0 : i64, scratch_operands = 5 : i64, tpu.core_type = #tpu.core_type<sc_vector_subcore>, window_params = [{transform_indices = #map}, {transform_indices = #map1}]} {
    %mul3A = arith.constant 2 : i32
    %mul3A_0 = arith.muli %arg1, %mul3A : i32
    %add3A = arith.addi %mul3A_0, %arg0 : i32
    %mul3A_1 = arith.constant 80 : i32
    %mul3A_2 = arith.muli %add3A, %mul3A_1 : i32
    "tpu.region"() ({
      %run_scoped3A = tpu.sem_alloc : memref<!tpu.dma_semaphore, #tpu.memory_space<semaphore_mem>>
      %dma_start3A = arith.constant 0 : i32
      %dma_start3A_66 = tpu.memref_slice %arg2[%mul3A_2, %dma_start3A] : memref<2560x128xi32, #tpu.memory_space<hbm>> -> memref<80x128xi32, #tpu.memory_space<hbm>>
      %dma_start3A_67 = arith.constant 0 : i32
      %dma_start3A_68 = tpu.memref_slice %arg2[%mul3A_2, %dma_start3A_67] : memref<2560x128xi32, #tpu.memory_space<hbm>> -> memref<80x128xi32, #tpu.memory_space<hbm>>
      tpu.enqueue_dma source(%dma_start3A_68 : memref<80x128xi32, #tpu.memory_space<hbm>>) target(%arg4 : memref<80x128xi32, #tpu.memory_space<vmem>>) target_semaphore(%run_scoped3A : memref<!tpu.dma_semaphore, #tpu.memory_space<semaphore_mem>>)
      %dma_wait3A = arith.constant 0 : i32
      %dma_wait3A_69 = tpu.memref_slice %arg2[%mul3A_2, %dma_wait3A] : memref<2560x128xi32, #tpu.memory_space<hbm>> -> memref<80x128xi32, #tpu.memory_space<hbm>>
      %dma_wait3A_70 = arith.constant 0 : i32
      %dma_wait3A_71 = tpu.memref_slice %arg2[%mul3A_2, %dma_wait3A_70] : memref<2560x128xi32, #tpu.memory_space<hbm>> -> memref<80x128xi32, #tpu.memory_space<hbm>>
      tpu.wait_dma2 semaphore(%run_scoped3A : memref<!tpu.dma_semaphore, #tpu.memory_space<semaphore_mem>>) src(%dma_wait3A_71 : memref<80x128xi32, #tpu.memory_space<hbm>>) dst(%arg4 : memref<80x128xi32, #tpu.memory_space<vmem>>)
      tpu.yield
    }) : () -> ()
    %broadcast_in_dim3A = arith.constant 0.000000e+00 : f32
    %broadcast_in_dim3A_3 = vector.broadcast %broadcast_in_dim3A : f32 to vector<16xf32>
    %scan3A = arith.constant 0 : i32
    %scan3A_4 = arith.constant 0 : i32
    %scan3A_5 = arith.constant 640 : i32
    %scan3A_6 = arith.addi %scan3A_4, %scan3A_5 : i32
    %scan3A_7 = arith.constant 1 : i32
    %scan3A_8 = scf.for %scan3A_66 = %scan3A_4 to %scan3A_6 step %scan3A_7 iter_args(%scan3A_67 = %scan3A) -> (i32)  : i32 {
      %mul3A_68 = arith.constant 16 : i32
      %mul3A_69 = arith.muli %scan3A_66, %mul3A_68 : i32
      %swap3A_70 = arith.index_cast %mul3A_69 : i32 to index
      %swap3A_71 = tpu.vector_load %arg5[%swap3A_70] {strides = array<i32>} : memref<10240xf32, #tpu.memory_space<vmem>>, vector<16xf32>,
      tpu.vector_store %arg5[%swap3A_70], %broadcast_in_dim3A_3 {strides = array<i32>} : memref<10240xf32, #tpu.memory_space<vmem>>, vector<16xf32>,
      %scan3A_72 = arith.constant 0 : i32
      scf.yield %scan3A_72 : i32
    }
    %scan3A_9 = arith.constant 640 : i32
    %iota3A = tpu.iota {dimensions = array<i32: 0>} : vector<16xi32>
    %add3A_10 = arith.constant 0 : i32
    %add3A_11 = vector.broadcast %add3A_10 : i32 to vector<16xi32>
    %add3A_12 = arith.addi %iota3A, %add3A_11 : vector<16xi32>
    %swap3A = arith.constant 0 : index
    %swap3A_13 = tpu.vector_load %arg7[%swap3A] {strides = array<i32>} : memref<80xi32, #tpu.memory_space<vmem>>, vector<16xi32>,
    tpu.vector_store %arg7[%swap3A], %add3A_12 {strides = array<i32>} : memref<80xi32, #tpu.memory_space<vmem>>, vector<16xi32>,
    %iota3A_14 = tpu.iota {dimensions = array<i32: 0>} : vector<16xi32>
    %add3A_15 = arith.constant 16 : i32
    %add3A_16 = vector.broadcast %add3A_15 : i32 to vector<16xi32>
    %add3A_17 = arith.addi %iota3A_14, %add3A_16 : vector<16xi32>
    %swap3A_18 = arith.constant 16 : index
    %swap3A_19 = tpu.vector_load %arg7[%swap3A_18] {strides = array<i32>} : memref<80xi32, #tpu.memory_space<vmem>>, vector<16xi32>,
    tpu.vector_store %arg7[%swap3A_18], %add3A_17 {strides = array<i32>} : memref<80xi32, #tpu.memory_space<vmem>>, vector<16xi32>,
    %iota3A_20 = tpu.iota {dimensions = array<i32: 0>} : vector<16xi32>
    %add3A_21 = arith.constant 32 : i32
    %add3A_22 = vector.broadcast %add3A_21 : i32 to vector<16xi32>
    %add3A_23 = arith.addi %iota3A_20, %add3A_22 : vector<16xi32>
    %swap3A_24 = arith.constant 32 : index
    %swap3A_25 = tpu.vector_load %arg7[%swap3A_24] {strides = array<i32>} : memref<80xi32, #tpu.memory_space<vmem>>, vector<16xi32>,
    tpu.vector_store %arg7[%swap3A_24], %add3A_23 {strides = array<i32>} : memref<80xi32, #tpu.memory_space<vmem>>, vector<16xi32>,
    %iota3A_26 = tpu.iota {dimensions = array<i32: 0>} : vector<16xi32>
    %add3A_27 = arith.constant 48 : i32
    %add3A_28 = vector.broadcast %add3A_27 : i32 to vector<16xi32>
    %add3A_29 = arith.addi %iota3A_26, %add3A_28 : vector<16xi32>
    %swap3A_30 = arith.constant 48 : index
    %swap3A_31 = tpu.vector_load %arg7[%swap3A_30] {strides = array<i32>} : memref<80xi32, #tpu.memory_space<vmem>>, vector<16xi32>,
    tpu.vector_store %arg7[%swap3A_30], %add3A_29 {strides = array<i32>} : memref<80xi32, #tpu.memory_space<vmem>>, vector<16xi32>,
    %iota3A_32 = tpu.iota {dimensions = array<i32: 0>} : vector<16xi32>
    %add3A_33 = arith.constant 64 : i32
    %add3A_34 = vector.broadcast %add3A_33 : i32 to vector<16xi32>
    %add3A_35 = arith.addi %iota3A_32, %add3A_34 : vector<16xi32>
    %swap3A_36 = arith.constant 64 : index
    %swap3A_37 = tpu.vector_load %arg7[%swap3A_36] {strides = array<i32>} : memref<80xi32, #tpu.memory_space<vmem>>, vector<16xi32>,
    tpu.vector_store %arg7[%swap3A_36], %add3A_35 {strides = array<i32>} : memref<80xi32, #tpu.memory_space<vmem>>, vector<16xi32>,
    %broadcast_in_dim3A_38 = arith.constant 1.000000e+00 : f32
    %broadcast_in_dim3A_39 = vector.broadcast %broadcast_in_dim3A_38 : f32 to vector<16xf32>
    %scan3A_40 = arith.constant 0 : i32
    %scan3A_41 = arith.constant 0 : i32
    %scan3A_42 = arith.constant 640 : i32
    %scan3A_43 = arith.addi %scan3A_41, %scan3A_42 : i32
    %scan3A_44 = arith.constant 1 : i32
    %scan3A_45 = scf.for %scan3A_66 = %scan3A_41 to %scan3A_43 step %scan3A_44 iter_args(%scan3A_67 = %scan3A_40) -> (i32)  : i32 {
      %jit3A = arith.constant 8 : i32
      %div3A = arith.divsi %scan3A_66, %jit3A : i32
      %sign3A = arith.constant 0 : i32
      %sign3A_68 = arith.cmpi sgt, %scan3A_66, %sign3A : i32
      %sign3A_69 = arith.extui %sign3A_68 : i1 to i32
      %sign3A_70 = arith.constant 0 : i32
      %sign3A_71 = arith.cmpi slt, %scan3A_66, %sign3A_70 : i32
      %sign3A_72 = arith.extui %sign3A_71 : i1 to i32
      %sign3A_73 = arith.subi %sign3A_69, %sign3A_72 : i32
      %sign3A_74 = arith.constant 0 : i32
      %sign3A_75 = arith.cmpi sgt, %jit3A, %sign3A_74 : i32
      %sign3A_76 = arith.extui %sign3A_75 : i1 to i32
      %sign3A_77 = arith.constant 0 : i32
      %sign3A_78 = arith.cmpi slt, %jit3A, %sign3A_77 : i32
      %sign3A_79 = arith.extui %sign3A_78 : i1 to i32
      %sign3A_80 = arith.subi %sign3A_76, %sign3A_79 : i32
      %ne3A_81 = arith.cmpi ne, %sign3A_73, %sign3A_80 : i32
      %rem3A = arith.remsi %scan3A_66, %jit3A : i32
      %ne3A_82 = arith.constant 0 : i32
      %ne3A_83 = arith.cmpi ne, %rem3A, %ne3A_82 : i32
      %and3A = arith.andi %ne3A_81, %ne3A_83 : i1
      %sub3A = arith.constant 1 : i32
      %sub3A_84 = arith.subi %div3A, %sub3A : i32
      %select_n3A = arith.select %and3A, %sub3A_84, %div3A : i32
      %jit3A_85 = arith.constant 8 : i32
      %eq3A_86 = arith.constant 0 : i32
      %eq3A_87 = arith.cmpi eq, %jit3A_85, %eq3A_86 : i32
      %jit3A_88 = arith.constant 1 : i32
      %select_n3A_89 = arith.select %eq3A_87, %jit3A_88, %jit3A_85 : i32
      %rem3A_90 = arith.remsi %scan3A_66, %select_n3A_89 : i32
      %ne3A_91 = arith.constant 0 : i32
      %ne3A_92 = arith.cmpi ne, %rem3A_90, %ne3A_91 : i32
      %lt3A = arith.constant 0 : i32
      %lt3A_93 = arith.cmpi slt, %rem3A_90, %lt3A : i32
      %lt3A_94 = arith.constant 0 : i32
      %lt3A_95 = arith.cmpi slt, %select_n3A_89, %lt3A_94 : i32
      %ne3A_96 = arith.xori %lt3A_93, %lt3A_95 : i1
      %and3A_97 = arith.andi %ne3A_96, %ne3A_92 : i1
      %add3A_98 = arith.addi %rem3A_90, %select_n3A_89 : i32
      %select_n3A_99 = arith.select %and3A_97, %add3A_98, %rem3A_90 : i32
      %mul3A_100 = arith.constant 16 : i32
      %mul3A_101 = arith.muli %select_n3A_99, %mul3A_100 : i32
      %get3A = arith.index_cast %select_n3A : i32 to index
      %get3A_102 = arith.index_cast %mul3A_101 : i32 to index
      %get3A_103 = tpu.vector_load %arg4[%get3A, %get3A_102] {strides = array<i32>} : memref<80x128xi32, #tpu.memory_space<vmem>>, vector<16xi32>,
      tpu.vector_store_idx %arg5[%get3A_103], %broadcast_in_dim3A_39 {add = true} : memref<10240xf32, #tpu.memory_space<vmem>>[vector<16xi32>], vector<16xf32>,
      %scan3A_104 = arith.constant 0 : i32
      scf.yield %scan3A_104 : i32
    }
    %scan3A_46 = arith.constant 640 : i32
    %scan3A_47 = arith.constant 0 : i32
    %scan3A_48 = arith.constant 0 : i32
    %scan3A_49 = arith.constant 640 : i32
    %scan3A_50 = arith.addi %scan3A_48, %scan3A_49 : i32
    %scan3A_51 = arith.constant 1 : i32
    %scan3A_52 = scf.for %scan3A_66 = %scan3A_48 to %scan3A_50 step %scan3A_51 iter_args(%scan3A_67 = %scan3A_47) -> (i32)  : i32 {
      %mul3A_68 = arith.constant 16 : i32
      %mul3A_69 = arith.muli %scan3A_66, %mul3A_68 : i32
      %get3A = arith.index_cast %mul3A_69 : i32 to index
      %get3A_70 = tpu.vector_load %arg5[%get3A] {strides = array<i32>} : memref<10240xf32, #tpu.memory_space<vmem>>, vector<16xf32>,
      %jit3A = arith.constant 8 : i32
      %div3A = arith.divsi %scan3A_66, %jit3A : i32
      %sign3A = arith.constant 0 : i32
      %sign3A_71 = arith.cmpi sgt, %scan3A_66, %sign3A : i32
      %sign3A_72 = arith.extui %sign3A_71 : i1 to i32
      %sign3A_73 = arith.constant 0 : i32
      %sign3A_74 = arith.cmpi slt, %scan3A_66, %sign3A_73 : i32
      %sign3A_75 = arith.extui %sign3A_74 : i1 to i32
      %sign3A_76 = arith.subi %sign3A_72, %sign3A_75 : i32
      %sign3A_77 = arith.constant 0 : i32
      %sign3A_78 = arith.cmpi sgt, %jit3A, %sign3A_77 : i32
      %sign3A_79 = arith.extui %sign3A_78 : i1 to i32
      %sign3A_80 = arith.constant 0 : i32
      %sign3A_81 = arith.cmpi slt, %jit3A, %sign3A_80 : i32
      %sign3A_82 = arith.extui %sign3A_81 : i1 to i32
      %sign3A_83 = arith.subi %sign3A_79, %sign3A_82 : i32
      %ne3A_84 = arith.cmpi ne, %sign3A_76, %sign3A_83 : i32
      %rem3A = arith.remsi %scan3A_66, %jit3A : i32
      %ne3A_85 = arith.constant 0 : i32
      %ne3A_86 = arith.cmpi ne, %rem3A, %ne3A_85 : i32
      %and3A = arith.andi %ne3A_84, %ne3A_86 : i1
      %sub3A = arith.constant 1 : i32
      %sub3A_87 = arith.subi %div3A, %sub3A : i32
      %select_n3A = arith.select %and3A, %sub3A_87, %div3A : i32
      %jit3A_88 = arith.constant 8 : i32
      %eq3A_89 = arith.constant 0 : i32
      %eq3A_90 = arith.cmpi eq, %jit3A_88, %eq3A_89 : i32
      %jit3A_91 = arith.constant 1 : i32
      %select_n3A_92 = arith.select %eq3A_90, %jit3A_91, %jit3A_88 : i32
      %rem3A_93 = arith.remsi %scan3A_66, %select_n3A_92 : i32
      %ne3A_94 = arith.constant 0 : i32
      %ne3A_95 = arith.cmpi ne, %rem3A_93, %ne3A_94 : i32
      %lt3A = arith.constant 0 : i32
      %lt3A_96 = arith.cmpi slt, %rem3A_93, %lt3A : i32
      %lt3A_97 = arith.constant 0 : i32
      %lt3A_98 = arith.cmpi slt, %select_n3A_92, %lt3A_97 : i32
      %ne3A_99 = arith.xori %lt3A_96, %lt3A_98 : i1
      %and3A_100 = arith.andi %ne3A_99, %ne3A_95 : i1
      %add3A_101 = arith.addi %rem3A_93, %select_n3A_92 : i32
      %select_n3A_102 = arith.select %and3A_100, %add3A_101, %rem3A_93 : i32
      %mul3A_103 = arith.constant 16 : i32
      %mul3A_104 = arith.muli %select_n3A_102, %mul3A_103 : i32
      %swap3A_105 = arith.index_cast %select_n3A : i32 to index
      %swap3A_106 = arith.index_cast %mul3A_104 : i32 to index
      %swap3A_107 = tpu.vector_load %arg6[%swap3A_105, %swap3A_106] {strides = array<i32>} : memref<80x128xf32, #tpu.memory_space<vmem>>, vector<16xf32>,
      tpu.vector_store %arg6[%swap3A_105, %swap3A_106], %get3A_70 {strides = array<i32>} : memref<80x128xf32, #tpu.memory_space<vmem>>, vector<16xf32>,
      %scan3A_108 = arith.constant 0 : i32
      scf.yield %scan3A_108 : i32
    }
    %scan3A_53 = arith.constant 640 : i32
    %eq3A = arith.constant 0 : i32
    %eq3A_54 = arith.cmpi eq, %arg1, %eq3A : i32
    %convert_element_type3A = arith.extui %eq3A_54 : i1 to i32
    %cond3A = arith.constant 0 : i32
    %cond3A_55 = arith.cmpi ne, %convert_element_type3A, %cond3A : i32
    scf.if %cond3A_55 {
      "tpu.region"() ({
        %run_scoped3A = tpu.sem_alloc : memref<!tpu.dma_semaphore, #tpu.memory_space<semaphore_mem>>
        tpu.enqueue_dma source(%arg6 : memref<80x128xf32, #tpu.memory_space<vmem>>) target(%arg8 : memref<80x128xf32, #tpu.memory_space<vmem_shared>>) target_semaphore(%run_scoped3A : memref<!tpu.dma_semaphore, #tpu.memory_space<semaphore_mem>>)
        tpu.wait_dma2 semaphore(%run_scoped3A : memref<!tpu.dma_semaphore, #tpu.memory_space<semaphore_mem>>) src(%arg6 : memref<80x128xf32, #tpu.memory_space<vmem>>) dst(%arg8 : memref<80x128xf32, #tpu.memory_space<vmem_shared>>)
        tpu.yield
      }) : () -> ()
    } else {
    }
    %barrier3A = arith.constant 0 : index
    tpu.barrier barrier_id(%barrier3A)
    %ne3A = arith.constant 0 : i32
    %ne3A_56 = arith.cmpi ne, %arg1, %ne3A : i32
    %convert_element_type3A_57 = arith.extui %ne3A_56 : i1 to i32
    %cond3A_58 = arith.constant 0 : i32
    %cond3A_59 = arith.cmpi ne, %convert_element_type3A_57, %cond3A_58 : i32
    scf.if %cond3A_59 {
      "tpu.region"() ({
        %run_scoped3A = tpu.sem_alloc : memref<!tpu.dma_semaphore, #tpu.memory_space<semaphore_mem>>
        %dma_start3A = arith.constant 0 : i32
        %dma_start3A_66 = arith.constant 0 : i32
        %dma_start3A_67 = tpu.memref_slice %arg8[%dma_start3A, %dma_start3A_66] : memref<80x128xf32, #tpu.memory_space<vmem_shared>> -> memref<80x128xf32, #tpu.memory_space<vmem_shared>>
        tpu.enqueue_indirect_dma source(%arg6 : memref<80x128xf32, #tpu.memory_space<vmem>>) target(%dma_start3A_67 : memref<80x128xf32, #tpu.memory_space<vmem_shared>>) offsets(%arg7 : memref<80xi32, #tpu.memory_space<vmem>>) semaphore(%run_scoped3A : memref<!tpu.dma_semaphore, #tpu.memory_space<semaphore_mem>>) {add = true}
        %dma_wait3A = arith.constant 0 : i32
        %dma_wait3A_68 = arith.constant 0 : i32
        %dma_wait3A_69 = tpu.memref_slice %arg8[%dma_wait3A, %dma_wait3A_68] : memref<80x128xf32, #tpu.memory_space<vmem_shared>> -> memref<80x128xf32, #tpu.memory_space<vmem_shared>>
        tpu.wait_indirect_dma semaphore(%run_scoped3A : memref<!tpu.dma_semaphore, #tpu.memory_space<semaphore_mem>>) src(%arg6 : memref<80x128xf32, #tpu.memory_space<vmem>>) dst(%dma_wait3A_69 : memref<80x128xf32, #tpu.memory_space<vmem_shared>>)
        tpu.yield
      }) : () -> ()
    } else {
    }
    %barrier3A_60 = arith.constant 0 : index
    tpu.barrier barrier_id(%barrier3A_60)
    %eq3A_61 = arith.constant 0 : i32
    %eq3A_62 = arith.cmpi eq, %arg1, %eq3A_61 : i32
    %convert_element_type3A_63 = arith.extui %eq3A_62 : i1 to i32
    %cond3A_64 = arith.constant 0 : i32
    %cond3A_65 = arith.cmpi ne, %convert_element_type3A_63, %cond3A_64 : i32
    scf.if %cond3A_65 {
      "tpu.region"() ({
        %run_scoped3A = tpu.sem_alloc : memref<!tpu.dma_semaphore, #tpu.memory_space<semaphore_mem>>
        %dma_start3A = arith.constant 0 : i32
        %dma_start3A_66 = arith.constant 0 : i32
        %dma_start3A_67 = tpu.memref_slice %arg3[%arg0, %dma_start3A, %dma_start3A_66] : memref<2x80x128xf32, #tpu.memory_space<hbm>> -> memref<1x80x128xf32, #tpu.memory_space<hbm>>
        %dma_start3A_68 = tpu.memref_squeeze %dma_start3A_67 : memref<1x80x128xf32, #tpu.memory_space<hbm>> -> memref<80x128xf32, #tpu.memory_space<hbm>>
        tpu.enqueue_dma source(%arg8 : memref<80x128xf32, #tpu.memory_space<vmem_shared>>) target(%dma_start3A_68 : memref<80x128xf32, #tpu.memory_space<hbm>>) target_semaphore(%run_scoped3A : memref<!tpu.dma_semaphore, #tpu.memory_space<semaphore_mem>>)
        %dma_wait3A = arith.constant 0 : i32
        %dma_wait3A_69 = arith.constant 0 : i32
        %dma_wait3A_70 = tpu.memref_slice %arg3[%arg0, %dma_wait3A, %dma_wait3A_69] : memref<2x80x128xf32, #tpu.memory_space<hbm>> -> memref<1x80x128xf32, #tpu.memory_space<hbm>>
        %dma_wait3A_71 = tpu.memref_squeeze %dma_wait3A_70 : memref<1x80x128xf32, #tpu.memory_space<hbm>> -> memref<80x128xf32, #tpu.memory_space<hbm>>
        tpu.wait_dma2 semaphore(%run_scoped3A : memref<!tpu.dma_semaphore, #tpu.memory_space<semaphore_mem>>) src(%arg8 : memref<80x128xf32, #tpu.memory_space<vmem_shared>>) dst(%dma_wait3A_71 : memref<80x128xf32, #tpu.memory_space<hbm>>)
        tpu.yield
      }) : () -> ()
    } else {
    }
    return
  }
}

#map = affine_map<(d0, d1) -> (0, 0, 0)>
#map1 = affine_map<(d0, d1) -> (0, 0)>
module attributes {stable_mosaic.version = 14 : i64} {
  func.func @scat_k(%arg0: i32, %arg1: i32, %arg2: memref<2x10240x64xf32, #tpu.memory_space<hbm>>, %arg3: memref<2560x128xi32, #tpu.memory_space<hbm>>, %arg4: memref<2560x128xi32, #tpu.memory_space<hbm>>, %arg5: memref<2x10240x64xf32, #tpu.memory_space<hbm>>, %arg6: memref<32x128xi32, #tpu.memory_space<vmem>>, %arg7: memref<32x128xi32, #tpu.memory_space<vmem>>, %arg8: memref<128x64xf32, #tpu.memory_space<vmem>>, %arg9: memref<128x64xf32, #tpu.memory_space<vmem>>, %arg10: memref<128x64xf32, #tpu.memory_space<vmem>>, %arg11: memref<128x64xf32, #tpu.memory_space<vmem>>, %arg12: memref<10240x64xf32, #tpu.memory_space<vmem_shared>>, %arg13: memref<10240x64xf32, #tpu.memory_space<vmem_shared>>, %arg14: memref<!tpu.dma_semaphore, #tpu.memory_space<semaphore_mem>>, %arg15: memref<!tpu.dma_semaphore, #tpu.memory_space<semaphore_mem>>, %arg16: memref<!tpu.dma_semaphore, #tpu.memory_space<semaphore_mem>>, %arg17: memref<!tpu.dma_semaphore, #tpu.memory_space<semaphore_mem>>) attributes {dimension_semantics = [#tpu.dimension_semantics<core_parallel>, #tpu.dimension_semantics<subcore_parallel>], iteration_bounds = array<i64: 2, 16>, scalar_prefetch = 0 : i64, scratch_operands = 12 : i64, tpu.core_type = #tpu.core_type<sc_vector_subcore>, window_params = [{transform_indices = #map}, {transform_indices = #map1}, {transform_indices = #map1}, {transform_indices = #map}]} {
    %mul3A = arith.constant 640 : i32
    %mul3A_0 = arith.muli %arg1, %mul3A : i32
    %mul3A_1 = arith.constant 640 : i32
    %mul3A_2 = arith.muli %arg1, %mul3A_1 : i32
    "tpu.region"() ({
      %run_scoped3A = tpu.sem_alloc : memref<!tpu.dma_semaphore, #tpu.memory_space<semaphore_mem>>
      %dma_start3A_216 = arith.constant 0 : i32
      %dma_start3A_217 = tpu.memref_slice %arg12[%mul3A_2, %dma_start3A_216] : memref<10240x64xf32, #tpu.memory_space<vmem_shared>> -> memref<640x64xf32, #tpu.memory_space<vmem_shared>>
      %dma_start3A_218 = arith.constant 0 : i32
      %dma_start3A_219 = tpu.memref_slice %arg2[%arg0, %mul3A_0, %dma_start3A_218] : memref<2x10240x64xf32, #tpu.memory_space<hbm>> -> memref<1x640x64xf32, #tpu.memory_space<hbm>>
      %dma_start3A_220 = tpu.memref_squeeze %dma_start3A_219 : memref<1x640x64xf32, #tpu.memory_space<hbm>> -> memref<640x64xf32, #tpu.memory_space<hbm>>
      tpu.enqueue_dma source(%dma_start3A_220 : memref<640x64xf32, #tpu.memory_space<hbm>>) target(%dma_start3A_217 : memref<640x64xf32, #tpu.memory_space<vmem_shared>>) target_semaphore(%run_scoped3A : memref<!tpu.dma_semaphore, #tpu.memory_space<semaphore_mem>>)
      %dma_wait3A_221 = arith.constant 0 : i32
      %dma_wait3A_222 = tpu.memref_slice %arg12[%mul3A_2, %dma_wait3A_221] : memref<10240x64xf32, #tpu.memory_space<vmem_shared>> -> memref<640x64xf32, #tpu.memory_space<vmem_shared>>
      %dma_wait3A_223 = arith.constant 0 : i32
      %dma_wait3A_224 = tpu.memref_slice %arg2[%arg0, %mul3A_0, %dma_wait3A_223] : memref<2x10240x64xf32, #tpu.memory_space<hbm>> -> memref<1x640x64xf32, #tpu.memory_space<hbm>>
      %dma_wait3A_225 = tpu.memref_squeeze %dma_wait3A_224 : memref<1x640x64xf32, #tpu.memory_space<hbm>> -> memref<640x64xf32, #tpu.memory_space<hbm>>
      tpu.wait_dma2 semaphore(%run_scoped3A : memref<!tpu.dma_semaphore, #tpu.memory_space<semaphore_mem>>) src(%dma_wait3A_225 : memref<640x64xf32, #tpu.memory_space<hbm>>) dst(%dma_wait3A_222 : memref<640x64xf32, #tpu.memory_space<vmem_shared>>)
      tpu.yield
    }) : () -> ()
    %broadcast_in_dim3A = arith.constant 0.000000e+00 : f32
    %broadcast_in_dim3A_3 = vector.broadcast %broadcast_in_dim3A : f32 to vector<16xf32>
    %scan3A = arith.constant 0 : i32
    %scan3A_4 = arith.constant 0 : i32
    %scan3A_5 = arith.constant 512 : i32
    %scan3A_6 = arith.addi %scan3A_4, %scan3A_5 : i32
    %scan3A_7 = arith.constant 1 : i32
    %scan3A_8 = scf.for %scan3A_216 = %scan3A_4 to %scan3A_6 step %scan3A_7 iter_args(%scan3A_217 = %scan3A) -> (i32)  : i32 {
      %jit3A = arith.constant 4 : i32
      %div3A = arith.divsi %scan3A_216, %jit3A : i32
      %sign3A = arith.constant 0 : i32
      %sign3A_218 = arith.cmpi sgt, %scan3A_216, %sign3A : i32
      %sign3A_219 = arith.extui %sign3A_218 : i1 to i32
      %sign3A_220 = arith.constant 0 : i32
      %sign3A_221 = arith.cmpi slt, %scan3A_216, %sign3A_220 : i32
      %sign3A_222 = arith.extui %sign3A_221 : i1 to i32
      %sign3A_223 = arith.subi %sign3A_219, %sign3A_222 : i32
      %sign3A_224 = arith.constant 0 : i32
      %sign3A_225 = arith.cmpi sgt, %jit3A, %sign3A_224 : i32
      %sign3A_226 = arith.extui %sign3A_225 : i1 to i32
      %sign3A_227 = arith.constant 0 : i32
      %sign3A_228 = arith.cmpi slt, %jit3A, %sign3A_227 : i32
      %sign3A_229 = arith.extui %sign3A_228 : i1 to i32
      %sign3A_230 = arith.subi %sign3A_226, %sign3A_229 : i32
      %ne3A = arith.cmpi ne, %sign3A_223, %sign3A_230 : i32
      %rem3A = arith.remsi %scan3A_216, %jit3A : i32
      %ne3A_231 = arith.constant 0 : i32
      %ne3A_232 = arith.cmpi ne, %rem3A, %ne3A_231 : i32
      %and3A = arith.andi %ne3A, %ne3A_232 : i1
      %sub3A = arith.constant 1 : i32
      %sub3A_233 = arith.subi %div3A, %sub3A : i32
      %select_n3A = arith.select %and3A, %sub3A_233, %div3A : i32
      %jit3A_234 = arith.constant 4 : i32
      %eq3A = arith.constant 0 : i32
      %eq3A_235 = arith.cmpi eq, %jit3A_234, %eq3A : i32
      %jit3A_236 = arith.constant 1 : i32
      %select_n3A_237 = arith.select %eq3A_235, %jit3A_236, %jit3A_234 : i32
      %rem3A_238 = arith.remsi %scan3A_216, %select_n3A_237 : i32
      %ne3A_239 = arith.constant 0 : i32
      %ne3A_240 = arith.cmpi ne, %rem3A_238, %ne3A_239 : i32
      %lt3A = arith.constant 0 : i32
      %lt3A_241 = arith.cmpi slt, %rem3A_238, %lt3A : i32
      %lt3A_242 = arith.constant 0 : i32
      %lt3A_243 = arith.cmpi slt, %select_n3A_237, %lt3A_242 : i32
      %ne3A_244 = arith.xori %lt3A_241, %lt3A_243 : i1
      %and3A_245 = arith.andi %ne3A_244, %ne3A_240 : i1
      %add3A_246 = arith.addi %rem3A_238, %select_n3A_237 : i32
      %select_n3A_247 = arith.select %and3A_245, %add3A_246, %rem3A_238 : i32
      %mul3A_248 = arith.constant 16 : i32
      %mul3A_249 = arith.muli %select_n3A_247, %mul3A_248 : i32
      %swap3A = arith.index_cast %select_n3A : i32 to index
      %swap3A_250 = arith.index_cast %mul3A_249 : i32 to index
      %swap3A_251 = tpu.vector_load %arg8[%swap3A, %swap3A_250] {strides = array<i32>} : memref<128x64xf32, #tpu.memory_space<vmem>>, vector<16xf32>,
      tpu.vector_store %arg8[%swap3A, %swap3A_250], %broadcast_in_dim3A_3 {strides = array<i32>} : memref<128x64xf32, #tpu.memory_space<vmem>>, vector<16xf32>,
      %scan3A_252 = arith.constant 0 : i32
      scf.yield %scan3A_252 : i32
    }
    %scan3A_9 = arith.constant 512 : i32
    %scan3A_10 = arith.constant 0 : i32
    %scan3A_11 = arith.constant 0 : i32
    %scan3A_12 = arith.constant 5 : i32
    %scan3A_13 = arith.addi %scan3A_11, %scan3A_12 : i32
    %scan3A_14 = arith.constant 1 : i32
    %scan3A_15 = scf.for %scan3A_216 = %scan3A_11 to %scan3A_13 step %scan3A_14 iter_args(%scan3A_217 = %scan3A_10) -> (i32)  : i32 {
      %mul3A_218 = arith.constant 640 : i32
      %mul3A_219 = arith.muli %arg1, %mul3A_218 : i32
      %mul3A_220 = arith.constant 128 : i32
      %mul3A_221 = arith.muli %scan3A_216, %mul3A_220 : i32
      %add3A_222 = arith.addi %mul3A_219, %mul3A_221 : i32
      "tpu.region"() ({
        %run_scoped3A = tpu.sem_alloc : memref<!tpu.dma_semaphore, #tpu.memory_space<semaphore_mem>>
        %dma_start3A_224 = arith.constant 0 : i32
        %dma_start3A_225 = tpu.memref_slice %arg13[%add3A_222, %dma_start3A_224] : memref<10240x64xf32, #tpu.memory_space<vmem_shared>> -> memref<128x64xf32, #tpu.memory_space<vmem_shared>>
        %dma_start3A_226 = arith.constant 0 : i32
        %dma_start3A_227 = tpu.memref_slice %arg13[%add3A_222, %dma_start3A_226] : memref<10240x64xf32, #tpu.memory_space<vmem_shared>> -> memref<128x64xf32, #tpu.memory_space<vmem_shared>>
        tpu.enqueue_dma source(%arg8 : memref<128x64xf32, #tpu.memory_space<vmem>>) target(%dma_start3A_227 : memref<128x64xf32, #tpu.memory_space<vmem_shared>>) target_semaphore(%run_scoped3A : memref<!tpu.dma_semaphore, #tpu.memory_space<semaphore_mem>>)
        %dma_wait3A_228 = arith.constant 0 : i32
        %dma_wait3A_229 = tpu.memref_slice %arg13[%add3A_222, %dma_wait3A_228] : memref<10240x64xf32, #tpu.memory_space<vmem_shared>> -> memref<128x64xf32, #tpu.memory_space<vmem_shared>>
        %dma_wait3A_230 = arith.constant 0 : i32
        %dma_wait3A_231 = tpu.memref_slice %arg13[%add3A_222, %dma_wait3A_230] : memref<10240x64xf32, #tpu.memory_space<vmem_shared>> -> memref<128x64xf32, #tpu.memory_space<vmem_shared>>
        tpu.wait_dma2 semaphore(%run_scoped3A : memref<!tpu.dma_semaphore, #tpu.memory_space<semaphore_mem>>) src(%arg8 : memref<128x64xf32, #tpu.memory_space<vmem>>) dst(%dma_wait3A_231 : memref<128x64xf32, #tpu.memory_space<vmem_shared>>)
        tpu.yield
      }) : () -> ()
      %scan3A_223 = arith.constant 0 : i32
      scf.yield %scan3A_223 : i32
    }
    %scan3A_16 = arith.constant 5 : i32
    %barrier3A = arith.constant 0 : index
    tpu.barrier barrier_id(%barrier3A)
    %mul3A_17 = arith.constant 160 : i32
    %mul3A_18 = arith.muli %arg1, %mul3A_17 : i32
    %add3A = arith.constant 0 : i32
    %add3A_19 = arith.addi %mul3A_18, %add3A : i32
    "tpu.region"() ({
      %run_scoped3A = tpu.sem_alloc : memref<!tpu.dma_semaphore, #tpu.memory_space<semaphore_mem>>
      %dma_start3A_216 = arith.constant 0 : i32
      %dma_start3A_217 = tpu.memref_slice %arg3[%add3A_19, %dma_start3A_216] : memref<2560x128xi32, #tpu.memory_space<hbm>> -> memref<32x128xi32, #tpu.memory_space<hbm>>
      %dma_start3A_218 = arith.constant 0 : i32
      %dma_start3A_219 = tpu.memref_slice %arg3[%add3A_19, %dma_start3A_218] : memref<2560x128xi32, #tpu.memory_space<hbm>> -> memref<32x128xi32, #tpu.memory_space<hbm>>
      tpu.enqueue_dma source(%dma_start3A_219 : memref<32x128xi32, #tpu.memory_space<hbm>>) target(%arg6 : memref<32x128xi32, #tpu.memory_space<vmem>>) target_semaphore(%run_scoped3A : memref<!tpu.dma_semaphore, #tpu.memory_space<semaphore_mem>>)
      %dma_wait3A_220 = arith.constant 0 : i32
      %dma_wait3A_221 = tpu.memref_slice %arg3[%add3A_19, %dma_wait3A_220] : memref<2560x128xi32, #tpu.memory_space<hbm>> -> memref<32x128xi32, #tpu.memory_space<hbm>>
      %dma_wait3A_222 = arith.constant 0 : i32
      %dma_wait3A_223 = tpu.memref_slice %arg3[%add3A_19, %dma_wait3A_222] : memref<2560x128xi32, #tpu.memory_space<hbm>> -> memref<32x128xi32, #tpu.memory_space<hbm>>
      tpu.wait_dma2 semaphore(%run_scoped3A : memref<!tpu.dma_semaphore, #tpu.memory_space<semaphore_mem>>) src(%dma_wait3A_223 : memref<32x128xi32, #tpu.memory_space<hbm>>) dst(%arg6 : memref<32x128xi32, #tpu.memory_space<vmem>>)
      tpu.yield
    }) : () -> ()
    %add3A_20 = arith.constant 0 : i32
    %add3A_21 = arith.addi %mul3A_18, %add3A_20 : i32
    "tpu.region"() ({
      %run_scoped3A = tpu.sem_alloc : memref<!tpu.dma_semaphore, #tpu.memory_space<semaphore_mem>>
      %dma_start3A_216 = arith.constant 0 : i32
      %dma_start3A_217 = tpu.memref_slice %arg4[%add3A_21, %dma_start3A_216] : memref<2560x128xi32, #tpu.memory_space<hbm>> -> memref<32x128xi32, #tpu.memory_space<hbm>>
      %dma_start3A_218 = arith.constant 0 : i32
      %dma_start3A_219 = tpu.memref_slice %arg4[%add3A_21, %dma_start3A_218] : memref<2560x128xi32, #tpu.memory_space<hbm>> -> memref<32x128xi32, #tpu.memory_space<hbm>>
      tpu.enqueue_dma source(%dma_start3A_219 : memref<32x128xi32, #tpu.memory_space<hbm>>) target(%arg7 : memref<32x128xi32, #tpu.memory_space<vmem>>) target_semaphore(%run_scoped3A : memref<!tpu.dma_semaphore, #tpu.memory_space<semaphore_mem>>)
      %dma_wait3A_220 = arith.constant 0 : i32
      %dma_wait3A_221 = tpu.memref_slice %arg4[%add3A_21, %dma_wait3A_220] : memref<2560x128xi32, #tpu.memory_space<hbm>> -> memref<32x128xi32, #tpu.memory_space<hbm>>
      %dma_wait3A_222 = arith.constant 0 : i32
      %dma_wait3A_223 = tpu.memref_slice %arg4[%add3A_21, %dma_wait3A_222] : memref<2560x128xi32, #tpu.memory_space<hbm>> -> memref<32x128xi32, #tpu.memory_space<hbm>>
      tpu.wait_dma2 semaphore(%run_scoped3A : memref<!tpu.dma_semaphore, #tpu.memory_space<semaphore_mem>>) src(%dma_wait3A_223 : memref<32x128xi32, #tpu.memory_space<hbm>>) dst(%arg7 : memref<32x128xi32, #tpu.memory_space<vmem>>)
      tpu.yield
    }) : () -> ()
    %dma_start3A = arith.constant 0 : i32
    %dma_start3A_22 = arith.constant 0 : i32
    %dma_start3A_23 = tpu.memref_slice %arg6[%dma_start3A, %dma_start3A_22] : memref<32x128xi32, #tpu.memory_space<vmem>> -> memref<1x128xi32, #tpu.memory_space<vmem>>
    %dma_start3A_24 = tpu.memref_squeeze %dma_start3A_23 : memref<1x128xi32, #tpu.memory_space<vmem>> -> memref<128xi32, #tpu.memory_space<vmem>>
    %dma_start3A_25 = arith.constant 0 : i32
    %dma_start3A_26 = arith.constant 0 : i32
    %dma_start3A_27 = tpu.memref_slice %arg12[%dma_start3A_25, %dma_start3A_26] : memref<10240x64xf32, #tpu.memory_space<vmem_shared>> -> memref<10240x64xf32, #tpu.memory_space<vmem_shared>>
    tpu.enqueue_indirect_dma source(%dma_start3A_27 : memref<10240x64xf32, #tpu.memory_space<vmem_shared>>) target(%arg8 : memref<128x64xf32, #tpu.memory_space<vmem>>) offsets(%dma_start3A_24 : memref<128xi32, #tpu.memory_space<vmem>>) semaphore(%arg14 : memref<!tpu.dma_semaphore, #tpu.memory_space<semaphore_mem>>)
    %dma_start3A_28 = arith.constant 1 : i32
    %dma_start3A_29 = arith.constant 0 : i32
    %dma_start3A_30 = tpu.memref_slice %arg6[%dma_start3A_28, %dma_start3A_29] : memref<32x128xi32, #tpu.memory_space<vmem>> -> memref<1x128xi32, #tpu.memory_space<vmem>>
    %dma_start3A_31 = tpu.memref_squeeze %dma_start3A_30 : memref<1x128xi32, #tpu.memory_space<vmem>> -> memref<128xi32, #tpu.memory_space<vmem>>
    %dma_start3A_32 = arith.constant 0 : i32
    %dma_start3A_33 = arith.constant 0 : i32
    %dma_start3A_34 = tpu.memref_slice %arg12[%dma_start3A_32, %dma_start3A_33] : memref<10240x64xf32, #tpu.memory_space<vmem_shared>> -> memref<10240x64xf32, #tpu.memory_space<vmem_shared>>
    tpu.enqueue_indirect_dma source(%dma_start3A_34 : memref<10240x64xf32, #tpu.memory_space<vmem_shared>>) target(%arg9 : memref<128x64xf32, #tpu.memory_space<vmem>>) offsets(%dma_start3A_31 : memref<128xi32, #tpu.memory_space<vmem>>) semaphore(%arg15 : memref<!tpu.dma_semaphore, #tpu.memory_space<semaphore_mem>>)
    %scan3A_35 = arith.constant 0 : i32
    %scan3A_36 = arith.constant 0 : i32
    %scan3A_37 = arith.constant 8 : i32
    %scan3A_38 = arith.addi %scan3A_36, %scan3A_37 : i32
    %scan3A_39 = arith.constant 1 : i32
    %scan3A_40 = scf.for %scan3A_216 = %scan3A_36 to %scan3A_38 step %scan3A_39 iter_args(%scan3A_217 = %scan3A_35) -> (i32)  : i32 {
      %mul3A_218 = arith.constant 4 : i32
      %mul3A_219 = arith.muli %scan3A_216, %mul3A_218 : i32
      %add3A_220 = arith.constant 0 : i32
      %add3A_221 = arith.addi %mul3A_219, %add3A_220 : i32
      %dma_wait3A_222 = arith.constant 0 : i32
      %dma_wait3A_223 = tpu.memref_slice %arg6[%add3A_221, %dma_wait3A_222] : memref<32x128xi32, #tpu.memory_space<vmem>> -> memref<1x128xi32, #tpu.memory_space<vmem>>
      %dma_wait3A_224 = tpu.memref_squeeze %dma_wait3A_223 : memref<1x128xi32, #tpu.memory_space<vmem>> -> memref<128xi32, #tpu.memory_space<vmem>>
      %dma_wait3A_225 = arith.constant 0 : i32
      %dma_wait3A_226 = arith.constant 0 : i32
      %dma_wait3A_227 = tpu.memref_slice %arg12[%dma_wait3A_225, %dma_wait3A_226] : memref<10240x64xf32, #tpu.memory_space<vmem_shared>> -> memref<10240x64xf32, #tpu.memory_space<vmem_shared>>
      tpu.wait_indirect_dma semaphore(%arg14 : memref<!tpu.dma_semaphore, #tpu.memory_space<semaphore_mem>>) src(%dma_wait3A_227 : memref<10240x64xf32, #tpu.memory_space<vmem_shared>>) dst(%arg8 : memref<128x64xf32, #tpu.memory_space<vmem>>)
      %dma_start3A_228 = arith.constant 0 : i32
      %dma_start3A_229 = tpu.memref_slice %arg7[%add3A_221, %dma_start3A_228] : memref<32x128xi32, #tpu.memory_space<vmem>> -> memref<1x128xi32, #tpu.memory_space<vmem>>
      %dma_start3A_230 = tpu.memref_squeeze %dma_start3A_229 : memref<1x128xi32, #tpu.memory_space<vmem>> -> memref<128xi32, #tpu.memory_space<vmem>>
      %dma_start3A_231 = arith.constant 0 : i32
      %dma_start3A_232 = arith.constant 0 : i32
      %dma_start3A_233 = tpu.memref_slice %arg13[%dma_start3A_231, %dma_start3A_232] : memref<10240x64xf32, #tpu.memory_space<vmem_shared>> -> memref<10240x64xf32, #tpu.memory_space<vmem_shared>>
      tpu.enqueue_indirect_dma source(%arg8 : memref<128x64xf32, #tpu.memory_space<vmem>>) target(%dma_start3A_233 : memref<10240x64xf32, #tpu.memory_space<vmem_shared>>) offsets(%dma_start3A_230 : memref<128xi32, #tpu.memory_space<vmem>>) semaphore(%arg14 : memref<!tpu.dma_semaphore, #tpu.memory_space<semaphore_mem>>) {add = true}
      %ge3A = arith.constant 2 : i32
      %ge3A_234 = arith.cmpi sge, %add3A_221, %ge3A : i32
      %convert_element_type3A = arith.extui %ge3A_234 : i1 to i32
      %cond3A = arith.constant 0 : i32
      %cond3A_235 = arith.cmpi ne, %convert_element_type3A, %cond3A : i32
      scf.if %cond3A_235 {
        %dma_wait3A_327 = arith.constant 0 : i32
        %dma_wait3A_328 = arith.constant 0 : i32
        %dma_wait3A_329 = tpu.memref_slice %arg7[%dma_wait3A_327, %dma_wait3A_328] : memref<32x128xi32, #tpu.memory_space<vmem>> -> memref<1x128xi32, #tpu.memory_space<vmem>>
        %dma_wait3A_330 = tpu.memref_squeeze %dma_wait3A_329 : memref<1x128xi32, #tpu.memory_space<vmem>> -> memref<128xi32, #tpu.memory_space<vmem>>
        %dma_wait3A_331 = arith.constant 0 : i32
        %dma_wait3A_332 = arith.constant 0 : i32
        %dma_wait3A_333 = tpu.memref_slice %arg13[%dma_wait3A_331, %dma_wait3A_332] : memref<10240x64xf32, #tpu.memory_space<vmem_shared>> -> memref<10240x64xf32, #tpu.memory_space<vmem_shared>>
        tpu.wait_indirect_dma semaphore(%arg16 : memref<!tpu.dma_semaphore, #tpu.memory_space<semaphore_mem>>) src(%arg10 : memref<128x64xf32, #tpu.memory_space<vmem>>) dst(%dma_wait3A_333 : memref<10240x64xf32, #tpu.memory_space<vmem_shared>>)
      } else {
      }
      %add3A_236 = arith.constant 2 : i32
      %add3A_237 = arith.addi %add3A_221, %add3A_236 : i32
      %lt3A = arith.constant 32 : i32
      %lt3A_238 = arith.cmpi slt, %add3A_237, %lt3A : i32
      %convert_element_type3A_239 = arith.extui %lt3A_238 : i1 to i32
      %cond3A_240 = arith.constant 0 : i32
      %cond3A_241 = arith.cmpi ne, %convert_element_type3A_239, %cond3A_240 : i32
      scf.if %cond3A_241 {
        %add3A_327 = arith.constant 2 : i32
        %add3A_328 = arith.addi %add3A_221, %add3A_327 : i32
        %dma_start3A_329 = arith.constant 0 : i32
        %dma_start3A_330 = tpu.memref_slice %arg6[%add3A_328, %dma_start3A_329] : memref<32x128xi32, #tpu.memory_space<vmem>> -> memref<1x128xi32, #tpu.memory_space<vmem>>
        %dma_start3A_331 = tpu.memref_squeeze %dma_start3A_330 : memref<1x128xi32, #tpu.memory_space<vmem>> -> memref<128xi32, #tpu.memory_space<vmem>>
        %dma_start3A_332 = arith.constant 0 : i32
        %dma_start3A_333 = arith.constant 0 : i32
        %dma_start3A_334 = tpu.memref_slice %arg12[%dma_start3A_332, %dma_start3A_333] : memref<10240x64xf32, #tpu.memory_space<vmem_shared>> -> memref<10240x64xf32, #tpu.memory_space<vmem_shared>>
        tpu.enqueue_indirect_dma source(%dma_start3A_334 : memref<10240x64xf32, #tpu.memory_space<vmem_shared>>) target(%arg10 : memref<128x64xf32, #tpu.memory_space<vmem>>) offsets(%dma_start3A_331 : memref<128xi32, #tpu.memory_space<vmem>>) semaphore(%arg16 : memref<!tpu.dma_semaphore, #tpu.memory_space<semaphore_mem>>)
      } else {
      }
      %mul3A_242 = arith.constant 4 : i32
      %mul3A_243 = arith.muli %scan3A_216, %mul3A_242 : i32
      %add3A_244 = arith.constant 1 : i32
      %add3A_245 = arith.addi %mul3A_243, %add3A_244 : i32
      %dma_wait3A_246 = arith.constant 0 : i32
      %dma_wait3A_247 = tpu.memref_slice %arg6[%add3A_245, %dma_wait3A_246] : memref<32x128xi32, #tpu.memory_space<vmem>> -> memref<1x128xi32, #tpu.memory_space<vmem>>
      %dma_wait3A_248 = tpu.memref_squeeze %dma_wait3A_247 : memref<1x128xi32, #tpu.memory_space<vmem>> -> memref<128xi32, #tpu.memory_space<vmem>>
      %dma_wait3A_249 = arith.constant 0 : i32
      %dma_wait3A_250 = arith.constant 0 : i32
      %dma_wait3A_251 = tpu.memref_slice %arg12[%dma_wait3A_249, %dma_wait3A_250] : memref<10240x64xf32, #tpu.memory_space<vmem_shared>> -> memref<10240x64xf32, #tpu.memory_space<vmem_shared>>
      tpu.wait_indirect_dma semaphore(%arg15 : memref<!tpu.dma_semaphore, #tpu.memory_space<semaphore_mem>>) src(%dma_wait3A_251 : memref<10240x64xf32, #tpu.memory_space<vmem_shared>>) dst(%arg9 : memref<128x64xf32, #tpu.memory_space<vmem>>)
      %dma_start3A_252 = arith.constant 0 : i32
      %dma_start3A_253 = tpu.memref_slice %arg7[%add3A_245, %dma_start3A_252] : memref<32x128xi32, #tpu.memory_space<vmem>> -> memref<1x128xi32, #tpu.memory_space<vmem>>
      %dma_start3A_254 = tpu.memref_squeeze %dma_start3A_253 : memref<1x128xi32, #tpu.memory_space<vmem>> -> memref<128xi32, #tpu.memory_space<vmem>>
      %dma_start3A_255 = arith.constant 0 : i32
      %dma_start3A_256 = arith.constant 0 : i32
      %dma_start3A_257 = tpu.memref_slice %arg13[%dma_start3A_255, %dma_start3A_256] : memref<10240x64xf32, #tpu.memory_space<vmem_shared>> -> memref<10240x64xf32, #tpu.memory_space<vmem_shared>>
      tpu.enqueue_indirect_dma source(%arg9 : memref<128x64xf32, #tpu.memory_space<vmem>>) target(%dma_start3A_257 : memref<10240x64xf32, #tpu.memory_space<vmem_shared>>) offsets(%dma_start3A_254 : memref<128xi32, #tpu.memory_space<vmem>>) semaphore(%arg15 : memref<!tpu.dma_semaphore, #tpu.memory_space<semaphore_mem>>) {add = true}
      %ge3A_258 = arith.constant 2 : i32
      %ge3A_259 = arith.cmpi sge, %add3A_245, %ge3A_258 : i32
      %convert_element_type3A_260 = arith.extui %ge3A_259 : i1 to i32
      %cond3A_261 = arith.constant 0 : i32
      %cond3A_262 = arith.cmpi ne, %convert_element_type3A_260, %cond3A_261 : i32
      scf.if %cond3A_262 {
        %dma_wait3A_327 = arith.constant 0 : i32
        %dma_wait3A_328 = arith.constant 0 : i32
        %dma_wait3A_329 = tpu.memref_slice %arg7[%dma_wait3A_327, %dma_wait3A_328] : memref<32x128xi32, #tpu.memory_space<vmem>> -> memref<1x128xi32, #tpu.memory_space<vmem>>
        %dma_wait3A_330 = tpu.memref_squeeze %dma_wait3A_329 : memref<1x128xi32, #tpu.memory_space<vmem>> -> memref<128xi32, #tpu.memory_space<vmem>>
        %dma_wait3A_331 = arith.constant 0 : i32
        %dma_wait3A_332 = arith.constant 0 : i32
        %dma_wait3A_333 = tpu.memref_slice %arg13[%dma_wait3A_331, %dma_wait3A_332] : memref<10240x64xf32, #tpu.memory_space<vmem_shared>> -> memref<10240x64xf32, #tpu.memory_space<vmem_shared>>
        tpu.wait_indirect_dma semaphore(%arg17 : memref<!tpu.dma_semaphore, #tpu.memory_space<semaphore_mem>>) src(%arg11 : memref<128x64xf32, #tpu.memory_space<vmem>>) dst(%dma_wait3A_333 : memref<10240x64xf32, #tpu.memory_space<vmem_shared>>)
      } else {
      }
      %add3A_263 = arith.constant 2 : i32
      %add3A_264 = arith.addi %add3A_245, %add3A_263 : i32
      %lt3A_265 = arith.constant 32 : i32
      %lt3A_266 = arith.cmpi slt, %add3A_264, %lt3A_265 : i32
      %convert_element_type3A_267 = arith.extui %lt3A_266 : i1 to i32
      %cond3A_268 = arith.constant 0 : i32
      %cond3A_269 = arith.cmpi ne, %convert_element_type3A_267, %cond3A_268 : i32
      scf.if %cond3A_269 {
        %add3A_327 = arith.constant 2 : i32
        %add3A_328 = arith.addi %add3A_245, %add3A_327 : i32
        %dma_start3A_329 = arith.constant 0 : i32
        %dma_start3A_330 = tpu.memref_slice %arg6[%add3A_328, %dma_start3A_329] : memref<32x128xi32, #tpu.memory_space<vmem>> -> memref<1x128xi32, #tpu.memory_space<vmem>>
        %dma_start3A_331 = tpu.memref_squeeze %dma_start3A_330 : memref<1x128xi32, #tpu.memory_space<vmem>> -> memref<128xi32, #tpu.memory_space<vmem>>
        %dma_start3A_332 = arith.constant 0 : i32
        %dma_start3A_333 = arith.constant 0 : i32
        %dma_start3A_334 = tpu.memref_slice %arg12[%dma_start3A_332, %dma_start3A_333] : memref<10240x64xf32, #tpu.memory_space<vmem_shared>> -> memref<10240x64xf32, #tpu.memory_space<vmem_shared>>
        tpu.enqueue_indirect_dma source(%dma_start3A_334 : memref<10240x64xf32, #tpu.memory_space<vmem_shared>>) target(%arg11 : memref<128x64xf32, #tpu.memory_space<vmem>>) offsets(%dma_start3A_331 : memref<128xi32, #tpu.memory_space<vmem>>) semaphore(%arg17 : memref<!tpu.dma_semaphore, #tpu.memory_space<semaphore_mem>>)
      } else {
      }
      %mul3A_270 = arith.constant 4 : i32
      %mul3A_271 = arith.muli %scan3A_216, %mul3A_270 : i32
      %add3A_272 = arith.constant 2 : i32
      %add3A_273 = arith.addi %mul3A_271, %add3A_272 : i32
      %dma_wait3A_274 = arith.constant 0 : i32
      %dma_wait3A_275 = tpu.memref_slice %arg6[%add3A_273, %dma_wait3A_274] : memref<32x128xi32, #tpu.memory_space<vmem>> -> memref<1x128xi32, #tpu.memory_space<vmem>>
      %dma_wait3A_276 = tpu.memref_squeeze %dma_wait3A_275 : memref<1x128xi32, #tpu.memory_space<vmem>> -> memref<128xi32, #tpu.memory_space<vmem>>
      %dma_wait3A_277 = arith.constant 0 : i32
      %dma_wait3A_278 = arith.constant 0 : i32
      %dma_wait3A_279 = tpu.memref_slice %arg12[%dma_wait3A_277, %dma_wait3A_278] : memref<10240x64xf32, #tpu.memory_space<vmem_shared>> -> memref<10240x64xf32, #tpu.memory_space<vmem_shared>>
      tpu.wait_indirect_dma semaphore(%arg16 : memref<!tpu.dma_semaphore, #tpu.memory_space<semaphore_mem>>) src(%dma_wait3A_279 : memref<10240x64xf32, #tpu.memory_space<vmem_shared>>) dst(%arg10 : memref<128x64xf32, #tpu.memory_space<vmem>>)
      %dma_start3A_280 = arith.constant 0 : i32
      %dma_start3A_281 = tpu.memref_slice %arg7[%add3A_273, %dma_start3A_280] : memref<32x128xi32, #tpu.memory_space<vmem>> -> memref<1x128xi32, #tpu.memory_space<vmem>>
      %dma_start3A_282 = tpu.memref_squeeze %dma_start3A_281 : memref<1x128xi32, #tpu.memory_space<vmem>> -> memref<128xi32, #tpu.memory_space<vmem>>
      %dma_start3A_283 = arith.constant 0 : i32
      %dma_start3A_284 = arith.constant 0 : i32
      %dma_start3A_285 = tpu.memref_slice %arg13[%dma_start3A_283, %dma_start3A_284] : memref<10240x64xf32, #tpu.memory_space<vmem_shared>> -> memref<10240x64xf32, #tpu.memory_space<vmem_shared>>
      tpu.enqueue_indirect_dma source(%arg10 : memref<128x64xf32, #tpu.memory_space<vmem>>) target(%dma_start3A_285 : memref<10240x64xf32, #tpu.memory_space<vmem_shared>>) offsets(%dma_start3A_282 : memref<128xi32, #tpu.memory_space<vmem>>) semaphore(%arg16 : memref<!tpu.dma_semaphore, #tpu.memory_space<semaphore_mem>>) {add = true}
      %ge3A_286 = arith.constant 2 : i32
      %ge3A_287 = arith.cmpi sge, %add3A_273, %ge3A_286 : i32
      %convert_element_type3A_288 = arith.extui %ge3A_287 : i1 to i32
      %cond3A_289 = arith.constant 0 : i32
      %cond3A_290 = arith.cmpi ne, %convert_element_type3A_288, %cond3A_289 : i32
      scf.if %cond3A_290 {
        %dma_wait3A_327 = arith.constant 0 : i32
        %dma_wait3A_328 = arith.constant 0 : i32
        %dma_wait3A_329 = tpu.memref_slice %arg7[%dma_wait3A_327, %dma_wait3A_328] : memref<32x128xi32, #tpu.memory_space<vmem>> -> memref<1x128xi32, #tpu.memory_space<vmem>>
        %dma_wait3A_330 = tpu.memref_squeeze %dma_wait3A_329 : memref<1x128xi32, #tpu.memory_space<vmem>> -> memref<128xi32, #tpu.memory_space<vmem>>
        %dma_wait3A_331 = arith.constant 0 : i32
        %dma_wait3A_332 = arith.constant 0 : i32
        %dma_wait3A_333 = tpu.memref_slice %arg13[%dma_wait3A_331, %dma_wait3A_332] : memref<10240x64xf32, #tpu.memory_space<vmem_shared>> -> memref<10240x64xf32, #tpu.memory_space<vmem_shared>>
        tpu.wait_indirect_dma semaphore(%arg14 : memref<!tpu.dma_semaphore, #tpu.memory_space<semaphore_mem>>) src(%arg8 : memref<128x64xf32, #tpu.memory_space<vmem>>) dst(%dma_wait3A_333 : memref<10240x64xf32, #tpu.memory_space<vmem_shared>>)
      } else {
      }
      %add3A_291 = arith.constant 2 : i32
      %add3A_292 = arith.addi %add3A_273, %add3A_291 : i32
      %lt3A_293 = arith.constant 32 : i32
      %lt3A_294 = arith.cmpi slt, %add3A_292, %lt3A_293 : i32
      %convert_element_type3A_295 = arith.extui %lt3A_294 : i1 to i32
      %cond3A_296 = arith.constant 0 : i32
      %cond3A_297 = arith.cmpi ne, %convert_element_type3A_295, %cond3A_296 : i32
      scf.if %cond3A_297 {
        %add3A_327 = arith.constant 2 : i32
        %add3A_328 = arith.addi %add3A_273, %add3A_327 : i32
        %dma_start3A_329 = arith.constant 0 : i32
        %dma_start3A_330 = tpu.memref_slice %arg6[%add3A_328, %dma_start3A_329] : memref<32x128xi32, #tpu.memory_space<vmem>> -> memref<1x128xi32, #tpu.memory_space<vmem>>
        %dma_start3A_331 = tpu.memref_squeeze %dma_start3A_330 : memref<1x128xi32, #tpu.memory_space<vmem>> -> memref<128xi32, #tpu.memory_space<vmem>>
        %dma_start3A_332 = arith.constant 0 : i32
        %dma_start3A_333 = arith.constant 0 : i32
        %dma_start3A_334 = tpu.memref_slice %arg12[%dma_start3A_332, %dma_start3A_333] : memref<10240x64xf32, #tpu.memory_space<vmem_shared>> -> memref<10240x64xf32, #tpu.memory_space<vmem_shared>>
        tpu.enqueue_indirect_dma source(%dma_start3A_334 : memref<10240x64xf32, #tpu.memory_space<vmem_shared>>) target(%arg8 : memref<128x64xf32, #tpu.memory_space<vmem>>) offsets(%dma_start3A_331 : memref<128xi32, #tpu.memory_space<vmem>>) semaphore(%arg14 : memref<!tpu.dma_semaphore, #tpu.memory_space<semaphore_mem>>)
      } else {
      }
      %mul3A_298 = arith.constant 4 : i32
      %mul3A_299 = arith.muli %scan3A_216, %mul3A_298 : i32
      %add3A_300 = arith.constant 3 : i32
      %add3A_301 = arith.addi %mul3A_299, %add3A_300 : i32
      %dma_wait3A_302 = arith.constant 0 : i32
      %dma_wait3A_303 = tpu.memref_slice %arg6[%add3A_301, %dma_wait3A_302] : memref<32x128xi32, #tpu.memory_space<vmem>> -> memref<1x128xi32, #tpu.memory_space<vmem>>
      %dma_wait3A_304 = tpu.memref_squeeze %dma_wait3A_303 : memref<1x128xi32, #tpu.memory_space<vmem>> -> memref<128xi32, #tpu.memory_space<vmem>>
      %dma_wait3A_305 = arith.constant 0 : i32
      %dma_wait3A_306 = arith.constant 0 : i32
      %dma_wait3A_307 = tpu.memref_slice %arg12[%dma_wait3A_305, %dma_wait3A_306] : memref<10240x64xf32, #tpu.memory_space<vmem_shared>> -> memref<10240x64xf32, #tpu.memory_space<vmem_shared>>
      tpu.wait_indirect_dma semaphore(%arg17 : memref<!tpu.dma_semaphore, #tpu.memory_space<semaphore_mem>>) src(%dma_wait3A_307 : memref<10240x64xf32, #tpu.memory_space<vmem_shared>>) dst(%arg11 : memref<128x64xf32, #tpu.memory_space<vmem>>)
      %dma_start3A_308 = arith.constant 0 : i32
      %dma_start3A_309 = tpu.memref_slice %arg7[%add3A_301, %dma_start3A_308] : memref<32x128xi32, #tpu.memory_space<vmem>> -> memref<1x128xi32, #tpu.memory_space<vmem>>
      %dma_start3A_310 = tpu.memref_squeeze %dma_start3A_309 : memref<1x128xi32, #tpu.memory_space<vmem>> -> memref<128xi32, #tpu.memory_space<vmem>>
      %dma_start3A_311 = arith.constant 0 : i32
      %dma_start3A_312 = arith.constant 0 : i32
      %dma_start3A_313 = tpu.memref_slice %arg13[%dma_start3A_311, %dma_start3A_312] : memref<10240x64xf32, #tpu.memory_space<vmem_shared>> -> memref<10240x64xf32, #tpu.memory_space<vmem_shared>>
      tpu.enqueue_indirect_dma source(%arg11 : memref<128x64xf32, #tpu.memory_space<vmem>>) target(%dma_start3A_313 : memref<10240x64xf32, #tpu.memory_space<vmem_shared>>) offsets(%dma_start3A_310 : memref<128xi32, #tpu.memory_space<vmem>>) semaphore(%arg17 : memref<!tpu.dma_semaphore, #tpu.memory_space<semaphore_mem>>) {add = true}
      %ge3A_314 = arith.constant 2 : i32
      %ge3A_315 = arith.cmpi sge, %add3A_301, %ge3A_314 : i32
      %convert_element_type3A_316 = arith.extui %ge3A_315 : i1 to i32
      %cond3A_317 = arith.constant 0 : i32
      %cond3A_318 = arith.cmpi ne, %convert_element_type3A_316, %cond3A_317 : i32
      scf.if %cond3A_318 {
        %dma_wait3A_327 = arith.constant 0 : i32
        %dma_wait3A_328 = arith.constant 0 : i32
        %dma_wait3A_329 = tpu.memref_slice %arg7[%dma_wait3A_327, %dma_wait3A_328] : memref<32x128xi32, #tpu.memory_space<vmem>> -> memref<1x128xi32, #tpu.memory_space<vmem>>
        %dma_wait3A_330 = tpu.memref_squeeze %dma_wait3A_329 : memref<1x128xi32, #tpu.memory_space<vmem>> -> memref<128xi32, #tpu.memory_space<vmem>>
        %dma_wait3A_331 = arith.constant 0 : i32
        %dma_wait3A_332 = arith.constant 0 : i32
        %dma_wait3A_333 = tpu.memref_slice %arg13[%dma_wait3A_331, %dma_wait3A_332] : memref<10240x64xf32, #tpu.memory_space<vmem_shared>> -> memref<10240x64xf32, #tpu.memory_space<vmem_shared>>
        tpu.wait_indirect_dma semaphore(%arg15 : memref<!tpu.dma_semaphore, #tpu.memory_space<semaphore_mem>>) src(%arg9 : memref<128x64xf32, #tpu.memory_space<vmem>>) dst(%dma_wait3A_333 : memref<10240x64xf32, #tpu.memory_space<vmem_shared>>)
      } else {
      }
      %add3A_319 = arith.constant 2 : i32
      %add3A_320 = arith.addi %add3A_301, %add3A_319 : i32
      %lt3A_321 = arith.constant 32 : i32
      %lt3A_322 = arith.cmpi slt, %add3A_320, %lt3A_321 : i32
      %convert_element_type3A_323 = arith.extui %lt3A_322 : i1 to i32
      %cond3A_324 = arith.constant 0 : i32
      %cond3A_325 = arith.cmpi ne, %convert_element_type3A_323, %cond3A_324 : i32
      scf.if %cond3A_325 {
        %add3A_327 = arith.constant 2 : i32
        %add3A_328 = arith.addi %add3A_301, %add3A_327 : i32
        %dma_start3A_329 = arith.constant 0 : i32
        %dma_start3A_330 = tpu.memref_slice %arg6[%add3A_328, %dma_start3A_329] : memref<32x128xi32, #tpu.memory_space<vmem>> -> memref<1x128xi32, #tpu.memory_space<vmem>>
        %dma_start3A_331 = tpu.memref_squeeze %dma_start3A_330 : memref<1x128xi32, #tpu.memory_space<vmem>> -> memref<128xi32, #tpu.memory_space<vmem>>
        %dma_start3A_332 = arith.constant 0 : i32
        %dma_start3A_333 = arith.constant 0 : i32
        %dma_start3A_334 = tpu.memref_slice %arg12[%dma_start3A_332, %dma_start3A_333] : memref<10240x64xf32, #tpu.memory_space<vmem_shared>> -> memref<10240x64xf32, #tpu.memory_space<vmem_shared>>
        tpu.enqueue_indirect_dma source(%dma_start3A_334 : memref<10240x64xf32, #tpu.memory_space<vmem_shared>>) target(%arg9 : memref<128x64xf32, #tpu.memory_space<vmem>>) offsets(%dma_start3A_331 : memref<128xi32, #tpu.memory_space<vmem>>) semaphore(%arg15 : memref<!tpu.dma_semaphore, #tpu.memory_space<semaphore_mem>>)
      } else {
      }
      %scan3A_326 = arith.constant 0 : i32
      scf.yield %scan3A_326 : i32
    }
    %scan3A_41 = arith.constant 8 : i32
    %dma_wait3A = arith.constant 0 : i32
    %dma_wait3A_42 = arith.constant 0 : i32
    %dma_wait3A_43 = tpu.memref_slice %arg7[%dma_wait3A, %dma_wait3A_42] : memref<32x128xi32, #tpu.memory_space<vmem>> -> memref<1x128xi32, #tpu.memory_space<vmem>>
    %dma_wait3A_44 = tpu.memref_squeeze %dma_wait3A_43 : memref<1x128xi32, #tpu.memory_space<vmem>> -> memref<128xi32, #tpu.memory_space<vmem>>
    %dma_wait3A_45 = arith.constant 0 : i32
    %dma_wait3A_46 = arith.constant 0 : i32
    %dma_wait3A_47 = tpu.memref_slice %arg13[%dma_wait3A_45, %dma_wait3A_46] : memref<10240x64xf32, #tpu.memory_space<vmem_shared>> -> memref<10240x64xf32, #tpu.memory_space<vmem_shared>>
    tpu.wait_indirect_dma semaphore(%arg16 : memref<!tpu.dma_semaphore, #tpu.memory_space<semaphore_mem>>) src(%arg10 : memref<128x64xf32, #tpu.memory_space<vmem>>) dst(%dma_wait3A_47 : memref<10240x64xf32, #tpu.memory_space<vmem_shared>>)
    %dma_wait3A_48 = arith.constant 0 : i32
    %dma_wait3A_49 = arith.constant 0 : i32
    %dma_wait3A_50 = tpu.memref_slice %arg7[%dma_wait3A_48, %dma_wait3A_49] : memref<32x128xi32, #tpu.memory_space<vmem>> -> memref<1x128xi32, #tpu.memory_space<vmem>>
    %dma_wait3A_51 = tpu.memref_squeeze %dma_wait3A_50 : memref<1x128xi32, #tpu.memory_space<vmem>> -> memref<128xi32, #tpu.memory_space<vmem>>
    %dma_wait3A_52 = arith.constant 0 : i32
    %dma_wait3A_53 = arith.constant 0 : i32
    %dma_wait3A_54 = tpu.memref_slice %arg13[%dma_wait3A_52, %dma_wait3A_53] : memref<10240x64xf32, #tpu.memory_space<vmem_shared>> -> memref<10240x64xf32, #tpu.memory_space<vmem_shared>>
    tpu.wait_indirect_dma semaphore(%arg17 : memref<!tpu.dma_semaphore, #tpu.memory_space<semaphore_mem>>) src(%arg11 : memref<128x64xf32, #tpu.memory_space<vmem>>) dst(%dma_wait3A_54 : memref<10240x64xf32, #tpu.memory_space<vmem_shared>>)
    %add3A_55 = arith.constant 32 : i32
    %add3A_56 = arith.addi %mul3A_18, %add3A_55 : i32
    "tpu.region"() ({
      %run_scoped3A = tpu.sem_alloc : memref<!tpu.dma_semaphore, #tpu.memory_space<semaphore_mem>>
      %dma_start3A_216 = arith.constant 0 : i32
      %dma_start3A_217 = tpu.memref_slice %arg3[%add3A_56, %dma_start3A_216] : memref<2560x128xi32, #tpu.memory_space<hbm>> -> memref<32x128xi32, #tpu.memory_space<hbm>>
      %dma_start3A_218 = arith.constant 0 : i32
      %dma_start3A_219 = tpu.memref_slice %arg3[%add3A_56, %dma_start3A_218] : memref<2560x128xi32, #tpu.memory_space<hbm>> -> memref<32x128xi32, #tpu.memory_space<hbm>>
      tpu.enqueue_dma source(%dma_start3A_219 : memref<32x128xi32, #tpu.memory_space<hbm>>) target(%arg6 : memref<32x128xi32, #tpu.memory_space<vmem>>) target_semaphore(%run_scoped3A : memref<!tpu.dma_semaphore, #tpu.memory_space<semaphore_mem>>)
      %dma_wait3A_220 = arith.constant 0 : i32
      %dma_wait3A_221 = tpu.memref_slice %arg3[%add3A_56, %dma_wait3A_220] : memref<2560x128xi32, #tpu.memory_space<hbm>> -> memref<32x128xi32, #tpu.memory_space<hbm>>
      %dma_wait3A_222 = arith.constant 0 : i32
      %dma_wait3A_223 = tpu.memref_slice %arg3[%add3A_56, %dma_wait3A_222] : memref<2560x128xi32, #tpu.memory_space<hbm>> -> memref<32x128xi32, #tpu.memory_space<hbm>>
      tpu.wait_dma2 semaphore(%run_scoped3A : memref<!tpu.dma_semaphore, #tpu.memory_space<semaphore_mem>>) src(%dma_wait3A_223 : memref<32x128xi32, #tpu.memory_space<hbm>>) dst(%arg6 : memref<32x128xi32, #tpu.memory_space<vmem>>)
      tpu.yield
    }) : () -> ()
    %add3A_57 = arith.constant 32 : i32
    %add3A_58 = arith.addi %mul3A_18, %add3A_57 : i32
    "tpu.region"() ({
      %run_scoped3A = tpu.sem_alloc : memref<!tpu.dma_semaphore, #tpu.memory_space<semaphore_mem>>
      %dma_start3A_216 = arith.constant 0 : i32
      %dma_start3A_217 = tpu.memref_slice %arg4[%add3A_58, %dma_start3A_216] : memref<2560x128xi32, #tpu.memory_space<hbm>> -> memref<32x128xi32, #tpu.memory_space<hbm>>
      %dma_start3A_218 = arith.constant 0 : i32
      %dma_start3A_219 = tpu.memref_slice %arg4[%add3A_58, %dma_start3A_218] : memref<2560x128xi32, #tpu.memory_space<hbm>> -> memref<32x128xi32, #tpu.memory_space<hbm>>
      tpu.enqueue_dma source(%dma_start3A_219 : memref<32x128xi32, #tpu.memory_space<hbm>>) target(%arg7 : memref<32x128xi32, #tpu.memory_space<vmem>>) target_semaphore(%run_scoped3A : memref<!tpu.dma_semaphore, #tpu.memory_space<semaphore_mem>>)
      %dma_wait3A_220 = arith.constant 0 : i32
      %dma_wait3A_221 = tpu.memref_slice %arg4[%add3A_58, %dma_wait3A_220] : memref<2560x128xi32, #tpu.memory_space<hbm>> -> memref<32x128xi32, #tpu.memory_space<hbm>>
      %dma_wait3A_222 = arith.constant 0 : i32
      %dma_wait3A_223 = tpu.memref_slice %arg4[%add3A_58, %dma_wait3A_222] : memref<2560x128xi32, #tpu.memory_space<hbm>> -> memref<32x128xi32, #tpu.memory_space<hbm>>
      tpu.wait_dma2 semaphore(%run_scoped3A : memref<!tpu.dma_semaphore, #tpu.memory_space<semaphore_mem>>) src(%dma_wait3A_223 : memref<32x128xi32, #tpu.memory_space<hbm>>) dst(%arg7 : memref<32x128xi32, #tpu.memory_space<vmem>>)
      tpu.yield
    }) : () -> ()
    %dma_start3A_59 = arith.constant 0 : i32
    %dma_start3A_60 = arith.constant 0 : i32
    %dma_start3A_61 = tpu.memref_slice %arg6[%dma_start3A_59, %dma_start3A_60] : memref<32x128xi32, #tpu.memory_space<vmem>> -> memref<1x128xi32, #tpu.memory_space<vmem>>
    %dma_start3A_62 = tpu.memref_squeeze %dma_start3A_61 : memref<1x128xi32, #tpu.memory_space<vmem>> -> memref<128xi32, #tpu.memory_space<vmem>>
    %dma_start3A_63 = arith.constant 0 : i32
    %dma_start3A_64 = arith.constant 0 : i32
    %dma_start3A_65 = tpu.memref_slice %arg12[%dma_start3A_63, %dma_start3A_64] : memref<10240x64xf32, #tpu.memory_space<vmem_shared>> -> memref<10240x64xf32, #tpu.memory_space<vmem_shared>>
    tpu.enqueue_indirect_dma source(%dma_start3A_65 : memref<10240x64xf32, #tpu.memory_space<vmem_shared>>) target(%arg8 : memref<128x64xf32, #tpu.memory_space<vmem>>) offsets(%dma_start3A_62 : memref<128xi32, #tpu.memory_space<vmem>>) semaphore(%arg14 : memref<!tpu.dma_semaphore, #tpu.memory_space<semaphore_mem>>)
    %dma_start3A_66 = arith.constant 1 : i32
    %dma_start3A_67 = arith.constant 0 : i32
    %dma_start3A_68 = tpu.memref_slice %arg6[%dma_start3A_66, %dma_start3A_67] : memref<32x128xi32, #tpu.memory_space<vmem>> -> memref<1x128xi32, #tpu.memory_space<vmem>>
    %dma_start3A_69 = tpu.memref_squeeze %dma_start3A_68 : memref<1x128xi32, #tpu.memory_space<vmem>> -> memref<128xi32, #tpu.memory_space<vmem>>
    %dma_start3A_70 = arith.constant 0 : i32
    %dma_start3A_71 = arith.constant 0 : i32
    %dma_start3A_72 = tpu.memref_slice %arg12[%dma_start3A_70, %dma_start3A_71] : memref<10240x64xf32, #tpu.memory_space<vmem_shared>> -> memref<10240x64xf32, #tpu.memory_space<vmem_shared>>
    tpu.enqueue_indirect_dma source(%dma_start3A_72 : memref<10240x64xf32, #tpu.memory_space<vmem_shared>>) target(%arg9 : memref<128x64xf32, #tpu.memory_space<vmem>>) offsets(%dma_start3A_69 : memref<128xi32, #tpu.memory_space<vmem>>) semaphore(%arg15 : memref<!tpu.dma_semaphore, #tpu.memory_space<semaphore_mem>>)
    %scan3A_73 = arith.constant 0 : i32
    %scan3A_74 = arith.constant 0 : i32
    %scan3A_75 = arith.constant 8 : i32
    %scan3A_76 = arith.addi %scan3A_74, %scan3A_75 : i32
    %scan3A_77 = arith.constant 1 : i32
    %scan3A_78 = scf.for %scan3A_216 = %scan3A_74 to %scan3A_76 step %scan3A_77 iter_args(%scan3A_217 = %scan3A_73) -> (i32)  : i32 {
      %mul3A_218 = arith.constant 4 : i32
      %mul3A_219 = arith.muli %scan3A_216, %mul3A_218 : i32
      %add3A_220 = arith.constant 0 : i32
      %add3A_221 = arith.addi %mul3A_219, %add3A_220 : i32
      %dma_wait3A_222 = arith.constant 0 : i32
      %dma_wait3A_223 = tpu.memref_slice %arg6[%add3A_221, %dma_wait3A_222] : memref<32x128xi32, #tpu.memory_space<vmem>> -> memref<1x128xi32, #tpu.memory_space<vmem>>
      %dma_wait3A_224 = tpu.memref_squeeze %dma_wait3A_223 : memref<1x128xi32, #tpu.memory_space<vmem>> -> memref<128xi32, #tpu.memory_space<vmem>>
      %dma_wait3A_225 = arith.constant 0 : i32
      %dma_wait3A_226 = arith.constant 0 : i32
      %dma_wait3A_227 = tpu.memref_slice %arg12[%dma_wait3A_225, %dma_wait3A_226] : memref<10240x64xf32, #tpu.memory_space<vmem_shared>> -> memref<10240x64xf32, #tpu.memory_space<vmem_shared>>
      tpu.wait_indirect_dma semaphore(%arg14 : memref<!tpu.dma_semaphore, #tpu.memory_space<semaphore_mem>>) src(%dma_wait3A_227 : memref<10240x64xf32, #tpu.memory_space<vmem_shared>>) dst(%arg8 : memref<128x64xf32, #tpu.memory_space<vmem>>)
      %dma_start3A_228 = arith.constant 0 : i32
      %dma_start3A_229 = tpu.memref_slice %arg7[%add3A_221, %dma_start3A_228] : memref<32x128xi32, #tpu.memory_space<vmem>> -> memref<1x128xi32, #tpu.memory_space<vmem>>
      %dma_start3A_230 = tpu.memref_squeeze %dma_start3A_229 : memref<1x128xi32, #tpu.memory_space<vmem>> -> memref<128xi32, #tpu.memory_space<vmem>>
      %dma_start3A_231 = arith.constant 0 : i32
      %dma_start3A_232 = arith.constant 0 : i32
      %dma_start3A_233 = tpu.memref_slice %arg13[%dma_start3A_231, %dma_start3A_232] : memref<10240x64xf32, #tpu.memory_space<vmem_shared>> -> memref<10240x64xf32, #tpu.memory_space<vmem_shared>>
      tpu.enqueue_indirect_dma source(%arg8 : memref<128x64xf32, #tpu.memory_space<vmem>>) target(%dma_start3A_233 : memref<10240x64xf32, #tpu.memory_space<vmem_shared>>) offsets(%dma_start3A_230 : memref<128xi32, #tpu.memory_space<vmem>>) semaphore(%arg14 : memref<!tpu.dma_semaphore, #tpu.memory_space<semaphore_mem>>) {add = true}
      %ge3A = arith.constant 2 : i32
      %ge3A_234 = arith.cmpi sge, %add3A_221, %ge3A : i32
      %convert_element_type3A = arith.extui %ge3A_234 : i1 to i32
      %cond3A = arith.constant 0 : i32
      %cond3A_235 = arith.cmpi ne, %convert_element_type3A, %cond3A : i32
      scf.if %cond3A_235 {
        %dma_wait3A_327 = arith.constant 0 : i32
        %dma_wait3A_328 = arith.constant 0 : i32
        %dma_wait3A_329 = tpu.memref_slice %arg7[%dma_wait3A_327, %dma_wait3A_328] : memref<32x128xi32, #tpu.memory_space<vmem>> -> memref<1x128xi32, #tpu.memory_space<vmem>>
        %dma_wait3A_330 = tpu.memref_squeeze %dma_wait3A_329 : memref<1x128xi32, #tpu.memory_space<vmem>> -> memref<128xi32, #tpu.memory_space<vmem>>
        %dma_wait3A_331 = arith.constant 0 : i32
        %dma_wait3A_332 = arith.constant 0 : i32
        %dma_wait3A_333 = tpu.memref_slice %arg13[%dma_wait3A_331, %dma_wait3A_332] : memref<10240x64xf32, #tpu.memory_space<vmem_shared>> -> memref<10240x64xf32, #tpu.memory_space<vmem_shared>>
        tpu.wait_indirect_dma semaphore(%arg16 : memref<!tpu.dma_semaphore, #tpu.memory_space<semaphore_mem>>) src(%arg10 : memref<128x64xf32, #tpu.memory_space<vmem>>) dst(%dma_wait3A_333 : memref<10240x64xf32, #tpu.memory_space<vmem_shared>>)
      } else {
      }
      %add3A_236 = arith.constant 2 : i32
      %add3A_237 = arith.addi %add3A_221, %add3A_236 : i32
      %lt3A = arith.constant 32 : i32
      %lt3A_238 = arith.cmpi slt, %add3A_237, %lt3A : i32
      %convert_element_type3A_239 = arith.extui %lt3A_238 : i1 to i32
      %cond3A_240 = arith.constant 0 : i32
      %cond3A_241 = arith.cmpi ne, %convert_element_type3A_239, %cond3A_240 : i32
      scf.if %cond3A_241 {
        %add3A_327 = arith.constant 2 : i32
        %add3A_328 = arith.addi %add3A_221, %add3A_327 : i32
        %dma_start3A_329 = arith.constant 0 : i32
        %dma_start3A_330 = tpu.memref_slice %arg6[%add3A_328, %dma_start3A_329] : memref<32x128xi32, #tpu.memory_space<vmem>> -> memref<1x128xi32, #tpu.memory_space<vmem>>
        %dma_start3A_331 = tpu.memref_squeeze %dma_start3A_330 : memref<1x128xi32, #tpu.memory_space<vmem>> -> memref<128xi32, #tpu.memory_space<vmem>>
        %dma_start3A_332 = arith.constant 0 : i32
        %dma_start3A_333 = arith.constant 0 : i32
        %dma_start3A_334 = tpu.memref_slice %arg12[%dma_start3A_332, %dma_start3A_333] : memref<10240x64xf32, #tpu.memory_space<vmem_shared>> -> memref<10240x64xf32, #tpu.memory_space<vmem_shared>>
        tpu.enqueue_indirect_dma source(%dma_start3A_334 : memref<10240x64xf32, #tpu.memory_space<vmem_shared>>) target(%arg10 : memref<128x64xf32, #tpu.memory_space<vmem>>) offsets(%dma_start3A_331 : memref<128xi32, #tpu.memory_space<vmem>>) semaphore(%arg16 : memref<!tpu.dma_semaphore, #tpu.memory_space<semaphore_mem>>)
      } else {
      }
      %mul3A_242 = arith.constant 4 : i32
      %mul3A_243 = arith.muli %scan3A_216, %mul3A_242 : i32
      %add3A_244 = arith.constant 1 : i32
      %add3A_245 = arith.addi %mul3A_243, %add3A_244 : i32
      %dma_wait3A_246 = arith.constant 0 : i32
      %dma_wait3A_247 = tpu.memref_slice %arg6[%add3A_245, %dma_wait3A_246] : memref<32x128xi32, #tpu.memory_space<vmem>> -> memref<1x128xi32, #tpu.memory_space<vmem>>
      %dma_wait3A_248 = tpu.memref_squeeze %dma_wait3A_247 : memref<1x128xi32, #tpu.memory_space<vmem>> -> memref<128xi32, #tpu.memory_space<vmem>>
      %dma_wait3A_249 = arith.constant 0 : i32
      %dma_wait3A_250 = arith.constant 0 : i32
      %dma_wait3A_251 = tpu.memref_slice %arg12[%dma_wait3A_249, %dma_wait3A_250] : memref<10240x64xf32, #tpu.memory_space<vmem_shared>> -> memref<10240x64xf32, #tpu.memory_space<vmem_shared>>
      tpu.wait_indirect_dma semaphore(%arg15 : memref<!tpu.dma_semaphore, #tpu.memory_space<semaphore_mem>>) src(%dma_wait3A_251 : memref<10240x64xf32, #tpu.memory_space<vmem_shared>>) dst(%arg9 : memref<128x64xf32, #tpu.memory_space<vmem>>)
      %dma_start3A_252 = arith.constant 0 : i32
      %dma_start3A_253 = tpu.memref_slice %arg7[%add3A_245, %dma_start3A_252] : memref<32x128xi32, #tpu.memory_space<vmem>> -> memref<1x128xi32, #tpu.memory_space<vmem>>
      %dma_start3A_254 = tpu.memref_squeeze %dma_start3A_253 : memref<1x128xi32, #tpu.memory_space<vmem>> -> memref<128xi32, #tpu.memory_space<vmem>>
      %dma_start3A_255 = arith.constant 0 : i32
      %dma_start3A_256 = arith.constant 0 : i32
      %dma_start3A_257 = tpu.memref_slice %arg13[%dma_start3A_255, %dma_start3A_256] : memref<10240x64xf32, #tpu.memory_space<vmem_shared>> -> memref<10240x64xf32, #tpu.memory_space<vmem_shared>>
      tpu.enqueue_indirect_dma source(%arg9 : memref<128x64xf32, #tpu.memory_space<vmem>>) target(%dma_start3A_257 : memref<10240x64xf32, #tpu.memory_space<vmem_shared>>) offsets(%dma_start3A_254 : memref<128xi32, #tpu.memory_space<vmem>>) semaphore(%arg15 : memref<!tpu.dma_semaphore, #tpu.memory_space<semaphore_mem>>) {add = true}
      %ge3A_258 = arith.constant 2 : i32
      %ge3A_259 = arith.cmpi sge, %add3A_245, %ge3A_258 : i32
      %convert_element_type3A_260 = arith.extui %ge3A_259 : i1 to i32
      %cond3A_261 = arith.constant 0 : i32
      %cond3A_262 = arith.cmpi ne, %convert_element_type3A_260, %cond3A_261 : i32
      scf.if %cond3A_262 {
        %dma_wait3A_327 = arith.constant 0 : i32
        %dma_wait3A_328 = arith.constant 0 : i32
        %dma_wait3A_329 = tpu.memref_slice %arg7[%dma_wait3A_327, %dma_wait3A_328] : memref<32x128xi32, #tpu.memory_space<vmem>> -> memref<1x128xi32, #tpu.memory_space<vmem>>
        %dma_wait3A_330 = tpu.memref_squeeze %dma_wait3A_329 : memref<1x128xi32, #tpu.memory_space<vmem>> -> memref<128xi32, #tpu.memory_space<vmem>>
        %dma_wait3A_331 = arith.constant 0 : i32
        %dma_wait3A_332 = arith.constant 0 : i32
        %dma_wait3A_333 = tpu.memref_slice %arg13[%dma_wait3A_331, %dma_wait3A_332] : memref<10240x64xf32, #tpu.memory_space<vmem_shared>> -> memref<10240x64xf32, #tpu.memory_space<vmem_shared>>
        tpu.wait_indirect_dma semaphore(%arg17 : memref<!tpu.dma_semaphore, #tpu.memory_space<semaphore_mem>>) src(%arg11 : memref<128x64xf32, #tpu.memory_space<vmem>>) dst(%dma_wait3A_333 : memref<10240x64xf32, #tpu.memory_space<vmem_shared>>)
      } else {
      }
      %add3A_263 = arith.constant 2 : i32
      %add3A_264 = arith.addi %add3A_245, %add3A_263 : i32
      %lt3A_265 = arith.constant 32 : i32
      %lt3A_266 = arith.cmpi slt, %add3A_264, %lt3A_265 : i32
      %convert_element_type3A_267 = arith.extui %lt3A_266 : i1 to i32
      %cond3A_268 = arith.constant 0 : i32
      %cond3A_269 = arith.cmpi ne, %convert_element_type3A_267, %cond3A_268 : i32
      scf.if %cond3A_269 {
        %add3A_327 = arith.constant 2 : i32
        %add3A_328 = arith.addi %add3A_245, %add3A_327 : i32
        %dma_start3A_329 = arith.constant 0 : i32
        %dma_start3A_330 = tpu.memref_slice %arg6[%add3A_328, %dma_start3A_329] : memref<32x128xi32, #tpu.memory_space<vmem>> -> memref<1x128xi32, #tpu.memory_space<vmem>>
        %dma_start3A_331 = tpu.memref_squeeze %dma_start3A_330 : memref<1x128xi32, #tpu.memory_space<vmem>> -> memref<128xi32, #tpu.memory_space<vmem>>
        %dma_start3A_332 = arith.constant 0 : i32
        %dma_start3A_333 = arith.constant 0 : i32
        %dma_start3A_334 = tpu.memref_slice %arg12[%dma_start3A_332, %dma_start3A_333] : memref<10240x64xf32, #tpu.memory_space<vmem_shared>> -> memref<10240x64xf32, #tpu.memory_space<vmem_shared>>
        tpu.enqueue_indirect_dma source(%dma_start3A_334 : memref<10240x64xf32, #tpu.memory_space<vmem_shared>>) target(%arg11 : memref<128x64xf32, #tpu.memory_space<vmem>>) offsets(%dma_start3A_331 : memref<128xi32, #tpu.memory_space<vmem>>) semaphore(%arg17 : memref<!tpu.dma_semaphore, #tpu.memory_space<semaphore_mem>>)
      } else {
      }
      %mul3A_270 = arith.constant 4 : i32
      %mul3A_271 = arith.muli %scan3A_216, %mul3A_270 : i32
      %add3A_272 = arith.constant 2 : i32
      %add3A_273 = arith.addi %mul3A_271, %add3A_272 : i32
      %dma_wait3A_274 = arith.constant 0 : i32
      %dma_wait3A_275 = tpu.memref_slice %arg6[%add3A_273, %dma_wait3A_274] : memref<32x128xi32, #tpu.memory_space<vmem>> -> memref<1x128xi32, #tpu.memory_space<vmem>>
      %dma_wait3A_276 = tpu.memref_squeeze %dma_wait3A_275 : memref<1x128xi32, #tpu.memory_space<vmem>> -> memref<128xi32, #tpu.memory_space<vmem>>
      %dma_wait3A_277 = arith.constant 0 : i32
      %dma_wait3A_278 = arith.constant 0 : i32
      %dma_wait3A_279 = tpu.memref_slice %arg12[%dma_wait3A_277, %dma_wait3A_278] : memref<10240x64xf32, #tpu.memory_space<vmem_shared>> -> memref<10240x64xf32, #tpu.memory_space<vmem_shared>>
      tpu.wait_indirect_dma semaphore(%arg16 : memref<!tpu.dma_semaphore, #tpu.memory_space<semaphore_mem>>) src(%dma_wait3A_279 : memref<10240x64xf32, #tpu.memory_space<vmem_shared>>) dst(%arg10 : memref<128x64xf32, #tpu.memory_space<vmem>>)
      %dma_start3A_280 = arith.constant 0 : i32
      %dma_start3A_281 = tpu.memref_slice %arg7[%add3A_273, %dma_start3A_280] : memref<32x128xi32, #tpu.memory_space<vmem>> -> memref<1x128xi32, #tpu.memory_space<vmem>>
      %dma_start3A_282 = tpu.memref_squeeze %dma_start3A_281 : memref<1x128xi32, #tpu.memory_space<vmem>> -> memref<128xi32, #tpu.memory_space<vmem>>
      %dma_start3A_283 = arith.constant 0 : i32
      %dma_start3A_284 = arith.constant 0 : i32
      %dma_start3A_285 = tpu.memref_slice %arg13[%dma_start3A_283, %dma_start3A_284] : memref<10240x64xf32, #tpu.memory_space<vmem_shared>> -> memref<10240x64xf32, #tpu.memory_space<vmem_shared>>
      tpu.enqueue_indirect_dma source(%arg10 : memref<128x64xf32, #tpu.memory_space<vmem>>) target(%dma_start3A_285 : memref<10240x64xf32, #tpu.memory_space<vmem_shared>>) offsets(%dma_start3A_282 : memref<128xi32, #tpu.memory_space<vmem>>) semaphore(%arg16 : memref<!tpu.dma_semaphore, #tpu.memory_space<semaphore_mem>>) {add = true}
      %ge3A_286 = arith.constant 2 : i32
      %ge3A_287 = arith.cmpi sge, %add3A_273, %ge3A_286 : i32
      %convert_element_type3A_288 = arith.extui %ge3A_287 : i1 to i32
      %cond3A_289 = arith.constant 0 : i32
      %cond3A_290 = arith.cmpi ne, %convert_element_type3A_288, %cond3A_289 : i32
      scf.if %cond3A_290 {
        %dma_wait3A_327 = arith.constant 0 : i32
        %dma_wait3A_328 = arith.constant 0 : i32
        %dma_wait3A_329 = tpu.memref_slice %arg7[%dma_wait3A_327, %dma_wait3A_328] : memref<32x128xi32, #tpu.memory_space<vmem>> -> memref<1x128xi32, #tpu.memory_space<vmem>>
        %dma_wait3A_330 = tpu.memref_squeeze %dma_wait3A_329 : memref<1x128xi32, #tpu.memory_space<vmem>> -> memref<128xi32, #tpu.memory_space<vmem>>
        %dma_wait3A_331 = arith.constant 0 : i32
        %dma_wait3A_332 = arith.constant 0 : i32
        %dma_wait3A_333 = tpu.memref_slice %arg13[%dma_wait3A_331, %dma_wait3A_332] : memref<10240x64xf32, #tpu.memory_space<vmem_shared>> -> memref<10240x64xf32, #tpu.memory_space<vmem_shared>>
        tpu.wait_indirect_dma semaphore(%arg14 : memref<!tpu.dma_semaphore, #tpu.memory_space<semaphore_mem>>) src(%arg8 : memref<128x64xf32, #tpu.memory_space<vmem>>) dst(%dma_wait3A_333 : memref<10240x64xf32, #tpu.memory_space<vmem_shared>>)
      } else {
      }
      %add3A_291 = arith.constant 2 : i32
      %add3A_292 = arith.addi %add3A_273, %add3A_291 : i32
      %lt3A_293 = arith.constant 32 : i32
      %lt3A_294 = arith.cmpi slt, %add3A_292, %lt3A_293 : i32
      %convert_element_type3A_295 = arith.extui %lt3A_294 : i1 to i32
      %cond3A_296 = arith.constant 0 : i32
      %cond3A_297 = arith.cmpi ne, %convert_element_type3A_295, %cond3A_296 : i32
      scf.if %cond3A_297 {
        %add3A_327 = arith.constant 2 : i32
        %add3A_328 = arith.addi %add3A_273, %add3A_327 : i32
        %dma_start3A_329 = arith.constant 0 : i32
        %dma_start3A_330 = tpu.memref_slice %arg6[%add3A_328, %dma_start3A_329] : memref<32x128xi32, #tpu.memory_space<vmem>> -> memref<1x128xi32, #tpu.memory_space<vmem>>
        %dma_start3A_331 = tpu.memref_squeeze %dma_start3A_330 : memref<1x128xi32, #tpu.memory_space<vmem>> -> memref<128xi32, #tpu.memory_space<vmem>>
        %dma_start3A_332 = arith.constant 0 : i32
        %dma_start3A_333 = arith.constant 0 : i32
        %dma_start3A_334 = tpu.memref_slice %arg12[%dma_start3A_332, %dma_start3A_333] : memref<10240x64xf32, #tpu.memory_space<vmem_shared>> -> memref<10240x64xf32, #tpu.memory_space<vmem_shared>>
        tpu.enqueue_indirect_dma source(%dma_start3A_334 : memref<10240x64xf32, #tpu.memory_space<vmem_shared>>) target(%arg8 : memref<128x64xf32, #tpu.memory_space<vmem>>) offsets(%dma_start3A_331 : memref<128xi32, #tpu.memory_space<vmem>>) semaphore(%arg14 : memref<!tpu.dma_semaphore, #tpu.memory_space<semaphore_mem>>)
      } else {
      }
      %mul3A_298 = arith.constant 4 : i32
      %mul3A_299 = arith.muli %scan3A_216, %mul3A_298 : i32
      %add3A_300 = arith.constant 3 : i32
      %add3A_301 = arith.addi %mul3A_299, %add3A_300 : i32
      %dma_wait3A_302 = arith.constant 0 : i32
      %dma_wait3A_303 = tpu.memref_slice %arg6[%add3A_301, %dma_wait3A_302] : memref<32x128xi32, #tpu.memory_space<vmem>> -> memref<1x128xi32, #tpu.memory_space<vmem>>
      %dma_wait3A_304 = tpu.memref_squeeze %dma_wait3A_303 : memref<1x128xi32, #tpu.memory_space<vmem>> -> memref<128xi32, #tpu.memory_space<vmem>>
      %dma_wait3A_305 = arith.constant 0 : i32
      %dma_wait3A_306 = arith.constant 0 : i32
      %dma_wait3A_307 = tpu.memref_slice %arg12[%dma_wait3A_305, %dma_wait3A_306] : memref<10240x64xf32, #tpu.memory_space<vmem_shared>> -> memref<10240x64xf32, #tpu.memory_space<vmem_shared>>
      tpu.wait_indirect_dma semaphore(%arg17 : memref<!tpu.dma_semaphore, #tpu.memory_space<semaphore_mem>>) src(%dma_wait3A_307 : memref<10240x64xf32, #tpu.memory_space<vmem_shared>>) dst(%arg11 : memref<128x64xf32, #tpu.memory_space<vmem>>)
      %dma_start3A_308 = arith.constant 0 : i32
      %dma_start3A_309 = tpu.memref_slice %arg7[%add3A_301, %dma_start3A_308] : memref<32x128xi32, #tpu.memory_space<vmem>> -> memref<1x128xi32, #tpu.memory_space<vmem>>
      %dma_start3A_310 = tpu.memref_squeeze %dma_start3A_309 : memref<1x128xi32, #tpu.memory_space<vmem>> -> memref<128xi32, #tpu.memory_space<vmem>>
      %dma_start3A_311 = arith.constant 0 : i32
      %dma_start3A_312 = arith.constant 0 : i32
      %dma_start3A_313 = tpu.memref_slice %arg13[%dma_start3A_311, %dma_start3A_312] : memref<10240x64xf32, #tpu.memory_space<vmem_shared>> -> memref<10240x64xf32, #tpu.memory_space<vmem_shared>>
      tpu.enqueue_indirect_dma source(%arg11 : memref<128x64xf32, #tpu.memory_space<vmem>>) target(%dma_start3A_313 : memref<10240x64xf32, #tpu.memory_space<vmem_shared>>) offsets(%dma_start3A_310 : memref<128xi32, #tpu.memory_space<vmem>>) semaphore(%arg17 : memref<!tpu.dma_semaphore, #tpu.memory_space<semaphore_mem>>) {add = true}
      %ge3A_314 = arith.constant 2 : i32
      %ge3A_315 = arith.cmpi sge, %add3A_301, %ge3A_314 : i32
      %convert_element_type3A_316 = arith.extui %ge3A_315 : i1 to i32
      %cond3A_317 = arith.constant 0 : i32
      %cond3A_318 = arith.cmpi ne, %convert_element_type3A_316, %cond3A_317 : i32
      scf.if %cond3A_318 {
        %dma_wait3A_327 = arith.constant 0 : i32
        %dma_wait3A_328 = arith.constant 0 : i32
        %dma_wait3A_329 = tpu.memref_slice %arg7[%dma_wait3A_327, %dma_wait3A_328] : memref<32x128xi32, #tpu.memory_space<vmem>> -> memref<1x128xi32, #tpu.memory_space<vmem>>
        %dma_wait3A_330 = tpu.memref_squeeze %dma_wait3A_329 : memref<1x128xi32, #tpu.memory_space<vmem>> -> memref<128xi32, #tpu.memory_space<vmem>>
        %dma_wait3A_331 = arith.constant 0 : i32
        %dma_wait3A_332 = arith.constant 0 : i32
        %dma_wait3A_333 = tpu.memref_slice %arg13[%dma_wait3A_331, %dma_wait3A_332] : memref<10240x64xf32, #tpu.memory_space<vmem_shared>> -> memref<10240x64xf32, #tpu.memory_space<vmem_shared>>
        tpu.wait_indirect_dma semaphore(%arg15 : memref<!tpu.dma_semaphore, #tpu.memory_space<semaphore_mem>>) src(%arg9 : memref<128x64xf32, #tpu.memory_space<vmem>>) dst(%dma_wait3A_333 : memref<10240x64xf32, #tpu.memory_space<vmem_shared>>)
      } else {
      }
      %add3A_319 = arith.constant 2 : i32
      %add3A_320 = arith.addi %add3A_301, %add3A_319 : i32
      %lt3A_321 = arith.constant 32 : i32
      %lt3A_322 = arith.cmpi slt, %add3A_320, %lt3A_321 : i32
      %convert_element_type3A_323 = arith.extui %lt3A_322 : i1 to i32
      %cond3A_324 = arith.constant 0 : i32
      %cond3A_325 = arith.cmpi ne, %convert_element_type3A_323, %cond3A_324 : i32
      scf.if %cond3A_325 {
        %add3A_327 = arith.constant 2 : i32
        %add3A_328 = arith.addi %add3A_301, %add3A_327 : i32
        %dma_start3A_329 = arith.constant 0 : i32
        %dma_start3A_330 = tpu.memref_slice %arg6[%add3A_328, %dma_start3A_329] : memref<32x128xi32, #tpu.memory_space<vmem>> -> memref<1x128xi32, #tpu.memory_space<vmem>>
        %dma_start3A_331 = tpu.memref_squeeze %dma_start3A_330 : memref<1x128xi32, #tpu.memory_space<vmem>> -> memref<128xi32, #tpu.memory_space<vmem>>
        %dma_start3A_332 = arith.constant 0 : i32
        %dma_start3A_333 = arith.constant 0 : i32
        %dma_start3A_334 = tpu.memref_slice %arg12[%dma_start3A_332, %dma_start3A_333] : memref<10240x64xf32, #tpu.memory_space<vmem_shared>> -> memref<10240x64xf32, #tpu.memory_space<vmem_shared>>
        tpu.enqueue_indirect_dma source(%dma_start3A_334 : memref<10240x64xf32, #tpu.memory_space<vmem_shared>>) target(%arg9 : memref<128x64xf32, #tpu.memory_space<vmem>>) offsets(%dma_start3A_331 : memref<128xi32, #tpu.memory_space<vmem>>) semaphore(%arg15 : memref<!tpu.dma_semaphore, #tpu.memory_space<semaphore_mem>>)
      } else {
      }
      %scan3A_326 = arith.constant 0 : i32
      scf.yield %scan3A_326 : i32
    }
    %scan3A_79 = arith.constant 8 : i32
    %dma_wait3A_80 = arith.constant 0 : i32
    %dma_wait3A_81 = arith.constant 0 : i32
    %dma_wait3A_82 = tpu.memref_slice %arg7[%dma_wait3A_80, %dma_wait3A_81] : memref<32x128xi32, #tpu.memory_space<vmem>> -> memref<1x128xi32, #tpu.memory_space<vmem>>
    %dma_wait3A_83 = tpu.memref_squeeze %dma_wait3A_82 : memref<1x128xi32, #tpu.memory_space<vmem>> -> memref<128xi32, #tpu.memory_space<vmem>>
    %dma_wait3A_84 = arith.constant 0 : i32
    %dma_wait3A_85 = arith.constant 0 : i32
    %dma_wait3A_86 = tpu.memref_slice %arg13[%dma_wait3A_84, %dma_wait3A_85] : memref<10240x64xf32, #tpu.memory_space<vmem_shared>> -> memref<10240x64xf32, #tpu.memory_space<vmem_shared>>
    tpu.wait_indirect_dma semaphore(%arg16 : memref<!tpu.dma_semaphore, #tpu.memory_space<semaphore_mem>>) src(%arg10 : memref<128x64xf32, #tpu.memory_space<vmem>>) dst(%dma_wait3A_86 : memref<10240x64xf32, #tpu.memory_space<vmem_shared>>)
    %dma_wait3A_87 = arith.constant 0 : i32
    %dma_wait3A_88 = arith.constant 0 : i32
    %dma_wait3A_89 = tpu.memref_slice %arg7[%dma_wait3A_87, %dma_wait3A_88] : memref<32x128xi32, #tpu.memory_space<vmem>> -> memref<1x128xi32, #tpu.memory_space<vmem>>
    %dma_wait3A_90 = tpu.memref_squeeze %dma_wait3A_89 : memref<1x128xi32, #tpu.memory_space<vmem>> -> memref<128xi32, #tpu.memory_space<vmem>>
    %dma_wait3A_91 = arith.constant 0 : i32
    %dma_wait3A_92 = arith.constant 0 : i32
    %dma_wait3A_93 = tpu.memref_slice %arg13[%dma_wait3A_91, %dma_wait3A_92] : memref<10240x64xf32, #tpu.memory_space<vmem_shared>> -> memref<10240x64xf32, #tpu.memory_space<vmem_shared>>
    tpu.wait_indirect_dma semaphore(%arg17 : memref<!tpu.dma_semaphore, #tpu.memory_space<semaphore_mem>>) src(%arg11 : memref<128x64xf32, #tpu.memory_space<vmem>>) dst(%dma_wait3A_93 : memref<10240x64xf32, #tpu.memory_space<vmem_shared>>)
    %add3A_94 = arith.constant 64 : i32
    %add3A_95 = arith.addi %mul3A_18, %add3A_94 : i32
    "tpu.region"() ({
      %run_scoped3A = tpu.sem_alloc : memref<!tpu.dma_semaphore, #tpu.memory_space<semaphore_mem>>
      %dma_start3A_216 = arith.constant 0 : i32
      %dma_start3A_217 = tpu.memref_slice %arg3[%add3A_95, %dma_start3A_216] : memref<2560x128xi32, #tpu.memory_space<hbm>> -> memref<32x128xi32, #tpu.memory_space<hbm>>
      %dma_start3A_218 = arith.constant 0 : i32
      %dma_start3A_219 = tpu.memref_slice %arg3[%add3A_95, %dma_start3A_218] : memref<2560x128xi32, #tpu.memory_space<hbm>> -> memref<32x128xi32, #tpu.memory_space<hbm>>
      tpu.enqueue_dma source(%dma_start3A_219 : memref<32x128xi32, #tpu.memory_space<hbm>>) target(%arg6 : memref<32x128xi32, #tpu.memory_space<vmem>>) target_semaphore(%run_scoped3A : memref<!tpu.dma_semaphore, #tpu.memory_space<semaphore_mem>>)
      %dma_wait3A_220 = arith.constant 0 : i32
      %dma_wait3A_221 = tpu.memref_slice %arg3[%add3A_95, %dma_wait3A_220] : memref<2560x128xi32, #tpu.memory_space<hbm>> -> memref<32x128xi32, #tpu.memory_space<hbm>>
      %dma_wait3A_222 = arith.constant 0 : i32
      %dma_wait3A_223 = tpu.memref_slice %arg3[%add3A_95, %dma_wait3A_222] : memref<2560x128xi32, #tpu.memory_space<hbm>> -> memref<32x128xi32, #tpu.memory_space<hbm>>
      tpu.wait_dma2 semaphore(%run_scoped3A : memref<!tpu.dma_semaphore, #tpu.memory_space<semaphore_mem>>) src(%dma_wait3A_223 : memref<32x128xi32, #tpu.memory_space<hbm>>) dst(%arg6 : memref<32x128xi32, #tpu.memory_space<vmem>>)
      tpu.yield
    }) : () -> ()
    %add3A_96 = arith.constant 64 : i32
    %add3A_97 = arith.addi %mul3A_18, %add3A_96 : i32
    "tpu.region"() ({
      %run_scoped3A = tpu.sem_alloc : memref<!tpu.dma_semaphore, #tpu.memory_space<semaphore_mem>>
      %dma_start3A_216 = arith.constant 0 : i32
      %dma_start3A_217 = tpu.memref_slice %arg4[%add3A_97, %dma_start3A_216] : memref<2560x128xi32, #tpu.memory_space<hbm>> -> memref<32x128xi32, #tpu.memory_space<hbm>>
      %dma_start3A_218 = arith.constant 0 : i32
      %dma_start3A_219 = tpu.memref_slice %arg4[%add3A_97, %dma_start3A_218] : memref<2560x128xi32, #tpu.memory_space<hbm>> -> memref<32x128xi32, #tpu.memory_space<hbm>>
      tpu.enqueue_dma source(%dma_start3A_219 : memref<32x128xi32, #tpu.memory_space<hbm>>) target(%arg7 : memref<32x128xi32, #tpu.memory_space<vmem>>) target_semaphore(%run_scoped3A : memref<!tpu.dma_semaphore, #tpu.memory_space<semaphore_mem>>)
      %dma_wait3A_220 = arith.constant 0 : i32
      %dma_wait3A_221 = tpu.memref_slice %arg4[%add3A_97, %dma_wait3A_220] : memref<2560x128xi32, #tpu.memory_space<hbm>> -> memref<32x128xi32, #tpu.memory_space<hbm>>
      %dma_wait3A_222 = arith.constant 0 : i32
      %dma_wait3A_223 = tpu.memref_slice %arg4[%add3A_97, %dma_wait3A_222] : memref<2560x128xi32, #tpu.memory_space<hbm>> -> memref<32x128xi32, #tpu.memory_space<hbm>>
      tpu.wait_dma2 semaphore(%run_scoped3A : memref<!tpu.dma_semaphore, #tpu.memory_space<semaphore_mem>>) src(%dma_wait3A_223 : memref<32x128xi32, #tpu.memory_space<hbm>>) dst(%arg7 : memref<32x128xi32, #tpu.memory_space<vmem>>)
      tpu.yield
    }) : () -> ()
    %dma_start3A_98 = arith.constant 0 : i32
    %dma_start3A_99 = arith.constant 0 : i32
    %dma_start3A_100 = tpu.memref_slice %arg6[%dma_start3A_98, %dma_start3A_99] : memref<32x128xi32, #tpu.memory_space<vmem>> -> memref<1x128xi32, #tpu.memory_space<vmem>>
    %dma_start3A_101 = tpu.memref_squeeze %dma_start3A_100 : memref<1x128xi32, #tpu.memory_space<vmem>> -> memref<128xi32, #tpu.memory_space<vmem>>
    %dma_start3A_102 = arith.constant 0 : i32
    %dma_start3A_103 = arith.constant 0 : i32
    %dma_start3A_104 = tpu.memref_slice %arg12[%dma_start3A_102, %dma_start3A_103] : memref<10240x64xf32, #tpu.memory_space<vmem_shared>> -> memref<10240x64xf32, #tpu.memory_space<vmem_shared>>
    tpu.enqueue_indirect_dma source(%dma_start3A_104 : memref<10240x64xf32, #tpu.memory_space<vmem_shared>>) target(%arg8 : memref<128x64xf32, #tpu.memory_space<vmem>>) offsets(%dma_start3A_101 : memref<128xi32, #tpu.memory_space<vmem>>) semaphore(%arg14 : memref<!tpu.dma_semaphore, #tpu.memory_space<semaphore_mem>>)
    %dma_start3A_105 = arith.constant 1 : i32
    %dma_start3A_106 = arith.constant 0 : i32
    %dma_start3A_107 = tpu.memref_slice %arg6[%dma_start3A_105, %dma_start3A_106] : memref<32x128xi32, #tpu.memory_space<vmem>> -> memref<1x128xi32, #tpu.memory_space<vmem>>
    %dma_start3A_108 = tpu.memref_squeeze %dma_start3A_107 : memref<1x128xi32, #tpu.memory_space<vmem>> -> memref<128xi32, #tpu.memory_space<vmem>>
    %dma_start3A_109 = arith.constant 0 : i32
    %dma_start3A_110 = arith.constant 0 : i32
    %dma_start3A_111 = tpu.memref_slice %arg12[%dma_start3A_109, %dma_start3A_110] : memref<10240x64xf32, #tpu.memory_space<vmem_shared>> -> memref<10240x64xf32, #tpu.memory_space<vmem_shared>>
    tpu.enqueue_indirect_dma source(%dma_start3A_111 : memref<10240x64xf32, #tpu.memory_space<vmem_shared>>) target(%arg9 : memref<128x64xf32, #tpu.memory_space<vmem>>) offsets(%dma_start3A_108 : memref<128xi32, #tpu.memory_space<vmem>>) semaphore(%arg15 : memref<!tpu.dma_semaphore, #tpu.memory_space<semaphore_mem>>)
    %scan3A_112 = arith.constant 0 : i32
    %scan3A_113 = arith.constant 0 : i32
    %scan3A_114 = arith.constant 8 : i32
    %scan3A_115 = arith.addi %scan3A_113, %scan3A_114 : i32
    %scan3A_116 = arith.constant 1 : i32
    %scan3A_117 = scf.for %scan3A_216 = %scan3A_113 to %scan3A_115 step %scan3A_116 iter_args(%scan3A_217 = %scan3A_112) -> (i32)  : i32 {
      %mul3A_218 = arith.constant 4 : i32
      %mul3A_219 = arith.muli %scan3A_216, %mul3A_218 : i32
      %add3A_220 = arith.constant 0 : i32
      %add3A_221 = arith.addi %mul3A_219, %add3A_220 : i32
      %dma_wait3A_222 = arith.constant 0 : i32
      %dma_wait3A_223 = tpu.memref_slice %arg6[%add3A_221, %dma_wait3A_222] : memref<32x128xi32, #tpu.memory_space<vmem>> -> memref<1x128xi32, #tpu.memory_space<vmem>>
      %dma_wait3A_224 = tpu.memref_squeeze %dma_wait3A_223 : memref<1x128xi32, #tpu.memory_space<vmem>> -> memref<128xi32, #tpu.memory_space<vmem>>
      %dma_wait3A_225 = arith.constant 0 : i32
      %dma_wait3A_226 = arith.constant 0 : i32
      %dma_wait3A_227 = tpu.memref_slice %arg12[%dma_wait3A_225, %dma_wait3A_226] : memref<10240x64xf32, #tpu.memory_space<vmem_shared>> -> memref<10240x64xf32, #tpu.memory_space<vmem_shared>>
      tpu.wait_indirect_dma semaphore(%arg14 : memref<!tpu.dma_semaphore, #tpu.memory_space<semaphore_mem>>) src(%dma_wait3A_227 : memref<10240x64xf32, #tpu.memory_space<vmem_shared>>) dst(%arg8 : memref<128x64xf32, #tpu.memory_space<vmem>>)
      %dma_start3A_228 = arith.constant 0 : i32
      %dma_start3A_229 = tpu.memref_slice %arg7[%add3A_221, %dma_start3A_228] : memref<32x128xi32, #tpu.memory_space<vmem>> -> memref<1x128xi32, #tpu.memory_space<vmem>>
      %dma_start3A_230 = tpu.memref_squeeze %dma_start3A_229 : memref<1x128xi32, #tpu.memory_space<vmem>> -> memref<128xi32, #tpu.memory_space<vmem>>
      %dma_start3A_231 = arith.constant 0 : i32
      %dma_start3A_232 = arith.constant 0 : i32
      %dma_start3A_233 = tpu.memref_slice %arg13[%dma_start3A_231, %dma_start3A_232] : memref<10240x64xf32, #tpu.memory_space<vmem_shared>> -> memref<10240x64xf32, #tpu.memory_space<vmem_shared>>
      tpu.enqueue_indirect_dma source(%arg8 : memref<128x64xf32, #tpu.memory_space<vmem>>) target(%dma_start3A_233 : memref<10240x64xf32, #tpu.memory_space<vmem_shared>>) offsets(%dma_start3A_230 : memref<128xi32, #tpu.memory_space<vmem>>) semaphore(%arg14 : memref<!tpu.dma_semaphore, #tpu.memory_space<semaphore_mem>>) {add = true}
      %ge3A = arith.constant 2 : i32
      %ge3A_234 = arith.cmpi sge, %add3A_221, %ge3A : i32
      %convert_element_type3A = arith.extui %ge3A_234 : i1 to i32
      %cond3A = arith.constant 0 : i32
      %cond3A_235 = arith.cmpi ne, %convert_element_type3A, %cond3A : i32
      scf.if %cond3A_235 {
        %dma_wait3A_327 = arith.constant 0 : i32
        %dma_wait3A_328 = arith.constant 0 : i32
        %dma_wait3A_329 = tpu.memref_slice %arg7[%dma_wait3A_327, %dma_wait3A_328] : memref<32x128xi32, #tpu.memory_space<vmem>> -> memref<1x128xi32, #tpu.memory_space<vmem>>
        %dma_wait3A_330 = tpu.memref_squeeze %dma_wait3A_329 : memref<1x128xi32, #tpu.memory_space<vmem>> -> memref<128xi32, #tpu.memory_space<vmem>>
        %dma_wait3A_331 = arith.constant 0 : i32
        %dma_wait3A_332 = arith.constant 0 : i32
        %dma_wait3A_333 = tpu.memref_slice %arg13[%dma_wait3A_331, %dma_wait3A_332] : memref<10240x64xf32, #tpu.memory_space<vmem_shared>> -> memref<10240x64xf32, #tpu.memory_space<vmem_shared>>
        tpu.wait_indirect_dma semaphore(%arg16 : memref<!tpu.dma_semaphore, #tpu.memory_space<semaphore_mem>>) src(%arg10 : memref<128x64xf32, #tpu.memory_space<vmem>>) dst(%dma_wait3A_333 : memref<10240x64xf32, #tpu.memory_space<vmem_shared>>)
      } else {
      }
      %add3A_236 = arith.constant 2 : i32
      %add3A_237 = arith.addi %add3A_221, %add3A_236 : i32
      %lt3A = arith.constant 32 : i32
      %lt3A_238 = arith.cmpi slt, %add3A_237, %lt3A : i32
      %convert_element_type3A_239 = arith.extui %lt3A_238 : i1 to i32
      %cond3A_240 = arith.constant 0 : i32
      %cond3A_241 = arith.cmpi ne, %convert_element_type3A_239, %cond3A_240 : i32
      scf.if %cond3A_241 {
        %add3A_327 = arith.constant 2 : i32
        %add3A_328 = arith.addi %add3A_221, %add3A_327 : i32
        %dma_start3A_329 = arith.constant 0 : i32
        %dma_start3A_330 = tpu.memref_slice %arg6[%add3A_328, %dma_start3A_329] : memref<32x128xi32, #tpu.memory_space<vmem>> -> memref<1x128xi32, #tpu.memory_space<vmem>>
        %dma_start3A_331 = tpu.memref_squeeze %dma_start3A_330 : memref<1x128xi32, #tpu.memory_space<vmem>> -> memref<128xi32, #tpu.memory_space<vmem>>
        %dma_start3A_332 = arith.constant 0 : i32
        %dma_start3A_333 = arith.constant 0 : i32
        %dma_start3A_334 = tpu.memref_slice %arg12[%dma_start3A_332, %dma_start3A_333] : memref<10240x64xf32, #tpu.memory_space<vmem_shared>> -> memref<10240x64xf32, #tpu.memory_space<vmem_shared>>
        tpu.enqueue_indirect_dma source(%dma_start3A_334 : memref<10240x64xf32, #tpu.memory_space<vmem_shared>>) target(%arg10 : memref<128x64xf32, #tpu.memory_space<vmem>>) offsets(%dma_start3A_331 : memref<128xi32, #tpu.memory_space<vmem>>) semaphore(%arg16 : memref<!tpu.dma_semaphore, #tpu.memory_space<semaphore_mem>>)
      } else {
      }
      %mul3A_242 = arith.constant 4 : i32
      %mul3A_243 = arith.muli %scan3A_216, %mul3A_242 : i32
      %add3A_244 = arith.constant 1 : i32
      %add3A_245 = arith.addi %mul3A_243, %add3A_244 : i32
      %dma_wait3A_246 = arith.constant 0 : i32
      %dma_wait3A_247 = tpu.memref_slice %arg6[%add3A_245, %dma_wait3A_246] : memref<32x128xi32, #tpu.memory_space<vmem>> -> memref<1x128xi32, #tpu.memory_space<vmem>>
      %dma_wait3A_248 = tpu.memref_squeeze %dma_wait3A_247 : memref<1x128xi32, #tpu.memory_space<vmem>> -> memref<128xi32, #tpu.memory_space<vmem>>
      %dma_wait3A_249 = arith.constant 0 : i32
      %dma_wait3A_250 = arith.constant 0 : i32
      %dma_wait3A_251 = tpu.memref_slice %arg12[%dma_wait3A_249, %dma_wait3A_250] : memref<10240x64xf32, #tpu.memory_space<vmem_shared>> -> memref<10240x64xf32, #tpu.memory_space<vmem_shared>>
      tpu.wait_indirect_dma semaphore(%arg15 : memref<!tpu.dma_semaphore, #tpu.memory_space<semaphore_mem>>) src(%dma_wait3A_251 : memref<10240x64xf32, #tpu.memory_space<vmem_shared>>) dst(%arg9 : memref<128x64xf32, #tpu.memory_space<vmem>>)
      %dma_start3A_252 = arith.constant 0 : i32
      %dma_start3A_253 = tpu.memref_slice %arg7[%add3A_245, %dma_start3A_252] : memref<32x128xi32, #tpu.memory_space<vmem>> -> memref<1x128xi32, #tpu.memory_space<vmem>>
      %dma_start3A_254 = tpu.memref_squeeze %dma_start3A_253 : memref<1x128xi32, #tpu.memory_space<vmem>> -> memref<128xi32, #tpu.memory_space<vmem>>
      %dma_start3A_255 = arith.constant 0 : i32
      %dma_start3A_256 = arith.constant 0 : i32
      %dma_start3A_257 = tpu.memref_slice %arg13[%dma_start3A_255, %dma_start3A_256] : memref<10240x64xf32, #tpu.memory_space<vmem_shared>> -> memref<10240x64xf32, #tpu.memory_space<vmem_shared>>
      tpu.enqueue_indirect_dma source(%arg9 : memref<128x64xf32, #tpu.memory_space<vmem>>) target(%dma_start3A_257 : memref<10240x64xf32, #tpu.memory_space<vmem_shared>>) offsets(%dma_start3A_254 : memref<128xi32, #tpu.memory_space<vmem>>) semaphore(%arg15 : memref<!tpu.dma_semaphore, #tpu.memory_space<semaphore_mem>>) {add = true}
      %ge3A_258 = arith.constant 2 : i32
      %ge3A_259 = arith.cmpi sge, %add3A_245, %ge3A_258 : i32
      %convert_element_type3A_260 = arith.extui %ge3A_259 : i1 to i32
      %cond3A_261 = arith.constant 0 : i32
      %cond3A_262 = arith.cmpi ne, %convert_element_type3A_260, %cond3A_261 : i32
      scf.if %cond3A_262 {
        %dma_wait3A_327 = arith.constant 0 : i32
        %dma_wait3A_328 = arith.constant 0 : i32
        %dma_wait3A_329 = tpu.memref_slice %arg7[%dma_wait3A_327, %dma_wait3A_328] : memref<32x128xi32, #tpu.memory_space<vmem>> -> memref<1x128xi32, #tpu.memory_space<vmem>>
        %dma_wait3A_330 = tpu.memref_squeeze %dma_wait3A_329 : memref<1x128xi32, #tpu.memory_space<vmem>> -> memref<128xi32, #tpu.memory_space<vmem>>
        %dma_wait3A_331 = arith.constant 0 : i32
        %dma_wait3A_332 = arith.constant 0 : i32
        %dma_wait3A_333 = tpu.memref_slice %arg13[%dma_wait3A_331, %dma_wait3A_332] : memref<10240x64xf32, #tpu.memory_space<vmem_shared>> -> memref<10240x64xf32, #tpu.memory_space<vmem_shared>>
        tpu.wait_indirect_dma semaphore(%arg17 : memref<!tpu.dma_semaphore, #tpu.memory_space<semaphore_mem>>) src(%arg11 : memref<128x64xf32, #tpu.memory_space<vmem>>) dst(%dma_wait3A_333 : memref<10240x64xf32, #tpu.memory_space<vmem_shared>>)
      } else {
      }
      %add3A_263 = arith.constant 2 : i32
      %add3A_264 = arith.addi %add3A_245, %add3A_263 : i32
      %lt3A_265 = arith.constant 32 : i32
      %lt3A_266 = arith.cmpi slt, %add3A_264, %lt3A_265 : i32
      %convert_element_type3A_267 = arith.extui %lt3A_266 : i1 to i32
      %cond3A_268 = arith.constant 0 : i32
      %cond3A_269 = arith.cmpi ne, %convert_element_type3A_267, %cond3A_268 : i32
      scf.if %cond3A_269 {
        %add3A_327 = arith.constant 2 : i32
        %add3A_328 = arith.addi %add3A_245, %add3A_327 : i32
        %dma_start3A_329 = arith.constant 0 : i32
        %dma_start3A_330 = tpu.memref_slice %arg6[%add3A_328, %dma_start3A_329] : memref<32x128xi32, #tpu.memory_space<vmem>> -> memref<1x128xi32, #tpu.memory_space<vmem>>
        %dma_start3A_331 = tpu.memref_squeeze %dma_start3A_330 : memref<1x128xi32, #tpu.memory_space<vmem>> -> memref<128xi32, #tpu.memory_space<vmem>>
        %dma_start3A_332 = arith.constant 0 : i32
        %dma_start3A_333 = arith.constant 0 : i32
        %dma_start3A_334 = tpu.memref_slice %arg12[%dma_start3A_332, %dma_start3A_333] : memref<10240x64xf32, #tpu.memory_space<vmem_shared>> -> memref<10240x64xf32, #tpu.memory_space<vmem_shared>>
        tpu.enqueue_indirect_dma source(%dma_start3A_334 : memref<10240x64xf32, #tpu.memory_space<vmem_shared>>) target(%arg11 : memref<128x64xf32, #tpu.memory_space<vmem>>) offsets(%dma_start3A_331 : memref<128xi32, #tpu.memory_space<vmem>>) semaphore(%arg17 : memref<!tpu.dma_semaphore, #tpu.memory_space<semaphore_mem>>)
      } else {
      }
      %mul3A_270 = arith.constant 4 : i32
      %mul3A_271 = arith.muli %scan3A_216, %mul3A_270 : i32
      %add3A_272 = arith.constant 2 : i32
      %add3A_273 = arith.addi %mul3A_271, %add3A_272 : i32
      %dma_wait3A_274 = arith.constant 0 : i32
      %dma_wait3A_275 = tpu.memref_slice %arg6[%add3A_273, %dma_wait3A_274] : memref<32x128xi32, #tpu.memory_space<vmem>> -> memref<1x128xi32, #tpu.memory_space<vmem>>
      %dma_wait3A_276 = tpu.memref_squeeze %dma_wait3A_275 : memref<1x128xi32, #tpu.memory_space<vmem>> -> memref<128xi32, #tpu.memory_space<vmem>>
      %dma_wait3A_277 = arith.constant 0 : i32
      %dma_wait3A_278 = arith.constant 0 : i32
      %dma_wait3A_279 = tpu.memref_slice %arg12[%dma_wait3A_277, %dma_wait3A_278] : memref<10240x64xf32, #tpu.memory_space<vmem_shared>> -> memref<10240x64xf32, #tpu.memory_space<vmem_shared>>
      tpu.wait_indirect_dma semaphore(%arg16 : memref<!tpu.dma_semaphore, #tpu.memory_space<semaphore_mem>>) src(%dma_wait3A_279 : memref<10240x64xf32, #tpu.memory_space<vmem_shared>>) dst(%arg10 : memref<128x64xf32, #tpu.memory_space<vmem>>)
      %dma_start3A_280 = arith.constant 0 : i32
      %dma_start3A_281 = tpu.memref_slice %arg7[%add3A_273, %dma_start3A_280] : memref<32x128xi32, #tpu.memory_space<vmem>> -> memref<1x128xi32, #tpu.memory_space<vmem>>
      %dma_start3A_282 = tpu.memref_squeeze %dma_start3A_281 : memref<1x128xi32, #tpu.memory_space<vmem>> -> memref<128xi32, #tpu.memory_space<vmem>>
      %dma_start3A_283 = arith.constant 0 : i32
      %dma_start3A_284 = arith.constant 0 : i32
      %dma_start3A_285 = tpu.memref_slice %arg13[%dma_start3A_283, %dma_start3A_284] : memref<10240x64xf32, #tpu.memory_space<vmem_shared>> -> memref<10240x64xf32, #tpu.memory_space<vmem_shared>>
      tpu.enqueue_indirect_dma source(%arg10 : memref<128x64xf32, #tpu.memory_space<vmem>>) target(%dma_start3A_285 : memref<10240x64xf32, #tpu.memory_space<vmem_shared>>) offsets(%dma_start3A_282 : memref<128xi32, #tpu.memory_space<vmem>>) semaphore(%arg16 : memref<!tpu.dma_semaphore, #tpu.memory_space<semaphore_mem>>) {add = true}
      %ge3A_286 = arith.constant 2 : i32
      %ge3A_287 = arith.cmpi sge, %add3A_273, %ge3A_286 : i32
      %convert_element_type3A_288 = arith.extui %ge3A_287 : i1 to i32
      %cond3A_289 = arith.constant 0 : i32
      %cond3A_290 = arith.cmpi ne, %convert_element_type3A_288, %cond3A_289 : i32
      scf.if %cond3A_290 {
        %dma_wait3A_327 = arith.constant 0 : i32
        %dma_wait3A_328 = arith.constant 0 : i32
        %dma_wait3A_329 = tpu.memref_slice %arg7[%dma_wait3A_327, %dma_wait3A_328] : memref<32x128xi32, #tpu.memory_space<vmem>> -> memref<1x128xi32, #tpu.memory_space<vmem>>
        %dma_wait3A_330 = tpu.memref_squeeze %dma_wait3A_329 : memref<1x128xi32, #tpu.memory_space<vmem>> -> memref<128xi32, #tpu.memory_space<vmem>>
        %dma_wait3A_331 = arith.constant 0 : i32
        %dma_wait3A_332 = arith.constant 0 : i32
        %dma_wait3A_333 = tpu.memref_slice %arg13[%dma_wait3A_331, %dma_wait3A_332] : memref<10240x64xf32, #tpu.memory_space<vmem_shared>> -> memref<10240x64xf32, #tpu.memory_space<vmem_shared>>
        tpu.wait_indirect_dma semaphore(%arg14 : memref<!tpu.dma_semaphore, #tpu.memory_space<semaphore_mem>>) src(%arg8 : memref<128x64xf32, #tpu.memory_space<vmem>>) dst(%dma_wait3A_333 : memref<10240x64xf32, #tpu.memory_space<vmem_shared>>)
      } else {
      }
      %add3A_291 = arith.constant 2 : i32
      %add3A_292 = arith.addi %add3A_273, %add3A_291 : i32
      %lt3A_293 = arith.constant 32 : i32
      %lt3A_294 = arith.cmpi slt, %add3A_292, %lt3A_293 : i32
      %convert_element_type3A_295 = arith.extui %lt3A_294 : i1 to i32
      %cond3A_296 = arith.constant 0 : i32
      %cond3A_297 = arith.cmpi ne, %convert_element_type3A_295, %cond3A_296 : i32
      scf.if %cond3A_297 {
        %add3A_327 = arith.constant 2 : i32
        %add3A_328 = arith.addi %add3A_273, %add3A_327 : i32
        %dma_start3A_329 = arith.constant 0 : i32
        %dma_start3A_330 = tpu.memref_slice %arg6[%add3A_328, %dma_start3A_329] : memref<32x128xi32, #tpu.memory_space<vmem>> -> memref<1x128xi32, #tpu.memory_space<vmem>>
        %dma_start3A_331 = tpu.memref_squeeze %dma_start3A_330 : memref<1x128xi32, #tpu.memory_space<vmem>> -> memref<128xi32, #tpu.memory_space<vmem>>
        %dma_start3A_332 = arith.constant 0 : i32
        %dma_start3A_333 = arith.constant 0 : i32
        %dma_start3A_334 = tpu.memref_slice %arg12[%dma_start3A_332, %dma_start3A_333] : memref<10240x64xf32, #tpu.memory_space<vmem_shared>> -> memref<10240x64xf32, #tpu.memory_space<vmem_shared>>
        tpu.enqueue_indirect_dma source(%dma_start3A_334 : memref<10240x64xf32, #tpu.memory_space<vmem_shared>>) target(%arg8 : memref<128x64xf32, #tpu.memory_space<vmem>>) offsets(%dma_start3A_331 : memref<128xi32, #tpu.memory_space<vmem>>) semaphore(%arg14 : memref<!tpu.dma_semaphore, #tpu.memory_space<semaphore_mem>>)
      } else {
      }
      %mul3A_298 = arith.constant 4 : i32
      %mul3A_299 = arith.muli %scan3A_216, %mul3A_298 : i32
      %add3A_300 = arith.constant 3 : i32
      %add3A_301 = arith.addi %mul3A_299, %add3A_300 : i32
      %dma_wait3A_302 = arith.constant 0 : i32
      %dma_wait3A_303 = tpu.memref_slice %arg6[%add3A_301, %dma_wait3A_302] : memref<32x128xi32, #tpu.memory_space<vmem>> -> memref<1x128xi32, #tpu.memory_space<vmem>>
      %dma_wait3A_304 = tpu.memref_squeeze %dma_wait3A_303 : memref<1x128xi32, #tpu.memory_space<vmem>> -> memref<128xi32, #tpu.memory_space<vmem>>
      %dma_wait3A_305 = arith.constant 0 : i32
      %dma_wait3A_306 = arith.constant 0 : i32
      %dma_wait3A_307 = tpu.memref_slice %arg12[%dma_wait3A_305, %dma_wait3A_306] : memref<10240x64xf32, #tpu.memory_space<vmem_shared>> -> memref<10240x64xf32, #tpu.memory_space<vmem_shared>>
      tpu.wait_indirect_dma semaphore(%arg17 : memref<!tpu.dma_semaphore, #tpu.memory_space<semaphore_mem>>) src(%dma_wait3A_307 : memref<10240x64xf32, #tpu.memory_space<vmem_shared>>) dst(%arg11 : memref<128x64xf32, #tpu.memory_space<vmem>>)
      %dma_start3A_308 = arith.constant 0 : i32
      %dma_start3A_309 = tpu.memref_slice %arg7[%add3A_301, %dma_start3A_308] : memref<32x128xi32, #tpu.memory_space<vmem>> -> memref<1x128xi32, #tpu.memory_space<vmem>>
      %dma_start3A_310 = tpu.memref_squeeze %dma_start3A_309 : memref<1x128xi32, #tpu.memory_space<vmem>> -> memref<128xi32, #tpu.memory_space<vmem>>
      %dma_start3A_311 = arith.constant 0 : i32
      %dma_start3A_312 = arith.constant 0 : i32
      %dma_start3A_313 = tpu.memref_slice %arg13[%dma_start3A_311, %dma_start3A_312] : memref<10240x64xf32, #tpu.memory_space<vmem_shared>> -> memref<10240x64xf32, #tpu.memory_space<vmem_shared>>
      tpu.enqueue_indirect_dma source(%arg11 : memref<128x64xf32, #tpu.memory_space<vmem>>) target(%dma_start3A_313 : memref<10240x64xf32, #tpu.memory_space<vmem_shared>>) offsets(%dma_start3A_310 : memref<128xi32, #tpu.memory_space<vmem>>) semaphore(%arg17 : memref<!tpu.dma_semaphore, #tpu.memory_space<semaphore_mem>>) {add = true}
      %ge3A_314 = arith.constant 2 : i32
      %ge3A_315 = arith.cmpi sge, %add3A_301, %ge3A_314 : i32
      %convert_element_type3A_316 = arith.extui %ge3A_315 : i1 to i32
      %cond3A_317 = arith.constant 0 : i32
      %cond3A_318 = arith.cmpi ne, %convert_element_type3A_316, %cond3A_317 : i32
      scf.if %cond3A_318 {
        %dma_wait3A_327 = arith.constant 0 : i32
        %dma_wait3A_328 = arith.constant 0 : i32
        %dma_wait3A_329 = tpu.memref_slice %arg7[%dma_wait3A_327, %dma_wait3A_328] : memref<32x128xi32, #tpu.memory_space<vmem>> -> memref<1x128xi32, #tpu.memory_space<vmem>>
        %dma_wait3A_330 = tpu.memref_squeeze %dma_wait3A_329 : memref<1x128xi32, #tpu.memory_space<vmem>> -> memref<128xi32, #tpu.memory_space<vmem>>
        %dma_wait3A_331 = arith.constant 0 : i32
        %dma_wait3A_332 = arith.constant 0 : i32
        %dma_wait3A_333 = tpu.memref_slice %arg13[%dma_wait3A_331, %dma_wait3A_332] : memref<10240x64xf32, #tpu.memory_space<vmem_shared>> -> memref<10240x64xf32, #tpu.memory_space<vmem_shared>>
        tpu.wait_indirect_dma semaphore(%arg15 : memref<!tpu.dma_semaphore, #tpu.memory_space<semaphore_mem>>) src(%arg9 : memref<128x64xf32, #tpu.memory_space<vmem>>) dst(%dma_wait3A_333 : memref<10240x64xf32, #tpu.memory_space<vmem_shared>>)
      } else {
      }
      %add3A_319 = arith.constant 2 : i32
      %add3A_320 = arith.addi %add3A_301, %add3A_319 : i32
      %lt3A_321 = arith.constant 32 : i32
      %lt3A_322 = arith.cmpi slt, %add3A_320, %lt3A_321 : i32
      %convert_element_type3A_323 = arith.extui %lt3A_322 : i1 to i32
      %cond3A_324 = arith.constant 0 : i32
      %cond3A_325 = arith.cmpi ne, %convert_element_type3A_323, %cond3A_324 : i32
      scf.if %cond3A_325 {
        %add3A_327 = arith.constant 2 : i32
        %add3A_328 = arith.addi %add3A_301, %add3A_327 : i32
        %dma_start3A_329 = arith.constant 0 : i32
        %dma_start3A_330 = tpu.memref_slice %arg6[%add3A_328, %dma_start3A_329] : memref<32x128xi32, #tpu.memory_space<vmem>> -> memref<1x128xi32, #tpu.memory_space<vmem>>
        %dma_start3A_331 = tpu.memref_squeeze %dma_start3A_330 : memref<1x128xi32, #tpu.memory_space<vmem>> -> memref<128xi32, #tpu.memory_space<vmem>>
        %dma_start3A_332 = arith.constant 0 : i32
        %dma_start3A_333 = arith.constant 0 : i32
        %dma_start3A_334 = tpu.memref_slice %arg12[%dma_start3A_332, %dma_start3A_333] : memref<10240x64xf32, #tpu.memory_space<vmem_shared>> -> memref<10240x64xf32, #tpu.memory_space<vmem_shared>>
        tpu.enqueue_indirect_dma source(%dma_start3A_334 : memref<10240x64xf32, #tpu.memory_space<vmem_shared>>) target(%arg9 : memref<128x64xf32, #tpu.memory_space<vmem>>) offsets(%dma_start3A_331 : memref<128xi32, #tpu.memory_space<vmem>>) semaphore(%arg15 : memref<!tpu.dma_semaphore, #tpu.memory_space<semaphore_mem>>)
      } else {
      }
      %scan3A_326 = arith.constant 0 : i32
      scf.yield %scan3A_326 : i32
    }
    %scan3A_118 = arith.constant 8 : i32
    %dma_wait3A_119 = arith.constant 0 : i32
    %dma_wait3A_120 = arith.constant 0 : i32
    %dma_wait3A_121 = tpu.memref_slice %arg7[%dma_wait3A_119, %dma_wait3A_120] : memref<32x128xi32, #tpu.memory_space<vmem>> -> memref<1x128xi32, #tpu.memory_space<vmem>>
    %dma_wait3A_122 = tpu.memref_squeeze %dma_wait3A_121 : memref<1x128xi32, #tpu.memory_space<vmem>> -> memref<128xi32, #tpu.memory_space<vmem>>
    %dma_wait3A_123 = arith.constant 0 : i32
    %dma_wait3A_124 = arith.constant 0 : i32
    %dma_wait3A_125 = tpu.memref_slice %arg13[%dma_wait3A_123, %dma_wait3A_124] : memref<10240x64xf32, #tpu.memory_space<vmem_shared>> -> memref<10240x64xf32, #tpu.memory_space<vmem_shared>>
    tpu.wait_indirect_dma semaphore(%arg16 : memref<!tpu.dma_semaphore, #tpu.memory_space<semaphore_mem>>) src(%arg10 : memref<128x64xf32, #tpu.memory_space<vmem>>) dst(%dma_wait3A_125 : memref<10240x64xf32, #tpu.memory_space<vmem_shared>>)
    %dma_wait3A_126 = arith.constant 0 : i32
    %dma_wait3A_127 = arith.constant 0 : i32
    %dma_wait3A_128 = tpu.memref_slice %arg7[%dma_wait3A_126, %dma_wait3A_127] : memref<32x128xi32, #tpu.memory_space<vmem>> -> memref<1x128xi32, #tpu.memory_space<vmem>>
    %dma_wait3A_129 = tpu.memref_squeeze %dma_wait3A_128 : memref<1x128xi32, #tpu.memory_space<vmem>> -> memref<128xi32, #tpu.memory_space<vmem>>
    %dma_wait3A_130 = arith.constant 0 : i32
    %dma_wait3A_131 = arith.constant 0 : i32
    %dma_wait3A_132 = tpu.memref_slice %arg13[%dma_wait3A_130, %dma_wait3A_131] : memref<10240x64xf32, #tpu.memory_space<vmem_shared>> -> memref<10240x64xf32, #tpu.memory_space<vmem_shared>>
    tpu.wait_indirect_dma semaphore(%arg17 : memref<!tpu.dma_semaphore, #tpu.memory_space<semaphore_mem>>) src(%arg11 : memref<128x64xf32, #tpu.memory_space<vmem>>) dst(%dma_wait3A_132 : memref<10240x64xf32, #tpu.memory_space<vmem_shared>>)
    %add3A_133 = arith.constant 96 : i32
    %add3A_134 = arith.addi %mul3A_18, %add3A_133 : i32
    "tpu.region"() ({
      %run_scoped3A = tpu.sem_alloc : memref<!tpu.dma_semaphore, #tpu.memory_space<semaphore_mem>>
      %dma_start3A_216 = arith.constant 0 : i32
      %dma_start3A_217 = tpu.memref_slice %arg3[%add3A_134, %dma_start3A_216] : memref<2560x128xi32, #tpu.memory_space<hbm>> -> memref<32x128xi32, #tpu.memory_space<hbm>>
      %dma_start3A_218 = arith.constant 0 : i32
      %dma_start3A_219 = tpu.memref_slice %arg3[%add3A_134, %dma_start3A_218] : memref<2560x128xi32, #tpu.memory_space<hbm>> -> memref<32x128xi32, #tpu.memory_space<hbm>>
      tpu.enqueue_dma source(%dma_start3A_219 : memref<32x128xi32, #tpu.memory_space<hbm>>) target(%arg6 : memref<32x128xi32, #tpu.memory_space<vmem>>) target_semaphore(%run_scoped3A : memref<!tpu.dma_semaphore, #tpu.memory_space<semaphore_mem>>)
      %dma_wait3A_220 = arith.constant 0 : i32
      %dma_wait3A_221 = tpu.memref_slice %arg3[%add3A_134, %dma_wait3A_220] : memref<2560x128xi32, #tpu.memory_space<hbm>> -> memref<32x128xi32, #tpu.memory_space<hbm>>
      %dma_wait3A_222 = arith.constant 0 : i32
      %dma_wait3A_223 = tpu.memref_slice %arg3[%add3A_134, %dma_wait3A_222] : memref<2560x128xi32, #tpu.memory_space<hbm>> -> memref<32x128xi32, #tpu.memory_space<hbm>>
      tpu.wait_dma2 semaphore(%run_scoped3A : memref<!tpu.dma_semaphore, #tpu.memory_space<semaphore_mem>>) src(%dma_wait3A_223 : memref<32x128xi32, #tpu.memory_space<hbm>>) dst(%arg6 : memref<32x128xi32, #tpu.memory_space<vmem>>)
      tpu.yield
    }) : () -> ()
    %add3A_135 = arith.constant 96 : i32
    %add3A_136 = arith.addi %mul3A_18, %add3A_135 : i32
    "tpu.region"() ({
      %run_scoped3A = tpu.sem_alloc : memref<!tpu.dma_semaphore, #tpu.memory_space<semaphore_mem>>
      %dma_start3A_216 = arith.constant 0 : i32
      %dma_start3A_217 = tpu.memref_slice %arg4[%add3A_136, %dma_start3A_216] : memref<2560x128xi32, #tpu.memory_space<hbm>> -> memref<32x128xi32, #tpu.memory_space<hbm>>
      %dma_start3A_218 = arith.constant 0 : i32
      %dma_start3A_219 = tpu.memref_slice %arg4[%add3A_136, %dma_start3A_218] : memref<2560x128xi32, #tpu.memory_space<hbm>> -> memref<32x128xi32, #tpu.memory_space<hbm>>
      tpu.enqueue_dma source(%dma_start3A_219 : memref<32x128xi32, #tpu.memory_space<hbm>>) target(%arg7 : memref<32x128xi32, #tpu.memory_space<vmem>>) target_semaphore(%run_scoped3A : memref<!tpu.dma_semaphore, #tpu.memory_space<semaphore_mem>>)
      %dma_wait3A_220 = arith.constant 0 : i32
      %dma_wait3A_221 = tpu.memref_slice %arg4[%add3A_136, %dma_wait3A_220] : memref<2560x128xi32, #tpu.memory_space<hbm>> -> memref<32x128xi32, #tpu.memory_space<hbm>>
      %dma_wait3A_222 = arith.constant 0 : i32
      %dma_wait3A_223 = tpu.memref_slice %arg4[%add3A_136, %dma_wait3A_222] : memref<2560x128xi32, #tpu.memory_space<hbm>> -> memref<32x128xi32, #tpu.memory_space<hbm>>
      tpu.wait_dma2 semaphore(%run_scoped3A : memref<!tpu.dma_semaphore, #tpu.memory_space<semaphore_mem>>) src(%dma_wait3A_223 : memref<32x128xi32, #tpu.memory_space<hbm>>) dst(%arg7 : memref<32x128xi32, #tpu.memory_space<vmem>>)
      tpu.yield
    }) : () -> ()
    %dma_start3A_137 = arith.constant 0 : i32
    %dma_start3A_138 = arith.constant 0 : i32
    %dma_start3A_139 = tpu.memref_slice %arg6[%dma_start3A_137, %dma_start3A_138] : memref<32x128xi32, #tpu.memory_space<vmem>> -> memref<1x128xi32, #tpu.memory_space<vmem>>
    %dma_start3A_140 = tpu.memref_squeeze %dma_start3A_139 : memref<1x128xi32, #tpu.memory_space<vmem>> -> memref<128xi32, #tpu.memory_space<vmem>>
    %dma_start3A_141 = arith.constant 0 : i32
    %dma_start3A_142 = arith.constant 0 : i32
    %dma_start3A_143 = tpu.memref_slice %arg12[%dma_start3A_141, %dma_start3A_142] : memref<10240x64xf32, #tpu.memory_space<vmem_shared>> -> memref<10240x64xf32, #tpu.memory_space<vmem_shared>>
    tpu.enqueue_indirect_dma source(%dma_start3A_143 : memref<10240x64xf32, #tpu.memory_space<vmem_shared>>) target(%arg8 : memref<128x64xf32, #tpu.memory_space<vmem>>) offsets(%dma_start3A_140 : memref<128xi32, #tpu.memory_space<vmem>>) semaphore(%arg14 : memref<!tpu.dma_semaphore, #tpu.memory_space<semaphore_mem>>)
    %dma_start3A_144 = arith.constant 1 : i32
    %dma_start3A_145 = arith.constant 0 : i32
    %dma_start3A_146 = tpu.memref_slice %arg6[%dma_start3A_144, %dma_start3A_145] : memref<32x128xi32, #tpu.memory_space<vmem>> -> memref<1x128xi32, #tpu.memory_space<vmem>>
    %dma_start3A_147 = tpu.memref_squeeze %dma_start3A_146 : memref<1x128xi32, #tpu.memory_space<vmem>> -> memref<128xi32, #tpu.memory_space<vmem>>
    %dma_start3A_148 = arith.constant 0 : i32
    %dma_start3A_149 = arith.constant 0 : i32
    %dma_start3A_150 = tpu.memref_slice %arg12[%dma_start3A_148, %dma_start3A_149] : memref<10240x64xf32, #tpu.memory_space<vmem_shared>> -> memref<10240x64xf32, #tpu.memory_space<vmem_shared>>
    tpu.enqueue_indirect_dma source(%dma_start3A_150 : memref<10240x64xf32, #tpu.memory_space<vmem_shared>>) target(%arg9 : memref<128x64xf32, #tpu.memory_space<vmem>>) offsets(%dma_start3A_147 : memref<128xi32, #tpu.memory_space<vmem>>) semaphore(%arg15 : memref<!tpu.dma_semaphore, #tpu.memory_space<semaphore_mem>>)
    %scan3A_151 = arith.constant 0 : i32
    %scan3A_152 = arith.constant 0 : i32
    %scan3A_153 = arith.constant 8 : i32
    %scan3A_154 = arith.addi %scan3A_152, %scan3A_153 : i32
    %scan3A_155 = arith.constant 1 : i32
    %scan3A_156 = scf.for %scan3A_216 = %scan3A_152 to %scan3A_154 step %scan3A_155 iter_args(%scan3A_217 = %scan3A_151) -> (i32)  : i32 {
      %mul3A_218 = arith.constant 4 : i32
      %mul3A_219 = arith.muli %scan3A_216, %mul3A_218 : i32
      %add3A_220 = arith.constant 0 : i32
      %add3A_221 = arith.addi %mul3A_219, %add3A_220 : i32
      %dma_wait3A_222 = arith.constant 0 : i32
      %dma_wait3A_223 = tpu.memref_slice %arg6[%add3A_221, %dma_wait3A_222] : memref<32x128xi32, #tpu.memory_space<vmem>> -> memref<1x128xi32, #tpu.memory_space<vmem>>
      %dma_wait3A_224 = tpu.memref_squeeze %dma_wait3A_223 : memref<1x128xi32, #tpu.memory_space<vmem>> -> memref<128xi32, #tpu.memory_space<vmem>>
      %dma_wait3A_225 = arith.constant 0 : i32
      %dma_wait3A_226 = arith.constant 0 : i32
      %dma_wait3A_227 = tpu.memref_slice %arg12[%dma_wait3A_225, %dma_wait3A_226] : memref<10240x64xf32, #tpu.memory_space<vmem_shared>> -> memref<10240x64xf32, #tpu.memory_space<vmem_shared>>
      tpu.wait_indirect_dma semaphore(%arg14 : memref<!tpu.dma_semaphore, #tpu.memory_space<semaphore_mem>>) src(%dma_wait3A_227 : memref<10240x64xf32, #tpu.memory_space<vmem_shared>>) dst(%arg8 : memref<128x64xf32, #tpu.memory_space<vmem>>)
      %dma_start3A_228 = arith.constant 0 : i32
      %dma_start3A_229 = tpu.memref_slice %arg7[%add3A_221, %dma_start3A_228] : memref<32x128xi32, #tpu.memory_space<vmem>> -> memref<1x128xi32, #tpu.memory_space<vmem>>
      %dma_start3A_230 = tpu.memref_squeeze %dma_start3A_229 : memref<1x128xi32, #tpu.memory_space<vmem>> -> memref<128xi32, #tpu.memory_space<vmem>>
      %dma_start3A_231 = arith.constant 0 : i32
      %dma_start3A_232 = arith.constant 0 : i32
      %dma_start3A_233 = tpu.memref_slice %arg13[%dma_start3A_231, %dma_start3A_232] : memref<10240x64xf32, #tpu.memory_space<vmem_shared>> -> memref<10240x64xf32, #tpu.memory_space<vmem_shared>>
      tpu.enqueue_indirect_dma source(%arg8 : memref<128x64xf32, #tpu.memory_space<vmem>>) target(%dma_start3A_233 : memref<10240x64xf32, #tpu.memory_space<vmem_shared>>) offsets(%dma_start3A_230 : memref<128xi32, #tpu.memory_space<vmem>>) semaphore(%arg14 : memref<!tpu.dma_semaphore, #tpu.memory_space<semaphore_mem>>) {add = true}
      %ge3A = arith.constant 2 : i32
      %ge3A_234 = arith.cmpi sge, %add3A_221, %ge3A : i32
      %convert_element_type3A = arith.extui %ge3A_234 : i1 to i32
      %cond3A = arith.constant 0 : i32
      %cond3A_235 = arith.cmpi ne, %convert_element_type3A, %cond3A : i32
      scf.if %cond3A_235 {
        %dma_wait3A_327 = arith.constant 0 : i32
        %dma_wait3A_328 = arith.constant 0 : i32
        %dma_wait3A_329 = tpu.memref_slice %arg7[%dma_wait3A_327, %dma_wait3A_328] : memref<32x128xi32, #tpu.memory_space<vmem>> -> memref<1x128xi32, #tpu.memory_space<vmem>>
        %dma_wait3A_330 = tpu.memref_squeeze %dma_wait3A_329 : memref<1x128xi32, #tpu.memory_space<vmem>> -> memref<128xi32, #tpu.memory_space<vmem>>
        %dma_wait3A_331 = arith.constant 0 : i32
        %dma_wait3A_332 = arith.constant 0 : i32
        %dma_wait3A_333 = tpu.memref_slice %arg13[%dma_wait3A_331, %dma_wait3A_332] : memref<10240x64xf32, #tpu.memory_space<vmem_shared>> -> memref<10240x64xf32, #tpu.memory_space<vmem_shared>>
        tpu.wait_indirect_dma semaphore(%arg16 : memref<!tpu.dma_semaphore, #tpu.memory_space<semaphore_mem>>) src(%arg10 : memref<128x64xf32, #tpu.memory_space<vmem>>) dst(%dma_wait3A_333 : memref<10240x64xf32, #tpu.memory_space<vmem_shared>>)
      } else {
      }
      %add3A_236 = arith.constant 2 : i32
      %add3A_237 = arith.addi %add3A_221, %add3A_236 : i32
      %lt3A = arith.constant 32 : i32
      %lt3A_238 = arith.cmpi slt, %add3A_237, %lt3A : i32
      %convert_element_type3A_239 = arith.extui %lt3A_238 : i1 to i32
      %cond3A_240 = arith.constant 0 : i32
      %cond3A_241 = arith.cmpi ne, %convert_element_type3A_239, %cond3A_240 : i32
      scf.if %cond3A_241 {
        %add3A_327 = arith.constant 2 : i32
        %add3A_328 = arith.addi %add3A_221, %add3A_327 : i32
        %dma_start3A_329 = arith.constant 0 : i32
        %dma_start3A_330 = tpu.memref_slice %arg6[%add3A_328, %dma_start3A_329] : memref<32x128xi32, #tpu.memory_space<vmem>> -> memref<1x128xi32, #tpu.memory_space<vmem>>
        %dma_start3A_331 = tpu.memref_squeeze %dma_start3A_330 : memref<1x128xi32, #tpu.memory_space<vmem>> -> memref<128xi32, #tpu.memory_space<vmem>>
        %dma_start3A_332 = arith.constant 0 : i32
        %dma_start3A_333 = arith.constant 0 : i32
        %dma_start3A_334 = tpu.memref_slice %arg12[%dma_start3A_332, %dma_start3A_333] : memref<10240x64xf32, #tpu.memory_space<vmem_shared>> -> memref<10240x64xf32, #tpu.memory_space<vmem_shared>>
        tpu.enqueue_indirect_dma source(%dma_start3A_334 : memref<10240x64xf32, #tpu.memory_space<vmem_shared>>) target(%arg10 : memref<128x64xf32, #tpu.memory_space<vmem>>) offsets(%dma_start3A_331 : memref<128xi32, #tpu.memory_space<vmem>>) semaphore(%arg16 : memref<!tpu.dma_semaphore, #tpu.memory_space<semaphore_mem>>)
      } else {
      }
      %mul3A_242 = arith.constant 4 : i32
      %mul3A_243 = arith.muli %scan3A_216, %mul3A_242 : i32
      %add3A_244 = arith.constant 1 : i32
      %add3A_245 = arith.addi %mul3A_243, %add3A_244 : i32
      %dma_wait3A_246 = arith.constant 0 : i32
      %dma_wait3A_247 = tpu.memref_slice %arg6[%add3A_245, %dma_wait3A_246] : memref<32x128xi32, #tpu.memory_space<vmem>> -> memref<1x128xi32, #tpu.memory_space<vmem>>
      %dma_wait3A_248 = tpu.memref_squeeze %dma_wait3A_247 : memref<1x128xi32, #tpu.memory_space<vmem>> -> memref<128xi32, #tpu.memory_space<vmem>>
      %dma_wait3A_249 = arith.constant 0 : i32
      %dma_wait3A_250 = arith.constant 0 : i32
      %dma_wait3A_251 = tpu.memref_slice %arg12[%dma_wait3A_249, %dma_wait3A_250] : memref<10240x64xf32, #tpu.memory_space<vmem_shared>> -> memref<10240x64xf32, #tpu.memory_space<vmem_shared>>
      tpu.wait_indirect_dma semaphore(%arg15 : memref<!tpu.dma_semaphore, #tpu.memory_space<semaphore_mem>>) src(%dma_wait3A_251 : memref<10240x64xf32, #tpu.memory_space<vmem_shared>>) dst(%arg9 : memref<128x64xf32, #tpu.memory_space<vmem>>)
      %dma_start3A_252 = arith.constant 0 : i32
      %dma_start3A_253 = tpu.memref_slice %arg7[%add3A_245, %dma_start3A_252] : memref<32x128xi32, #tpu.memory_space<vmem>> -> memref<1x128xi32, #tpu.memory_space<vmem>>
      %dma_start3A_254 = tpu.memref_squeeze %dma_start3A_253 : memref<1x128xi32, #tpu.memory_space<vmem>> -> memref<128xi32, #tpu.memory_space<vmem>>
      %dma_start3A_255 = arith.constant 0 : i32
      %dma_start3A_256 = arith.constant 0 : i32
      %dma_start3A_257 = tpu.memref_slice %arg13[%dma_start3A_255, %dma_start3A_256] : memref<10240x64xf32, #tpu.memory_space<vmem_shared>> -> memref<10240x64xf32, #tpu.memory_space<vmem_shared>>
      tpu.enqueue_indirect_dma source(%arg9 : memref<128x64xf32, #tpu.memory_space<vmem>>) target(%dma_start3A_257 : memref<10240x64xf32, #tpu.memory_space<vmem_shared>>) offsets(%dma_start3A_254 : memref<128xi32, #tpu.memory_space<vmem>>) semaphore(%arg15 : memref<!tpu.dma_semaphore, #tpu.memory_space<semaphore_mem>>) {add = true}
      %ge3A_258 = arith.constant 2 : i32
      %ge3A_259 = arith.cmpi sge, %add3A_245, %ge3A_258 : i32
      %convert_element_type3A_260 = arith.extui %ge3A_259 : i1 to i32
      %cond3A_261 = arith.constant 0 : i32
      %cond3A_262 = arith.cmpi ne, %convert_element_type3A_260, %cond3A_261 : i32
      scf.if %cond3A_262 {
        %dma_wait3A_327 = arith.constant 0 : i32
        %dma_wait3A_328 = arith.constant 0 : i32
        %dma_wait3A_329 = tpu.memref_slice %arg7[%dma_wait3A_327, %dma_wait3A_328] : memref<32x128xi32, #tpu.memory_space<vmem>> -> memref<1x128xi32, #tpu.memory_space<vmem>>
        %dma_wait3A_330 = tpu.memref_squeeze %dma_wait3A_329 : memref<1x128xi32, #tpu.memory_space<vmem>> -> memref<128xi32, #tpu.memory_space<vmem>>
        %dma_wait3A_331 = arith.constant 0 : i32
        %dma_wait3A_332 = arith.constant 0 : i32
        %dma_wait3A_333 = tpu.memref_slice %arg13[%dma_wait3A_331, %dma_wait3A_332] : memref<10240x64xf32, #tpu.memory_space<vmem_shared>> -> memref<10240x64xf32, #tpu.memory_space<vmem_shared>>
        tpu.wait_indirect_dma semaphore(%arg17 : memref<!tpu.dma_semaphore, #tpu.memory_space<semaphore_mem>>) src(%arg11 : memref<128x64xf32, #tpu.memory_space<vmem>>) dst(%dma_wait3A_333 : memref<10240x64xf32, #tpu.memory_space<vmem_shared>>)
      } else {
      }
      %add3A_263 = arith.constant 2 : i32
      %add3A_264 = arith.addi %add3A_245, %add3A_263 : i32
      %lt3A_265 = arith.constant 32 : i32
      %lt3A_266 = arith.cmpi slt, %add3A_264, %lt3A_265 : i32
      %convert_element_type3A_267 = arith.extui %lt3A_266 : i1 to i32
      %cond3A_268 = arith.constant 0 : i32
      %cond3A_269 = arith.cmpi ne, %convert_element_type3A_267, %cond3A_268 : i32
      scf.if %cond3A_269 {
        %add3A_327 = arith.constant 2 : i32
        %add3A_328 = arith.addi %add3A_245, %add3A_327 : i32
        %dma_start3A_329 = arith.constant 0 : i32
        %dma_start3A_330 = tpu.memref_slice %arg6[%add3A_328, %dma_start3A_329] : memref<32x128xi32, #tpu.memory_space<vmem>> -> memref<1x128xi32, #tpu.memory_space<vmem>>
        %dma_start3A_331 = tpu.memref_squeeze %dma_start3A_330 : memref<1x128xi32, #tpu.memory_space<vmem>> -> memref<128xi32, #tpu.memory_space<vmem>>
        %dma_start3A_332 = arith.constant 0 : i32
        %dma_start3A_333 = arith.constant 0 : i32
        %dma_start3A_334 = tpu.memref_slice %arg12[%dma_start3A_332, %dma_start3A_333] : memref<10240x64xf32, #tpu.memory_space<vmem_shared>> -> memref<10240x64xf32, #tpu.memory_space<vmem_shared>>
        tpu.enqueue_indirect_dma source(%dma_start3A_334 : memref<10240x64xf32, #tpu.memory_space<vmem_shared>>) target(%arg11 : memref<128x64xf32, #tpu.memory_space<vmem>>) offsets(%dma_start3A_331 : memref<128xi32, #tpu.memory_space<vmem>>) semaphore(%arg17 : memref<!tpu.dma_semaphore, #tpu.memory_space<semaphore_mem>>)
      } else {
      }
      %mul3A_270 = arith.constant 4 : i32
      %mul3A_271 = arith.muli %scan3A_216, %mul3A_270 : i32
      %add3A_272 = arith.constant 2 : i32
      %add3A_273 = arith.addi %mul3A_271, %add3A_272 : i32
      %dma_wait3A_274 = arith.constant 0 : i32
      %dma_wait3A_275 = tpu.memref_slice %arg6[%add3A_273, %dma_wait3A_274] : memref<32x128xi32, #tpu.memory_space<vmem>> -> memref<1x128xi32, #tpu.memory_space<vmem>>
      %dma_wait3A_276 = tpu.memref_squeeze %dma_wait3A_275 : memref<1x128xi32, #tpu.memory_space<vmem>> -> memref<128xi32, #tpu.memory_space<vmem>>
      %dma_wait3A_277 = arith.constant 0 : i32
      %dma_wait3A_278 = arith.constant 0 : i32
      %dma_wait3A_279 = tpu.memref_slice %arg12[%dma_wait3A_277, %dma_wait3A_278] : memref<10240x64xf32, #tpu.memory_space<vmem_shared>> -> memref<10240x64xf32, #tpu.memory_space<vmem_shared>>
      tpu.wait_indirect_dma semaphore(%arg16 : memref<!tpu.dma_semaphore, #tpu.memory_space<semaphore_mem>>) src(%dma_wait3A_279 : memref<10240x64xf32, #tpu.memory_space<vmem_shared>>) dst(%arg10 : memref<128x64xf32, #tpu.memory_space<vmem>>)
      %dma_start3A_280 = arith.constant 0 : i32
      %dma_start3A_281 = tpu.memref_slice %arg7[%add3A_273, %dma_start3A_280] : memref<32x128xi32, #tpu.memory_space<vmem>> -> memref<1x128xi32, #tpu.memory_space<vmem>>
      %dma_start3A_282 = tpu.memref_squeeze %dma_start3A_281 : memref<1x128xi32, #tpu.memory_space<vmem>> -> memref<128xi32, #tpu.memory_space<vmem>>
      %dma_start3A_283 = arith.constant 0 : i32
      %dma_start3A_284 = arith.constant 0 : i32
      %dma_start3A_285 = tpu.memref_slice %arg13[%dma_start3A_283, %dma_start3A_284] : memref<10240x64xf32, #tpu.memory_space<vmem_shared>> -> memref<10240x64xf32, #tpu.memory_space<vmem_shared>>
      tpu.enqueue_indirect_dma source(%arg10 : memref<128x64xf32, #tpu.memory_space<vmem>>) target(%dma_start3A_285 : memref<10240x64xf32, #tpu.memory_space<vmem_shared>>) offsets(%dma_start3A_282 : memref<128xi32, #tpu.memory_space<vmem>>) semaphore(%arg16 : memref<!tpu.dma_semaphore, #tpu.memory_space<semaphore_mem>>) {add = true}
      %ge3A_286 = arith.constant 2 : i32
      %ge3A_287 = arith.cmpi sge, %add3A_273, %ge3A_286 : i32
      %convert_element_type3A_288 = arith.extui %ge3A_287 : i1 to i32
      %cond3A_289 = arith.constant 0 : i32
      %cond3A_290 = arith.cmpi ne, %convert_element_type3A_288, %cond3A_289 : i32
      scf.if %cond3A_290 {
        %dma_wait3A_327 = arith.constant 0 : i32
        %dma_wait3A_328 = arith.constant 0 : i32
        %dma_wait3A_329 = tpu.memref_slice %arg7[%dma_wait3A_327, %dma_wait3A_328] : memref<32x128xi32, #tpu.memory_space<vmem>> -> memref<1x128xi32, #tpu.memory_space<vmem>>
        %dma_wait3A_330 = tpu.memref_squeeze %dma_wait3A_329 : memref<1x128xi32, #tpu.memory_space<vmem>> -> memref<128xi32, #tpu.memory_space<vmem>>
        %dma_wait3A_331 = arith.constant 0 : i32
        %dma_wait3A_332 = arith.constant 0 : i32
        %dma_wait3A_333 = tpu.memref_slice %arg13[%dma_wait3A_331, %dma_wait3A_332] : memref<10240x64xf32, #tpu.memory_space<vmem_shared>> -> memref<10240x64xf32, #tpu.memory_space<vmem_shared>>
        tpu.wait_indirect_dma semaphore(%arg14 : memref<!tpu.dma_semaphore, #tpu.memory_space<semaphore_mem>>) src(%arg8 : memref<128x64xf32, #tpu.memory_space<vmem>>) dst(%dma_wait3A_333 : memref<10240x64xf32, #tpu.memory_space<vmem_shared>>)
      } else {
      }
      %add3A_291 = arith.constant 2 : i32
      %add3A_292 = arith.addi %add3A_273, %add3A_291 : i32
      %lt3A_293 = arith.constant 32 : i32
      %lt3A_294 = arith.cmpi slt, %add3A_292, %lt3A_293 : i32
      %convert_element_type3A_295 = arith.extui %lt3A_294 : i1 to i32
      %cond3A_296 = arith.constant 0 : i32
      %cond3A_297 = arith.cmpi ne, %convert_element_type3A_295, %cond3A_296 : i32
      scf.if %cond3A_297 {
        %add3A_327 = arith.constant 2 : i32
        %add3A_328 = arith.addi %add3A_273, %add3A_327 : i32
        %dma_start3A_329 = arith.constant 0 : i32
        %dma_start3A_330 = tpu.memref_slice %arg6[%add3A_328, %dma_start3A_329] : memref<32x128xi32, #tpu.memory_space<vmem>> -> memref<1x128xi32, #tpu.memory_space<vmem>>
        %dma_start3A_331 = tpu.memref_squeeze %dma_start3A_330 : memref<1x128xi32, #tpu.memory_space<vmem>> -> memref<128xi32, #tpu.memory_space<vmem>>
        %dma_start3A_332 = arith.constant 0 : i32
        %dma_start3A_333 = arith.constant 0 : i32
        %dma_start3A_334 = tpu.memref_slice %arg12[%dma_start3A_332, %dma_start3A_333] : memref<10240x64xf32, #tpu.memory_space<vmem_shared>> -> memref<10240x64xf32, #tpu.memory_space<vmem_shared>>
        tpu.enqueue_indirect_dma source(%dma_start3A_334 : memref<10240x64xf32, #tpu.memory_space<vmem_shared>>) target(%arg8 : memref<128x64xf32, #tpu.memory_space<vmem>>) offsets(%dma_start3A_331 : memref<128xi32, #tpu.memory_space<vmem>>) semaphore(%arg14 : memref<!tpu.dma_semaphore, #tpu.memory_space<semaphore_mem>>)
      } else {
      }
      %mul3A_298 = arith.constant 4 : i32
      %mul3A_299 = arith.muli %scan3A_216, %mul3A_298 : i32
      %add3A_300 = arith.constant 3 : i32
      %add3A_301 = arith.addi %mul3A_299, %add3A_300 : i32
      %dma_wait3A_302 = arith.constant 0 : i32
      %dma_wait3A_303 = tpu.memref_slice %arg6[%add3A_301, %dma_wait3A_302] : memref<32x128xi32, #tpu.memory_space<vmem>> -> memref<1x128xi32, #tpu.memory_space<vmem>>
      %dma_wait3A_304 = tpu.memref_squeeze %dma_wait3A_303 : memref<1x128xi32, #tpu.memory_space<vmem>> -> memref<128xi32, #tpu.memory_space<vmem>>
      %dma_wait3A_305 = arith.constant 0 : i32
      %dma_wait3A_306 = arith.constant 0 : i32
      %dma_wait3A_307 = tpu.memref_slice %arg12[%dma_wait3A_305, %dma_wait3A_306] : memref<10240x64xf32, #tpu.memory_space<vmem_shared>> -> memref<10240x64xf32, #tpu.memory_space<vmem_shared>>
      tpu.wait_indirect_dma semaphore(%arg17 : memref<!tpu.dma_semaphore, #tpu.memory_space<semaphore_mem>>) src(%dma_wait3A_307 : memref<10240x64xf32, #tpu.memory_space<vmem_shared>>) dst(%arg11 : memref<128x64xf32, #tpu.memory_space<vmem>>)
      %dma_start3A_308 = arith.constant 0 : i32
      %dma_start3A_309 = tpu.memref_slice %arg7[%add3A_301, %dma_start3A_308] : memref<32x128xi32, #tpu.memory_space<vmem>> -> memref<1x128xi32, #tpu.memory_space<vmem>>
      %dma_start3A_310 = tpu.memref_squeeze %dma_start3A_309 : memref<1x128xi32, #tpu.memory_space<vmem>> -> memref<128xi32, #tpu.memory_space<vmem>>
      %dma_start3A_311 = arith.constant 0 : i32
      %dma_start3A_312 = arith.constant 0 : i32
      %dma_start3A_313 = tpu.memref_slice %arg13[%dma_start3A_311, %dma_start3A_312] : memref<10240x64xf32, #tpu.memory_space<vmem_shared>> -> memref<10240x64xf32, #tpu.memory_space<vmem_shared>>
      tpu.enqueue_indirect_dma source(%arg11 : memref<128x64xf32, #tpu.memory_space<vmem>>) target(%dma_start3A_313 : memref<10240x64xf32, #tpu.memory_space<vmem_shared>>) offsets(%dma_start3A_310 : memref<128xi32, #tpu.memory_space<vmem>>) semaphore(%arg17 : memref<!tpu.dma_semaphore, #tpu.memory_space<semaphore_mem>>) {add = true}
      %ge3A_314 = arith.constant 2 : i32
      %ge3A_315 = arith.cmpi sge, %add3A_301, %ge3A_314 : i32
      %convert_element_type3A_316 = arith.extui %ge3A_315 : i1 to i32
      %cond3A_317 = arith.constant 0 : i32
      %cond3A_318 = arith.cmpi ne, %convert_element_type3A_316, %cond3A_317 : i32
      scf.if %cond3A_318 {
        %dma_wait3A_327 = arith.constant 0 : i32
        %dma_wait3A_328 = arith.constant 0 : i32
        %dma_wait3A_329 = tpu.memref_slice %arg7[%dma_wait3A_327, %dma_wait3A_328] : memref<32x128xi32, #tpu.memory_space<vmem>> -> memref<1x128xi32, #tpu.memory_space<vmem>>
        %dma_wait3A_330 = tpu.memref_squeeze %dma_wait3A_329 : memref<1x128xi32, #tpu.memory_space<vmem>> -> memref<128xi32, #tpu.memory_space<vmem>>
        %dma_wait3A_331 = arith.constant 0 : i32
        %dma_wait3A_332 = arith.constant 0 : i32
        %dma_wait3A_333 = tpu.memref_slice %arg13[%dma_wait3A_331, %dma_wait3A_332] : memref<10240x64xf32, #tpu.memory_space<vmem_shared>> -> memref<10240x64xf32, #tpu.memory_space<vmem_shared>>
        tpu.wait_indirect_dma semaphore(%arg15 : memref<!tpu.dma_semaphore, #tpu.memory_space<semaphore_mem>>) src(%arg9 : memref<128x64xf32, #tpu.memory_space<vmem>>) dst(%dma_wait3A_333 : memref<10240x64xf32, #tpu.memory_space<vmem_shared>>)
      } else {
      }
      %add3A_319 = arith.constant 2 : i32
      %add3A_320 = arith.addi %add3A_301, %add3A_319 : i32
      %lt3A_321 = arith.constant 32 : i32
      %lt3A_322 = arith.cmpi slt, %add3A_320, %lt3A_321 : i32
      %convert_element_type3A_323 = arith.extui %lt3A_322 : i1 to i32
      %cond3A_324 = arith.constant 0 : i32
      %cond3A_325 = arith.cmpi ne, %convert_element_type3A_323, %cond3A_324 : i32
      scf.if %cond3A_325 {
        %add3A_327 = arith.constant 2 : i32
        %add3A_328 = arith.addi %add3A_301, %add3A_327 : i32
        %dma_start3A_329 = arith.constant 0 : i32
        %dma_start3A_330 = tpu.memref_slice %arg6[%add3A_328, %dma_start3A_329] : memref<32x128xi32, #tpu.memory_space<vmem>> -> memref<1x128xi32, #tpu.memory_space<vmem>>
        %dma_start3A_331 = tpu.memref_squeeze %dma_start3A_330 : memref<1x128xi32, #tpu.memory_space<vmem>> -> memref<128xi32, #tpu.memory_space<vmem>>
        %dma_start3A_332 = arith.constant 0 : i32
        %dma_start3A_333 = arith.constant 0 : i32
        %dma_start3A_334 = tpu.memref_slice %arg12[%dma_start3A_332, %dma_start3A_333] : memref<10240x64xf32, #tpu.memory_space<vmem_shared>> -> memref<10240x64xf32, #tpu.memory_space<vmem_shared>>
        tpu.enqueue_indirect_dma source(%dma_start3A_334 : memref<10240x64xf32, #tpu.memory_space<vmem_shared>>) target(%arg9 : memref<128x64xf32, #tpu.memory_space<vmem>>) offsets(%dma_start3A_331 : memref<128xi32, #tpu.memory_space<vmem>>) semaphore(%arg15 : memref<!tpu.dma_semaphore, #tpu.memory_space<semaphore_mem>>)
      } else {
      }
      %scan3A_326 = arith.constant 0 : i32
      scf.yield %scan3A_326 : i32
    }
    %scan3A_157 = arith.constant 8 : i32
    %dma_wait3A_158 = arith.constant 0 : i32
    %dma_wait3A_159 = arith.constant 0 : i32
    %dma_wait3A_160 = tpu.memref_slice %arg7[%dma_wait3A_158, %dma_wait3A_159] : memref<32x128xi32, #tpu.memory_space<vmem>> -> memref<1x128xi32, #tpu.memory_space<vmem>>
    %dma_wait3A_161 = tpu.memref_squeeze %dma_wait3A_160 : memref<1x128xi32, #tpu.memory_space<vmem>> -> memref<128xi32, #tpu.memory_space<vmem>>
    %dma_wait3A_162 = arith.constant 0 : i32
    %dma_wait3A_163 = arith.constant 0 : i32
    %dma_wait3A_164 = tpu.memref_slice %arg13[%dma_wait3A_162, %dma_wait3A_163] : memref<10240x64xf32, #tpu.memory_space<vmem_shared>> -> memref<10240x64xf32, #tpu.memory_space<vmem_shared>>
    tpu.wait_indirect_dma semaphore(%arg16 : memref<!tpu.dma_semaphore, #tpu.memory_space<semaphore_mem>>) src(%arg10 : memref<128x64xf32, #tpu.memory_space<vmem>>) dst(%dma_wait3A_164 : memref<10240x64xf32, #tpu.memory_space<vmem_shared>>)
    %dma_wait3A_165 = arith.constant 0 : i32
    %dma_wait3A_166 = arith.constant 0 : i32
    %dma_wait3A_167 = tpu.memref_slice %arg7[%dma_wait3A_165, %dma_wait3A_166] : memref<32x128xi32, #tpu.memory_space<vmem>> -> memref<1x128xi32, #tpu.memory_space<vmem>>
    %dma_wait3A_168 = tpu.memref_squeeze %dma_wait3A_167 : memref<1x128xi32, #tpu.memory_space<vmem>> -> memref<128xi32, #tpu.memory_space<vmem>>
    %dma_wait3A_169 = arith.constant 0 : i32
    %dma_wait3A_170 = arith.constant 0 : i32
    %dma_wait3A_171 = tpu.memref_slice %arg13[%dma_wait3A_169, %dma_wait3A_170] : memref<10240x64xf32, #tpu.memory_space<vmem_shared>> -> memref<10240x64xf32, #tpu.memory_space<vmem_shared>>
    tpu.wait_indirect_dma semaphore(%arg17 : memref<!tpu.dma_semaphore, #tpu.memory_space<semaphore_mem>>) src(%arg11 : memref<128x64xf32, #tpu.memory_space<vmem>>) dst(%dma_wait3A_171 : memref<10240x64xf32, #tpu.memory_space<vmem_shared>>)
    %add3A_172 = arith.constant 128 : i32
    %add3A_173 = arith.addi %mul3A_18, %add3A_172 : i32
    "tpu.region"() ({
      %run_scoped3A = tpu.sem_alloc : memref<!tpu.dma_semaphore, #tpu.memory_space<semaphore_mem>>
      %dma_start3A_216 = arith.constant 0 : i32
      %dma_start3A_217 = tpu.memref_slice %arg3[%add3A_173, %dma_start3A_216] : memref<2560x128xi32, #tpu.memory_space<hbm>> -> memref<32x128xi32, #tpu.memory_space<hbm>>
      %dma_start3A_218 = arith.constant 0 : i32
      %dma_start3A_219 = tpu.memref_slice %arg3[%add3A_173, %dma_start3A_218] : memref<2560x128xi32, #tpu.memory_space<hbm>> -> memref<32x128xi32, #tpu.memory_space<hbm>>
      tpu.enqueue_dma source(%dma_start3A_219 : memref<32x128xi32, #tpu.memory_space<hbm>>) target(%arg6 : memref<32x128xi32, #tpu.memory_space<vmem>>) target_semaphore(%run_scoped3A : memref<!tpu.dma_semaphore, #tpu.memory_space<semaphore_mem>>)
      %dma_wait3A_220 = arith.constant 0 : i32
      %dma_wait3A_221 = tpu.memref_slice %arg3[%add3A_173, %dma_wait3A_220] : memref<2560x128xi32, #tpu.memory_space<hbm>> -> memref<32x128xi32, #tpu.memory_space<hbm>>
      %dma_wait3A_222 = arith.constant 0 : i32
      %dma_wait3A_223 = tpu.memref_slice %arg3[%add3A_173, %dma_wait3A_222] : memref<2560x128xi32, #tpu.memory_space<hbm>> -> memref<32x128xi32, #tpu.memory_space<hbm>>
      tpu.wait_dma2 semaphore(%run_scoped3A : memref<!tpu.dma_semaphore, #tpu.memory_space<semaphore_mem>>) src(%dma_wait3A_223 : memref<32x128xi32, #tpu.memory_space<hbm>>) dst(%arg6 : memref<32x128xi32, #tpu.memory_space<vmem>>)
      tpu.yield
    }) : () -> ()
    %add3A_174 = arith.constant 128 : i32
    %add3A_175 = arith.addi %mul3A_18, %add3A_174 : i32
    "tpu.region"() ({
      %run_scoped3A = tpu.sem_alloc : memref<!tpu.dma_semaphore, #tpu.memory_space<semaphore_mem>>
      %dma_start3A_216 = arith.constant 0 : i32
      %dma_start3A_217 = tpu.memref_slice %arg4[%add3A_175, %dma_start3A_216] : memref<2560x128xi32, #tpu.memory_space<hbm>> -> memref<32x128xi32, #tpu.memory_space<hbm>>
      %dma_start3A_218 = arith.constant 0 : i32
      %dma_start3A_219 = tpu.memref_slice %arg4[%add3A_175, %dma_start3A_218] : memref<2560x128xi32, #tpu.memory_space<hbm>> -> memref<32x128xi32, #tpu.memory_space<hbm>>
      tpu.enqueue_dma source(%dma_start3A_219 : memref<32x128xi32, #tpu.memory_space<hbm>>) target(%arg7 : memref<32x128xi32, #tpu.memory_space<vmem>>) target_semaphore(%run_scoped3A : memref<!tpu.dma_semaphore, #tpu.memory_space<semaphore_mem>>)
      %dma_wait3A_220 = arith.constant 0 : i32
      %dma_wait3A_221 = tpu.memref_slice %arg4[%add3A_175, %dma_wait3A_220] : memref<2560x128xi32, #tpu.memory_space<hbm>> -> memref<32x128xi32, #tpu.memory_space<hbm>>
      %dma_wait3A_222 = arith.constant 0 : i32
      %dma_wait3A_223 = tpu.memref_slice %arg4[%add3A_175, %dma_wait3A_222] : memref<2560x128xi32, #tpu.memory_space<hbm>> -> memref<32x128xi32, #tpu.memory_space<hbm>>
      tpu.wait_dma2 semaphore(%run_scoped3A : memref<!tpu.dma_semaphore, #tpu.memory_space<semaphore_mem>>) src(%dma_wait3A_223 : memref<32x128xi32, #tpu.memory_space<hbm>>) dst(%arg7 : memref<32x128xi32, #tpu.memory_space<vmem>>)
      tpu.yield
    }) : () -> ()
    %dma_start3A_176 = arith.constant 0 : i32
    %dma_start3A_177 = arith.constant 0 : i32
    %dma_start3A_178 = tpu.memref_slice %arg6[%dma_start3A_176, %dma_start3A_177] : memref<32x128xi32, #tpu.memory_space<vmem>> -> memref<1x128xi32, #tpu.memory_space<vmem>>
    %dma_start3A_179 = tpu.memref_squeeze %dma_start3A_178 : memref<1x128xi32, #tpu.memory_space<vmem>> -> memref<128xi32, #tpu.memory_space<vmem>>
    %dma_start3A_180 = arith.constant 0 : i32
    %dma_start3A_181 = arith.constant 0 : i32
    %dma_start3A_182 = tpu.memref_slice %arg12[%dma_start3A_180, %dma_start3A_181] : memref<10240x64xf32, #tpu.memory_space<vmem_shared>> -> memref<10240x64xf32, #tpu.memory_space<vmem_shared>>
    tpu.enqueue_indirect_dma source(%dma_start3A_182 : memref<10240x64xf32, #tpu.memory_space<vmem_shared>>) target(%arg8 : memref<128x64xf32, #tpu.memory_space<vmem>>) offsets(%dma_start3A_179 : memref<128xi32, #tpu.memory_space<vmem>>) semaphore(%arg14 : memref<!tpu.dma_semaphore, #tpu.memory_space<semaphore_mem>>)
    %dma_start3A_183 = arith.constant 1 : i32
    %dma_start3A_184 = arith.constant 0 : i32
    %dma_start3A_185 = tpu.memref_slice %arg6[%dma_start3A_183, %dma_start3A_184] : memref<32x128xi32, #tpu.memory_space<vmem>> -> memref<1x128xi32, #tpu.memory_space<vmem>>
    %dma_start3A_186 = tpu.memref_squeeze %dma_start3A_185 : memref<1x128xi32, #tpu.memory_space<vmem>> -> memref<128xi32, #tpu.memory_space<vmem>>
    %dma_start3A_187 = arith.constant 0 : i32
    %dma_start3A_188 = arith.constant 0 : i32
    %dma_start3A_189 = tpu.memref_slice %arg12[%dma_start3A_187, %dma_start3A_188] : memref<10240x64xf32, #tpu.memory_space<vmem_shared>> -> memref<10240x64xf32, #tpu.memory_space<vmem_shared>>
    tpu.enqueue_indirect_dma source(%dma_start3A_189 : memref<10240x64xf32, #tpu.memory_space<vmem_shared>>) target(%arg9 : memref<128x64xf32, #tpu.memory_space<vmem>>) offsets(%dma_start3A_186 : memref<128xi32, #tpu.memory_space<vmem>>) semaphore(%arg15 : memref<!tpu.dma_semaphore, #tpu.memory_space<semaphore_mem>>)
    %scan3A_190 = arith.constant 0 : i32
    %scan3A_191 = arith.constant 0 : i32
    %scan3A_192 = arith.constant 8 : i32
    %scan3A_193 = arith.addi %scan3A_191, %scan3A_192 : i32
    %scan3A_194 = arith.constant 1 : i32
    %scan3A_195 = scf.for %scan3A_216 = %scan3A_191 to %scan3A_193 step %scan3A_194 iter_args(%scan3A_217 = %scan3A_190) -> (i32)  : i32 {
      %mul3A_218 = arith.constant 4 : i32
      %mul3A_219 = arith.muli %scan3A_216, %mul3A_218 : i32
      %add3A_220 = arith.constant 0 : i32
      %add3A_221 = arith.addi %mul3A_219, %add3A_220 : i32
      %dma_wait3A_222 = arith.constant 0 : i32
      %dma_wait3A_223 = tpu.memref_slice %arg6[%add3A_221, %dma_wait3A_222] : memref<32x128xi32, #tpu.memory_space<vmem>> -> memref<1x128xi32, #tpu.memory_space<vmem>>
      %dma_wait3A_224 = tpu.memref_squeeze %dma_wait3A_223 : memref<1x128xi32, #tpu.memory_space<vmem>> -> memref<128xi32, #tpu.memory_space<vmem>>
      %dma_wait3A_225 = arith.constant 0 : i32
      %dma_wait3A_226 = arith.constant 0 : i32
      %dma_wait3A_227 = tpu.memref_slice %arg12[%dma_wait3A_225, %dma_wait3A_226] : memref<10240x64xf32, #tpu.memory_space<vmem_shared>> -> memref<10240x64xf32, #tpu.memory_space<vmem_shared>>
      tpu.wait_indirect_dma semaphore(%arg14 : memref<!tpu.dma_semaphore, #tpu.memory_space<semaphore_mem>>) src(%dma_wait3A_227 : memref<10240x64xf32, #tpu.memory_space<vmem_shared>>) dst(%arg8 : memref<128x64xf32, #tpu.memory_space<vmem>>)
      %dma_start3A_228 = arith.constant 0 : i32
      %dma_start3A_229 = tpu.memref_slice %arg7[%add3A_221, %dma_start3A_228] : memref<32x128xi32, #tpu.memory_space<vmem>> -> memref<1x128xi32, #tpu.memory_space<vmem>>
      %dma_start3A_230 = tpu.memref_squeeze %dma_start3A_229 : memref<1x128xi32, #tpu.memory_space<vmem>> -> memref<128xi32, #tpu.memory_space<vmem>>
      %dma_start3A_231 = arith.constant 0 : i32
      %dma_start3A_232 = arith.constant 0 : i32
      %dma_start3A_233 = tpu.memref_slice %arg13[%dma_start3A_231, %dma_start3A_232] : memref<10240x64xf32, #tpu.memory_space<vmem_shared>> -> memref<10240x64xf32, #tpu.memory_space<vmem_shared>>
      tpu.enqueue_indirect_dma source(%arg8 : memref<128x64xf32, #tpu.memory_space<vmem>>) target(%dma_start3A_233 : memref<10240x64xf32, #tpu.memory_space<vmem_shared>>) offsets(%dma_start3A_230 : memref<128xi32, #tpu.memory_space<vmem>>) semaphore(%arg14 : memref<!tpu.dma_semaphore, #tpu.memory_space<semaphore_mem>>) {add = true}
      %ge3A = arith.constant 2 : i32
      %ge3A_234 = arith.cmpi sge, %add3A_221, %ge3A : i32
      %convert_element_type3A = arith.extui %ge3A_234 : i1 to i32
      %cond3A = arith.constant 0 : i32
      %cond3A_235 = arith.cmpi ne, %convert_element_type3A, %cond3A : i32
      scf.if %cond3A_235 {
        %dma_wait3A_327 = arith.constant 0 : i32
        %dma_wait3A_328 = arith.constant 0 : i32
        %dma_wait3A_329 = tpu.memref_slice %arg7[%dma_wait3A_327, %dma_wait3A_328] : memref<32x128xi32, #tpu.memory_space<vmem>> -> memref<1x128xi32, #tpu.memory_space<vmem>>
        %dma_wait3A_330 = tpu.memref_squeeze %dma_wait3A_329 : memref<1x128xi32, #tpu.memory_space<vmem>> -> memref<128xi32, #tpu.memory_space<vmem>>
        %dma_wait3A_331 = arith.constant 0 : i32
        %dma_wait3A_332 = arith.constant 0 : i32
        %dma_wait3A_333 = tpu.memref_slice %arg13[%dma_wait3A_331, %dma_wait3A_332] : memref<10240x64xf32, #tpu.memory_space<vmem_shared>> -> memref<10240x64xf32, #tpu.memory_space<vmem_shared>>
        tpu.wait_indirect_dma semaphore(%arg16 : memref<!tpu.dma_semaphore, #tpu.memory_space<semaphore_mem>>) src(%arg10 : memref<128x64xf32, #tpu.memory_space<vmem>>) dst(%dma_wait3A_333 : memref<10240x64xf32, #tpu.memory_space<vmem_shared>>)
      } else {
      }
      %add3A_236 = arith.constant 2 : i32
      %add3A_237 = arith.addi %add3A_221, %add3A_236 : i32
      %lt3A = arith.constant 32 : i32
      %lt3A_238 = arith.cmpi slt, %add3A_237, %lt3A : i32
      %convert_element_type3A_239 = arith.extui %lt3A_238 : i1 to i32
      %cond3A_240 = arith.constant 0 : i32
      %cond3A_241 = arith.cmpi ne, %convert_element_type3A_239, %cond3A_240 : i32
      scf.if %cond3A_241 {
        %add3A_327 = arith.constant 2 : i32
        %add3A_328 = arith.addi %add3A_221, %add3A_327 : i32
        %dma_start3A_329 = arith.constant 0 : i32
        %dma_start3A_330 = tpu.memref_slice %arg6[%add3A_328, %dma_start3A_329] : memref<32x128xi32, #tpu.memory_space<vmem>> -> memref<1x128xi32, #tpu.memory_space<vmem>>
        %dma_start3A_331 = tpu.memref_squeeze %dma_start3A_330 : memref<1x128xi32, #tpu.memory_space<vmem>> -> memref<128xi32, #tpu.memory_space<vmem>>
        %dma_start3A_332 = arith.constant 0 : i32
        %dma_start3A_333 = arith.constant 0 : i32
        %dma_start3A_334 = tpu.memref_slice %arg12[%dma_start3A_332, %dma_start3A_333] : memref<10240x64xf32, #tpu.memory_space<vmem_shared>> -> memref<10240x64xf32, #tpu.memory_space<vmem_shared>>
        tpu.enqueue_indirect_dma source(%dma_start3A_334 : memref<10240x64xf32, #tpu.memory_space<vmem_shared>>) target(%arg10 : memref<128x64xf32, #tpu.memory_space<vmem>>) offsets(%dma_start3A_331 : memref<128xi32, #tpu.memory_space<vmem>>) semaphore(%arg16 : memref<!tpu.dma_semaphore, #tpu.memory_space<semaphore_mem>>)
      } else {
      }
      %mul3A_242 = arith.constant 4 : i32
      %mul3A_243 = arith.muli %scan3A_216, %mul3A_242 : i32
      %add3A_244 = arith.constant 1 : i32
      %add3A_245 = arith.addi %mul3A_243, %add3A_244 : i32
      %dma_wait3A_246 = arith.constant 0 : i32
      %dma_wait3A_247 = tpu.memref_slice %arg6[%add3A_245, %dma_wait3A_246] : memref<32x128xi32, #tpu.memory_space<vmem>> -> memref<1x128xi32, #tpu.memory_space<vmem>>
      %dma_wait3A_248 = tpu.memref_squeeze %dma_wait3A_247 : memref<1x128xi32, #tpu.memory_space<vmem>> -> memref<128xi32, #tpu.memory_space<vmem>>
      %dma_wait3A_249 = arith.constant 0 : i32
      %dma_wait3A_250 = arith.constant 0 : i32
      %dma_wait3A_251 = tpu.memref_slice %arg12[%dma_wait3A_249, %dma_wait3A_250] : memref<10240x64xf32, #tpu.memory_space<vmem_shared>> -> memref<10240x64xf32, #tpu.memory_space<vmem_shared>>
      tpu.wait_indirect_dma semaphore(%arg15 : memref<!tpu.dma_semaphore, #tpu.memory_space<semaphore_mem>>) src(%dma_wait3A_251 : memref<10240x64xf32, #tpu.memory_space<vmem_shared>>) dst(%arg9 : memref<128x64xf32, #tpu.memory_space<vmem>>)
      %dma_start3A_252 = arith.constant 0 : i32
      %dma_start3A_253 = tpu.memref_slice %arg7[%add3A_245, %dma_start3A_252] : memref<32x128xi32, #tpu.memory_space<vmem>> -> memref<1x128xi32, #tpu.memory_space<vmem>>
      %dma_start3A_254 = tpu.memref_squeeze %dma_start3A_253 : memref<1x128xi32, #tpu.memory_space<vmem>> -> memref<128xi32, #tpu.memory_space<vmem>>
      %dma_start3A_255 = arith.constant 0 : i32
      %dma_start3A_256 = arith.constant 0 : i32
      %dma_start3A_257 = tpu.memref_slice %arg13[%dma_start3A_255, %dma_start3A_256] : memref<10240x64xf32, #tpu.memory_space<vmem_shared>> -> memref<10240x64xf32, #tpu.memory_space<vmem_shared>>
      tpu.enqueue_indirect_dma source(%arg9 : memref<128x64xf32, #tpu.memory_space<vmem>>) target(%dma_start3A_257 : memref<10240x64xf32, #tpu.memory_space<vmem_shared>>) offsets(%dma_start3A_254 : memref<128xi32, #tpu.memory_space<vmem>>) semaphore(%arg15 : memref<!tpu.dma_semaphore, #tpu.memory_space<semaphore_mem>>) {add = true}
      %ge3A_258 = arith.constant 2 : i32
      %ge3A_259 = arith.cmpi sge, %add3A_245, %ge3A_258 : i32
      %convert_element_type3A_260 = arith.extui %ge3A_259 : i1 to i32
      %cond3A_261 = arith.constant 0 : i32
      %cond3A_262 = arith.cmpi ne, %convert_element_type3A_260, %cond3A_261 : i32
      scf.if %cond3A_262 {
        %dma_wait3A_327 = arith.constant 0 : i32
        %dma_wait3A_328 = arith.constant 0 : i32
        %dma_wait3A_329 = tpu.memref_slice %arg7[%dma_wait3A_327, %dma_wait3A_328] : memref<32x128xi32, #tpu.memory_space<vmem>> -> memref<1x128xi32, #tpu.memory_space<vmem>>
        %dma_wait3A_330 = tpu.memref_squeeze %dma_wait3A_329 : memref<1x128xi32, #tpu.memory_space<vmem>> -> memref<128xi32, #tpu.memory_space<vmem>>
        %dma_wait3A_331 = arith.constant 0 : i32
        %dma_wait3A_332 = arith.constant 0 : i32
        %dma_wait3A_333 = tpu.memref_slice %arg13[%dma_wait3A_331, %dma_wait3A_332] : memref<10240x64xf32, #tpu.memory_space<vmem_shared>> -> memref<10240x64xf32, #tpu.memory_space<vmem_shared>>
        tpu.wait_indirect_dma semaphore(%arg17 : memref<!tpu.dma_semaphore, #tpu.memory_space<semaphore_mem>>) src(%arg11 : memref<128x64xf32, #tpu.memory_space<vmem>>) dst(%dma_wait3A_333 : memref<10240x64xf32, #tpu.memory_space<vmem_shared>>)
      } else {
      }
      %add3A_263 = arith.constant 2 : i32
      %add3A_264 = arith.addi %add3A_245, %add3A_263 : i32
      %lt3A_265 = arith.constant 32 : i32
      %lt3A_266 = arith.cmpi slt, %add3A_264, %lt3A_265 : i32
      %convert_element_type3A_267 = arith.extui %lt3A_266 : i1 to i32
      %cond3A_268 = arith.constant 0 : i32
      %cond3A_269 = arith.cmpi ne, %convert_element_type3A_267, %cond3A_268 : i32
      scf.if %cond3A_269 {
        %add3A_327 = arith.constant 2 : i32
        %add3A_328 = arith.addi %add3A_245, %add3A_327 : i32
        %dma_start3A_329 = arith.constant 0 : i32
        %dma_start3A_330 = tpu.memref_slice %arg6[%add3A_328, %dma_start3A_329] : memref<32x128xi32, #tpu.memory_space<vmem>> -> memref<1x128xi32, #tpu.memory_space<vmem>>
        %dma_start3A_331 = tpu.memref_squeeze %dma_start3A_330 : memref<1x128xi32, #tpu.memory_space<vmem>> -> memref<128xi32, #tpu.memory_space<vmem>>
        %dma_start3A_332 = arith.constant 0 : i32
        %dma_start3A_333 = arith.constant 0 : i32
        %dma_start3A_334 = tpu.memref_slice %arg12[%dma_start3A_332, %dma_start3A_333] : memref<10240x64xf32, #tpu.memory_space<vmem_shared>> -> memref<10240x64xf32, #tpu.memory_space<vmem_shared>>
        tpu.enqueue_indirect_dma source(%dma_start3A_334 : memref<10240x64xf32, #tpu.memory_space<vmem_shared>>) target(%arg11 : memref<128x64xf32, #tpu.memory_space<vmem>>) offsets(%dma_start3A_331 : memref<128xi32, #tpu.memory_space<vmem>>) semaphore(%arg17 : memref<!tpu.dma_semaphore, #tpu.memory_space<semaphore_mem>>)
      } else {
      }
      %mul3A_270 = arith.constant 4 : i32
      %mul3A_271 = arith.muli %scan3A_216, %mul3A_270 : i32
      %add3A_272 = arith.constant 2 : i32
      %add3A_273 = arith.addi %mul3A_271, %add3A_272 : i32
      %dma_wait3A_274 = arith.constant 0 : i32
      %dma_wait3A_275 = tpu.memref_slice %arg6[%add3A_273, %dma_wait3A_274] : memref<32x128xi32, #tpu.memory_space<vmem>> -> memref<1x128xi32, #tpu.memory_space<vmem>>
      %dma_wait3A_276 = tpu.memref_squeeze %dma_wait3A_275 : memref<1x128xi32, #tpu.memory_space<vmem>> -> memref<128xi32, #tpu.memory_space<vmem>>
      %dma_wait3A_277 = arith.constant 0 : i32
      %dma_wait3A_278 = arith.constant 0 : i32
      %dma_wait3A_279 = tpu.memref_slice %arg12[%dma_wait3A_277, %dma_wait3A_278] : memref<10240x64xf32, #tpu.memory_space<vmem_shared>> -> memref<10240x64xf32, #tpu.memory_space<vmem_shared>>
      tpu.wait_indirect_dma semaphore(%arg16 : memref<!tpu.dma_semaphore, #tpu.memory_space<semaphore_mem>>) src(%dma_wait3A_279 : memref<10240x64xf32, #tpu.memory_space<vmem_shared>>) dst(%arg10 : memref<128x64xf32, #tpu.memory_space<vmem>>)
      %dma_start3A_280 = arith.constant 0 : i32
      %dma_start3A_281 = tpu.memref_slice %arg7[%add3A_273, %dma_start3A_280] : memref<32x128xi32, #tpu.memory_space<vmem>> -> memref<1x128xi32, #tpu.memory_space<vmem>>
      %dma_start3A_282 = tpu.memref_squeeze %dma_start3A_281 : memref<1x128xi32, #tpu.memory_space<vmem>> -> memref<128xi32, #tpu.memory_space<vmem>>
      %dma_start3A_283 = arith.constant 0 : i32
      %dma_start3A_284 = arith.constant 0 : i32
      %dma_start3A_285 = tpu.memref_slice %arg13[%dma_start3A_283, %dma_start3A_284] : memref<10240x64xf32, #tpu.memory_space<vmem_shared>> -> memref<10240x64xf32, #tpu.memory_space<vmem_shared>>
      tpu.enqueue_indirect_dma source(%arg10 : memref<128x64xf32, #tpu.memory_space<vmem>>) target(%dma_start3A_285 : memref<10240x64xf32, #tpu.memory_space<vmem_shared>>) offsets(%dma_start3A_282 : memref<128xi32, #tpu.memory_space<vmem>>) semaphore(%arg16 : memref<!tpu.dma_semaphore, #tpu.memory_space<semaphore_mem>>) {add = true}
      %ge3A_286 = arith.constant 2 : i32
      %ge3A_287 = arith.cmpi sge, %add3A_273, %ge3A_286 : i32
      %convert_element_type3A_288 = arith.extui %ge3A_287 : i1 to i32
      %cond3A_289 = arith.constant 0 : i32
      %cond3A_290 = arith.cmpi ne, %convert_element_type3A_288, %cond3A_289 : i32
      scf.if %cond3A_290 {
        %dma_wait3A_327 = arith.constant 0 : i32
        %dma_wait3A_328 = arith.constant 0 : i32
        %dma_wait3A_329 = tpu.memref_slice %arg7[%dma_wait3A_327, %dma_wait3A_328] : memref<32x128xi32, #tpu.memory_space<vmem>> -> memref<1x128xi32, #tpu.memory_space<vmem>>
        %dma_wait3A_330 = tpu.memref_squeeze %dma_wait3A_329 : memref<1x128xi32, #tpu.memory_space<vmem>> -> memref<128xi32, #tpu.memory_space<vmem>>
        %dma_wait3A_331 = arith.constant 0 : i32
        %dma_wait3A_332 = arith.constant 0 : i32
        %dma_wait3A_333 = tpu.memref_slice %arg13[%dma_wait3A_331, %dma_wait3A_332] : memref<10240x64xf32, #tpu.memory_space<vmem_shared>> -> memref<10240x64xf32, #tpu.memory_space<vmem_shared>>
        tpu.wait_indirect_dma semaphore(%arg14 : memref<!tpu.dma_semaphore, #tpu.memory_space<semaphore_mem>>) src(%arg8 : memref<128x64xf32, #tpu.memory_space<vmem>>) dst(%dma_wait3A_333 : memref<10240x64xf32, #tpu.memory_space<vmem_shared>>)
      } else {
      }
      %add3A_291 = arith.constant 2 : i32
      %add3A_292 = arith.addi %add3A_273, %add3A_291 : i32
      %lt3A_293 = arith.constant 32 : i32
      %lt3A_294 = arith.cmpi slt, %add3A_292, %lt3A_293 : i32
      %convert_element_type3A_295 = arith.extui %lt3A_294 : i1 to i32
      %cond3A_296 = arith.constant 0 : i32
      %cond3A_297 = arith.cmpi ne, %convert_element_type3A_295, %cond3A_296 : i32
      scf.if %cond3A_297 {
        %add3A_327 = arith.constant 2 : i32
        %add3A_328 = arith.addi %add3A_273, %add3A_327 : i32
        %dma_start3A_329 = arith.constant 0 : i32
        %dma_start3A_330 = tpu.memref_slice %arg6[%add3A_328, %dma_start3A_329] : memref<32x128xi32, #tpu.memory_space<vmem>> -> memref<1x128xi32, #tpu.memory_space<vmem>>
        %dma_start3A_331 = tpu.memref_squeeze %dma_start3A_330 : memref<1x128xi32, #tpu.memory_space<vmem>> -> memref<128xi32, #tpu.memory_space<vmem>>
        %dma_start3A_332 = arith.constant 0 : i32
        %dma_start3A_333 = arith.constant 0 : i32
        %dma_start3A_334 = tpu.memref_slice %arg12[%dma_start3A_332, %dma_start3A_333] : memref<10240x64xf32, #tpu.memory_space<vmem_shared>> -> memref<10240x64xf32, #tpu.memory_space<vmem_shared>>
        tpu.enqueue_indirect_dma source(%dma_start3A_334 : memref<10240x64xf32, #tpu.memory_space<vmem_shared>>) target(%arg8 : memref<128x64xf32, #tpu.memory_space<vmem>>) offsets(%dma_start3A_331 : memref<128xi32, #tpu.memory_space<vmem>>) semaphore(%arg14 : memref<!tpu.dma_semaphore, #tpu.memory_space<semaphore_mem>>)
      } else {
      }
      %mul3A_298 = arith.constant 4 : i32
      %mul3A_299 = arith.muli %scan3A_216, %mul3A_298 : i32
      %add3A_300 = arith.constant 3 : i32
      %add3A_301 = arith.addi %mul3A_299, %add3A_300 : i32
      %dma_wait3A_302 = arith.constant 0 : i32
      %dma_wait3A_303 = tpu.memref_slice %arg6[%add3A_301, %dma_wait3A_302] : memref<32x128xi32, #tpu.memory_space<vmem>> -> memref<1x128xi32, #tpu.memory_space<vmem>>
      %dma_wait3A_304 = tpu.memref_squeeze %dma_wait3A_303 : memref<1x128xi32, #tpu.memory_space<vmem>> -> memref<128xi32, #tpu.memory_space<vmem>>
      %dma_wait3A_305 = arith.constant 0 : i32
      %dma_wait3A_306 = arith.constant 0 : i32
      %dma_wait3A_307 = tpu.memref_slice %arg12[%dma_wait3A_305, %dma_wait3A_306] : memref<10240x64xf32, #tpu.memory_space<vmem_shared>> -> memref<10240x64xf32, #tpu.memory_space<vmem_shared>>
      tpu.wait_indirect_dma semaphore(%arg17 : memref<!tpu.dma_semaphore, #tpu.memory_space<semaphore_mem>>) src(%dma_wait3A_307 : memref<10240x64xf32, #tpu.memory_space<vmem_shared>>) dst(%arg11 : memref<128x64xf32, #tpu.memory_space<vmem>>)
      %dma_start3A_308 = arith.constant 0 : i32
      %dma_start3A_309 = tpu.memref_slice %arg7[%add3A_301, %dma_start3A_308] : memref<32x128xi32, #tpu.memory_space<vmem>> -> memref<1x128xi32, #tpu.memory_space<vmem>>
      %dma_start3A_310 = tpu.memref_squeeze %dma_start3A_309 : memref<1x128xi32, #tpu.memory_space<vmem>> -> memref<128xi32, #tpu.memory_space<vmem>>
      %dma_start3A_311 = arith.constant 0 : i32
      %dma_start3A_312 = arith.constant 0 : i32
      %dma_start3A_313 = tpu.memref_slice %arg13[%dma_start3A_311, %dma_start3A_312] : memref<10240x64xf32, #tpu.memory_space<vmem_shared>> -> memref<10240x64xf32, #tpu.memory_space<vmem_shared>>
      tpu.enqueue_indirect_dma source(%arg11 : memref<128x64xf32, #tpu.memory_space<vmem>>) target(%dma_start3A_313 : memref<10240x64xf32, #tpu.memory_space<vmem_shared>>) offsets(%dma_start3A_310 : memref<128xi32, #tpu.memory_space<vmem>>) semaphore(%arg17 : memref<!tpu.dma_semaphore, #tpu.memory_space<semaphore_mem>>) {add = true}
      %ge3A_314 = arith.constant 2 : i32
      %ge3A_315 = arith.cmpi sge, %add3A_301, %ge3A_314 : i32
      %convert_element_type3A_316 = arith.extui %ge3A_315 : i1 to i32
      %cond3A_317 = arith.constant 0 : i32
      %cond3A_318 = arith.cmpi ne, %convert_element_type3A_316, %cond3A_317 : i32
      scf.if %cond3A_318 {
        %dma_wait3A_327 = arith.constant 0 : i32
        %dma_wait3A_328 = arith.constant 0 : i32
        %dma_wait3A_329 = tpu.memref_slice %arg7[%dma_wait3A_327, %dma_wait3A_328] : memref<32x128xi32, #tpu.memory_space<vmem>> -> memref<1x128xi32, #tpu.memory_space<vmem>>
        %dma_wait3A_330 = tpu.memref_squeeze %dma_wait3A_329 : memref<1x128xi32, #tpu.memory_space<vmem>> -> memref<128xi32, #tpu.memory_space<vmem>>
        %dma_wait3A_331 = arith.constant 0 : i32
        %dma_wait3A_332 = arith.constant 0 : i32
        %dma_wait3A_333 = tpu.memref_slice %arg13[%dma_wait3A_331, %dma_wait3A_332] : memref<10240x64xf32, #tpu.memory_space<vmem_shared>> -> memref<10240x64xf32, #tpu.memory_space<vmem_shared>>
        tpu.wait_indirect_dma semaphore(%arg15 : memref<!tpu.dma_semaphore, #tpu.memory_space<semaphore_mem>>) src(%arg9 : memref<128x64xf32, #tpu.memory_space<vmem>>) dst(%dma_wait3A_333 : memref<10240x64xf32, #tpu.memory_space<vmem_shared>>)
      } else {
      }
      %add3A_319 = arith.constant 2 : i32
      %add3A_320 = arith.addi %add3A_301, %add3A_319 : i32
      %lt3A_321 = arith.constant 32 : i32
      %lt3A_322 = arith.cmpi slt, %add3A_320, %lt3A_321 : i32
      %convert_element_type3A_323 = arith.extui %lt3A_322 : i1 to i32
      %cond3A_324 = arith.constant 0 : i32
      %cond3A_325 = arith.cmpi ne, %convert_element_type3A_323, %cond3A_324 : i32
      scf.if %cond3A_325 {
        %add3A_327 = arith.constant 2 : i32
        %add3A_328 = arith.addi %add3A_301, %add3A_327 : i32
        %dma_start3A_329 = arith.constant 0 : i32
        %dma_start3A_330 = tpu.memref_slice %arg6[%add3A_328, %dma_start3A_329] : memref<32x128xi32, #tpu.memory_space<vmem>> -> memref<1x128xi32, #tpu.memory_space<vmem>>
        %dma_start3A_331 = tpu.memref_squeeze %dma_start3A_330 : memref<1x128xi32, #tpu.memory_space<vmem>> -> memref<128xi32, #tpu.memory_space<vmem>>
        %dma_start3A_332 = arith.constant 0 : i32
        %dma_start3A_333 = arith.constant 0 : i32
        %dma_start3A_334 = tpu.memref_slice %arg12[%dma_start3A_332, %dma_start3A_333] : memref<10240x64xf32, #tpu.memory_space<vmem_shared>> -> memref<10240x64xf32, #tpu.memory_space<vmem_shared>>
        tpu.enqueue_indirect_dma source(%dma_start3A_334 : memref<10240x64xf32, #tpu.memory_space<vmem_shared>>) target(%arg9 : memref<128x64xf32, #tpu.memory_space<vmem>>) offsets(%dma_start3A_331 : memref<128xi32, #tpu.memory_space<vmem>>) semaphore(%arg15 : memref<!tpu.dma_semaphore, #tpu.memory_space<semaphore_mem>>)
      } else {
      }
      %scan3A_326 = arith.constant 0 : i32
      scf.yield %scan3A_326 : i32
    }
    %scan3A_196 = arith.constant 8 : i32
    %dma_wait3A_197 = arith.constant 0 : i32
    %dma_wait3A_198 = arith.constant 0 : i32
    %dma_wait3A_199 = tpu.memref_slice %arg7[%dma_wait3A_197, %dma_wait3A_198] : memref<32x128xi32, #tpu.memory_space<vmem>> -> memref<1x128xi32, #tpu.memory_space<vmem>>
    %dma_wait3A_200 = tpu.memref_squeeze %dma_wait3A_199 : memref<1x128xi32, #tpu.memory_space<vmem>> -> memref<128xi32, #tpu.memory_space<vmem>>
    %dma_wait3A_201 = arith.constant 0 : i32
    %dma_wait3A_202 = arith.constant 0 : i32
    %dma_wait3A_203 = tpu.memref_slice %arg13[%dma_wait3A_201, %dma_wait3A_202] : memref<10240x64xf32, #tpu.memory_space<vmem_shared>> -> memref<10240x64xf32, #tpu.memory_space<vmem_shared>>
    tpu.wait_indirect_dma semaphore(%arg16 : memref<!tpu.dma_semaphore, #tpu.memory_space<semaphore_mem>>) src(%arg10 : memref<128x64xf32, #tpu.memory_space<vmem>>) dst(%dma_wait3A_203 : memref<10240x64xf32, #tpu.memory_space<vmem_shared>>)
    %dma_wait3A_204 = arith.constant 0 : i32
    %dma_wait3A_205 = arith.constant 0 : i32
    %dma_wait3A_206 = tpu.memref_slice %arg7[%dma_wait3A_204, %dma_wait3A_205] : memref<32x128xi32, #tpu.memory_space<vmem>> -> memref<1x128xi32, #tpu.memory_space<vmem>>
    %dma_wait3A_207 = tpu.memref_squeeze %dma_wait3A_206 : memref<1x128xi32, #tpu.memory_space<vmem>> -> memref<128xi32, #tpu.memory_space<vmem>>
    %dma_wait3A_208 = arith.constant 0 : i32
    %dma_wait3A_209 = arith.constant 0 : i32
    %dma_wait3A_210 = tpu.memref_slice %arg13[%dma_wait3A_208, %dma_wait3A_209] : memref<10240x64xf32, #tpu.memory_space<vmem_shared>> -> memref<10240x64xf32, #tpu.memory_space<vmem_shared>>
    tpu.wait_indirect_dma semaphore(%arg17 : memref<!tpu.dma_semaphore, #tpu.memory_space<semaphore_mem>>) src(%arg11 : memref<128x64xf32, #tpu.memory_space<vmem>>) dst(%dma_wait3A_210 : memref<10240x64xf32, #tpu.memory_space<vmem_shared>>)
    %barrier3A_211 = arith.constant 0 : index
    tpu.barrier barrier_id(%barrier3A_211)
    %mul3A_212 = arith.constant 640 : i32
    %mul3A_213 = arith.muli %arg1, %mul3A_212 : i32
    %mul3A_214 = arith.constant 640 : i32
    %mul3A_215 = arith.muli %arg1, %mul3A_214 : i32
    "tpu.region"() ({
      %run_scoped3A = tpu.sem_alloc : memref<!tpu.dma_semaphore, #tpu.memory_space<semaphore_mem>>
      %dma_start3A_216 = arith.constant 0 : i32
      %dma_start3A_217 = tpu.memref_slice %arg5[%arg0, %mul3A_215, %dma_start3A_216] : memref<2x10240x64xf32, #tpu.memory_space<hbm>> -> memref<1x640x64xf32, #tpu.memory_space<hbm>>
      %dma_start3A_218 = tpu.memref_squeeze %dma_start3A_217 : memref<1x640x64xf32, #tpu.memory_space<hbm>> -> memref<640x64xf32, #tpu.memory_space<hbm>>
      %dma_start3A_219 = arith.constant 0 : i32
      %dma_start3A_220 = tpu.memref_slice %arg13[%mul3A_213, %dma_start3A_219] : memref<10240x64xf32, #tpu.memory_space<vmem_shared>> -> memref<640x64xf32, #tpu.memory_space<vmem_shared>>
      tpu.enqueue_dma source(%dma_start3A_220 : memref<640x64xf32, #tpu.memory_space<vmem_shared>>) target(%dma_start3A_218 : memref<640x64xf32, #tpu.memory_space<hbm>>) target_semaphore(%run_scoped3A : memref<!tpu.dma_semaphore, #tpu.memory_space<semaphore_mem>>)
      %dma_wait3A_221 = arith.constant 0 : i32
      %dma_wait3A_222 = tpu.memref_slice %arg5[%arg0, %mul3A_215, %dma_wait3A_221] : memref<2x10240x64xf32, #tpu.memory_space<hbm>> -> memref<1x640x64xf32, #tpu.memory_space<hbm>>
      %dma_wait3A_223 = tpu.memref_squeeze %dma_wait3A_222 : memref<1x640x64xf32, #tpu.memory_space<hbm>> -> memref<640x64xf32, #tpu.memory_space<hbm>>
      %dma_wait3A_224 = arith.constant 0 : i32
      %dma_wait3A_225 = tpu.memref_slice %arg13[%mul3A_213, %dma_wait3A_224] : memref<10240x64xf32, #tpu.memory_space<vmem_shared>> -> memref<640x64xf32, #tpu.memory_space<vmem_shared>>
      tpu.wait_dma2 semaphore(%run_scoped3A : memref<!tpu.dma_semaphore, #tpu.memory_space<semaphore_mem>>) src(%dma_wait3A_225 : memref<640x64xf32, #tpu.memory_space<vmem_shared>>) dst(%dma_wait3A_223 : memref<640x64xf32, #tpu.memory_space<hbm>>)
      tpu.yield
    }) : () -> ()
    return
  }
}

#map = affine_map<(d0, d1) -> (0, 0, 0)>
#map1 = affine_map<(d0, d1) -> (0, 0)>
module attributes {stable_mosaic.version = 14 : i64} {
  func.func @scat_k(%arg0: i32, %arg1: i32, %arg2: memref<2x10240x64xf32, #tpu.memory_space<hbm>>, %arg3: memref<2560x128xi32, #tpu.memory_space<hbm>>, %arg4: memref<2560x128xi32, #tpu.memory_space<hbm>>, %arg5: memref<2x10240x64xf32, #tpu.memory_space<hbm>>, %arg6: memref<32x128xi32, #tpu.memory_space<vmem>>, %arg7: memref<32x128xi32, #tpu.memory_space<vmem>>, %arg8: memref<128x64xf32, #tpu.memory_space<vmem>>, %arg9: memref<128x64xf32, #tpu.memory_space<vmem>>, %arg10: memref<128x64xf32, #tpu.memory_space<vmem>>, %arg11: memref<128x64xf32, #tpu.memory_space<vmem>>, %arg12: memref<10240x64xf32, #tpu.memory_space<vmem_shared>>, %arg13: memref<10240x64xf32, #tpu.memory_space<vmem_shared>>, %arg14: memref<!tpu.dma_semaphore, #tpu.memory_space<semaphore_mem>>, %arg15: memref<!tpu.dma_semaphore, #tpu.memory_space<semaphore_mem>>, %arg16: memref<!tpu.dma_semaphore, #tpu.memory_space<semaphore_mem>>, %arg17: memref<!tpu.dma_semaphore, #tpu.memory_space<semaphore_mem>>) attributes {dimension_semantics = [#tpu.dimension_semantics<core_parallel>, #tpu.dimension_semantics<subcore_parallel>], iteration_bounds = array<i64: 2, 16>, scalar_prefetch = 0 : i64, scratch_operands = 12 : i64, tpu.core_type = #tpu.core_type<sc_vector_subcore>, window_params = [{transform_indices = #map}, {transform_indices = #map1}, {transform_indices = #map1}, {transform_indices = #map}]} {
    %mul3A = arith.constant 640 : i32
    %mul3A_0 = arith.muli %arg1, %mul3A : i32
    %mul3A_1 = arith.constant 640 : i32
    %mul3A_2 = arith.muli %arg1, %mul3A_1 : i32
    "tpu.region"() ({
      %run_scoped3A = tpu.sem_alloc : memref<!tpu.dma_semaphore, #tpu.memory_space<semaphore_mem>>
      %dma_start3A_216 = arith.constant 0 : i32
      %dma_start3A_217 = tpu.memref_slice %arg12[%mul3A_2, %dma_start3A_216] : memref<10240x64xf32, #tpu.memory_space<vmem_shared>> -> memref<640x64xf32, #tpu.memory_space<vmem_shared>>
      %dma_start3A_218 = arith.constant 0 : i32
      %dma_start3A_219 = tpu.memref_slice %arg2[%arg0, %mul3A_0, %dma_start3A_218] : memref<2x10240x64xf32, #tpu.memory_space<hbm>> -> memref<1x640x64xf32, #tpu.memory_space<hbm>>
      %dma_start3A_220 = tpu.memref_squeeze %dma_start3A_219 : memref<1x640x64xf32, #tpu.memory_space<hbm>> -> memref<640x64xf32, #tpu.memory_space<hbm>>
      tpu.enqueue_dma source(%dma_start3A_220 : memref<640x64xf32, #tpu.memory_space<hbm>>) target(%dma_start3A_217 : memref<640x64xf32, #tpu.memory_space<vmem_shared>>) target_semaphore(%run_scoped3A : memref<!tpu.dma_semaphore, #tpu.memory_space<semaphore_mem>>)
      %dma_wait3A_221 = arith.constant 0 : i32
      %dma_wait3A_222 = tpu.memref_slice %arg12[%mul3A_2, %dma_wait3A_221] : memref<10240x64xf32, #tpu.memory_space<vmem_shared>> -> memref<640x64xf32, #tpu.memory_space<vmem_shared>>
      %dma_wait3A_223 = arith.constant 0 : i32
      %dma_wait3A_224 = tpu.memref_slice %arg2[%arg0, %mul3A_0, %dma_wait3A_223] : memref<2x10240x64xf32, #tpu.memory_space<hbm>> -> memref<1x640x64xf32, #tpu.memory_space<hbm>>
      %dma_wait3A_225 = tpu.memref_squeeze %dma_wait3A_224 : memref<1x640x64xf32, #tpu.memory_space<hbm>> -> memref<640x64xf32, #tpu.memory_space<hbm>>
      tpu.wait_dma2 semaphore(%run_scoped3A : memref<!tpu.dma_semaphore, #tpu.memory_space<semaphore_mem>>) src(%dma_wait3A_225 : memref<640x64xf32, #tpu.memory_space<hbm>>) dst(%dma_wait3A_222 : memref<640x64xf32, #tpu.memory_space<vmem_shared>>)
      tpu.yield
    }) : () -> ()
    %broadcast_in_dim3A = arith.constant 0.000000e+00 : f32
    %broadcast_in_dim3A_3 = vector.broadcast %broadcast_in_dim3A : f32 to vector<16xf32>
    %scan3A = arith.constant 0 : i32
    %scan3A_4 = arith.constant 0 : i32
    %scan3A_5 = arith.constant 512 : i32
    %scan3A_6 = arith.addi %scan3A_4, %scan3A_5 : i32
    %scan3A_7 = arith.constant 1 : i32
    %scan3A_8 = scf.for %scan3A_216 = %scan3A_4 to %scan3A_6 step %scan3A_7 iter_args(%scan3A_217 = %scan3A) -> (i32)  : i32 {
      %jit3A = arith.constant 4 : i32
      %div3A = arith.divsi %scan3A_216, %jit3A : i32
      %sign3A = arith.constant 0 : i32
      %sign3A_218 = arith.cmpi sgt, %scan3A_216, %sign3A : i32
      %sign3A_219 = arith.extui %sign3A_218 : i1 to i32
      %sign3A_220 = arith.constant 0 : i32
      %sign3A_221 = arith.cmpi slt, %scan3A_216, %sign3A_220 : i32
      %sign3A_222 = arith.extui %sign3A_221 : i1 to i32
      %sign3A_223 = arith.subi %sign3A_219, %sign3A_222 : i32
      %sign3A_224 = arith.constant 0 : i32
      %sign3A_225 = arith.cmpi sgt, %jit3A, %sign3A_224 : i32
      %sign3A_226 = arith.extui %sign3A_225 : i1 to i32
      %sign3A_227 = arith.constant 0 : i32
      %sign3A_228 = arith.cmpi slt, %jit3A, %sign3A_227 : i32
      %sign3A_229 = arith.extui %sign3A_228 : i1 to i32
      %sign3A_230 = arith.subi %sign3A_226, %sign3A_229 : i32
      %ne3A = arith.cmpi ne, %sign3A_223, %sign3A_230 : i32
      %rem3A = arith.remsi %scan3A_216, %jit3A : i32
      %ne3A_231 = arith.constant 0 : i32
      %ne3A_232 = arith.cmpi ne, %rem3A, %ne3A_231 : i32
      %and3A = arith.andi %ne3A, %ne3A_232 : i1
      %sub3A = arith.constant 1 : i32
      %sub3A_233 = arith.subi %div3A, %sub3A : i32
      %select_n3A = arith.select %and3A, %sub3A_233, %div3A : i32
      %jit3A_234 = arith.constant 4 : i32
      %eq3A = arith.constant 0 : i32
      %eq3A_235 = arith.cmpi eq, %jit3A_234, %eq3A : i32
      %jit3A_236 = arith.constant 1 : i32
      %select_n3A_237 = arith.select %eq3A_235, %jit3A_236, %jit3A_234 : i32
      %rem3A_238 = arith.remsi %scan3A_216, %select_n3A_237 : i32
      %ne3A_239 = arith.constant 0 : i32
      %ne3A_240 = arith.cmpi ne, %rem3A_238, %ne3A_239 : i32
      %lt3A = arith.constant 0 : i32
      %lt3A_241 = arith.cmpi slt, %rem3A_238, %lt3A : i32
      %lt3A_242 = arith.constant 0 : i32
      %lt3A_243 = arith.cmpi slt, %select_n3A_237, %lt3A_242 : i32
      %ne3A_244 = arith.xori %lt3A_241, %lt3A_243 : i1
      %and3A_245 = arith.andi %ne3A_244, %ne3A_240 : i1
      %add3A_246 = arith.addi %rem3A_238, %select_n3A_237 : i32
      %select_n3A_247 = arith.select %and3A_245, %add3A_246, %rem3A_238 : i32
      %mul3A_248 = arith.constant 16 : i32
      %mul3A_249 = arith.muli %select_n3A_247, %mul3A_248 : i32
      %swap3A = arith.index_cast %select_n3A : i32 to index
      %swap3A_250 = arith.index_cast %mul3A_249 : i32 to index
      %swap3A_251 = tpu.vector_load %arg8[%swap3A, %swap3A_250] {strides = array<i32>} : memref<128x64xf32, #tpu.memory_space<vmem>>, vector<16xf32>,
      tpu.vector_store %arg8[%swap3A, %swap3A_250], %broadcast_in_dim3A_3 {strides = array<i32>} : memref<128x64xf32, #tpu.memory_space<vmem>>, vector<16xf32>,
      %scan3A_252 = arith.constant 0 : i32
      scf.yield %scan3A_252 : i32
    }
    %scan3A_9 = arith.constant 512 : i32
    %scan3A_10 = arith.constant 0 : i32
    %scan3A_11 = arith.constant 0 : i32
    %scan3A_12 = arith.constant 5 : i32
    %scan3A_13 = arith.addi %scan3A_11, %scan3A_12 : i32
    %scan3A_14 = arith.constant 1 : i32
    %scan3A_15 = scf.for %scan3A_216 = %scan3A_11 to %scan3A_13 step %scan3A_14 iter_args(%scan3A_217 = %scan3A_10) -> (i32)  : i32 {
      %mul3A_218 = arith.constant 640 : i32
      %mul3A_219 = arith.muli %arg1, %mul3A_218 : i32
      %mul3A_220 = arith.constant 128 : i32
      %mul3A_221 = arith.muli %scan3A_216, %mul3A_220 : i32
      %add3A_222 = arith.addi %mul3A_219, %mul3A_221 : i32
      "tpu.region"() ({
        %run_scoped3A = tpu.sem_alloc : memref<!tpu.dma_semaphore, #tpu.memory_space<semaphore_mem>>
        %dma_start3A_224 = arith.constant 0 : i32
        %dma_start3A_225 = tpu.memref_slice %arg13[%add3A_222, %dma_start3A_224] : memref<10240x64xf32, #tpu.memory_space<vmem_shared>> -> memref<128x64xf32, #tpu.memory_space<vmem_shared>>
        %dma_start3A_226 = arith.constant 0 : i32
        %dma_start3A_227 = tpu.memref_slice %arg13[%add3A_222, %dma_start3A_226] : memref<10240x64xf32, #tpu.memory_space<vmem_shared>> -> memref<128x64xf32, #tpu.memory_space<vmem_shared>>
        tpu.enqueue_dma source(%arg8 : memref<128x64xf32, #tpu.memory_space<vmem>>) target(%dma_start3A_227 : memref<128x64xf32, #tpu.memory_space<vmem_shared>>) target_semaphore(%run_scoped3A : memref<!tpu.dma_semaphore, #tpu.memory_space<semaphore_mem>>)
        %dma_wait3A_228 = arith.constant 0 : i32
        %dma_wait3A_229 = tpu.memref_slice %arg13[%add3A_222, %dma_wait3A_228] : memref<10240x64xf32, #tpu.memory_space<vmem_shared>> -> memref<128x64xf32, #tpu.memory_space<vmem_shared>>
        %dma_wait3A_230 = arith.constant 0 : i32
        %dma_wait3A_231 = tpu.memref_slice %arg13[%add3A_222, %dma_wait3A_230] : memref<10240x64xf32, #tpu.memory_space<vmem_shared>> -> memref<128x64xf32, #tpu.memory_space<vmem_shared>>
        tpu.wait_dma2 semaphore(%run_scoped3A : memref<!tpu.dma_semaphore, #tpu.memory_space<semaphore_mem>>) src(%arg8 : memref<128x64xf32, #tpu.memory_space<vmem>>) dst(%dma_wait3A_231 : memref<128x64xf32, #tpu.memory_space<vmem_shared>>)
        tpu.yield
      }) : () -> ()
      %scan3A_223 = arith.constant 0 : i32
      scf.yield %scan3A_223 : i32
    }
    %scan3A_16 = arith.constant 5 : i32
    %barrier3A = arith.constant 0 : index
    tpu.barrier barrier_id(%barrier3A)
    %mul3A_17 = arith.constant 160 : i32
    %mul3A_18 = arith.muli %arg1, %mul3A_17 : i32
    %add3A = arith.constant 0 : i32
    %add3A_19 = arith.addi %mul3A_18, %add3A : i32
    "tpu.region"() ({
      %run_scoped3A = tpu.sem_alloc : memref<!tpu.dma_semaphore, #tpu.memory_space<semaphore_mem>>
      %dma_start3A_216 = arith.constant 0 : i32
      %dma_start3A_217 = tpu.memref_slice %arg3[%add3A_19, %dma_start3A_216] : memref<2560x128xi32, #tpu.memory_space<hbm>> -> memref<32x128xi32, #tpu.memory_space<hbm>>
      %dma_start3A_218 = arith.constant 0 : i32
      %dma_start3A_219 = tpu.memref_slice %arg3[%add3A_19, %dma_start3A_218] : memref<2560x128xi32, #tpu.memory_space<hbm>> -> memref<32x128xi32, #tpu.memory_space<hbm>>
      tpu.enqueue_dma source(%dma_start3A_219 : memref<32x128xi32, #tpu.memory_space<hbm>>) target(%arg6 : memref<32x128xi32, #tpu.memory_space<vmem>>) target_semaphore(%run_scoped3A : memref<!tpu.dma_semaphore, #tpu.memory_space<semaphore_mem>>)
      %dma_wait3A_220 = arith.constant 0 : i32
      %dma_wait3A_221 = tpu.memref_slice %arg3[%add3A_19, %dma_wait3A_220] : memref<2560x128xi32, #tpu.memory_space<hbm>> -> memref<32x128xi32, #tpu.memory_space<hbm>>
      %dma_wait3A_222 = arith.constant 0 : i32
      %dma_wait3A_223 = tpu.memref_slice %arg3[%add3A_19, %dma_wait3A_222] : memref<2560x128xi32, #tpu.memory_space<hbm>> -> memref<32x128xi32, #tpu.memory_space<hbm>>
      tpu.wait_dma2 semaphore(%run_scoped3A : memref<!tpu.dma_semaphore, #tpu.memory_space<semaphore_mem>>) src(%dma_wait3A_223 : memref<32x128xi32, #tpu.memory_space<hbm>>) dst(%arg6 : memref<32x128xi32, #tpu.memory_space<vmem>>)
      tpu.yield
    }) : () -> ()
    %add3A_20 = arith.constant 0 : i32
    %add3A_21 = arith.addi %mul3A_18, %add3A_20 : i32
    "tpu.region"() ({
      %run_scoped3A = tpu.sem_alloc : memref<!tpu.dma_semaphore, #tpu.memory_space<semaphore_mem>>
      %dma_start3A_216 = arith.constant 0 : i32
      %dma_start3A_217 = tpu.memref_slice %arg4[%add3A_21, %dma_start3A_216] : memref<2560x128xi32, #tpu.memory_space<hbm>> -> memref<32x128xi32, #tpu.memory_space<hbm>>
      %dma_start3A_218 = arith.constant 0 : i32
      %dma_start3A_219 = tpu.memref_slice %arg4[%add3A_21, %dma_start3A_218] : memref<2560x128xi32, #tpu.memory_space<hbm>> -> memref<32x128xi32, #tpu.memory_space<hbm>>
      tpu.enqueue_dma source(%dma_start3A_219 : memref<32x128xi32, #tpu.memory_space<hbm>>) target(%arg7 : memref<32x128xi32, #tpu.memory_space<vmem>>) target_semaphore(%run_scoped3A : memref<!tpu.dma_semaphore, #tpu.memory_space<semaphore_mem>>)
      %dma_wait3A_220 = arith.constant 0 : i32
      %dma_wait3A_221 = tpu.memref_slice %arg4[%add3A_21, %dma_wait3A_220] : memref<2560x128xi32, #tpu.memory_space<hbm>> -> memref<32x128xi32, #tpu.memory_space<hbm>>
      %dma_wait3A_222 = arith.constant 0 : i32
      %dma_wait3A_223 = tpu.memref_slice %arg4[%add3A_21, %dma_wait3A_222] : memref<2560x128xi32, #tpu.memory_space<hbm>> -> memref<32x128xi32, #tpu.memory_space<hbm>>
      tpu.wait_dma2 semaphore(%run_scoped3A : memref<!tpu.dma_semaphore, #tpu.memory_space<semaphore_mem>>) src(%dma_wait3A_223 : memref<32x128xi32, #tpu.memory_space<hbm>>) dst(%arg7 : memref<32x128xi32, #tpu.memory_space<vmem>>)
      tpu.yield
    }) : () -> ()
    %dma_start3A = arith.constant 0 : i32
    %dma_start3A_22 = arith.constant 0 : i32
    %dma_start3A_23 = tpu.memref_slice %arg6[%dma_start3A, %dma_start3A_22] : memref<32x128xi32, #tpu.memory_space<vmem>> -> memref<1x128xi32, #tpu.memory_space<vmem>>
    %dma_start3A_24 = tpu.memref_squeeze %dma_start3A_23 : memref<1x128xi32, #tpu.memory_space<vmem>> -> memref<128xi32, #tpu.memory_space<vmem>>
    %dma_start3A_25 = arith.constant 0 : i32
    %dma_start3A_26 = arith.constant 0 : i32
    %dma_start3A_27 = tpu.memref_slice %arg12[%dma_start3A_25, %dma_start3A_26] : memref<10240x64xf32, #tpu.memory_space<vmem_shared>> -> memref<10240x64xf32, #tpu.memory_space<vmem_shared>>
    tpu.enqueue_indirect_dma source(%dma_start3A_27 : memref<10240x64xf32, #tpu.memory_space<vmem_shared>>) target(%arg8 : memref<128x64xf32, #tpu.memory_space<vmem>>) offsets(%dma_start3A_24 : memref<128xi32, #tpu.memory_space<vmem>>) semaphore(%arg14 : memref<!tpu.dma_semaphore, #tpu.memory_space<semaphore_mem>>)
    %dma_start3A_28 = arith.constant 1 : i32
    %dma_start3A_29 = arith.constant 0 : i32
    %dma_start3A_30 = tpu.memref_slice %arg6[%dma_start3A_28, %dma_start3A_29] : memref<32x128xi32, #tpu.memory_space<vmem>> -> memref<1x128xi32, #tpu.memory_space<vmem>>
    %dma_start3A_31 = tpu.memref_squeeze %dma_start3A_30 : memref<1x128xi32, #tpu.memory_space<vmem>> -> memref<128xi32, #tpu.memory_space<vmem>>
    %dma_start3A_32 = arith.constant 0 : i32
    %dma_start3A_33 = arith.constant 0 : i32
    %dma_start3A_34 = tpu.memref_slice %arg12[%dma_start3A_32, %dma_start3A_33] : memref<10240x64xf32, #tpu.memory_space<vmem_shared>> -> memref<10240x64xf32, #tpu.memory_space<vmem_shared>>
    tpu.enqueue_indirect_dma source(%dma_start3A_34 : memref<10240x64xf32, #tpu.memory_space<vmem_shared>>) target(%arg9 : memref<128x64xf32, #tpu.memory_space<vmem>>) offsets(%dma_start3A_31 : memref<128xi32, #tpu.memory_space<vmem>>) semaphore(%arg15 : memref<!tpu.dma_semaphore, #tpu.memory_space<semaphore_mem>>)
    %scan3A_35 = arith.constant 0 : i32
    %scan3A_36 = arith.constant 0 : i32
    %scan3A_37 = arith.constant 8 : i32
    %scan3A_38 = arith.addi %scan3A_36, %scan3A_37 : i32
    %scan3A_39 = arith.constant 1 : i32
    %scan3A_40 = scf.for %scan3A_216 = %scan3A_36 to %scan3A_38 step %scan3A_39 iter_args(%scan3A_217 = %scan3A_35) -> (i32)  : i32 {
      %mul3A_218 = arith.constant 4 : i32
      %mul3A_219 = arith.muli %scan3A_216, %mul3A_218 : i32
      %add3A_220 = arith.constant 0 : i32
      %add3A_221 = arith.addi %mul3A_219, %add3A_220 : i32
      %dma_wait3A_222 = arith.constant 0 : i32
      %dma_wait3A_223 = tpu.memref_slice %arg6[%add3A_221, %dma_wait3A_222] : memref<32x128xi32, #tpu.memory_space<vmem>> -> memref<1x128xi32, #tpu.memory_space<vmem>>
      %dma_wait3A_224 = tpu.memref_squeeze %dma_wait3A_223 : memref<1x128xi32, #tpu.memory_space<vmem>> -> memref<128xi32, #tpu.memory_space<vmem>>
      %dma_wait3A_225 = arith.constant 0 : i32
      %dma_wait3A_226 = arith.constant 0 : i32
      %dma_wait3A_227 = tpu.memref_slice %arg12[%dma_wait3A_225, %dma_wait3A_226] : memref<10240x64xf32, #tpu.memory_space<vmem_shared>> -> memref<10240x64xf32, #tpu.memory_space<vmem_shared>>
      tpu.wait_indirect_dma semaphore(%arg14 : memref<!tpu.dma_semaphore, #tpu.memory_space<semaphore_mem>>) src(%dma_wait3A_227 : memref<10240x64xf32, #tpu.memory_space<vmem_shared>>) dst(%arg8 : memref<128x64xf32, #tpu.memory_space<vmem>>)
      %dma_start3A_228 = arith.constant 0 : i32
      %dma_start3A_229 = tpu.memref_slice %arg7[%add3A_221, %dma_start3A_228] : memref<32x128xi32, #tpu.memory_space<vmem>> -> memref<1x128xi32, #tpu.memory_space<vmem>>
      %dma_start3A_230 = tpu.memref_squeeze %dma_start3A_229 : memref<1x128xi32, #tpu.memory_space<vmem>> -> memref<128xi32, #tpu.memory_space<vmem>>
      %dma_start3A_231 = arith.constant 0 : i32
      %dma_start3A_232 = arith.constant 0 : i32
      %dma_start3A_233 = tpu.memref_slice %arg13[%dma_start3A_231, %dma_start3A_232] : memref<10240x64xf32, #tpu.memory_space<vmem_shared>> -> memref<10240x64xf32, #tpu.memory_space<vmem_shared>>
      tpu.enqueue_indirect_dma source(%arg8 : memref<128x64xf32, #tpu.memory_space<vmem>>) target(%dma_start3A_233 : memref<10240x64xf32, #tpu.memory_space<vmem_shared>>) offsets(%dma_start3A_230 : memref<128xi32, #tpu.memory_space<vmem>>) semaphore(%arg14 : memref<!tpu.dma_semaphore, #tpu.memory_space<semaphore_mem>>) {add = true}
      %ge3A = arith.constant 2 : i32
      %ge3A_234 = arith.cmpi sge, %add3A_221, %ge3A : i32
      %convert_element_type3A = arith.extui %ge3A_234 : i1 to i32
      %cond3A = arith.constant 0 : i32
      %cond3A_235 = arith.cmpi ne, %convert_element_type3A, %cond3A : i32
      scf.if %cond3A_235 {
        %dma_wait3A_327 = arith.constant 0 : i32
        %dma_wait3A_328 = arith.constant 0 : i32
        %dma_wait3A_329 = tpu.memref_slice %arg7[%dma_wait3A_327, %dma_wait3A_328] : memref<32x128xi32, #tpu.memory_space<vmem>> -> memref<1x128xi32, #tpu.memory_space<vmem>>
        %dma_wait3A_330 = tpu.memref_squeeze %dma_wait3A_329 : memref<1x128xi32, #tpu.memory_space<vmem>> -> memref<128xi32, #tpu.memory_space<vmem>>
        %dma_wait3A_331 = arith.constant 0 : i32
        %dma_wait3A_332 = arith.constant 0 : i32
        %dma_wait3A_333 = tpu.memref_slice %arg13[%dma_wait3A_331, %dma_wait3A_332] : memref<10240x64xf32, #tpu.memory_space<vmem_shared>> -> memref<10240x64xf32, #tpu.memory_space<vmem_shared>>
        tpu.wait_indirect_dma semaphore(%arg16 : memref<!tpu.dma_semaphore, #tpu.memory_space<semaphore_mem>>) src(%arg10 : memref<128x64xf32, #tpu.memory_space<vmem>>) dst(%dma_wait3A_333 : memref<10240x64xf32, #tpu.memory_space<vmem_shared>>)
      } else {
      }
      %add3A_236 = arith.constant 2 : i32
      %add3A_237 = arith.addi %add3A_221, %add3A_236 : i32
      %lt3A = arith.constant 32 : i32
      %lt3A_238 = arith.cmpi slt, %add3A_237, %lt3A : i32
      %convert_element_type3A_239 = arith.extui %lt3A_238 : i1 to i32
      %cond3A_240 = arith.constant 0 : i32
      %cond3A_241 = arith.cmpi ne, %convert_element_type3A_239, %cond3A_240 : i32
      scf.if %cond3A_241 {
        %add3A_327 = arith.constant 2 : i32
        %add3A_328 = arith.addi %add3A_221, %add3A_327 : i32
        %dma_start3A_329 = arith.constant 0 : i32
        %dma_start3A_330 = tpu.memref_slice %arg6[%add3A_328, %dma_start3A_329] : memref<32x128xi32, #tpu.memory_space<vmem>> -> memref<1x128xi32, #tpu.memory_space<vmem>>
        %dma_start3A_331 = tpu.memref_squeeze %dma_start3A_330 : memref<1x128xi32, #tpu.memory_space<vmem>> -> memref<128xi32, #tpu.memory_space<vmem>>
        %dma_start3A_332 = arith.constant 0 : i32
        %dma_start3A_333 = arith.constant 0 : i32
        %dma_start3A_334 = tpu.memref_slice %arg12[%dma_start3A_332, %dma_start3A_333] : memref<10240x64xf32, #tpu.memory_space<vmem_shared>> -> memref<10240x64xf32, #tpu.memory_space<vmem_shared>>
        tpu.enqueue_indirect_dma source(%dma_start3A_334 : memref<10240x64xf32, #tpu.memory_space<vmem_shared>>) target(%arg10 : memref<128x64xf32, #tpu.memory_space<vmem>>) offsets(%dma_start3A_331 : memref<128xi32, #tpu.memory_space<vmem>>) semaphore(%arg16 : memref<!tpu.dma_semaphore, #tpu.memory_space<semaphore_mem>>)
      } else {
      }
      %mul3A_242 = arith.constant 4 : i32
      %mul3A_243 = arith.muli %scan3A_216, %mul3A_242 : i32
      %add3A_244 = arith.constant 1 : i32
      %add3A_245 = arith.addi %mul3A_243, %add3A_244 : i32
      %dma_wait3A_246 = arith.constant 0 : i32
      %dma_wait3A_247 = tpu.memref_slice %arg6[%add3A_245, %dma_wait3A_246] : memref<32x128xi32, #tpu.memory_space<vmem>> -> memref<1x128xi32, #tpu.memory_space<vmem>>
      %dma_wait3A_248 = tpu.memref_squeeze %dma_wait3A_247 : memref<1x128xi32, #tpu.memory_space<vmem>> -> memref<128xi32, #tpu.memory_space<vmem>>
      %dma_wait3A_249 = arith.constant 0 : i32
      %dma_wait3A_250 = arith.constant 0 : i32
      %dma_wait3A_251 = tpu.memref_slice %arg12[%dma_wait3A_249, %dma_wait3A_250] : memref<10240x64xf32, #tpu.memory_space<vmem_shared>> -> memref<10240x64xf32, #tpu.memory_space<vmem_shared>>
      tpu.wait_indirect_dma semaphore(%arg15 : memref<!tpu.dma_semaphore, #tpu.memory_space<semaphore_mem>>) src(%dma_wait3A_251 : memref<10240x64xf32, #tpu.memory_space<vmem_shared>>) dst(%arg9 : memref<128x64xf32, #tpu.memory_space<vmem>>)
      %dma_start3A_252 = arith.constant 0 : i32
      %dma_start3A_253 = tpu.memref_slice %arg7[%add3A_245, %dma_start3A_252] : memref<32x128xi32, #tpu.memory_space<vmem>> -> memref<1x128xi32, #tpu.memory_space<vmem>>
      %dma_start3A_254 = tpu.memref_squeeze %dma_start3A_253 : memref<1x128xi32, #tpu.memory_space<vmem>> -> memref<128xi32, #tpu.memory_space<vmem>>
      %dma_start3A_255 = arith.constant 0 : i32
      %dma_start3A_256 = arith.constant 0 : i32
      %dma_start3A_257 = tpu.memref_slice %arg13[%dma_start3A_255, %dma_start3A_256] : memref<10240x64xf32, #tpu.memory_space<vmem_shared>> -> memref<10240x64xf32, #tpu.memory_space<vmem_shared>>
      tpu.enqueue_indirect_dma source(%arg9 : memref<128x64xf32, #tpu.memory_space<vmem>>) target(%dma_start3A_257 : memref<10240x64xf32, #tpu.memory_space<vmem_shared>>) offsets(%dma_start3A_254 : memref<128xi32, #tpu.memory_space<vmem>>) semaphore(%arg15 : memref<!tpu.dma_semaphore, #tpu.memory_space<semaphore_mem>>) {add = true}
      %ge3A_258 = arith.constant 2 : i32
      %ge3A_259 = arith.cmpi sge, %add3A_245, %ge3A_258 : i32
      %convert_element_type3A_260 = arith.extui %ge3A_259 : i1 to i32
      %cond3A_261 = arith.constant 0 : i32
      %cond3A_262 = arith.cmpi ne, %convert_element_type3A_260, %cond3A_261 : i32
      scf.if %cond3A_262 {
        %dma_wait3A_327 = arith.constant 0 : i32
        %dma_wait3A_328 = arith.constant 0 : i32
        %dma_wait3A_329 = tpu.memref_slice %arg7[%dma_wait3A_327, %dma_wait3A_328] : memref<32x128xi32, #tpu.memory_space<vmem>> -> memref<1x128xi32, #tpu.memory_space<vmem>>
        %dma_wait3A_330 = tpu.memref_squeeze %dma_wait3A_329 : memref<1x128xi32, #tpu.memory_space<vmem>> -> memref<128xi32, #tpu.memory_space<vmem>>
        %dma_wait3A_331 = arith.constant 0 : i32
        %dma_wait3A_332 = arith.constant 0 : i32
        %dma_wait3A_333 = tpu.memref_slice %arg13[%dma_wait3A_331, %dma_wait3A_332] : memref<10240x64xf32, #tpu.memory_space<vmem_shared>> -> memref<10240x64xf32, #tpu.memory_space<vmem_shared>>
        tpu.wait_indirect_dma semaphore(%arg17 : memref<!tpu.dma_semaphore, #tpu.memory_space<semaphore_mem>>) src(%arg11 : memref<128x64xf32, #tpu.memory_space<vmem>>) dst(%dma_wait3A_333 : memref<10240x64xf32, #tpu.memory_space<vmem_shared>>)
      } else {
      }
      %add3A_263 = arith.constant 2 : i32
      %add3A_264 = arith.addi %add3A_245, %add3A_263 : i32
      %lt3A_265 = arith.constant 32 : i32
      %lt3A_266 = arith.cmpi slt, %add3A_264, %lt3A_265 : i32
      %convert_element_type3A_267 = arith.extui %lt3A_266 : i1 to i32
      %cond3A_268 = arith.constant 0 : i32
      %cond3A_269 = arith.cmpi ne, %convert_element_type3A_267, %cond3A_268 : i32
      scf.if %cond3A_269 {
        %add3A_327 = arith.constant 2 : i32
        %add3A_328 = arith.addi %add3A_245, %add3A_327 : i32
        %dma_start3A_329 = arith.constant 0 : i32
        %dma_start3A_330 = tpu.memref_slice %arg6[%add3A_328, %dma_start3A_329] : memref<32x128xi32, #tpu.memory_space<vmem>> -> memref<1x128xi32, #tpu.memory_space<vmem>>
        %dma_start3A_331 = tpu.memref_squeeze %dma_start3A_330 : memref<1x128xi32, #tpu.memory_space<vmem>> -> memref<128xi32, #tpu.memory_space<vmem>>
        %dma_start3A_332 = arith.constant 0 : i32
        %dma_start3A_333 = arith.constant 0 : i32
        %dma_start3A_334 = tpu.memref_slice %arg12[%dma_start3A_332, %dma_start3A_333] : memref<10240x64xf32, #tpu.memory_space<vmem_shared>> -> memref<10240x64xf32, #tpu.memory_space<vmem_shared>>
        tpu.enqueue_indirect_dma source(%dma_start3A_334 : memref<10240x64xf32, #tpu.memory_space<vmem_shared>>) target(%arg11 : memref<128x64xf32, #tpu.memory_space<vmem>>) offsets(%dma_start3A_331 : memref<128xi32, #tpu.memory_space<vmem>>) semaphore(%arg17 : memref<!tpu.dma_semaphore, #tpu.memory_space<semaphore_mem>>)
      } else {
      }
      %mul3A_270 = arith.constant 4 : i32
      %mul3A_271 = arith.muli %scan3A_216, %mul3A_270 : i32
      %add3A_272 = arith.constant 2 : i32
      %add3A_273 = arith.addi %mul3A_271, %add3A_272 : i32
      %dma_wait3A_274 = arith.constant 0 : i32
      %dma_wait3A_275 = tpu.memref_slice %arg6[%add3A_273, %dma_wait3A_274] : memref<32x128xi32, #tpu.memory_space<vmem>> -> memref<1x128xi32, #tpu.memory_space<vmem>>
      %dma_wait3A_276 = tpu.memref_squeeze %dma_wait3A_275 : memref<1x128xi32, #tpu.memory_space<vmem>> -> memref<128xi32, #tpu.memory_space<vmem>>
      %dma_wait3A_277 = arith.constant 0 : i32
      %dma_wait3A_278 = arith.constant 0 : i32
      %dma_wait3A_279 = tpu.memref_slice %arg12[%dma_wait3A_277, %dma_wait3A_278] : memref<10240x64xf32, #tpu.memory_space<vmem_shared>> -> memref<10240x64xf32, #tpu.memory_space<vmem_shared>>
      tpu.wait_indirect_dma semaphore(%arg16 : memref<!tpu.dma_semaphore, #tpu.memory_space<semaphore_mem>>) src(%dma_wait3A_279 : memref<10240x64xf32, #tpu.memory_space<vmem_shared>>) dst(%arg10 : memref<128x64xf32, #tpu.memory_space<vmem>>)
      %dma_start3A_280 = arith.constant 0 : i32
      %dma_start3A_281 = tpu.memref_slice %arg7[%add3A_273, %dma_start3A_280] : memref<32x128xi32, #tpu.memory_space<vmem>> -> memref<1x128xi32, #tpu.memory_space<vmem>>
      %dma_start3A_282 = tpu.memref_squeeze %dma_start3A_281 : memref<1x128xi32, #tpu.memory_space<vmem>> -> memref<128xi32, #tpu.memory_space<vmem>>
      %dma_start3A_283 = arith.constant 0 : i32
      %dma_start3A_284 = arith.constant 0 : i32
      %dma_start3A_285 = tpu.memref_slice %arg13[%dma_start3A_283, %dma_start3A_284] : memref<10240x64xf32, #tpu.memory_space<vmem_shared>> -> memref<10240x64xf32, #tpu.memory_space<vmem_shared>>
      tpu.enqueue_indirect_dma source(%arg10 : memref<128x64xf32, #tpu.memory_space<vmem>>) target(%dma_start3A_285 : memref<10240x64xf32, #tpu.memory_space<vmem_shared>>) offsets(%dma_start3A_282 : memref<128xi32, #tpu.memory_space<vmem>>) semaphore(%arg16 : memref<!tpu.dma_semaphore, #tpu.memory_space<semaphore_mem>>) {add = true}
      %ge3A_286 = arith.constant 2 : i32
      %ge3A_287 = arith.cmpi sge, %add3A_273, %ge3A_286 : i32
      %convert_element_type3A_288 = arith.extui %ge3A_287 : i1 to i32
      %cond3A_289 = arith.constant 0 : i32
      %cond3A_290 = arith.cmpi ne, %convert_element_type3A_288, %cond3A_289 : i32
      scf.if %cond3A_290 {
        %dma_wait3A_327 = arith.constant 0 : i32
        %dma_wait3A_328 = arith.constant 0 : i32
        %dma_wait3A_329 = tpu.memref_slice %arg7[%dma_wait3A_327, %dma_wait3A_328] : memref<32x128xi32, #tpu.memory_space<vmem>> -> memref<1x128xi32, #tpu.memory_space<vmem>>
        %dma_wait3A_330 = tpu.memref_squeeze %dma_wait3A_329 : memref<1x128xi32, #tpu.memory_space<vmem>> -> memref<128xi32, #tpu.memory_space<vmem>>
        %dma_wait3A_331 = arith.constant 0 : i32
        %dma_wait3A_332 = arith.constant 0 : i32
        %dma_wait3A_333 = tpu.memref_slice %arg13[%dma_wait3A_331, %dma_wait3A_332] : memref<10240x64xf32, #tpu.memory_space<vmem_shared>> -> memref<10240x64xf32, #tpu.memory_space<vmem_shared>>
        tpu.wait_indirect_dma semaphore(%arg14 : memref<!tpu.dma_semaphore, #tpu.memory_space<semaphore_mem>>) src(%arg8 : memref<128x64xf32, #tpu.memory_space<vmem>>) dst(%dma_wait3A_333 : memref<10240x64xf32, #tpu.memory_space<vmem_shared>>)
      } else {
      }
      %add3A_291 = arith.constant 2 : i32
      %add3A_292 = arith.addi %add3A_273, %add3A_291 : i32
      %lt3A_293 = arith.constant 32 : i32
      %lt3A_294 = arith.cmpi slt, %add3A_292, %lt3A_293 : i32
      %convert_element_type3A_295 = arith.extui %lt3A_294 : i1 to i32
      %cond3A_296 = arith.constant 0 : i32
      %cond3A_297 = arith.cmpi ne, %convert_element_type3A_295, %cond3A_296 : i32
      scf.if %cond3A_297 {
        %add3A_327 = arith.constant 2 : i32
        %add3A_328 = arith.addi %add3A_273, %add3A_327 : i32
        %dma_start3A_329 = arith.constant 0 : i32
        %dma_start3A_330 = tpu.memref_slice %arg6[%add3A_328, %dma_start3A_329] : memref<32x128xi32, #tpu.memory_space<vmem>> -> memref<1x128xi32, #tpu.memory_space<vmem>>
        %dma_start3A_331 = tpu.memref_squeeze %dma_start3A_330 : memref<1x128xi32, #tpu.memory_space<vmem>> -> memref<128xi32, #tpu.memory_space<vmem>>
        %dma_start3A_332 = arith.constant 0 : i32
        %dma_start3A_333 = arith.constant 0 : i32
        %dma_start3A_334 = tpu.memref_slice %arg12[%dma_start3A_332, %dma_start3A_333] : memref<10240x64xf32, #tpu.memory_space<vmem_shared>> -> memref<10240x64xf32, #tpu.memory_space<vmem_shared>>
        tpu.enqueue_indirect_dma source(%dma_start3A_334 : memref<10240x64xf32, #tpu.memory_space<vmem_shared>>) target(%arg8 : memref<128x64xf32, #tpu.memory_space<vmem>>) offsets(%dma_start3A_331 : memref<128xi32, #tpu.memory_space<vmem>>) semaphore(%arg14 : memref<!tpu.dma_semaphore, #tpu.memory_space<semaphore_mem>>)
      } else {
      }
      %mul3A_298 = arith.constant 4 : i32
      %mul3A_299 = arith.muli %scan3A_216, %mul3A_298 : i32
      %add3A_300 = arith.constant 3 : i32
      %add3A_301 = arith.addi %mul3A_299, %add3A_300 : i32
      %dma_wait3A_302 = arith.constant 0 : i32
      %dma_wait3A_303 = tpu.memref_slice %arg6[%add3A_301, %dma_wait3A_302] : memref<32x128xi32, #tpu.memory_space<vmem>> -> memref<1x128xi32, #tpu.memory_space<vmem>>
      %dma_wait3A_304 = tpu.memref_squeeze %dma_wait3A_303 : memref<1x128xi32, #tpu.memory_space<vmem>> -> memref<128xi32, #tpu.memory_space<vmem>>
      %dma_wait3A_305 = arith.constant 0 : i32
      %dma_wait3A_306 = arith.constant 0 : i32
      %dma_wait3A_307 = tpu.memref_slice %arg12[%dma_wait3A_305, %dma_wait3A_306] : memref<10240x64xf32, #tpu.memory_space<vmem_shared>> -> memref<10240x64xf32, #tpu.memory_space<vmem_shared>>
      tpu.wait_indirect_dma semaphore(%arg17 : memref<!tpu.dma_semaphore, #tpu.memory_space<semaphore_mem>>) src(%dma_wait3A_307 : memref<10240x64xf32, #tpu.memory_space<vmem_shared>>) dst(%arg11 : memref<128x64xf32, #tpu.memory_space<vmem>>)
      %dma_start3A_308 = arith.constant 0 : i32
      %dma_start3A_309 = tpu.memref_slice %arg7[%add3A_301, %dma_start3A_308] : memref<32x128xi32, #tpu.memory_space<vmem>> -> memref<1x128xi32, #tpu.memory_space<vmem>>
      %dma_start3A_310 = tpu.memref_squeeze %dma_start3A_309 : memref<1x128xi32, #tpu.memory_space<vmem>> -> memref<128xi32, #tpu.memory_space<vmem>>
      %dma_start3A_311 = arith.constant 0 : i32
      %dma_start3A_312 = arith.constant 0 : i32
      %dma_start3A_313 = tpu.memref_slice %arg13[%dma_start3A_311, %dma_start3A_312] : memref<10240x64xf32, #tpu.memory_space<vmem_shared>> -> memref<10240x64xf32, #tpu.memory_space<vmem_shared>>
      tpu.enqueue_indirect_dma source(%arg11 : memref<128x64xf32, #tpu.memory_space<vmem>>) target(%dma_start3A_313 : memref<10240x64xf32, #tpu.memory_space<vmem_shared>>) offsets(%dma_start3A_310 : memref<128xi32, #tpu.memory_space<vmem>>) semaphore(%arg17 : memref<!tpu.dma_semaphore, #tpu.memory_space<semaphore_mem>>) {add = true}
      %ge3A_314 = arith.constant 2 : i32
      %ge3A_315 = arith.cmpi sge, %add3A_301, %ge3A_314 : i32
      %convert_element_type3A_316 = arith.extui %ge3A_315 : i1 to i32
      %cond3A_317 = arith.constant 0 : i32
      %cond3A_318 = arith.cmpi ne, %convert_element_type3A_316, %cond3A_317 : i32
      scf.if %cond3A_318 {
        %dma_wait3A_327 = arith.constant 0 : i32
        %dma_wait3A_328 = arith.constant 0 : i32
        %dma_wait3A_329 = tpu.memref_slice %arg7[%dma_wait3A_327, %dma_wait3A_328] : memref<32x128xi32, #tpu.memory_space<vmem>> -> memref<1x128xi32, #tpu.memory_space<vmem>>
        %dma_wait3A_330 = tpu.memref_squeeze %dma_wait3A_329 : memref<1x128xi32, #tpu.memory_space<vmem>> -> memref<128xi32, #tpu.memory_space<vmem>>
        %dma_wait3A_331 = arith.constant 0 : i32
        %dma_wait3A_332 = arith.constant 0 : i32
        %dma_wait3A_333 = tpu.memref_slice %arg13[%dma_wait3A_331, %dma_wait3A_332] : memref<10240x64xf32, #tpu.memory_space<vmem_shared>> -> memref<10240x64xf32, #tpu.memory_space<vmem_shared>>
        tpu.wait_indirect_dma semaphore(%arg15 : memref<!tpu.dma_semaphore, #tpu.memory_space<semaphore_mem>>) src(%arg9 : memref<128x64xf32, #tpu.memory_space<vmem>>) dst(%dma_wait3A_333 : memref<10240x64xf32, #tpu.memory_space<vmem_shared>>)
      } else {
      }
      %add3A_319 = arith.constant 2 : i32
      %add3A_320 = arith.addi %add3A_301, %add3A_319 : i32
      %lt3A_321 = arith.constant 32 : i32
      %lt3A_322 = arith.cmpi slt, %add3A_320, %lt3A_321 : i32
      %convert_element_type3A_323 = arith.extui %lt3A_322 : i1 to i32
      %cond3A_324 = arith.constant 0 : i32
      %cond3A_325 = arith.cmpi ne, %convert_element_type3A_323, %cond3A_324 : i32
      scf.if %cond3A_325 {
        %add3A_327 = arith.constant 2 : i32
        %add3A_328 = arith.addi %add3A_301, %add3A_327 : i32
        %dma_start3A_329 = arith.constant 0 : i32
        %dma_start3A_330 = tpu.memref_slice %arg6[%add3A_328, %dma_start3A_329] : memref<32x128xi32, #tpu.memory_space<vmem>> -> memref<1x128xi32, #tpu.memory_space<vmem>>
        %dma_start3A_331 = tpu.memref_squeeze %dma_start3A_330 : memref<1x128xi32, #tpu.memory_space<vmem>> -> memref<128xi32, #tpu.memory_space<vmem>>
        %dma_start3A_332 = arith.constant 0 : i32
        %dma_start3A_333 = arith.constant 0 : i32
        %dma_start3A_334 = tpu.memref_slice %arg12[%dma_start3A_332, %dma_start3A_333] : memref<10240x64xf32, #tpu.memory_space<vmem_shared>> -> memref<10240x64xf32, #tpu.memory_space<vmem_shared>>
        tpu.enqueue_indirect_dma source(%dma_start3A_334 : memref<10240x64xf32, #tpu.memory_space<vmem_shared>>) target(%arg9 : memref<128x64xf32, #tpu.memory_space<vmem>>) offsets(%dma_start3A_331 : memref<128xi32, #tpu.memory_space<vmem>>) semaphore(%arg15 : memref<!tpu.dma_semaphore, #tpu.memory_space<semaphore_mem>>)
      } else {
      }
      %scan3A_326 = arith.constant 0 : i32
      scf.yield %scan3A_326 : i32
    }
    %scan3A_41 = arith.constant 8 : i32
    %dma_wait3A = arith.constant 0 : i32
    %dma_wait3A_42 = arith.constant 0 : i32
    %dma_wait3A_43 = tpu.memref_slice %arg7[%dma_wait3A, %dma_wait3A_42] : memref<32x128xi32, #tpu.memory_space<vmem>> -> memref<1x128xi32, #tpu.memory_space<vmem>>
    %dma_wait3A_44 = tpu.memref_squeeze %dma_wait3A_43 : memref<1x128xi32, #tpu.memory_space<vmem>> -> memref<128xi32, #tpu.memory_space<vmem>>
    %dma_wait3A_45 = arith.constant 0 : i32
    %dma_wait3A_46 = arith.constant 0 : i32
    %dma_wait3A_47 = tpu.memref_slice %arg13[%dma_wait3A_45, %dma_wait3A_46] : memref<10240x64xf32, #tpu.memory_space<vmem_shared>> -> memref<10240x64xf32, #tpu.memory_space<vmem_shared>>
    tpu.wait_indirect_dma semaphore(%arg16 : memref<!tpu.dma_semaphore, #tpu.memory_space<semaphore_mem>>) src(%arg10 : memref<128x64xf32, #tpu.memory_space<vmem>>) dst(%dma_wait3A_47 : memref<10240x64xf32, #tpu.memory_space<vmem_shared>>)
    %dma_wait3A_48 = arith.constant 0 : i32
    %dma_wait3A_49 = arith.constant 0 : i32
    %dma_wait3A_50 = tpu.memref_slice %arg7[%dma_wait3A_48, %dma_wait3A_49] : memref<32x128xi32, #tpu.memory_space<vmem>> -> memref<1x128xi32, #tpu.memory_space<vmem>>
    %dma_wait3A_51 = tpu.memref_squeeze %dma_wait3A_50 : memref<1x128xi32, #tpu.memory_space<vmem>> -> memref<128xi32, #tpu.memory_space<vmem>>
    %dma_wait3A_52 = arith.constant 0 : i32
    %dma_wait3A_53 = arith.constant 0 : i32
    %dma_wait3A_54 = tpu.memref_slice %arg13[%dma_wait3A_52, %dma_wait3A_53] : memref<10240x64xf32, #tpu.memory_space<vmem_shared>> -> memref<10240x64xf32, #tpu.memory_space<vmem_shared>>
    tpu.wait_indirect_dma semaphore(%arg17 : memref<!tpu.dma_semaphore, #tpu.memory_space<semaphore_mem>>) src(%arg11 : memref<128x64xf32, #tpu.memory_space<vmem>>) dst(%dma_wait3A_54 : memref<10240x64xf32, #tpu.memory_space<vmem_shared>>)
    %add3A_55 = arith.constant 32 : i32
    %add3A_56 = arith.addi %mul3A_18, %add3A_55 : i32
    "tpu.region"() ({
      %run_scoped3A = tpu.sem_alloc : memref<!tpu.dma_semaphore, #tpu.memory_space<semaphore_mem>>
      %dma_start3A_216 = arith.constant 0 : i32
      %dma_start3A_217 = tpu.memref_slice %arg3[%add3A_56, %dma_start3A_216] : memref<2560x128xi32, #tpu.memory_space<hbm>> -> memref<32x128xi32, #tpu.memory_space<hbm>>
      %dma_start3A_218 = arith.constant 0 : i32
      %dma_start3A_219 = tpu.memref_slice %arg3[%add3A_56, %dma_start3A_218] : memref<2560x128xi32, #tpu.memory_space<hbm>> -> memref<32x128xi32, #tpu.memory_space<hbm>>
      tpu.enqueue_dma source(%dma_start3A_219 : memref<32x128xi32, #tpu.memory_space<hbm>>) target(%arg6 : memref<32x128xi32, #tpu.memory_space<vmem>>) target_semaphore(%run_scoped3A : memref<!tpu.dma_semaphore, #tpu.memory_space<semaphore_mem>>)
      %dma_wait3A_220 = arith.constant 0 : i32
      %dma_wait3A_221 = tpu.memref_slice %arg3[%add3A_56, %dma_wait3A_220] : memref<2560x128xi32, #tpu.memory_space<hbm>> -> memref<32x128xi32, #tpu.memory_space<hbm>>
      %dma_wait3A_222 = arith.constant 0 : i32
      %dma_wait3A_223 = tpu.memref_slice %arg3[%add3A_56, %dma_wait3A_222] : memref<2560x128xi32, #tpu.memory_space<hbm>> -> memref<32x128xi32, #tpu.memory_space<hbm>>
      tpu.wait_dma2 semaphore(%run_scoped3A : memref<!tpu.dma_semaphore, #tpu.memory_space<semaphore_mem>>) src(%dma_wait3A_223 : memref<32x128xi32, #tpu.memory_space<hbm>>) dst(%arg6 : memref<32x128xi32, #tpu.memory_space<vmem>>)
      tpu.yield
    }) : () -> ()
    %add3A_57 = arith.constant 32 : i32
    %add3A_58 = arith.addi %mul3A_18, %add3A_57 : i32
    "tpu.region"() ({
      %run_scoped3A = tpu.sem_alloc : memref<!tpu.dma_semaphore, #tpu.memory_space<semaphore_mem>>
      %dma_start3A_216 = arith.constant 0 : i32
      %dma_start3A_217 = tpu.memref_slice %arg4[%add3A_58, %dma_start3A_216] : memref<2560x128xi32, #tpu.memory_space<hbm>> -> memref<32x128xi32, #tpu.memory_space<hbm>>
      %dma_start3A_218 = arith.constant 0 : i32
      %dma_start3A_219 = tpu.memref_slice %arg4[%add3A_58, %dma_start3A_218] : memref<2560x128xi32, #tpu.memory_space<hbm>> -> memref<32x128xi32, #tpu.memory_space<hbm>>
      tpu.enqueue_dma source(%dma_start3A_219 : memref<32x128xi32, #tpu.memory_space<hbm>>) target(%arg7 : memref<32x128xi32, #tpu.memory_space<vmem>>) target_semaphore(%run_scoped3A : memref<!tpu.dma_semaphore, #tpu.memory_space<semaphore_mem>>)
      %dma_wait3A_220 = arith.constant 0 : i32
      %dma_wait3A_221 = tpu.memref_slice %arg4[%add3A_58, %dma_wait3A_220] : memref<2560x128xi32, #tpu.memory_space<hbm>> -> memref<32x128xi32, #tpu.memory_space<hbm>>
      %dma_wait3A_222 = arith.constant 0 : i32
      %dma_wait3A_223 = tpu.memref_slice %arg4[%add3A_58, %dma_wait3A_222] : memref<2560x128xi32, #tpu.memory_space<hbm>> -> memref<32x128xi32, #tpu.memory_space<hbm>>
      tpu.wait_dma2 semaphore(%run_scoped3A : memref<!tpu.dma_semaphore, #tpu.memory_space<semaphore_mem>>) src(%dma_wait3A_223 : memref<32x128xi32, #tpu.memory_space<hbm>>) dst(%arg7 : memref<32x128xi32, #tpu.memory_space<vmem>>)
      tpu.yield
    }) : () -> ()
    %dma_start3A_59 = arith.constant 0 : i32
    %dma_start3A_60 = arith.constant 0 : i32
    %dma_start3A_61 = tpu.memref_slice %arg6[%dma_start3A_59, %dma_start3A_60] : memref<32x128xi32, #tpu.memory_space<vmem>> -> memref<1x128xi32, #tpu.memory_space<vmem>>
    %dma_start3A_62 = tpu.memref_squeeze %dma_start3A_61 : memref<1x128xi32, #tpu.memory_space<vmem>> -> memref<128xi32, #tpu.memory_space<vmem>>
    %dma_start3A_63 = arith.constant 0 : i32
    %dma_start3A_64 = arith.constant 0 : i32
    %dma_start3A_65 = tpu.memref_slice %arg12[%dma_start3A_63, %dma_start3A_64] : memref<10240x64xf32, #tpu.memory_space<vmem_shared>> -> memref<10240x64xf32, #tpu.memory_space<vmem_shared>>
    tpu.enqueue_indirect_dma source(%dma_start3A_65 : memref<10240x64xf32, #tpu.memory_space<vmem_shared>>) target(%arg8 : memref<128x64xf32, #tpu.memory_space<vmem>>) offsets(%dma_start3A_62 : memref<128xi32, #tpu.memory_space<vmem>>) semaphore(%arg14 : memref<!tpu.dma_semaphore, #tpu.memory_space<semaphore_mem>>)
    %dma_start3A_66 = arith.constant 1 : i32
    %dma_start3A_67 = arith.constant 0 : i32
    %dma_start3A_68 = tpu.memref_slice %arg6[%dma_start3A_66, %dma_start3A_67] : memref<32x128xi32, #tpu.memory_space<vmem>> -> memref<1x128xi32, #tpu.memory_space<vmem>>
    %dma_start3A_69 = tpu.memref_squeeze %dma_start3A_68 : memref<1x128xi32, #tpu.memory_space<vmem>> -> memref<128xi32, #tpu.memory_space<vmem>>
    %dma_start3A_70 = arith.constant 0 : i32
    %dma_start3A_71 = arith.constant 0 : i32
    %dma_start3A_72 = tpu.memref_slice %arg12[%dma_start3A_70, %dma_start3A_71] : memref<10240x64xf32, #tpu.memory_space<vmem_shared>> -> memref<10240x64xf32, #tpu.memory_space<vmem_shared>>
    tpu.enqueue_indirect_dma source(%dma_start3A_72 : memref<10240x64xf32, #tpu.memory_space<vmem_shared>>) target(%arg9 : memref<128x64xf32, #tpu.memory_space<vmem>>) offsets(%dma_start3A_69 : memref<128xi32, #tpu.memory_space<vmem>>) semaphore(%arg15 : memref<!tpu.dma_semaphore, #tpu.memory_space<semaphore_mem>>)
    %scan3A_73 = arith.constant 0 : i32
    %scan3A_74 = arith.constant 0 : i32
    %scan3A_75 = arith.constant 8 : i32
    %scan3A_76 = arith.addi %scan3A_74, %scan3A_75 : i32
    %scan3A_77 = arith.constant 1 : i32
    %scan3A_78 = scf.for %scan3A_216 = %scan3A_74 to %scan3A_76 step %scan3A_77 iter_args(%scan3A_217 = %scan3A_73) -> (i32)  : i32 {
      %mul3A_218 = arith.constant 4 : i32
      %mul3A_219 = arith.muli %scan3A_216, %mul3A_218 : i32
      %add3A_220 = arith.constant 0 : i32
      %add3A_221 = arith.addi %mul3A_219, %add3A_220 : i32
      %dma_wait3A_222 = arith.constant 0 : i32
      %dma_wait3A_223 = tpu.memref_slice %arg6[%add3A_221, %dma_wait3A_222] : memref<32x128xi32, #tpu.memory_space<vmem>> -> memref<1x128xi32, #tpu.memory_space<vmem>>
      %dma_wait3A_224 = tpu.memref_squeeze %dma_wait3A_223 : memref<1x128xi32, #tpu.memory_space<vmem>> -> memref<128xi32, #tpu.memory_space<vmem>>
      %dma_wait3A_225 = arith.constant 0 : i32
      %dma_wait3A_226 = arith.constant 0 : i32
      %dma_wait3A_227 = tpu.memref_slice %arg12[%dma_wait3A_225, %dma_wait3A_226] : memref<10240x64xf32, #tpu.memory_space<vmem_shared>> -> memref<10240x64xf32, #tpu.memory_space<vmem_shared>>
      tpu.wait_indirect_dma semaphore(%arg14 : memref<!tpu.dma_semaphore, #tpu.memory_space<semaphore_mem>>) src(%dma_wait3A_227 : memref<10240x64xf32, #tpu.memory_space<vmem_shared>>) dst(%arg8 : memref<128x64xf32, #tpu.memory_space<vmem>>)
      %dma_start3A_228 = arith.constant 0 : i32
      %dma_start3A_229 = tpu.memref_slice %arg7[%add3A_221, %dma_start3A_228] : memref<32x128xi32, #tpu.memory_space<vmem>> -> memref<1x128xi32, #tpu.memory_space<vmem>>
      %dma_start3A_230 = tpu.memref_squeeze %dma_start3A_229 : memref<1x128xi32, #tpu.memory_space<vmem>> -> memref<128xi32, #tpu.memory_space<vmem>>
      %dma_start3A_231 = arith.constant 0 : i32
      %dma_start3A_232 = arith.constant 0 : i32
      %dma_start3A_233 = tpu.memref_slice %arg13[%dma_start3A_231, %dma_start3A_232] : memref<10240x64xf32, #tpu.memory_space<vmem_shared>> -> memref<10240x64xf32, #tpu.memory_space<vmem_shared>>
      tpu.enqueue_indirect_dma source(%arg8 : memref<128x64xf32, #tpu.memory_space<vmem>>) target(%dma_start3A_233 : memref<10240x64xf32, #tpu.memory_space<vmem_shared>>) offsets(%dma_start3A_230 : memref<128xi32, #tpu.memory_space<vmem>>) semaphore(%arg14 : memref<!tpu.dma_semaphore, #tpu.memory_space<semaphore_mem>>) {add = true}
      %ge3A = arith.constant 2 : i32
      %ge3A_234 = arith.cmpi sge, %add3A_221, %ge3A : i32
      %convert_element_type3A = arith.extui %ge3A_234 : i1 to i32
      %cond3A = arith.constant 0 : i32
      %cond3A_235 = arith.cmpi ne, %convert_element_type3A, %cond3A : i32
      scf.if %cond3A_235 {
        %dma_wait3A_327 = arith.constant 0 : i32
        %dma_wait3A_328 = arith.constant 0 : i32
        %dma_wait3A_329 = tpu.memref_slice %arg7[%dma_wait3A_327, %dma_wait3A_328] : memref<32x128xi32, #tpu.memory_space<vmem>> -> memref<1x128xi32, #tpu.memory_space<vmem>>
        %dma_wait3A_330 = tpu.memref_squeeze %dma_wait3A_329 : memref<1x128xi32, #tpu.memory_space<vmem>> -> memref<128xi32, #tpu.memory_space<vmem>>
        %dma_wait3A_331 = arith.constant 0 : i32
        %dma_wait3A_332 = arith.constant 0 : i32
        %dma_wait3A_333 = tpu.memref_slice %arg13[%dma_wait3A_331, %dma_wait3A_332] : memref<10240x64xf32, #tpu.memory_space<vmem_shared>> -> memref<10240x64xf32, #tpu.memory_space<vmem_shared>>
        tpu.wait_indirect_dma semaphore(%arg16 : memref<!tpu.dma_semaphore, #tpu.memory_space<semaphore_mem>>) src(%arg10 : memref<128x64xf32, #tpu.memory_space<vmem>>) dst(%dma_wait3A_333 : memref<10240x64xf32, #tpu.memory_space<vmem_shared>>)
      } else {
      }
      %add3A_236 = arith.constant 2 : i32
      %add3A_237 = arith.addi %add3A_221, %add3A_236 : i32
      %lt3A = arith.constant 32 : i32
      %lt3A_238 = arith.cmpi slt, %add3A_237, %lt3A : i32
      %convert_element_type3A_239 = arith.extui %lt3A_238 : i1 to i32
      %cond3A_240 = arith.constant 0 : i32
      %cond3A_241 = arith.cmpi ne, %convert_element_type3A_239, %cond3A_240 : i32
      scf.if %cond3A_241 {
        %add3A_327 = arith.constant 2 : i32
        %add3A_328 = arith.addi %add3A_221, %add3A_327 : i32
        %dma_start3A_329 = arith.constant 0 : i32
        %dma_start3A_330 = tpu.memref_slice %arg6[%add3A_328, %dma_start3A_329] : memref<32x128xi32, #tpu.memory_space<vmem>> -> memref<1x128xi32, #tpu.memory_space<vmem>>
        %dma_start3A_331 = tpu.memref_squeeze %dma_start3A_330 : memref<1x128xi32, #tpu.memory_space<vmem>> -> memref<128xi32, #tpu.memory_space<vmem>>
        %dma_start3A_332 = arith.constant 0 : i32
        %dma_start3A_333 = arith.constant 0 : i32
        %dma_start3A_334 = tpu.memref_slice %arg12[%dma_start3A_332, %dma_start3A_333] : memref<10240x64xf32, #tpu.memory_space<vmem_shared>> -> memref<10240x64xf32, #tpu.memory_space<vmem_shared>>
        tpu.enqueue_indirect_dma source(%dma_start3A_334 : memref<10240x64xf32, #tpu.memory_space<vmem_shared>>) target(%arg10 : memref<128x64xf32, #tpu.memory_space<vmem>>) offsets(%dma_start3A_331 : memref<128xi32, #tpu.memory_space<vmem>>) semaphore(%arg16 : memref<!tpu.dma_semaphore, #tpu.memory_space<semaphore_mem>>)
      } else {
      }
      %mul3A_242 = arith.constant 4 : i32
      %mul3A_243 = arith.muli %scan3A_216, %mul3A_242 : i32
      %add3A_244 = arith.constant 1 : i32
      %add3A_245 = arith.addi %mul3A_243, %add3A_244 : i32
      %dma_wait3A_246 = arith.constant 0 : i32
      %dma_wait3A_247 = tpu.memref_slice %arg6[%add3A_245, %dma_wait3A_246] : memref<32x128xi32, #tpu.memory_space<vmem>> -> memref<1x128xi32, #tpu.memory_space<vmem>>
      %dma_wait3A_248 = tpu.memref_squeeze %dma_wait3A_247 : memref<1x128xi32, #tpu.memory_space<vmem>> -> memref<128xi32, #tpu.memory_space<vmem>>
      %dma_wait3A_249 = arith.constant 0 : i32
      %dma_wait3A_250 = arith.constant 0 : i32
      %dma_wait3A_251 = tpu.memref_slice %arg12[%dma_wait3A_249, %dma_wait3A_250] : memref<10240x64xf32, #tpu.memory_space<vmem_shared>> -> memref<10240x64xf32, #tpu.memory_space<vmem_shared>>
      tpu.wait_indirect_dma semaphore(%arg15 : memref<!tpu.dma_semaphore, #tpu.memory_space<semaphore_mem>>) src(%dma_wait3A_251 : memref<10240x64xf32, #tpu.memory_space<vmem_shared>>) dst(%arg9 : memref<128x64xf32, #tpu.memory_space<vmem>>)
      %dma_start3A_252 = arith.constant 0 : i32
      %dma_start3A_253 = tpu.memref_slice %arg7[%add3A_245, %dma_start3A_252] : memref<32x128xi32, #tpu.memory_space<vmem>> -> memref<1x128xi32, #tpu.memory_space<vmem>>
      %dma_start3A_254 = tpu.memref_squeeze %dma_start3A_253 : memref<1x128xi32, #tpu.memory_space<vmem>> -> memref<128xi32, #tpu.memory_space<vmem>>
      %dma_start3A_255 = arith.constant 0 : i32
      %dma_start3A_256 = arith.constant 0 : i32
      %dma_start3A_257 = tpu.memref_slice %arg13[%dma_start3A_255, %dma_start3A_256] : memref<10240x64xf32, #tpu.memory_space<vmem_shared>> -> memref<10240x64xf32, #tpu.memory_space<vmem_shared>>
      tpu.enqueue_indirect_dma source(%arg9 : memref<128x64xf32, #tpu.memory_space<vmem>>) target(%dma_start3A_257 : memref<10240x64xf32, #tpu.memory_space<vmem_shared>>) offsets(%dma_start3A_254 : memref<128xi32, #tpu.memory_space<vmem>>) semaphore(%arg15 : memref<!tpu.dma_semaphore, #tpu.memory_space<semaphore_mem>>) {add = true}
      %ge3A_258 = arith.constant 2 : i32
      %ge3A_259 = arith.cmpi sge, %add3A_245, %ge3A_258 : i32
      %convert_element_type3A_260 = arith.extui %ge3A_259 : i1 to i32
      %cond3A_261 = arith.constant 0 : i32
      %cond3A_262 = arith.cmpi ne, %convert_element_type3A_260, %cond3A_261 : i32
      scf.if %cond3A_262 {
        %dma_wait3A_327 = arith.constant 0 : i32
        %dma_wait3A_328 = arith.constant 0 : i32
        %dma_wait3A_329 = tpu.memref_slice %arg7[%dma_wait3A_327, %dma_wait3A_328] : memref<32x128xi32, #tpu.memory_space<vmem>> -> memref<1x128xi32, #tpu.memory_space<vmem>>
        %dma_wait3A_330 = tpu.memref_squeeze %dma_wait3A_329 : memref<1x128xi32, #tpu.memory_space<vmem>> -> memref<128xi32, #tpu.memory_space<vmem>>
        %dma_wait3A_331 = arith.constant 0 : i32
        %dma_wait3A_332 = arith.constant 0 : i32
        %dma_wait3A_333 = tpu.memref_slice %arg13[%dma_wait3A_331, %dma_wait3A_332] : memref<10240x64xf32, #tpu.memory_space<vmem_shared>> -> memref<10240x64xf32, #tpu.memory_space<vmem_shared>>
        tpu.wait_indirect_dma semaphore(%arg17 : memref<!tpu.dma_semaphore, #tpu.memory_space<semaphore_mem>>) src(%arg11 : memref<128x64xf32, #tpu.memory_space<vmem>>) dst(%dma_wait3A_333 : memref<10240x64xf32, #tpu.memory_space<vmem_shared>>)
      } else {
      }
      %add3A_263 = arith.constant 2 : i32
      %add3A_264 = arith.addi %add3A_245, %add3A_263 : i32
      %lt3A_265 = arith.constant 32 : i32
      %lt3A_266 = arith.cmpi slt, %add3A_264, %lt3A_265 : i32
      %convert_element_type3A_267 = arith.extui %lt3A_266 : i1 to i32
      %cond3A_268 = arith.constant 0 : i32
      %cond3A_269 = arith.cmpi ne, %convert_element_type3A_267, %cond3A_268 : i32
      scf.if %cond3A_269 {
        %add3A_327 = arith.constant 2 : i32
        %add3A_328 = arith.addi %add3A_245, %add3A_327 : i32
        %dma_start3A_329 = arith.constant 0 : i32
        %dma_start3A_330 = tpu.memref_slice %arg6[%add3A_328, %dma_start3A_329] : memref<32x128xi32, #tpu.memory_space<vmem>> -> memref<1x128xi32, #tpu.memory_space<vmem>>
        %dma_start3A_331 = tpu.memref_squeeze %dma_start3A_330 : memref<1x128xi32, #tpu.memory_space<vmem>> -> memref<128xi32, #tpu.memory_space<vmem>>
        %dma_start3A_332 = arith.constant 0 : i32
        %dma_start3A_333 = arith.constant 0 : i32
        %dma_start3A_334 = tpu.memref_slice %arg12[%dma_start3A_332, %dma_start3A_333] : memref<10240x64xf32, #tpu.memory_space<vmem_shared>> -> memref<10240x64xf32, #tpu.memory_space<vmem_shared>>
        tpu.enqueue_indirect_dma source(%dma_start3A_334 : memref<10240x64xf32, #tpu.memory_space<vmem_shared>>) target(%arg11 : memref<128x64xf32, #tpu.memory_space<vmem>>) offsets(%dma_start3A_331 : memref<128xi32, #tpu.memory_space<vmem>>) semaphore(%arg17 : memref<!tpu.dma_semaphore, #tpu.memory_space<semaphore_mem>>)
      } else {
      }
      %mul3A_270 = arith.constant 4 : i32
      %mul3A_271 = arith.muli %scan3A_216, %mul3A_270 : i32
      %add3A_272 = arith.constant 2 : i32
      %add3A_273 = arith.addi %mul3A_271, %add3A_272 : i32
      %dma_wait3A_274 = arith.constant 0 : i32
      %dma_wait3A_275 = tpu.memref_slice %arg6[%add3A_273, %dma_wait3A_274] : memref<32x128xi32, #tpu.memory_space<vmem>> -> memref<1x128xi32, #tpu.memory_space<vmem>>
      %dma_wait3A_276 = tpu.memref_squeeze %dma_wait3A_275 : memref<1x128xi32, #tpu.memory_space<vmem>> -> memref<128xi32, #tpu.memory_space<vmem>>
      %dma_wait3A_277 = arith.constant 0 : i32
      %dma_wait3A_278 = arith.constant 0 : i32
      %dma_wait3A_279 = tpu.memref_slice %arg12[%dma_wait3A_277, %dma_wait3A_278] : memref<10240x64xf32, #tpu.memory_space<vmem_shared>> -> memref<10240x64xf32, #tpu.memory_space<vmem_shared>>
      tpu.wait_indirect_dma semaphore(%arg16 : memref<!tpu.dma_semaphore, #tpu.memory_space<semaphore_mem>>) src(%dma_wait3A_279 : memref<10240x64xf32, #tpu.memory_space<vmem_shared>>) dst(%arg10 : memref<128x64xf32, #tpu.memory_space<vmem>>)
      %dma_start3A_280 = arith.constant 0 : i32
      %dma_start3A_281 = tpu.memref_slice %arg7[%add3A_273, %dma_start3A_280] : memref<32x128xi32, #tpu.memory_space<vmem>> -> memref<1x128xi32, #tpu.memory_space<vmem>>
      %dma_start3A_282 = tpu.memref_squeeze %dma_start3A_281 : memref<1x128xi32, #tpu.memory_space<vmem>> -> memref<128xi32, #tpu.memory_space<vmem>>
      %dma_start3A_283 = arith.constant 0 : i32
      %dma_start3A_284 = arith.constant 0 : i32
      %dma_start3A_285 = tpu.memref_slice %arg13[%dma_start3A_283, %dma_start3A_284] : memref<10240x64xf32, #tpu.memory_space<vmem_shared>> -> memref<10240x64xf32, #tpu.memory_space<vmem_shared>>
      tpu.enqueue_indirect_dma source(%arg10 : memref<128x64xf32, #tpu.memory_space<vmem>>) target(%dma_start3A_285 : memref<10240x64xf32, #tpu.memory_space<vmem_shared>>) offsets(%dma_start3A_282 : memref<128xi32, #tpu.memory_space<vmem>>) semaphore(%arg16 : memref<!tpu.dma_semaphore, #tpu.memory_space<semaphore_mem>>) {add = true}
      %ge3A_286 = arith.constant 2 : i32
      %ge3A_287 = arith.cmpi sge, %add3A_273, %ge3A_286 : i32
      %convert_element_type3A_288 = arith.extui %ge3A_287 : i1 to i32
      %cond3A_289 = arith.constant 0 : i32
      %cond3A_290 = arith.cmpi ne, %convert_element_type3A_288, %cond3A_289 : i32
      scf.if %cond3A_290 {
        %dma_wait3A_327 = arith.constant 0 : i32
        %dma_wait3A_328 = arith.constant 0 : i32
        %dma_wait3A_329 = tpu.memref_slice %arg7[%dma_wait3A_327, %dma_wait3A_328] : memref<32x128xi32, #tpu.memory_space<vmem>> -> memref<1x128xi32, #tpu.memory_space<vmem>>
        %dma_wait3A_330 = tpu.memref_squeeze %dma_wait3A_329 : memref<1x128xi32, #tpu.memory_space<vmem>> -> memref<128xi32, #tpu.memory_space<vmem>>
        %dma_wait3A_331 = arith.constant 0 : i32
        %dma_wait3A_332 = arith.constant 0 : i32
        %dma_wait3A_333 = tpu.memref_slice %arg13[%dma_wait3A_331, %dma_wait3A_332] : memref<10240x64xf32, #tpu.memory_space<vmem_shared>> -> memref<10240x64xf32, #tpu.memory_space<vmem_shared>>
        tpu.wait_indirect_dma semaphore(%arg14 : memref<!tpu.dma_semaphore, #tpu.memory_space<semaphore_mem>>) src(%arg8 : memref<128x64xf32, #tpu.memory_space<vmem>>) dst(%dma_wait3A_333 : memref<10240x64xf32, #tpu.memory_space<vmem_shared>>)
      } else {
      }
      %add3A_291 = arith.constant 2 : i32
      %add3A_292 = arith.addi %add3A_273, %add3A_291 : i32
      %lt3A_293 = arith.constant 32 : i32
      %lt3A_294 = arith.cmpi slt, %add3A_292, %lt3A_293 : i32
      %convert_element_type3A_295 = arith.extui %lt3A_294 : i1 to i32
      %cond3A_296 = arith.constant 0 : i32
      %cond3A_297 = arith.cmpi ne, %convert_element_type3A_295, %cond3A_296 : i32
      scf.if %cond3A_297 {
        %add3A_327 = arith.constant 2 : i32
        %add3A_328 = arith.addi %add3A_273, %add3A_327 : i32
        %dma_start3A_329 = arith.constant 0 : i32
        %dma_start3A_330 = tpu.memref_slice %arg6[%add3A_328, %dma_start3A_329] : memref<32x128xi32, #tpu.memory_space<vmem>> -> memref<1x128xi32, #tpu.memory_space<vmem>>
        %dma_start3A_331 = tpu.memref_squeeze %dma_start3A_330 : memref<1x128xi32, #tpu.memory_space<vmem>> -> memref<128xi32, #tpu.memory_space<vmem>>
        %dma_start3A_332 = arith.constant 0 : i32
        %dma_start3A_333 = arith.constant 0 : i32
        %dma_start3A_334 = tpu.memref_slice %arg12[%dma_start3A_332, %dma_start3A_333] : memref<10240x64xf32, #tpu.memory_space<vmem_shared>> -> memref<10240x64xf32, #tpu.memory_space<vmem_shared>>
        tpu.enqueue_indirect_dma source(%dma_start3A_334 : memref<10240x64xf32, #tpu.memory_space<vmem_shared>>) target(%arg8 : memref<128x64xf32, #tpu.memory_space<vmem>>) offsets(%dma_start3A_331 : memref<128xi32, #tpu.memory_space<vmem>>) semaphore(%arg14 : memref<!tpu.dma_semaphore, #tpu.memory_space<semaphore_mem>>)
      } else {
      }
      %mul3A_298 = arith.constant 4 : i32
      %mul3A_299 = arith.muli %scan3A_216, %mul3A_298 : i32
      %add3A_300 = arith.constant 3 : i32
      %add3A_301 = arith.addi %mul3A_299, %add3A_300 : i32
      %dma_wait3A_302 = arith.constant 0 : i32
      %dma_wait3A_303 = tpu.memref_slice %arg6[%add3A_301, %dma_wait3A_302] : memref<32x128xi32, #tpu.memory_space<vmem>> -> memref<1x128xi32, #tpu.memory_space<vmem>>
      %dma_wait3A_304 = tpu.memref_squeeze %dma_wait3A_303 : memref<1x128xi32, #tpu.memory_space<vmem>> -> memref<128xi32, #tpu.memory_space<vmem>>
      %dma_wait3A_305 = arith.constant 0 : i32
      %dma_wait3A_306 = arith.constant 0 : i32
      %dma_wait3A_307 = tpu.memref_slice %arg12[%dma_wait3A_305, %dma_wait3A_306] : memref<10240x64xf32, #tpu.memory_space<vmem_shared>> -> memref<10240x64xf32, #tpu.memory_space<vmem_shared>>
      tpu.wait_indirect_dma semaphore(%arg17 : memref<!tpu.dma_semaphore, #tpu.memory_space<semaphore_mem>>) src(%dma_wait3A_307 : memref<10240x64xf32, #tpu.memory_space<vmem_shared>>) dst(%arg11 : memref<128x64xf32, #tpu.memory_space<vmem>>)
      %dma_start3A_308 = arith.constant 0 : i32
      %dma_start3A_309 = tpu.memref_slice %arg7[%add3A_301, %dma_start3A_308] : memref<32x128xi32, #tpu.memory_space<vmem>> -> memref<1x128xi32, #tpu.memory_space<vmem>>
      %dma_start3A_310 = tpu.memref_squeeze %dma_start3A_309 : memref<1x128xi32, #tpu.memory_space<vmem>> -> memref<128xi32, #tpu.memory_space<vmem>>
      %dma_start3A_311 = arith.constant 0 : i32
      %dma_start3A_312 = arith.constant 0 : i32
      %dma_start3A_313 = tpu.memref_slice %arg13[%dma_start3A_311, %dma_start3A_312] : memref<10240x64xf32, #tpu.memory_space<vmem_shared>> -> memref<10240x64xf32, #tpu.memory_space<vmem_shared>>
      tpu.enqueue_indirect_dma source(%arg11 : memref<128x64xf32, #tpu.memory_space<vmem>>) target(%dma_start3A_313 : memref<10240x64xf32, #tpu.memory_space<vmem_shared>>) offsets(%dma_start3A_310 : memref<128xi32, #tpu.memory_space<vmem>>) semaphore(%arg17 : memref<!tpu.dma_semaphore, #tpu.memory_space<semaphore_mem>>) {add = true}
      %ge3A_314 = arith.constant 2 : i32
      %ge3A_315 = arith.cmpi sge, %add3A_301, %ge3A_314 : i32
      %convert_element_type3A_316 = arith.extui %ge3A_315 : i1 to i32
      %cond3A_317 = arith.constant 0 : i32
      %cond3A_318 = arith.cmpi ne, %convert_element_type3A_316, %cond3A_317 : i32
      scf.if %cond3A_318 {
        %dma_wait3A_327 = arith.constant 0 : i32
        %dma_wait3A_328 = arith.constant 0 : i32
        %dma_wait3A_329 = tpu.memref_slice %arg7[%dma_wait3A_327, %dma_wait3A_328] : memref<32x128xi32, #tpu.memory_space<vmem>> -> memref<1x128xi32, #tpu.memory_space<vmem>>
        %dma_wait3A_330 = tpu.memref_squeeze %dma_wait3A_329 : memref<1x128xi32, #tpu.memory_space<vmem>> -> memref<128xi32, #tpu.memory_space<vmem>>
        %dma_wait3A_331 = arith.constant 0 : i32
        %dma_wait3A_332 = arith.constant 0 : i32
        %dma_wait3A_333 = tpu.memref_slice %arg13[%dma_wait3A_331, %dma_wait3A_332] : memref<10240x64xf32, #tpu.memory_space<vmem_shared>> -> memref<10240x64xf32, #tpu.memory_space<vmem_shared>>
        tpu.wait_indirect_dma semaphore(%arg15 : memref<!tpu.dma_semaphore, #tpu.memory_space<semaphore_mem>>) src(%arg9 : memref<128x64xf32, #tpu.memory_space<vmem>>) dst(%dma_wait3A_333 : memref<10240x64xf32, #tpu.memory_space<vmem_shared>>)
      } else {
      }
      %add3A_319 = arith.constant 2 : i32
      %add3A_320 = arith.addi %add3A_301, %add3A_319 : i32
      %lt3A_321 = arith.constant 32 : i32
      %lt3A_322 = arith.cmpi slt, %add3A_320, %lt3A_321 : i32
      %convert_element_type3A_323 = arith.extui %lt3A_322 : i1 to i32
      %cond3A_324 = arith.constant 0 : i32
      %cond3A_325 = arith.cmpi ne, %convert_element_type3A_323, %cond3A_324 : i32
      scf.if %cond3A_325 {
        %add3A_327 = arith.constant 2 : i32
        %add3A_328 = arith.addi %add3A_301, %add3A_327 : i32
        %dma_start3A_329 = arith.constant 0 : i32
        %dma_start3A_330 = tpu.memref_slice %arg6[%add3A_328, %dma_start3A_329] : memref<32x128xi32, #tpu.memory_space<vmem>> -> memref<1x128xi32, #tpu.memory_space<vmem>>
        %dma_start3A_331 = tpu.memref_squeeze %dma_start3A_330 : memref<1x128xi32, #tpu.memory_space<vmem>> -> memref<128xi32, #tpu.memory_space<vmem>>
        %dma_start3A_332 = arith.constant 0 : i32
        %dma_start3A_333 = arith.constant 0 : i32
        %dma_start3A_334 = tpu.memref_slice %arg12[%dma_start3A_332, %dma_start3A_333] : memref<10240x64xf32, #tpu.memory_space<vmem_shared>> -> memref<10240x64xf32, #tpu.memory_space<vmem_shared>>
        tpu.enqueue_indirect_dma source(%dma_start3A_334 : memref<10240x64xf32, #tpu.memory_space<vmem_shared>>) target(%arg9 : memref<128x64xf32, #tpu.memory_space<vmem>>) offsets(%dma_start3A_331 : memref<128xi32, #tpu.memory_space<vmem>>) semaphore(%arg15 : memref<!tpu.dma_semaphore, #tpu.memory_space<semaphore_mem>>)
      } else {
      }
      %scan3A_326 = arith.constant 0 : i32
      scf.yield %scan3A_326 : i32
    }
    %scan3A_79 = arith.constant 8 : i32
    %dma_wait3A_80 = arith.constant 0 : i32
    %dma_wait3A_81 = arith.constant 0 : i32
    %dma_wait3A_82 = tpu.memref_slice %arg7[%dma_wait3A_80, %dma_wait3A_81] : memref<32x128xi32, #tpu.memory_space<vmem>> -> memref<1x128xi32, #tpu.memory_space<vmem>>
    %dma_wait3A_83 = tpu.memref_squeeze %dma_wait3A_82 : memref<1x128xi32, #tpu.memory_space<vmem>> -> memref<128xi32, #tpu.memory_space<vmem>>
    %dma_wait3A_84 = arith.constant 0 : i32
    %dma_wait3A_85 = arith.constant 0 : i32
    %dma_wait3A_86 = tpu.memref_slice %arg13[%dma_wait3A_84, %dma_wait3A_85] : memref<10240x64xf32, #tpu.memory_space<vmem_shared>> -> memref<10240x64xf32, #tpu.memory_space<vmem_shared>>
    tpu.wait_indirect_dma semaphore(%arg16 : memref<!tpu.dma_semaphore, #tpu.memory_space<semaphore_mem>>) src(%arg10 : memref<128x64xf32, #tpu.memory_space<vmem>>) dst(%dma_wait3A_86 : memref<10240x64xf32, #tpu.memory_space<vmem_shared>>)
    %dma_wait3A_87 = arith.constant 0 : i32
    %dma_wait3A_88 = arith.constant 0 : i32
    %dma_wait3A_89 = tpu.memref_slice %arg7[%dma_wait3A_87, %dma_wait3A_88] : memref<32x128xi32, #tpu.memory_space<vmem>> -> memref<1x128xi32, #tpu.memory_space<vmem>>
    %dma_wait3A_90 = tpu.memref_squeeze %dma_wait3A_89 : memref<1x128xi32, #tpu.memory_space<vmem>> -> memref<128xi32, #tpu.memory_space<vmem>>
    %dma_wait3A_91 = arith.constant 0 : i32
    %dma_wait3A_92 = arith.constant 0 : i32
    %dma_wait3A_93 = tpu.memref_slice %arg13[%dma_wait3A_91, %dma_wait3A_92] : memref<10240x64xf32, #tpu.memory_space<vmem_shared>> -> memref<10240x64xf32, #tpu.memory_space<vmem_shared>>
    tpu.wait_indirect_dma semaphore(%arg17 : memref<!tpu.dma_semaphore, #tpu.memory_space<semaphore_mem>>) src(%arg11 : memref<128x64xf32, #tpu.memory_space<vmem>>) dst(%dma_wait3A_93 : memref<10240x64xf32, #tpu.memory_space<vmem_shared>>)
    %add3A_94 = arith.constant 64 : i32
    %add3A_95 = arith.addi %mul3A_18, %add3A_94 : i32
    "tpu.region"() ({
      %run_scoped3A = tpu.sem_alloc : memref<!tpu.dma_semaphore, #tpu.memory_space<semaphore_mem>>
      %dma_start3A_216 = arith.constant 0 : i32
      %dma_start3A_217 = tpu.memref_slice %arg3[%add3A_95, %dma_start3A_216] : memref<2560x128xi32, #tpu.memory_space<hbm>> -> memref<32x128xi32, #tpu.memory_space<hbm>>
      %dma_start3A_218 = arith.constant 0 : i32
      %dma_start3A_219 = tpu.memref_slice %arg3[%add3A_95, %dma_start3A_218] : memref<2560x128xi32, #tpu.memory_space<hbm>> -> memref<32x128xi32, #tpu.memory_space<hbm>>
      tpu.enqueue_dma source(%dma_start3A_219 : memref<32x128xi32, #tpu.memory_space<hbm>>) target(%arg6 : memref<32x128xi32, #tpu.memory_space<vmem>>) target_semaphore(%run_scoped3A : memref<!tpu.dma_semaphore, #tpu.memory_space<semaphore_mem>>)
      %dma_wait3A_220 = arith.constant 0 : i32
      %dma_wait3A_221 = tpu.memref_slice %arg3[%add3A_95, %dma_wait3A_220] : memref<2560x128xi32, #tpu.memory_space<hbm>> -> memref<32x128xi32, #tpu.memory_space<hbm>>
      %dma_wait3A_222 = arith.constant 0 : i32
      %dma_wait3A_223 = tpu.memref_slice %arg3[%add3A_95, %dma_wait3A_222] : memref<2560x128xi32, #tpu.memory_space<hbm>> -> memref<32x128xi32, #tpu.memory_space<hbm>>
      tpu.wait_dma2 semaphore(%run_scoped3A : memref<!tpu.dma_semaphore, #tpu.memory_space<semaphore_mem>>) src(%dma_wait3A_223 : memref<32x128xi32, #tpu.memory_space<hbm>>) dst(%arg6 : memref<32x128xi32, #tpu.memory_space<vmem>>)
      tpu.yield
    }) : () -> ()
    %add3A_96 = arith.constant 64 : i32
    %add3A_97 = arith.addi %mul3A_18, %add3A_96 : i32
    "tpu.region"() ({
      %run_scoped3A = tpu.sem_alloc : memref<!tpu.dma_semaphore, #tpu.memory_space<semaphore_mem>>
      %dma_start3A_216 = arith.constant 0 : i32
      %dma_start3A_217 = tpu.memref_slice %arg4[%add3A_97, %dma_start3A_216] : memref<2560x128xi32, #tpu.memory_space<hbm>> -> memref<32x128xi32, #tpu.memory_space<hbm>>
      %dma_start3A_218 = arith.constant 0 : i32
      %dma_start3A_219 = tpu.memref_slice %arg4[%add3A_97, %dma_start3A_218] : memref<2560x128xi32, #tpu.memory_space<hbm>> -> memref<32x128xi32, #tpu.memory_space<hbm>>
      tpu.enqueue_dma source(%dma_start3A_219 : memref<32x128xi32, #tpu.memory_space<hbm>>) target(%arg7 : memref<32x128xi32, #tpu.memory_space<vmem>>) target_semaphore(%run_scoped3A : memref<!tpu.dma_semaphore, #tpu.memory_space<semaphore_mem>>)
      %dma_wait3A_220 = arith.constant 0 : i32
      %dma_wait3A_221 = tpu.memref_slice %arg4[%add3A_97, %dma_wait3A_220] : memref<2560x128xi32, #tpu.memory_space<hbm>> -> memref<32x128xi32, #tpu.memory_space<hbm>>
      %dma_wait3A_222 = arith.constant 0 : i32
      %dma_wait3A_223 = tpu.memref_slice %arg4[%add3A_97, %dma_wait3A_222] : memref<2560x128xi32, #tpu.memory_space<hbm>> -> memref<32x128xi32, #tpu.memory_space<hbm>>
      tpu.wait_dma2 semaphore(%run_scoped3A : memref<!tpu.dma_semaphore, #tpu.memory_space<semaphore_mem>>) src(%dma_wait3A_223 : memref<32x128xi32, #tpu.memory_space<hbm>>) dst(%arg7 : memref<32x128xi32, #tpu.memory_space<vmem>>)
      tpu.yield
    }) : () -> ()
    %dma_start3A_98 = arith.constant 0 : i32
    %dma_start3A_99 = arith.constant 0 : i32
    %dma_start3A_100 = tpu.memref_slice %arg6[%dma_start3A_98, %dma_start3A_99] : memref<32x128xi32, #tpu.memory_space<vmem>> -> memref<1x128xi32, #tpu.memory_space<vmem>>
    %dma_start3A_101 = tpu.memref_squeeze %dma_start3A_100 : memref<1x128xi32, #tpu.memory_space<vmem>> -> memref<128xi32, #tpu.memory_space<vmem>>
    %dma_start3A_102 = arith.constant 0 : i32
    %dma_start3A_103 = arith.constant 0 : i32
    %dma_start3A_104 = tpu.memref_slice %arg12[%dma_start3A_102, %dma_start3A_103] : memref<10240x64xf32, #tpu.memory_space<vmem_shared>> -> memref<10240x64xf32, #tpu.memory_space<vmem_shared>>
    tpu.enqueue_indirect_dma source(%dma_start3A_104 : memref<10240x64xf32, #tpu.memory_space<vmem_shared>>) target(%arg8 : memref<128x64xf32, #tpu.memory_space<vmem>>) offsets(%dma_start3A_101 : memref<128xi32, #tpu.memory_space<vmem>>) semaphore(%arg14 : memref<!tpu.dma_semaphore, #tpu.memory_space<semaphore_mem>>)
    %dma_start3A_105 = arith.constant 1 : i32
    %dma_start3A_106 = arith.constant 0 : i32
    %dma_start3A_107 = tpu.memref_slice %arg6[%dma_start3A_105, %dma_start3A_106] : memref<32x128xi32, #tpu.memory_space<vmem>> -> memref<1x128xi32, #tpu.memory_space<vmem>>
    %dma_start3A_108 = tpu.memref_squeeze %dma_start3A_107 : memref<1x128xi32, #tpu.memory_space<vmem>> -> memref<128xi32, #tpu.memory_space<vmem>>
    %dma_start3A_109 = arith.constant 0 : i32
    %dma_start3A_110 = arith.constant 0 : i32
    %dma_start3A_111 = tpu.memref_slice %arg12[%dma_start3A_109, %dma_start3A_110] : memref<10240x64xf32, #tpu.memory_space<vmem_shared>> -> memref<10240x64xf32, #tpu.memory_space<vmem_shared>>
    tpu.enqueue_indirect_dma source(%dma_start3A_111 : memref<10240x64xf32, #tpu.memory_space<vmem_shared>>) target(%arg9 : memref<128x64xf32, #tpu.memory_space<vmem>>) offsets(%dma_start3A_108 : memref<128xi32, #tpu.memory_space<vmem>>) semaphore(%arg15 : memref<!tpu.dma_semaphore, #tpu.memory_space<semaphore_mem>>)
    %scan3A_112 = arith.constant 0 : i32
    %scan3A_113 = arith.constant 0 : i32
    %scan3A_114 = arith.constant 8 : i32
    %scan3A_115 = arith.addi %scan3A_113, %scan3A_114 : i32
    %scan3A_116 = arith.constant 1 : i32
    %scan3A_117 = scf.for %scan3A_216 = %scan3A_113 to %scan3A_115 step %scan3A_116 iter_args(%scan3A_217 = %scan3A_112) -> (i32)  : i32 {
      %mul3A_218 = arith.constant 4 : i32
      %mul3A_219 = arith.muli %scan3A_216, %mul3A_218 : i32
      %add3A_220 = arith.constant 0 : i32
      %add3A_221 = arith.addi %mul3A_219, %add3A_220 : i32
      %dma_wait3A_222 = arith.constant 0 : i32
      %dma_wait3A_223 = tpu.memref_slice %arg6[%add3A_221, %dma_wait3A_222] : memref<32x128xi32, #tpu.memory_space<vmem>> -> memref<1x128xi32, #tpu.memory_space<vmem>>
      %dma_wait3A_224 = tpu.memref_squeeze %dma_wait3A_223 : memref<1x128xi32, #tpu.memory_space<vmem>> -> memref<128xi32, #tpu.memory_space<vmem>>
      %dma_wait3A_225 = arith.constant 0 : i32
      %dma_wait3A_226 = arith.constant 0 : i32
      %dma_wait3A_227 = tpu.memref_slice %arg12[%dma_wait3A_225, %dma_wait3A_226] : memref<10240x64xf32, #tpu.memory_space<vmem_shared>> -> memref<10240x64xf32, #tpu.memory_space<vmem_shared>>
      tpu.wait_indirect_dma semaphore(%arg14 : memref<!tpu.dma_semaphore, #tpu.memory_space<semaphore_mem>>) src(%dma_wait3A_227 : memref<10240x64xf32, #tpu.memory_space<vmem_shared>>) dst(%arg8 : memref<128x64xf32, #tpu.memory_space<vmem>>)
      %dma_start3A_228 = arith.constant 0 : i32
      %dma_start3A_229 = tpu.memref_slice %arg7[%add3A_221, %dma_start3A_228] : memref<32x128xi32, #tpu.memory_space<vmem>> -> memref<1x128xi32, #tpu.memory_space<vmem>>
      %dma_start3A_230 = tpu.memref_squeeze %dma_start3A_229 : memref<1x128xi32, #tpu.memory_space<vmem>> -> memref<128xi32, #tpu.memory_space<vmem>>
      %dma_start3A_231 = arith.constant 0 : i32
      %dma_start3A_232 = arith.constant 0 : i32
      %dma_start3A_233 = tpu.memref_slice %arg13[%dma_start3A_231, %dma_start3A_232] : memref<10240x64xf32, #tpu.memory_space<vmem_shared>> -> memref<10240x64xf32, #tpu.memory_space<vmem_shared>>
      tpu.enqueue_indirect_dma source(%arg8 : memref<128x64xf32, #tpu.memory_space<vmem>>) target(%dma_start3A_233 : memref<10240x64xf32, #tpu.memory_space<vmem_shared>>) offsets(%dma_start3A_230 : memref<128xi32, #tpu.memory_space<vmem>>) semaphore(%arg14 : memref<!tpu.dma_semaphore, #tpu.memory_space<semaphore_mem>>) {add = true}
      %ge3A = arith.constant 2 : i32
      %ge3A_234 = arith.cmpi sge, %add3A_221, %ge3A : i32
      %convert_element_type3A = arith.extui %ge3A_234 : i1 to i32
      %cond3A = arith.constant 0 : i32
      %cond3A_235 = arith.cmpi ne, %convert_element_type3A, %cond3A : i32
      scf.if %cond3A_235 {
        %dma_wait3A_327 = arith.constant 0 : i32
        %dma_wait3A_328 = arith.constant 0 : i32
        %dma_wait3A_329 = tpu.memref_slice %arg7[%dma_wait3A_327, %dma_wait3A_328] : memref<32x128xi32, #tpu.memory_space<vmem>> -> memref<1x128xi32, #tpu.memory_space<vmem>>
        %dma_wait3A_330 = tpu.memref_squeeze %dma_wait3A_329 : memref<1x128xi32, #tpu.memory_space<vmem>> -> memref<128xi32, #tpu.memory_space<vmem>>
        %dma_wait3A_331 = arith.constant 0 : i32
        %dma_wait3A_332 = arith.constant 0 : i32
        %dma_wait3A_333 = tpu.memref_slice %arg13[%dma_wait3A_331, %dma_wait3A_332] : memref<10240x64xf32, #tpu.memory_space<vmem_shared>> -> memref<10240x64xf32, #tpu.memory_space<vmem_shared>>
        tpu.wait_indirect_dma semaphore(%arg16 : memref<!tpu.dma_semaphore, #tpu.memory_space<semaphore_mem>>) src(%arg10 : memref<128x64xf32, #tpu.memory_space<vmem>>) dst(%dma_wait3A_333 : memref<10240x64xf32, #tpu.memory_space<vmem_shared>>)
      } else {
      }
      %add3A_236 = arith.constant 2 : i32
      %add3A_237 = arith.addi %add3A_221, %add3A_236 : i32
      %lt3A = arith.constant 32 : i32
      %lt3A_238 = arith.cmpi slt, %add3A_237, %lt3A : i32
      %convert_element_type3A_239 = arith.extui %lt3A_238 : i1 to i32
      %cond3A_240 = arith.constant 0 : i32
      %cond3A_241 = arith.cmpi ne, %convert_element_type3A_239, %cond3A_240 : i32
      scf.if %cond3A_241 {
        %add3A_327 = arith.constant 2 : i32
        %add3A_328 = arith.addi %add3A_221, %add3A_327 : i32
        %dma_start3A_329 = arith.constant 0 : i32
        %dma_start3A_330 = tpu.memref_slice %arg6[%add3A_328, %dma_start3A_329] : memref<32x128xi32, #tpu.memory_space<vmem>> -> memref<1x128xi32, #tpu.memory_space<vmem>>
        %dma_start3A_331 = tpu.memref_squeeze %dma_start3A_330 : memref<1x128xi32, #tpu.memory_space<vmem>> -> memref<128xi32, #tpu.memory_space<vmem>>
        %dma_start3A_332 = arith.constant 0 : i32
        %dma_start3A_333 = arith.constant 0 : i32
        %dma_start3A_334 = tpu.memref_slice %arg12[%dma_start3A_332, %dma_start3A_333] : memref<10240x64xf32, #tpu.memory_space<vmem_shared>> -> memref<10240x64xf32, #tpu.memory_space<vmem_shared>>
        tpu.enqueue_indirect_dma source(%dma_start3A_334 : memref<10240x64xf32, #tpu.memory_space<vmem_shared>>) target(%arg10 : memref<128x64xf32, #tpu.memory_space<vmem>>) offsets(%dma_start3A_331 : memref<128xi32, #tpu.memory_space<vmem>>) semaphore(%arg16 : memref<!tpu.dma_semaphore, #tpu.memory_space<semaphore_mem>>)
      } else {
      }
      %mul3A_242 = arith.constant 4 : i32
      %mul3A_243 = arith.muli %scan3A_216, %mul3A_242 : i32
      %add3A_244 = arith.constant 1 : i32
      %add3A_245 = arith.addi %mul3A_243, %add3A_244 : i32
      %dma_wait3A_246 = arith.constant 0 : i32
      %dma_wait3A_247 = tpu.memref_slice %arg6[%add3A_245, %dma_wait3A_246] : memref<32x128xi32, #tpu.memory_space<vmem>> -> memref<1x128xi32, #tpu.memory_space<vmem>>
      %dma_wait3A_248 = tpu.memref_squeeze %dma_wait3A_247 : memref<1x128xi32, #tpu.memory_space<vmem>> -> memref<128xi32, #tpu.memory_space<vmem>>
      %dma_wait3A_249 = arith.constant 0 : i32
      %dma_wait3A_250 = arith.constant 0 : i32
      %dma_wait3A_251 = tpu.memref_slice %arg12[%dma_wait3A_249, %dma_wait3A_250] : memref<10240x64xf32, #tpu.memory_space<vmem_shared>> -> memref<10240x64xf32, #tpu.memory_space<vmem_shared>>
      tpu.wait_indirect_dma semaphore(%arg15 : memref<!tpu.dma_semaphore, #tpu.memory_space<semaphore_mem>>) src(%dma_wait3A_251 : memref<10240x64xf32, #tpu.memory_space<vmem_shared>>) dst(%arg9 : memref<128x64xf32, #tpu.memory_space<vmem>>)
      %dma_start3A_252 = arith.constant 0 : i32
      %dma_start3A_253 = tpu.memref_slice %arg7[%add3A_245, %dma_start3A_252] : memref<32x128xi32, #tpu.memory_space<vmem>> -> memref<1x128xi32, #tpu.memory_space<vmem>>
      %dma_start3A_254 = tpu.memref_squeeze %dma_start3A_253 : memref<1x128xi32, #tpu.memory_space<vmem>> -> memref<128xi32, #tpu.memory_space<vmem>>
      %dma_start3A_255 = arith.constant 0 : i32
      %dma_start3A_256 = arith.constant 0 : i32
      %dma_start3A_257 = tpu.memref_slice %arg13[%dma_start3A_255, %dma_start3A_256] : memref<10240x64xf32, #tpu.memory_space<vmem_shared>> -> memref<10240x64xf32, #tpu.memory_space<vmem_shared>>
      tpu.enqueue_indirect_dma source(%arg9 : memref<128x64xf32, #tpu.memory_space<vmem>>) target(%dma_start3A_257 : memref<10240x64xf32, #tpu.memory_space<vmem_shared>>) offsets(%dma_start3A_254 : memref<128xi32, #tpu.memory_space<vmem>>) semaphore(%arg15 : memref<!tpu.dma_semaphore, #tpu.memory_space<semaphore_mem>>) {add = true}
      %ge3A_258 = arith.constant 2 : i32
      %ge3A_259 = arith.cmpi sge, %add3A_245, %ge3A_258 : i32
      %convert_element_type3A_260 = arith.extui %ge3A_259 : i1 to i32
      %cond3A_261 = arith.constant 0 : i32
      %cond3A_262 = arith.cmpi ne, %convert_element_type3A_260, %cond3A_261 : i32
      scf.if %cond3A_262 {
        %dma_wait3A_327 = arith.constant 0 : i32
        %dma_wait3A_328 = arith.constant 0 : i32
        %dma_wait3A_329 = tpu.memref_slice %arg7[%dma_wait3A_327, %dma_wait3A_328] : memref<32x128xi32, #tpu.memory_space<vmem>> -> memref<1x128xi32, #tpu.memory_space<vmem>>
        %dma_wait3A_330 = tpu.memref_squeeze %dma_wait3A_329 : memref<1x128xi32, #tpu.memory_space<vmem>> -> memref<128xi32, #tpu.memory_space<vmem>>
        %dma_wait3A_331 = arith.constant 0 : i32
        %dma_wait3A_332 = arith.constant 0 : i32
        %dma_wait3A_333 = tpu.memref_slice %arg13[%dma_wait3A_331, %dma_wait3A_332] : memref<10240x64xf32, #tpu.memory_space<vmem_shared>> -> memref<10240x64xf32, #tpu.memory_space<vmem_shared>>
        tpu.wait_indirect_dma semaphore(%arg17 : memref<!tpu.dma_semaphore, #tpu.memory_space<semaphore_mem>>) src(%arg11 : memref<128x64xf32, #tpu.memory_space<vmem>>) dst(%dma_wait3A_333 : memref<10240x64xf32, #tpu.memory_space<vmem_shared>>)
      } else {
      }
      %add3A_263 = arith.constant 2 : i32
      %add3A_264 = arith.addi %add3A_245, %add3A_263 : i32
      %lt3A_265 = arith.constant 32 : i32
      %lt3A_266 = arith.cmpi slt, %add3A_264, %lt3A_265 : i32
      %convert_element_type3A_267 = arith.extui %lt3A_266 : i1 to i32
      %cond3A_268 = arith.constant 0 : i32
      %cond3A_269 = arith.cmpi ne, %convert_element_type3A_267, %cond3A_268 : i32
      scf.if %cond3A_269 {
        %add3A_327 = arith.constant 2 : i32
        %add3A_328 = arith.addi %add3A_245, %add3A_327 : i32
        %dma_start3A_329 = arith.constant 0 : i32
        %dma_start3A_330 = tpu.memref_slice %arg6[%add3A_328, %dma_start3A_329] : memref<32x128xi32, #tpu.memory_space<vmem>> -> memref<1x128xi32, #tpu.memory_space<vmem>>
        %dma_start3A_331 = tpu.memref_squeeze %dma_start3A_330 : memref<1x128xi32, #tpu.memory_space<vmem>> -> memref<128xi32, #tpu.memory_space<vmem>>
        %dma_start3A_332 = arith.constant 0 : i32
        %dma_start3A_333 = arith.constant 0 : i32
        %dma_start3A_334 = tpu.memref_slice %arg12[%dma_start3A_332, %dma_start3A_333] : memref<10240x64xf32, #tpu.memory_space<vmem_shared>> -> memref<10240x64xf32, #tpu.memory_space<vmem_shared>>
        tpu.enqueue_indirect_dma source(%dma_start3A_334 : memref<10240x64xf32, #tpu.memory_space<vmem_shared>>) target(%arg11 : memref<128x64xf32, #tpu.memory_space<vmem>>) offsets(%dma_start3A_331 : memref<128xi32, #tpu.memory_space<vmem>>) semaphore(%arg17 : memref<!tpu.dma_semaphore, #tpu.memory_space<semaphore_mem>>)
      } else {
      }
      %mul3A_270 = arith.constant 4 : i32
      %mul3A_271 = arith.muli %scan3A_216, %mul3A_270 : i32
      %add3A_272 = arith.constant 2 : i32
      %add3A_273 = arith.addi %mul3A_271, %add3A_272 : i32
      %dma_wait3A_274 = arith.constant 0 : i32
      %dma_wait3A_275 = tpu.memref_slice %arg6[%add3A_273, %dma_wait3A_274] : memref<32x128xi32, #tpu.memory_space<vmem>> -> memref<1x128xi32, #tpu.memory_space<vmem>>
      %dma_wait3A_276 = tpu.memref_squeeze %dma_wait3A_275 : memref<1x128xi32, #tpu.memory_space<vmem>> -> memref<128xi32, #tpu.memory_space<vmem>>
      %dma_wait3A_277 = arith.constant 0 : i32
      %dma_wait3A_278 = arith.constant 0 : i32
      %dma_wait3A_279 = tpu.memref_slice %arg12[%dma_wait3A_277, %dma_wait3A_278] : memref<10240x64xf32, #tpu.memory_space<vmem_shared>> -> memref<10240x64xf32, #tpu.memory_space<vmem_shared>>
      tpu.wait_indirect_dma semaphore(%arg16 : memref<!tpu.dma_semaphore, #tpu.memory_space<semaphore_mem>>) src(%dma_wait3A_279 : memref<10240x64xf32, #tpu.memory_space<vmem_shared>>) dst(%arg10 : memref<128x64xf32, #tpu.memory_space<vmem>>)
      %dma_start3A_280 = arith.constant 0 : i32
      %dma_start3A_281 = tpu.memref_slice %arg7[%add3A_273, %dma_start3A_280] : memref<32x128xi32, #tpu.memory_space<vmem>> -> memref<1x128xi32, #tpu.memory_space<vmem>>
      %dma_start3A_282 = tpu.memref_squeeze %dma_start3A_281 : memref<1x128xi32, #tpu.memory_space<vmem>> -> memref<128xi32, #tpu.memory_space<vmem>>
      %dma_start3A_283 = arith.constant 0 : i32
      %dma_start3A_284 = arith.constant 0 : i32
      %dma_start3A_285 = tpu.memref_slice %arg13[%dma_start3A_283, %dma_start3A_284] : memref<10240x64xf32, #tpu.memory_space<vmem_shared>> -> memref<10240x64xf32, #tpu.memory_space<vmem_shared>>
      tpu.enqueue_indirect_dma source(%arg10 : memref<128x64xf32, #tpu.memory_space<vmem>>) target(%dma_start3A_285 : memref<10240x64xf32, #tpu.memory_space<vmem_shared>>) offsets(%dma_start3A_282 : memref<128xi32, #tpu.memory_space<vmem>>) semaphore(%arg16 : memref<!tpu.dma_semaphore, #tpu.memory_space<semaphore_mem>>) {add = true}
      %ge3A_286 = arith.constant 2 : i32
      %ge3A_287 = arith.cmpi sge, %add3A_273, %ge3A_286 : i32
      %convert_element_type3A_288 = arith.extui %ge3A_287 : i1 to i32
      %cond3A_289 = arith.constant 0 : i32
      %cond3A_290 = arith.cmpi ne, %convert_element_type3A_288, %cond3A_289 : i32
      scf.if %cond3A_290 {
        %dma_wait3A_327 = arith.constant 0 : i32
        %dma_wait3A_328 = arith.constant 0 : i32
        %dma_wait3A_329 = tpu.memref_slice %arg7[%dma_wait3A_327, %dma_wait3A_328] : memref<32x128xi32, #tpu.memory_space<vmem>> -> memref<1x128xi32, #tpu.memory_space<vmem>>
        %dma_wait3A_330 = tpu.memref_squeeze %dma_wait3A_329 : memref<1x128xi32, #tpu.memory_space<vmem>> -> memref<128xi32, #tpu.memory_space<vmem>>
        %dma_wait3A_331 = arith.constant 0 : i32
        %dma_wait3A_332 = arith.constant 0 : i32
        %dma_wait3A_333 = tpu.memref_slice %arg13[%dma_wait3A_331, %dma_wait3A_332] : memref<10240x64xf32, #tpu.memory_space<vmem_shared>> -> memref<10240x64xf32, #tpu.memory_space<vmem_shared>>
        tpu.wait_indirect_dma semaphore(%arg14 : memref<!tpu.dma_semaphore, #tpu.memory_space<semaphore_mem>>) src(%arg8 : memref<128x64xf32, #tpu.memory_space<vmem>>) dst(%dma_wait3A_333 : memref<10240x64xf32, #tpu.memory_space<vmem_shared>>)
      } else {
      }
      %add3A_291 = arith.constant 2 : i32
      %add3A_292 = arith.addi %add3A_273, %add3A_291 : i32
      %lt3A_293 = arith.constant 32 : i32
      %lt3A_294 = arith.cmpi slt, %add3A_292, %lt3A_293 : i32
      %convert_element_type3A_295 = arith.extui %lt3A_294 : i1 to i32
      %cond3A_296 = arith.constant 0 : i32
      %cond3A_297 = arith.cmpi ne, %convert_element_type3A_295, %cond3A_296 : i32
      scf.if %cond3A_297 {
        %add3A_327 = arith.constant 2 : i32
        %add3A_328 = arith.addi %add3A_273, %add3A_327 : i32
        %dma_start3A_329 = arith.constant 0 : i32
        %dma_start3A_330 = tpu.memref_slice %arg6[%add3A_328, %dma_start3A_329] : memref<32x128xi32, #tpu.memory_space<vmem>> -> memref<1x128xi32, #tpu.memory_space<vmem>>
        %dma_start3A_331 = tpu.memref_squeeze %dma_start3A_330 : memref<1x128xi32, #tpu.memory_space<vmem>> -> memref<128xi32, #tpu.memory_space<vmem>>
        %dma_start3A_332 = arith.constant 0 : i32
        %dma_start3A_333 = arith.constant 0 : i32
        %dma_start3A_334 = tpu.memref_slice %arg12[%dma_start3A_332, %dma_start3A_333] : memref<10240x64xf32, #tpu.memory_space<vmem_shared>> -> memref<10240x64xf32, #tpu.memory_space<vmem_shared>>
        tpu.enqueue_indirect_dma source(%dma_start3A_334 : memref<10240x64xf32, #tpu.memory_space<vmem_shared>>) target(%arg8 : memref<128x64xf32, #tpu.memory_space<vmem>>) offsets(%dma_start3A_331 : memref<128xi32, #tpu.memory_space<vmem>>) semaphore(%arg14 : memref<!tpu.dma_semaphore, #tpu.memory_space<semaphore_mem>>)
      } else {
      }
      %mul3A_298 = arith.constant 4 : i32
      %mul3A_299 = arith.muli %scan3A_216, %mul3A_298 : i32
      %add3A_300 = arith.constant 3 : i32
      %add3A_301 = arith.addi %mul3A_299, %add3A_300 : i32
      %dma_wait3A_302 = arith.constant 0 : i32
      %dma_wait3A_303 = tpu.memref_slice %arg6[%add3A_301, %dma_wait3A_302] : memref<32x128xi32, #tpu.memory_space<vmem>> -> memref<1x128xi32, #tpu.memory_space<vmem>>
      %dma_wait3A_304 = tpu.memref_squeeze %dma_wait3A_303 : memref<1x128xi32, #tpu.memory_space<vmem>> -> memref<128xi32, #tpu.memory_space<vmem>>
      %dma_wait3A_305 = arith.constant 0 : i32
      %dma_wait3A_306 = arith.constant 0 : i32
      %dma_wait3A_307 = tpu.memref_slice %arg12[%dma_wait3A_305, %dma_wait3A_306] : memref<10240x64xf32, #tpu.memory_space<vmem_shared>> -> memref<10240x64xf32, #tpu.memory_space<vmem_shared>>
      tpu.wait_indirect_dma semaphore(%arg17 : memref<!tpu.dma_semaphore, #tpu.memory_space<semaphore_mem>>) src(%dma_wait3A_307 : memref<10240x64xf32, #tpu.memory_space<vmem_shared>>) dst(%arg11 : memref<128x64xf32, #tpu.memory_space<vmem>>)
      %dma_start3A_308 = arith.constant 0 : i32
      %dma_start3A_309 = tpu.memref_slice %arg7[%add3A_301, %dma_start3A_308] : memref<32x128xi32, #tpu.memory_space<vmem>> -> memref<1x128xi32, #tpu.memory_space<vmem>>
      %dma_start3A_310 = tpu.memref_squeeze %dma_start3A_309 : memref<1x128xi32, #tpu.memory_space<vmem>> -> memref<128xi32, #tpu.memory_space<vmem>>
      %dma_start3A_311 = arith.constant 0 : i32
      %dma_start3A_312 = arith.constant 0 : i32
      %dma_start3A_313 = tpu.memref_slice %arg13[%dma_start3A_311, %dma_start3A_312] : memref<10240x64xf32, #tpu.memory_space<vmem_shared>> -> memref<10240x64xf32, #tpu.memory_space<vmem_shared>>
      tpu.enqueue_indirect_dma source(%arg11 : memref<128x64xf32, #tpu.memory_space<vmem>>) target(%dma_start3A_313 : memref<10240x64xf32, #tpu.memory_space<vmem_shared>>) offsets(%dma_start3A_310 : memref<128xi32, #tpu.memory_space<vmem>>) semaphore(%arg17 : memref<!tpu.dma_semaphore, #tpu.memory_space<semaphore_mem>>) {add = true}
      %ge3A_314 = arith.constant 2 : i32
      %ge3A_315 = arith.cmpi sge, %add3A_301, %ge3A_314 : i32
      %convert_element_type3A_316 = arith.extui %ge3A_315 : i1 to i32
      %cond3A_317 = arith.constant 0 : i32
      %cond3A_318 = arith.cmpi ne, %convert_element_type3A_316, %cond3A_317 : i32
      scf.if %cond3A_318 {
        %dma_wait3A_327 = arith.constant 0 : i32
        %dma_wait3A_328 = arith.constant 0 : i32
        %dma_wait3A_329 = tpu.memref_slice %arg7[%dma_wait3A_327, %dma_wait3A_328] : memref<32x128xi32, #tpu.memory_space<vmem>> -> memref<1x128xi32, #tpu.memory_space<vmem>>
        %dma_wait3A_330 = tpu.memref_squeeze %dma_wait3A_329 : memref<1x128xi32, #tpu.memory_space<vmem>> -> memref<128xi32, #tpu.memory_space<vmem>>
        %dma_wait3A_331 = arith.constant 0 : i32
        %dma_wait3A_332 = arith.constant 0 : i32
        %dma_wait3A_333 = tpu.memref_slice %arg13[%dma_wait3A_331, %dma_wait3A_332] : memref<10240x64xf32, #tpu.memory_space<vmem_shared>> -> memref<10240x64xf32, #tpu.memory_space<vmem_shared>>
        tpu.wait_indirect_dma semaphore(%arg15 : memref<!tpu.dma_semaphore, #tpu.memory_space<semaphore_mem>>) src(%arg9 : memref<128x64xf32, #tpu.memory_space<vmem>>) dst(%dma_wait3A_333 : memref<10240x64xf32, #tpu.memory_space<vmem_shared>>)
      } else {
      }
      %add3A_319 = arith.constant 2 : i32
      %add3A_320 = arith.addi %add3A_301, %add3A_319 : i32
      %lt3A_321 = arith.constant 32 : i32
      %lt3A_322 = arith.cmpi slt, %add3A_320, %lt3A_321 : i32
      %convert_element_type3A_323 = arith.extui %lt3A_322 : i1 to i32
      %cond3A_324 = arith.constant 0 : i32
      %cond3A_325 = arith.cmpi ne, %convert_element_type3A_323, %cond3A_324 : i32
      scf.if %cond3A_325 {
        %add3A_327 = arith.constant 2 : i32
        %add3A_328 = arith.addi %add3A_301, %add3A_327 : i32
        %dma_start3A_329 = arith.constant 0 : i32
        %dma_start3A_330 = tpu.memref_slice %arg6[%add3A_328, %dma_start3A_329] : memref<32x128xi32, #tpu.memory_space<vmem>> -> memref<1x128xi32, #tpu.memory_space<vmem>>
        %dma_start3A_331 = tpu.memref_squeeze %dma_start3A_330 : memref<1x128xi32, #tpu.memory_space<vmem>> -> memref<128xi32, #tpu.memory_space<vmem>>
        %dma_start3A_332 = arith.constant 0 : i32
        %dma_start3A_333 = arith.constant 0 : i32
        %dma_start3A_334 = tpu.memref_slice %arg12[%dma_start3A_332, %dma_start3A_333] : memref<10240x64xf32, #tpu.memory_space<vmem_shared>> -> memref<10240x64xf32, #tpu.memory_space<vmem_shared>>
        tpu.enqueue_indirect_dma source(%dma_start3A_334 : memref<10240x64xf32, #tpu.memory_space<vmem_shared>>) target(%arg9 : memref<128x64xf32, #tpu.memory_space<vmem>>) offsets(%dma_start3A_331 : memref<128xi32, #tpu.memory_space<vmem>>) semaphore(%arg15 : memref<!tpu.dma_semaphore, #tpu.memory_space<semaphore_mem>>)
      } else {
      }
      %scan3A_326 = arith.constant 0 : i32
      scf.yield %scan3A_326 : i32
    }
    %scan3A_118 = arith.constant 8 : i32
    %dma_wait3A_119 = arith.constant 0 : i32
    %dma_wait3A_120 = arith.constant 0 : i32
    %dma_wait3A_121 = tpu.memref_slice %arg7[%dma_wait3A_119, %dma_wait3A_120] : memref<32x128xi32, #tpu.memory_space<vmem>> -> memref<1x128xi32, #tpu.memory_space<vmem>>
    %dma_wait3A_122 = tpu.memref_squeeze %dma_wait3A_121 : memref<1x128xi32, #tpu.memory_space<vmem>> -> memref<128xi32, #tpu.memory_space<vmem>>
    %dma_wait3A_123 = arith.constant 0 : i32
    %dma_wait3A_124 = arith.constant 0 : i32
    %dma_wait3A_125 = tpu.memref_slice %arg13[%dma_wait3A_123, %dma_wait3A_124] : memref<10240x64xf32, #tpu.memory_space<vmem_shared>> -> memref<10240x64xf32, #tpu.memory_space<vmem_shared>>
    tpu.wait_indirect_dma semaphore(%arg16 : memref<!tpu.dma_semaphore, #tpu.memory_space<semaphore_mem>>) src(%arg10 : memref<128x64xf32, #tpu.memory_space<vmem>>) dst(%dma_wait3A_125 : memref<10240x64xf32, #tpu.memory_space<vmem_shared>>)
    %dma_wait3A_126 = arith.constant 0 : i32
    %dma_wait3A_127 = arith.constant 0 : i32
    %dma_wait3A_128 = tpu.memref_slice %arg7[%dma_wait3A_126, %dma_wait3A_127] : memref<32x128xi32, #tpu.memory_space<vmem>> -> memref<1x128xi32, #tpu.memory_space<vmem>>
    %dma_wait3A_129 = tpu.memref_squeeze %dma_wait3A_128 : memref<1x128xi32, #tpu.memory_space<vmem>> -> memref<128xi32, #tpu.memory_space<vmem>>
    %dma_wait3A_130 = arith.constant 0 : i32
    %dma_wait3A_131 = arith.constant 0 : i32
    %dma_wait3A_132 = tpu.memref_slice %arg13[%dma_wait3A_130, %dma_wait3A_131] : memref<10240x64xf32, #tpu.memory_space<vmem_shared>> -> memref<10240x64xf32, #tpu.memory_space<vmem_shared>>
    tpu.wait_indirect_dma semaphore(%arg17 : memref<!tpu.dma_semaphore, #tpu.memory_space<semaphore_mem>>) src(%arg11 : memref<128x64xf32, #tpu.memory_space<vmem>>) dst(%dma_wait3A_132 : memref<10240x64xf32, #tpu.memory_space<vmem_shared>>)
    %add3A_133 = arith.constant 96 : i32
    %add3A_134 = arith.addi %mul3A_18, %add3A_133 : i32
    "tpu.region"() ({
      %run_scoped3A = tpu.sem_alloc : memref<!tpu.dma_semaphore, #tpu.memory_space<semaphore_mem>>
      %dma_start3A_216 = arith.constant 0 : i32
      %dma_start3A_217 = tpu.memref_slice %arg3[%add3A_134, %dma_start3A_216] : memref<2560x128xi32, #tpu.memory_space<hbm>> -> memref<32x128xi32, #tpu.memory_space<hbm>>
      %dma_start3A_218 = arith.constant 0 : i32
      %dma_start3A_219 = tpu.memref_slice %arg3[%add3A_134, %dma_start3A_218] : memref<2560x128xi32, #tpu.memory_space<hbm>> -> memref<32x128xi32, #tpu.memory_space<hbm>>
      tpu.enqueue_dma source(%dma_start3A_219 : memref<32x128xi32, #tpu.memory_space<hbm>>) target(%arg6 : memref<32x128xi32, #tpu.memory_space<vmem>>) target_semaphore(%run_scoped3A : memref<!tpu.dma_semaphore, #tpu.memory_space<semaphore_mem>>)
      %dma_wait3A_220 = arith.constant 0 : i32
      %dma_wait3A_221 = tpu.memref_slice %arg3[%add3A_134, %dma_wait3A_220] : memref<2560x128xi32, #tpu.memory_space<hbm>> -> memref<32x128xi32, #tpu.memory_space<hbm>>
      %dma_wait3A_222 = arith.constant 0 : i32
      %dma_wait3A_223 = tpu.memref_slice %arg3[%add3A_134, %dma_wait3A_222] : memref<2560x128xi32, #tpu.memory_space<hbm>> -> memref<32x128xi32, #tpu.memory_space<hbm>>
      tpu.wait_dma2 semaphore(%run_scoped3A : memref<!tpu.dma_semaphore, #tpu.memory_space<semaphore_mem>>) src(%dma_wait3A_223 : memref<32x128xi32, #tpu.memory_space<hbm>>) dst(%arg6 : memref<32x128xi32, #tpu.memory_space<vmem>>)
      tpu.yield
    }) : () -> ()
    %add3A_135 = arith.constant 96 : i32
    %add3A_136 = arith.addi %mul3A_18, %add3A_135 : i32
    "tpu.region"() ({
      %run_scoped3A = tpu.sem_alloc : memref<!tpu.dma_semaphore, #tpu.memory_space<semaphore_mem>>
      %dma_start3A_216 = arith.constant 0 : i32
      %dma_start3A_217 = tpu.memref_slice %arg4[%add3A_136, %dma_start3A_216] : memref<2560x128xi32, #tpu.memory_space<hbm>> -> memref<32x128xi32, #tpu.memory_space<hbm>>
      %dma_start3A_218 = arith.constant 0 : i32
      %dma_start3A_219 = tpu.memref_slice %arg4[%add3A_136, %dma_start3A_218] : memref<2560x128xi32, #tpu.memory_space<hbm>> -> memref<32x128xi32, #tpu.memory_space<hbm>>
      tpu.enqueue_dma source(%dma_start3A_219 : memref<32x128xi32, #tpu.memory_space<hbm>>) target(%arg7 : memref<32x128xi32, #tpu.memory_space<vmem>>) target_semaphore(%run_scoped3A : memref<!tpu.dma_semaphore, #tpu.memory_space<semaphore_mem>>)
      %dma_wait3A_220 = arith.constant 0 : i32
      %dma_wait3A_221 = tpu.memref_slice %arg4[%add3A_136, %dma_wait3A_220] : memref<2560x128xi32, #tpu.memory_space<hbm>> -> memref<32x128xi32, #tpu.memory_space<hbm>>
      %dma_wait3A_222 = arith.constant 0 : i32
      %dma_wait3A_223 = tpu.memref_slice %arg4[%add3A_136, %dma_wait3A_222] : memref<2560x128xi32, #tpu.memory_space<hbm>> -> memref<32x128xi32, #tpu.memory_space<hbm>>
      tpu.wait_dma2 semaphore(%run_scoped3A : memref<!tpu.dma_semaphore, #tpu.memory_space<semaphore_mem>>) src(%dma_wait3A_223 : memref<32x128xi32, #tpu.memory_space<hbm>>) dst(%arg7 : memref<32x128xi32, #tpu.memory_space<vmem>>)
      tpu.yield
    }) : () -> ()
    %dma_start3A_137 = arith.constant 0 : i32
    %dma_start3A_138 = arith.constant 0 : i32
    %dma_start3A_139 = tpu.memref_slice %arg6[%dma_start3A_137, %dma_start3A_138] : memref<32x128xi32, #tpu.memory_space<vmem>> -> memref<1x128xi32, #tpu.memory_space<vmem>>
    %dma_start3A_140 = tpu.memref_squeeze %dma_start3A_139 : memref<1x128xi32, #tpu.memory_space<vmem>> -> memref<128xi32, #tpu.memory_space<vmem>>
    %dma_start3A_141 = arith.constant 0 : i32
    %dma_start3A_142 = arith.constant 0 : i32
    %dma_start3A_143 = tpu.memref_slice %arg12[%dma_start3A_141, %dma_start3A_142] : memref<10240x64xf32, #tpu.memory_space<vmem_shared>> -> memref<10240x64xf32, #tpu.memory_space<vmem_shared>>
    tpu.enqueue_indirect_dma source(%dma_start3A_143 : memref<10240x64xf32, #tpu.memory_space<vmem_shared>>) target(%arg8 : memref<128x64xf32, #tpu.memory_space<vmem>>) offsets(%dma_start3A_140 : memref<128xi32, #tpu.memory_space<vmem>>) semaphore(%arg14 : memref<!tpu.dma_semaphore, #tpu.memory_space<semaphore_mem>>)
    %dma_start3A_144 = arith.constant 1 : i32
    %dma_start3A_145 = arith.constant 0 : i32
    %dma_start3A_146 = tpu.memref_slice %arg6[%dma_start3A_144, %dma_start3A_145] : memref<32x128xi32, #tpu.memory_space<vmem>> -> memref<1x128xi32, #tpu.memory_space<vmem>>
    %dma_start3A_147 = tpu.memref_squeeze %dma_start3A_146 : memref<1x128xi32, #tpu.memory_space<vmem>> -> memref<128xi32, #tpu.memory_space<vmem>>
    %dma_start3A_148 = arith.constant 0 : i32
    %dma_start3A_149 = arith.constant 0 : i32
    %dma_start3A_150 = tpu.memref_slice %arg12[%dma_start3A_148, %dma_start3A_149] : memref<10240x64xf32, #tpu.memory_space<vmem_shared>> -> memref<10240x64xf32, #tpu.memory_space<vmem_shared>>
    tpu.enqueue_indirect_dma source(%dma_start3A_150 : memref<10240x64xf32, #tpu.memory_space<vmem_shared>>) target(%arg9 : memref<128x64xf32, #tpu.memory_space<vmem>>) offsets(%dma_start3A_147 : memref<128xi32, #tpu.memory_space<vmem>>) semaphore(%arg15 : memref<!tpu.dma_semaphore, #tpu.memory_space<semaphore_mem>>)
    %scan3A_151 = arith.constant 0 : i32
    %scan3A_152 = arith.constant 0 : i32
    %scan3A_153 = arith.constant 8 : i32
    %scan3A_154 = arith.addi %scan3A_152, %scan3A_153 : i32
    %scan3A_155 = arith.constant 1 : i32
    %scan3A_156 = scf.for %scan3A_216 = %scan3A_152 to %scan3A_154 step %scan3A_155 iter_args(%scan3A_217 = %scan3A_151) -> (i32)  : i32 {
      %mul3A_218 = arith.constant 4 : i32
      %mul3A_219 = arith.muli %scan3A_216, %mul3A_218 : i32
      %add3A_220 = arith.constant 0 : i32
      %add3A_221 = arith.addi %mul3A_219, %add3A_220 : i32
      %dma_wait3A_222 = arith.constant 0 : i32
      %dma_wait3A_223 = tpu.memref_slice %arg6[%add3A_221, %dma_wait3A_222] : memref<32x128xi32, #tpu.memory_space<vmem>> -> memref<1x128xi32, #tpu.memory_space<vmem>>
      %dma_wait3A_224 = tpu.memref_squeeze %dma_wait3A_223 : memref<1x128xi32, #tpu.memory_space<vmem>> -> memref<128xi32, #tpu.memory_space<vmem>>
      %dma_wait3A_225 = arith.constant 0 : i32
      %dma_wait3A_226 = arith.constant 0 : i32
      %dma_wait3A_227 = tpu.memref_slice %arg12[%dma_wait3A_225, %dma_wait3A_226] : memref<10240x64xf32, #tpu.memory_space<vmem_shared>> -> memref<10240x64xf32, #tpu.memory_space<vmem_shared>>
      tpu.wait_indirect_dma semaphore(%arg14 : memref<!tpu.dma_semaphore, #tpu.memory_space<semaphore_mem>>) src(%dma_wait3A_227 : memref<10240x64xf32, #tpu.memory_space<vmem_shared>>) dst(%arg8 : memref<128x64xf32, #tpu.memory_space<vmem>>)
      %dma_start3A_228 = arith.constant 0 : i32
      %dma_start3A_229 = tpu.memref_slice %arg7[%add3A_221, %dma_start3A_228] : memref<32x128xi32, #tpu.memory_space<vmem>> -> memref<1x128xi32, #tpu.memory_space<vmem>>
      %dma_start3A_230 = tpu.memref_squeeze %dma_start3A_229 : memref<1x128xi32, #tpu.memory_space<vmem>> -> memref<128xi32, #tpu.memory_space<vmem>>
      %dma_start3A_231 = arith.constant 0 : i32
      %dma_start3A_232 = arith.constant 0 : i32
      %dma_start3A_233 = tpu.memref_slice %arg13[%dma_start3A_231, %dma_start3A_232] : memref<10240x64xf32, #tpu.memory_space<vmem_shared>> -> memref<10240x64xf32, #tpu.memory_space<vmem_shared>>
      tpu.enqueue_indirect_dma source(%arg8 : memref<128x64xf32, #tpu.memory_space<vmem>>) target(%dma_start3A_233 : memref<10240x64xf32, #tpu.memory_space<vmem_shared>>) offsets(%dma_start3A_230 : memref<128xi32, #tpu.memory_space<vmem>>) semaphore(%arg14 : memref<!tpu.dma_semaphore, #tpu.memory_space<semaphore_mem>>) {add = true}
      %ge3A = arith.constant 2 : i32
      %ge3A_234 = arith.cmpi sge, %add3A_221, %ge3A : i32
      %convert_element_type3A = arith.extui %ge3A_234 : i1 to i32
      %cond3A = arith.constant 0 : i32
      %cond3A_235 = arith.cmpi ne, %convert_element_type3A, %cond3A : i32
      scf.if %cond3A_235 {
        %dma_wait3A_327 = arith.constant 0 : i32
        %dma_wait3A_328 = arith.constant 0 : i32
        %dma_wait3A_329 = tpu.memref_slice %arg7[%dma_wait3A_327, %dma_wait3A_328] : memref<32x128xi32, #tpu.memory_space<vmem>> -> memref<1x128xi32, #tpu.memory_space<vmem>>
        %dma_wait3A_330 = tpu.memref_squeeze %dma_wait3A_329 : memref<1x128xi32, #tpu.memory_space<vmem>> -> memref<128xi32, #tpu.memory_space<vmem>>
        %dma_wait3A_331 = arith.constant 0 : i32
        %dma_wait3A_332 = arith.constant 0 : i32
        %dma_wait3A_333 = tpu.memref_slice %arg13[%dma_wait3A_331, %dma_wait3A_332] : memref<10240x64xf32, #tpu.memory_space<vmem_shared>> -> memref<10240x64xf32, #tpu.memory_space<vmem_shared>>
        tpu.wait_indirect_dma semaphore(%arg16 : memref<!tpu.dma_semaphore, #tpu.memory_space<semaphore_mem>>) src(%arg10 : memref<128x64xf32, #tpu.memory_space<vmem>>) dst(%dma_wait3A_333 : memref<10240x64xf32, #tpu.memory_space<vmem_shared>>)
      } else {
      }
      %add3A_236 = arith.constant 2 : i32
      %add3A_237 = arith.addi %add3A_221, %add3A_236 : i32
      %lt3A = arith.constant 32 : i32
      %lt3A_238 = arith.cmpi slt, %add3A_237, %lt3A : i32
      %convert_element_type3A_239 = arith.extui %lt3A_238 : i1 to i32
      %cond3A_240 = arith.constant 0 : i32
      %cond3A_241 = arith.cmpi ne, %convert_element_type3A_239, %cond3A_240 : i32
      scf.if %cond3A_241 {
        %add3A_327 = arith.constant 2 : i32
        %add3A_328 = arith.addi %add3A_221, %add3A_327 : i32
        %dma_start3A_329 = arith.constant 0 : i32
        %dma_start3A_330 = tpu.memref_slice %arg6[%add3A_328, %dma_start3A_329] : memref<32x128xi32, #tpu.memory_space<vmem>> -> memref<1x128xi32, #tpu.memory_space<vmem>>
        %dma_start3A_331 = tpu.memref_squeeze %dma_start3A_330 : memref<1x128xi32, #tpu.memory_space<vmem>> -> memref<128xi32, #tpu.memory_space<vmem>>
        %dma_start3A_332 = arith.constant 0 : i32
        %dma_start3A_333 = arith.constant 0 : i32
        %dma_start3A_334 = tpu.memref_slice %arg12[%dma_start3A_332, %dma_start3A_333] : memref<10240x64xf32, #tpu.memory_space<vmem_shared>> -> memref<10240x64xf32, #tpu.memory_space<vmem_shared>>
        tpu.enqueue_indirect_dma source(%dma_start3A_334 : memref<10240x64xf32, #tpu.memory_space<vmem_shared>>) target(%arg10 : memref<128x64xf32, #tpu.memory_space<vmem>>) offsets(%dma_start3A_331 : memref<128xi32, #tpu.memory_space<vmem>>) semaphore(%arg16 : memref<!tpu.dma_semaphore, #tpu.memory_space<semaphore_mem>>)
      } else {
      }
      %mul3A_242 = arith.constant 4 : i32
      %mul3A_243 = arith.muli %scan3A_216, %mul3A_242 : i32
      %add3A_244 = arith.constant 1 : i32
      %add3A_245 = arith.addi %mul3A_243, %add3A_244 : i32
      %dma_wait3A_246 = arith.constant 0 : i32
      %dma_wait3A_247 = tpu.memref_slice %arg6[%add3A_245, %dma_wait3A_246] : memref<32x128xi32, #tpu.memory_space<vmem>> -> memref<1x128xi32, #tpu.memory_space<vmem>>
      %dma_wait3A_248 = tpu.memref_squeeze %dma_wait3A_247 : memref<1x128xi32, #tpu.memory_space<vmem>> -> memref<128xi32, #tpu.memory_space<vmem>>
      %dma_wait3A_249 = arith.constant 0 : i32
      %dma_wait3A_250 = arith.constant 0 : i32
      %dma_wait3A_251 = tpu.memref_slice %arg12[%dma_wait3A_249, %dma_wait3A_250] : memref<10240x64xf32, #tpu.memory_space<vmem_shared>> -> memref<10240x64xf32, #tpu.memory_space<vmem_shared>>
      tpu.wait_indirect_dma semaphore(%arg15 : memref<!tpu.dma_semaphore, #tpu.memory_space<semaphore_mem>>) src(%dma_wait3A_251 : memref<10240x64xf32, #tpu.memory_space<vmem_shared>>) dst(%arg9 : memref<128x64xf32, #tpu.memory_space<vmem>>)
      %dma_start3A_252 = arith.constant 0 : i32
      %dma_start3A_253 = tpu.memref_slice %arg7[%add3A_245, %dma_start3A_252] : memref<32x128xi32, #tpu.memory_space<vmem>> -> memref<1x128xi32, #tpu.memory_space<vmem>>
      %dma_start3A_254 = tpu.memref_squeeze %dma_start3A_253 : memref<1x128xi32, #tpu.memory_space<vmem>> -> memref<128xi32, #tpu.memory_space<vmem>>
      %dma_start3A_255 = arith.constant 0 : i32
      %dma_start3A_256 = arith.constant 0 : i32
      %dma_start3A_257 = tpu.memref_slice %arg13[%dma_start3A_255, %dma_start3A_256] : memref<10240x64xf32, #tpu.memory_space<vmem_shared>> -> memref<10240x64xf32, #tpu.memory_space<vmem_shared>>
      tpu.enqueue_indirect_dma source(%arg9 : memref<128x64xf32, #tpu.memory_space<vmem>>) target(%dma_start3A_257 : memref<10240x64xf32, #tpu.memory_space<vmem_shared>>) offsets(%dma_start3A_254 : memref<128xi32, #tpu.memory_space<vmem>>) semaphore(%arg15 : memref<!tpu.dma_semaphore, #tpu.memory_space<semaphore_mem>>) {add = true}
      %ge3A_258 = arith.constant 2 : i32
      %ge3A_259 = arith.cmpi sge, %add3A_245, %ge3A_258 : i32
      %convert_element_type3A_260 = arith.extui %ge3A_259 : i1 to i32
      %cond3A_261 = arith.constant 0 : i32
      %cond3A_262 = arith.cmpi ne, %convert_element_type3A_260, %cond3A_261 : i32
      scf.if %cond3A_262 {
        %dma_wait3A_327 = arith.constant 0 : i32
        %dma_wait3A_328 = arith.constant 0 : i32
        %dma_wait3A_329 = tpu.memref_slice %arg7[%dma_wait3A_327, %dma_wait3A_328] : memref<32x128xi32, #tpu.memory_space<vmem>> -> memref<1x128xi32, #tpu.memory_space<vmem>>
        %dma_wait3A_330 = tpu.memref_squeeze %dma_wait3A_329 : memref<1x128xi32, #tpu.memory_space<vmem>> -> memref<128xi32, #tpu.memory_space<vmem>>
        %dma_wait3A_331 = arith.constant 0 : i32
        %dma_wait3A_332 = arith.constant 0 : i32
        %dma_wait3A_333 = tpu.memref_slice %arg13[%dma_wait3A_331, %dma_wait3A_332] : memref<10240x64xf32, #tpu.memory_space<vmem_shared>> -> memref<10240x64xf32, #tpu.memory_space<vmem_shared>>
        tpu.wait_indirect_dma semaphore(%arg17 : memref<!tpu.dma_semaphore, #tpu.memory_space<semaphore_mem>>) src(%arg11 : memref<128x64xf32, #tpu.memory_space<vmem>>) dst(%dma_wait3A_333 : memref<10240x64xf32, #tpu.memory_space<vmem_shared>>)
      } else {
      }
      %add3A_263 = arith.constant 2 : i32
      %add3A_264 = arith.addi %add3A_245, %add3A_263 : i32
      %lt3A_265 = arith.constant 32 : i32
      %lt3A_266 = arith.cmpi slt, %add3A_264, %lt3A_265 : i32
      %convert_element_type3A_267 = arith.extui %lt3A_266 : i1 to i32
      %cond3A_268 = arith.constant 0 : i32
      %cond3A_269 = arith.cmpi ne, %convert_element_type3A_267, %cond3A_268 : i32
      scf.if %cond3A_269 {
        %add3A_327 = arith.constant 2 : i32
        %add3A_328 = arith.addi %add3A_245, %add3A_327 : i32
        %dma_start3A_329 = arith.constant 0 : i32
        %dma_start3A_330 = tpu.memref_slice %arg6[%add3A_328, %dma_start3A_329] : memref<32x128xi32, #tpu.memory_space<vmem>> -> memref<1x128xi32, #tpu.memory_space<vmem>>
        %dma_start3A_331 = tpu.memref_squeeze %dma_start3A_330 : memref<1x128xi32, #tpu.memory_space<vmem>> -> memref<128xi32, #tpu.memory_space<vmem>>
        %dma_start3A_332 = arith.constant 0 : i32
        %dma_start3A_333 = arith.constant 0 : i32
        %dma_start3A_334 = tpu.memref_slice %arg12[%dma_start3A_332, %dma_start3A_333] : memref<10240x64xf32, #tpu.memory_space<vmem_shared>> -> memref<10240x64xf32, #tpu.memory_space<vmem_shared>>
        tpu.enqueue_indirect_dma source(%dma_start3A_334 : memref<10240x64xf32, #tpu.memory_space<vmem_shared>>) target(%arg11 : memref<128x64xf32, #tpu.memory_space<vmem>>) offsets(%dma_start3A_331 : memref<128xi32, #tpu.memory_space<vmem>>) semaphore(%arg17 : memref<!tpu.dma_semaphore, #tpu.memory_space<semaphore_mem>>)
      } else {
      }
      %mul3A_270 = arith.constant 4 : i32
      %mul3A_271 = arith.muli %scan3A_216, %mul3A_270 : i32
      %add3A_272 = arith.constant 2 : i32
      %add3A_273 = arith.addi %mul3A_271, %add3A_272 : i32
      %dma_wait3A_274 = arith.constant 0 : i32
      %dma_wait3A_275 = tpu.memref_slice %arg6[%add3A_273, %dma_wait3A_274] : memref<32x128xi32, #tpu.memory_space<vmem>> -> memref<1x128xi32, #tpu.memory_space<vmem>>
      %dma_wait3A_276 = tpu.memref_squeeze %dma_wait3A_275 : memref<1x128xi32, #tpu.memory_space<vmem>> -> memref<128xi32, #tpu.memory_space<vmem>>
      %dma_wait3A_277 = arith.constant 0 : i32
      %dma_wait3A_278 = arith.constant 0 : i32
      %dma_wait3A_279 = tpu.memref_slice %arg12[%dma_wait3A_277, %dma_wait3A_278] : memref<10240x64xf32, #tpu.memory_space<vmem_shared>> -> memref<10240x64xf32, #tpu.memory_space<vmem_shared>>
      tpu.wait_indirect_dma semaphore(%arg16 : memref<!tpu.dma_semaphore, #tpu.memory_space<semaphore_mem>>) src(%dma_wait3A_279 : memref<10240x64xf32, #tpu.memory_space<vmem_shared>>) dst(%arg10 : memref<128x64xf32, #tpu.memory_space<vmem>>)
      %dma_start3A_280 = arith.constant 0 : i32
      %dma_start3A_281 = tpu.memref_slice %arg7[%add3A_273, %dma_start3A_280] : memref<32x128xi32, #tpu.memory_space<vmem>> -> memref<1x128xi32, #tpu.memory_space<vmem>>
      %dma_start3A_282 = tpu.memref_squeeze %dma_start3A_281 : memref<1x128xi32, #tpu.memory_space<vmem>> -> memref<128xi32, #tpu.memory_space<vmem>>
      %dma_start3A_283 = arith.constant 0 : i32
      %dma_start3A_284 = arith.constant 0 : i32
      %dma_start3A_285 = tpu.memref_slice %arg13[%dma_start3A_283, %dma_start3A_284] : memref<10240x64xf32, #tpu.memory_space<vmem_shared>> -> memref<10240x64xf32, #tpu.memory_space<vmem_shared>>
      tpu.enqueue_indirect_dma source(%arg10 : memref<128x64xf32, #tpu.memory_space<vmem>>) target(%dma_start3A_285 : memref<10240x64xf32, #tpu.memory_space<vmem_shared>>) offsets(%dma_start3A_282 : memref<128xi32, #tpu.memory_space<vmem>>) semaphore(%arg16 : memref<!tpu.dma_semaphore, #tpu.memory_space<semaphore_mem>>) {add = true}
      %ge3A_286 = arith.constant 2 : i32
      %ge3A_287 = arith.cmpi sge, %add3A_273, %ge3A_286 : i32
      %convert_element_type3A_288 = arith.extui %ge3A_287 : i1 to i32
      %cond3A_289 = arith.constant 0 : i32
      %cond3A_290 = arith.cmpi ne, %convert_element_type3A_288, %cond3A_289 : i32
      scf.if %cond3A_290 {
        %dma_wait3A_327 = arith.constant 0 : i32
        %dma_wait3A_328 = arith.constant 0 : i32
        %dma_wait3A_329 = tpu.memref_slice %arg7[%dma_wait3A_327, %dma_wait3A_328] : memref<32x128xi32, #tpu.memory_space<vmem>> -> memref<1x128xi32, #tpu.memory_space<vmem>>
        %dma_wait3A_330 = tpu.memref_squeeze %dma_wait3A_329 : memref<1x128xi32, #tpu.memory_space<vmem>> -> memref<128xi32, #tpu.memory_space<vmem>>
        %dma_wait3A_331 = arith.constant 0 : i32
        %dma_wait3A_332 = arith.constant 0 : i32
        %dma_wait3A_333 = tpu.memref_slice %arg13[%dma_wait3A_331, %dma_wait3A_332] : memref<10240x64xf32, #tpu.memory_space<vmem_shared>> -> memref<10240x64xf32, #tpu.memory_space<vmem_shared>>
        tpu.wait_indirect_dma semaphore(%arg14 : memref<!tpu.dma_semaphore, #tpu.memory_space<semaphore_mem>>) src(%arg8 : memref<128x64xf32, #tpu.memory_space<vmem>>) dst(%dma_wait3A_333 : memref<10240x64xf32, #tpu.memory_space<vmem_shared>>)
      } else {
      }
      %add3A_291 = arith.constant 2 : i32
      %add3A_292 = arith.addi %add3A_273, %add3A_291 : i32
      %lt3A_293 = arith.constant 32 : i32
      %lt3A_294 = arith.cmpi slt, %add3A_292, %lt3A_293 : i32
      %convert_element_type3A_295 = arith.extui %lt3A_294 : i1 to i32
      %cond3A_296 = arith.constant 0 : i32
      %cond3A_297 = arith.cmpi ne, %convert_element_type3A_295, %cond3A_296 : i32
      scf.if %cond3A_297 {
        %add3A_327 = arith.constant 2 : i32
        %add3A_328 = arith.addi %add3A_273, %add3A_327 : i32
        %dma_start3A_329 = arith.constant 0 : i32
        %dma_start3A_330 = tpu.memref_slice %arg6[%add3A_328, %dma_start3A_329] : memref<32x128xi32, #tpu.memory_space<vmem>> -> memref<1x128xi32, #tpu.memory_space<vmem>>
        %dma_start3A_331 = tpu.memref_squeeze %dma_start3A_330 : memref<1x128xi32, #tpu.memory_space<vmem>> -> memref<128xi32, #tpu.memory_space<vmem>>
        %dma_start3A_332 = arith.constant 0 : i32
        %dma_start3A_333 = arith.constant 0 : i32
        %dma_start3A_334 = tpu.memref_slice %arg12[%dma_start3A_332, %dma_start3A_333] : memref<10240x64xf32, #tpu.memory_space<vmem_shared>> -> memref<10240x64xf32, #tpu.memory_space<vmem_shared>>
        tpu.enqueue_indirect_dma source(%dma_start3A_334 : memref<10240x64xf32, #tpu.memory_space<vmem_shared>>) target(%arg8 : memref<128x64xf32, #tpu.memory_space<vmem>>) offsets(%dma_start3A_331 : memref<128xi32, #tpu.memory_space<vmem>>) semaphore(%arg14 : memref<!tpu.dma_semaphore, #tpu.memory_space<semaphore_mem>>)
      } else {
      }
      %mul3A_298 = arith.constant 4 : i32
      %mul3A_299 = arith.muli %scan3A_216, %mul3A_298 : i32
      %add3A_300 = arith.constant 3 : i32
      %add3A_301 = arith.addi %mul3A_299, %add3A_300 : i32
      %dma_wait3A_302 = arith.constant 0 : i32
      %dma_wait3A_303 = tpu.memref_slice %arg6[%add3A_301, %dma_wait3A_302] : memref<32x128xi32, #tpu.memory_space<vmem>> -> memref<1x128xi32, #tpu.memory_space<vmem>>
      %dma_wait3A_304 = tpu.memref_squeeze %dma_wait3A_303 : memref<1x128xi32, #tpu.memory_space<vmem>> -> memref<128xi32, #tpu.memory_space<vmem>>
      %dma_wait3A_305 = arith.constant 0 : i32
      %dma_wait3A_306 = arith.constant 0 : i32
      %dma_wait3A_307 = tpu.memref_slice %arg12[%dma_wait3A_305, %dma_wait3A_306] : memref<10240x64xf32, #tpu.memory_space<vmem_shared>> -> memref<10240x64xf32, #tpu.memory_space<vmem_shared>>
      tpu.wait_indirect_dma semaphore(%arg17 : memref<!tpu.dma_semaphore, #tpu.memory_space<semaphore_mem>>) src(%dma_wait3A_307 : memref<10240x64xf32, #tpu.memory_space<vmem_shared>>) dst(%arg11 : memref<128x64xf32, #tpu.memory_space<vmem>>)
      %dma_start3A_308 = arith.constant 0 : i32
      %dma_start3A_309 = tpu.memref_slice %arg7[%add3A_301, %dma_start3A_308] : memref<32x128xi32, #tpu.memory_space<vmem>> -> memref<1x128xi32, #tpu.memory_space<vmem>>
      %dma_start3A_310 = tpu.memref_squeeze %dma_start3A_309 : memref<1x128xi32, #tpu.memory_space<vmem>> -> memref<128xi32, #tpu.memory_space<vmem>>
      %dma_start3A_311 = arith.constant 0 : i32
      %dma_start3A_312 = arith.constant 0 : i32
      %dma_start3A_313 = tpu.memref_slice %arg13[%dma_start3A_311, %dma_start3A_312] : memref<10240x64xf32, #tpu.memory_space<vmem_shared>> -> memref<10240x64xf32, #tpu.memory_space<vmem_shared>>
      tpu.enqueue_indirect_dma source(%arg11 : memref<128x64xf32, #tpu.memory_space<vmem>>) target(%dma_start3A_313 : memref<10240x64xf32, #tpu.memory_space<vmem_shared>>) offsets(%dma_start3A_310 : memref<128xi32, #tpu.memory_space<vmem>>) semaphore(%arg17 : memref<!tpu.dma_semaphore, #tpu.memory_space<semaphore_mem>>) {add = true}
      %ge3A_314 = arith.constant 2 : i32
      %ge3A_315 = arith.cmpi sge, %add3A_301, %ge3A_314 : i32
      %convert_element_type3A_316 = arith.extui %ge3A_315 : i1 to i32
      %cond3A_317 = arith.constant 0 : i32
      %cond3A_318 = arith.cmpi ne, %convert_element_type3A_316, %cond3A_317 : i32
      scf.if %cond3A_318 {
        %dma_wait3A_327 = arith.constant 0 : i32
        %dma_wait3A_328 = arith.constant 0 : i32
        %dma_wait3A_329 = tpu.memref_slice %arg7[%dma_wait3A_327, %dma_wait3A_328] : memref<32x128xi32, #tpu.memory_space<vmem>> -> memref<1x128xi32, #tpu.memory_space<vmem>>
        %dma_wait3A_330 = tpu.memref_squeeze %dma_wait3A_329 : memref<1x128xi32, #tpu.memory_space<vmem>> -> memref<128xi32, #tpu.memory_space<vmem>>
        %dma_wait3A_331 = arith.constant 0 : i32
        %dma_wait3A_332 = arith.constant 0 : i32
        %dma_wait3A_333 = tpu.memref_slice %arg13[%dma_wait3A_331, %dma_wait3A_332] : memref<10240x64xf32, #tpu.memory_space<vmem_shared>> -> memref<10240x64xf32, #tpu.memory_space<vmem_shared>>
        tpu.wait_indirect_dma semaphore(%arg15 : memref<!tpu.dma_semaphore, #tpu.memory_space<semaphore_mem>>) src(%arg9 : memref<128x64xf32, #tpu.memory_space<vmem>>) dst(%dma_wait3A_333 : memref<10240x64xf32, #tpu.memory_space<vmem_shared>>)
      } else {
      }
      %add3A_319 = arith.constant 2 : i32
      %add3A_320 = arith.addi %add3A_301, %add3A_319 : i32
      %lt3A_321 = arith.constant 32 : i32
      %lt3A_322 = arith.cmpi slt, %add3A_320, %lt3A_321 : i32
      %convert_element_type3A_323 = arith.extui %lt3A_322 : i1 to i32
      %cond3A_324 = arith.constant 0 : i32
      %cond3A_325 = arith.cmpi ne, %convert_element_type3A_323, %cond3A_324 : i32
      scf.if %cond3A_325 {
        %add3A_327 = arith.constant 2 : i32
        %add3A_328 = arith.addi %add3A_301, %add3A_327 : i32
        %dma_start3A_329 = arith.constant 0 : i32
        %dma_start3A_330 = tpu.memref_slice %arg6[%add3A_328, %dma_start3A_329] : memref<32x128xi32, #tpu.memory_space<vmem>> -> memref<1x128xi32, #tpu.memory_space<vmem>>
        %dma_start3A_331 = tpu.memref_squeeze %dma_start3A_330 : memref<1x128xi32, #tpu.memory_space<vmem>> -> memref<128xi32, #tpu.memory_space<vmem>>
        %dma_start3A_332 = arith.constant 0 : i32
        %dma_start3A_333 = arith.constant 0 : i32
        %dma_start3A_334 = tpu.memref_slice %arg12[%dma_start3A_332, %dma_start3A_333] : memref<10240x64xf32, #tpu.memory_space<vmem_shared>> -> memref<10240x64xf32, #tpu.memory_space<vmem_shared>>
        tpu.enqueue_indirect_dma source(%dma_start3A_334 : memref<10240x64xf32, #tpu.memory_space<vmem_shared>>) target(%arg9 : memref<128x64xf32, #tpu.memory_space<vmem>>) offsets(%dma_start3A_331 : memref<128xi32, #tpu.memory_space<vmem>>) semaphore(%arg15 : memref<!tpu.dma_semaphore, #tpu.memory_space<semaphore_mem>>)
      } else {
      }
      %scan3A_326 = arith.constant 0 : i32
      scf.yield %scan3A_326 : i32
    }
    %scan3A_157 = arith.constant 8 : i32
    %dma_wait3A_158 = arith.constant 0 : i32
    %dma_wait3A_159 = arith.constant 0 : i32
    %dma_wait3A_160 = tpu.memref_slice %arg7[%dma_wait3A_158, %dma_wait3A_159] : memref<32x128xi32, #tpu.memory_space<vmem>> -> memref<1x128xi32, #tpu.memory_space<vmem>>
    %dma_wait3A_161 = tpu.memref_squeeze %dma_wait3A_160 : memref<1x128xi32, #tpu.memory_space<vmem>> -> memref<128xi32, #tpu.memory_space<vmem>>
    %dma_wait3A_162 = arith.constant 0 : i32
    %dma_wait3A_163 = arith.constant 0 : i32
    %dma_wait3A_164 = tpu.memref_slice %arg13[%dma_wait3A_162, %dma_wait3A_163] : memref<10240x64xf32, #tpu.memory_space<vmem_shared>> -> memref<10240x64xf32, #tpu.memory_space<vmem_shared>>
    tpu.wait_indirect_dma semaphore(%arg16 : memref<!tpu.dma_semaphore, #tpu.memory_space<semaphore_mem>>) src(%arg10 : memref<128x64xf32, #tpu.memory_space<vmem>>) dst(%dma_wait3A_164 : memref<10240x64xf32, #tpu.memory_space<vmem_shared>>)
    %dma_wait3A_165 = arith.constant 0 : i32
    %dma_wait3A_166 = arith.constant 0 : i32
    %dma_wait3A_167 = tpu.memref_slice %arg7[%dma_wait3A_165, %dma_wait3A_166] : memref<32x128xi32, #tpu.memory_space<vmem>> -> memref<1x128xi32, #tpu.memory_space<vmem>>
    %dma_wait3A_168 = tpu.memref_squeeze %dma_wait3A_167 : memref<1x128xi32, #tpu.memory_space<vmem>> -> memref<128xi32, #tpu.memory_space<vmem>>
    %dma_wait3A_169 = arith.constant 0 : i32
    %dma_wait3A_170 = arith.constant 0 : i32
    %dma_wait3A_171 = tpu.memref_slice %arg13[%dma_wait3A_169, %dma_wait3A_170] : memref<10240x64xf32, #tpu.memory_space<vmem_shared>> -> memref<10240x64xf32, #tpu.memory_space<vmem_shared>>
    tpu.wait_indirect_dma semaphore(%arg17 : memref<!tpu.dma_semaphore, #tpu.memory_space<semaphore_mem>>) src(%arg11 : memref<128x64xf32, #tpu.memory_space<vmem>>) dst(%dma_wait3A_171 : memref<10240x64xf32, #tpu.memory_space<vmem_shared>>)
    %add3A_172 = arith.constant 128 : i32
    %add3A_173 = arith.addi %mul3A_18, %add3A_172 : i32
    "tpu.region"() ({
      %run_scoped3A = tpu.sem_alloc : memref<!tpu.dma_semaphore, #tpu.memory_space<semaphore_mem>>
      %dma_start3A_216 = arith.constant 0 : i32
      %dma_start3A_217 = tpu.memref_slice %arg3[%add3A_173, %dma_start3A_216] : memref<2560x128xi32, #tpu.memory_space<hbm>> -> memref<32x128xi32, #tpu.memory_space<hbm>>
      %dma_start3A_218 = arith.constant 0 : i32
      %dma_start3A_219 = tpu.memref_slice %arg3[%add3A_173, %dma_start3A_218] : memref<2560x128xi32, #tpu.memory_space<hbm>> -> memref<32x128xi32, #tpu.memory_space<hbm>>
      tpu.enqueue_dma source(%dma_start3A_219 : memref<32x128xi32, #tpu.memory_space<hbm>>) target(%arg6 : memref<32x128xi32, #tpu.memory_space<vmem>>) target_semaphore(%run_scoped3A : memref<!tpu.dma_semaphore, #tpu.memory_space<semaphore_mem>>)
      %dma_wait3A_220 = arith.constant 0 : i32
      %dma_wait3A_221 = tpu.memref_slice %arg3[%add3A_173, %dma_wait3A_220] : memref<2560x128xi32, #tpu.memory_space<hbm>> -> memref<32x128xi32, #tpu.memory_space<hbm>>
      %dma_wait3A_222 = arith.constant 0 : i32
      %dma_wait3A_223 = tpu.memref_slice %arg3[%add3A_173, %dma_wait3A_222] : memref<2560x128xi32, #tpu.memory_space<hbm>> -> memref<32x128xi32, #tpu.memory_space<hbm>>
      tpu.wait_dma2 semaphore(%run_scoped3A : memref<!tpu.dma_semaphore, #tpu.memory_space<semaphore_mem>>) src(%dma_wait3A_223 : memref<32x128xi32, #tpu.memory_space<hbm>>) dst(%arg6 : memref<32x128xi32, #tpu.memory_space<vmem>>)
      tpu.yield
    }) : () -> ()
    %add3A_174 = arith.constant 128 : i32
    %add3A_175 = arith.addi %mul3A_18, %add3A_174 : i32
    "tpu.region"() ({
      %run_scoped3A = tpu.sem_alloc : memref<!tpu.dma_semaphore, #tpu.memory_space<semaphore_mem>>
      %dma_start3A_216 = arith.constant 0 : i32
      %dma_start3A_217 = tpu.memref_slice %arg4[%add3A_175, %dma_start3A_216] : memref<2560x128xi32, #tpu.memory_space<hbm>> -> memref<32x128xi32, #tpu.memory_space<hbm>>
      %dma_start3A_218 = arith.constant 0 : i32
      %dma_start3A_219 = tpu.memref_slice %arg4[%add3A_175, %dma_start3A_218] : memref<2560x128xi32, #tpu.memory_space<hbm>> -> memref<32x128xi32, #tpu.memory_space<hbm>>
      tpu.enqueue_dma source(%dma_start3A_219 : memref<32x128xi32, #tpu.memory_space<hbm>>) target(%arg7 : memref<32x128xi32, #tpu.memory_space<vmem>>) target_semaphore(%run_scoped3A : memref<!tpu.dma_semaphore, #tpu.memory_space<semaphore_mem>>)
      %dma_wait3A_220 = arith.constant 0 : i32
      %dma_wait3A_221 = tpu.memref_slice %arg4[%add3A_175, %dma_wait3A_220] : memref<2560x128xi32, #tpu.memory_space<hbm>> -> memref<32x128xi32, #tpu.memory_space<hbm>>
      %dma_wait3A_222 = arith.constant 0 : i32
      %dma_wait3A_223 = tpu.memref_slice %arg4[%add3A_175, %dma_wait3A_222] : memref<2560x128xi32, #tpu.memory_space<hbm>> -> memref<32x128xi32, #tpu.memory_space<hbm>>
      tpu.wait_dma2 semaphore(%run_scoped3A : memref<!tpu.dma_semaphore, #tpu.memory_space<semaphore_mem>>) src(%dma_wait3A_223 : memref<32x128xi32, #tpu.memory_space<hbm>>) dst(%arg7 : memref<32x128xi32, #tpu.memory_space<vmem>>)
      tpu.yield
    }) : () -> ()
    %dma_start3A_176 = arith.constant 0 : i32
    %dma_start3A_177 = arith.constant 0 : i32
    %dma_start3A_178 = tpu.memref_slice %arg6[%dma_start3A_176, %dma_start3A_177] : memref<32x128xi32, #tpu.memory_space<vmem>> -> memref<1x128xi32, #tpu.memory_space<vmem>>
    %dma_start3A_179 = tpu.memref_squeeze %dma_start3A_178 : memref<1x128xi32, #tpu.memory_space<vmem>> -> memref<128xi32, #tpu.memory_space<vmem>>
    %dma_start3A_180 = arith.constant 0 : i32
    %dma_start3A_181 = arith.constant 0 : i32
    %dma_start3A_182 = tpu.memref_slice %arg12[%dma_start3A_180, %dma_start3A_181] : memref<10240x64xf32, #tpu.memory_space<vmem_shared>> -> memref<10240x64xf32, #tpu.memory_space<vmem_shared>>
    tpu.enqueue_indirect_dma source(%dma_start3A_182 : memref<10240x64xf32, #tpu.memory_space<vmem_shared>>) target(%arg8 : memref<128x64xf32, #tpu.memory_space<vmem>>) offsets(%dma_start3A_179 : memref<128xi32, #tpu.memory_space<vmem>>) semaphore(%arg14 : memref<!tpu.dma_semaphore, #tpu.memory_space<semaphore_mem>>)
    %dma_start3A_183 = arith.constant 1 : i32
    %dma_start3A_184 = arith.constant 0 : i32
    %dma_start3A_185 = tpu.memref_slice %arg6[%dma_start3A_183, %dma_start3A_184] : memref<32x128xi32, #tpu.memory_space<vmem>> -> memref<1x128xi32, #tpu.memory_space<vmem>>
    %dma_start3A_186 = tpu.memref_squeeze %dma_start3A_185 : memref<1x128xi32, #tpu.memory_space<vmem>> -> memref<128xi32, #tpu.memory_space<vmem>>
    %dma_start3A_187 = arith.constant 0 : i32
    %dma_start3A_188 = arith.constant 0 : i32
    %dma_start3A_189 = tpu.memref_slice %arg12[%dma_start3A_187, %dma_start3A_188] : memref<10240x64xf32, #tpu.memory_space<vmem_shared>> -> memref<10240x64xf32, #tpu.memory_space<vmem_shared>>
    tpu.enqueue_indirect_dma source(%dma_start3A_189 : memref<10240x64xf32, #tpu.memory_space<vmem_shared>>) target(%arg9 : memref<128x64xf32, #tpu.memory_space<vmem>>) offsets(%dma_start3A_186 : memref<128xi32, #tpu.memory_space<vmem>>) semaphore(%arg15 : memref<!tpu.dma_semaphore, #tpu.memory_space<semaphore_mem>>)
    %scan3A_190 = arith.constant 0 : i32
    %scan3A_191 = arith.constant 0 : i32
    %scan3A_192 = arith.constant 8 : i32
    %scan3A_193 = arith.addi %scan3A_191, %scan3A_192 : i32
    %scan3A_194 = arith.constant 1 : i32
    %scan3A_195 = scf.for %scan3A_216 = %scan3A_191 to %scan3A_193 step %scan3A_194 iter_args(%scan3A_217 = %scan3A_190) -> (i32)  : i32 {
      %mul3A_218 = arith.constant 4 : i32
      %mul3A_219 = arith.muli %scan3A_216, %mul3A_218 : i32
      %add3A_220 = arith.constant 0 : i32
      %add3A_221 = arith.addi %mul3A_219, %add3A_220 : i32
      %dma_wait3A_222 = arith.constant 0 : i32
      %dma_wait3A_223 = tpu.memref_slice %arg6[%add3A_221, %dma_wait3A_222] : memref<32x128xi32, #tpu.memory_space<vmem>> -> memref<1x128xi32, #tpu.memory_space<vmem>>
      %dma_wait3A_224 = tpu.memref_squeeze %dma_wait3A_223 : memref<1x128xi32, #tpu.memory_space<vmem>> -> memref<128xi32, #tpu.memory_space<vmem>>
      %dma_wait3A_225 = arith.constant 0 : i32
      %dma_wait3A_226 = arith.constant 0 : i32
      %dma_wait3A_227 = tpu.memref_slice %arg12[%dma_wait3A_225, %dma_wait3A_226] : memref<10240x64xf32, #tpu.memory_space<vmem_shared>> -> memref<10240x64xf32, #tpu.memory_space<vmem_shared>>
      tpu.wait_indirect_dma semaphore(%arg14 : memref<!tpu.dma_semaphore, #tpu.memory_space<semaphore_mem>>) src(%dma_wait3A_227 : memref<10240x64xf32, #tpu.memory_space<vmem_shared>>) dst(%arg8 : memref<128x64xf32, #tpu.memory_space<vmem>>)
      %dma_start3A_228 = arith.constant 0 : i32
      %dma_start3A_229 = tpu.memref_slice %arg7[%add3A_221, %dma_start3A_228] : memref<32x128xi32, #tpu.memory_space<vmem>> -> memref<1x128xi32, #tpu.memory_space<vmem>>
      %dma_start3A_230 = tpu.memref_squeeze %dma_start3A_229 : memref<1x128xi32, #tpu.memory_space<vmem>> -> memref<128xi32, #tpu.memory_space<vmem>>
      %dma_start3A_231 = arith.constant 0 : i32
      %dma_start3A_232 = arith.constant 0 : i32
      %dma_start3A_233 = tpu.memref_slice %arg13[%dma_start3A_231, %dma_start3A_232] : memref<10240x64xf32, #tpu.memory_space<vmem_shared>> -> memref<10240x64xf32, #tpu.memory_space<vmem_shared>>
      tpu.enqueue_indirect_dma source(%arg8 : memref<128x64xf32, #tpu.memory_space<vmem>>) target(%dma_start3A_233 : memref<10240x64xf32, #tpu.memory_space<vmem_shared>>) offsets(%dma_start3A_230 : memref<128xi32, #tpu.memory_space<vmem>>) semaphore(%arg14 : memref<!tpu.dma_semaphore, #tpu.memory_space<semaphore_mem>>) {add = true}
      %ge3A = arith.constant 2 : i32
      %ge3A_234 = arith.cmpi sge, %add3A_221, %ge3A : i32
      %convert_element_type3A = arith.extui %ge3A_234 : i1 to i32
      %cond3A = arith.constant 0 : i32
      %cond3A_235 = arith.cmpi ne, %convert_element_type3A, %cond3A : i32
      scf.if %cond3A_235 {
        %dma_wait3A_327 = arith.constant 0 : i32
        %dma_wait3A_328 = arith.constant 0 : i32
        %dma_wait3A_329 = tpu.memref_slice %arg7[%dma_wait3A_327, %dma_wait3A_328] : memref<32x128xi32, #tpu.memory_space<vmem>> -> memref<1x128xi32, #tpu.memory_space<vmem>>
        %dma_wait3A_330 = tpu.memref_squeeze %dma_wait3A_329 : memref<1x128xi32, #tpu.memory_space<vmem>> -> memref<128xi32, #tpu.memory_space<vmem>>
        %dma_wait3A_331 = arith.constant 0 : i32
        %dma_wait3A_332 = arith.constant 0 : i32
        %dma_wait3A_333 = tpu.memref_slice %arg13[%dma_wait3A_331, %dma_wait3A_332] : memref<10240x64xf32, #tpu.memory_space<vmem_shared>> -> memref<10240x64xf32, #tpu.memory_space<vmem_shared>>
        tpu.wait_indirect_dma semaphore(%arg16 : memref<!tpu.dma_semaphore, #tpu.memory_space<semaphore_mem>>) src(%arg10 : memref<128x64xf32, #tpu.memory_space<vmem>>) dst(%dma_wait3A_333 : memref<10240x64xf32, #tpu.memory_space<vmem_shared>>)
      } else {
      }
      %add3A_236 = arith.constant 2 : i32
      %add3A_237 = arith.addi %add3A_221, %add3A_236 : i32
      %lt3A = arith.constant 32 : i32
      %lt3A_238 = arith.cmpi slt, %add3A_237, %lt3A : i32
      %convert_element_type3A_239 = arith.extui %lt3A_238 : i1 to i32
      %cond3A_240 = arith.constant 0 : i32
      %cond3A_241 = arith.cmpi ne, %convert_element_type3A_239, %cond3A_240 : i32
      scf.if %cond3A_241 {
        %add3A_327 = arith.constant 2 : i32
        %add3A_328 = arith.addi %add3A_221, %add3A_327 : i32
        %dma_start3A_329 = arith.constant 0 : i32
        %dma_start3A_330 = tpu.memref_slice %arg6[%add3A_328, %dma_start3A_329] : memref<32x128xi32, #tpu.memory_space<vmem>> -> memref<1x128xi32, #tpu.memory_space<vmem>>
        %dma_start3A_331 = tpu.memref_squeeze %dma_start3A_330 : memref<1x128xi32, #tpu.memory_space<vmem>> -> memref<128xi32, #tpu.memory_space<vmem>>
        %dma_start3A_332 = arith.constant 0 : i32
        %dma_start3A_333 = arith.constant 0 : i32
        %dma_start3A_334 = tpu.memref_slice %arg12[%dma_start3A_332, %dma_start3A_333] : memref<10240x64xf32, #tpu.memory_space<vmem_shared>> -> memref<10240x64xf32, #tpu.memory_space<vmem_shared>>
        tpu.enqueue_indirect_dma source(%dma_start3A_334 : memref<10240x64xf32, #tpu.memory_space<vmem_shared>>) target(%arg10 : memref<128x64xf32, #tpu.memory_space<vmem>>) offsets(%dma_start3A_331 : memref<128xi32, #tpu.memory_space<vmem>>) semaphore(%arg16 : memref<!tpu.dma_semaphore, #tpu.memory_space<semaphore_mem>>)
      } else {
      }
      %mul3A_242 = arith.constant 4 : i32
      %mul3A_243 = arith.muli %scan3A_216, %mul3A_242 : i32
      %add3A_244 = arith.constant 1 : i32
      %add3A_245 = arith.addi %mul3A_243, %add3A_244 : i32
      %dma_wait3A_246 = arith.constant 0 : i32
      %dma_wait3A_247 = tpu.memref_slice %arg6[%add3A_245, %dma_wait3A_246] : memref<32x128xi32, #tpu.memory_space<vmem>> -> memref<1x128xi32, #tpu.memory_space<vmem>>
      %dma_wait3A_248 = tpu.memref_squeeze %dma_wait3A_247 : memref<1x128xi32, #tpu.memory_space<vmem>> -> memref<128xi32, #tpu.memory_space<vmem>>
      %dma_wait3A_249 = arith.constant 0 : i32
      %dma_wait3A_250 = arith.constant 0 : i32
      %dma_wait3A_251 = tpu.memref_slice %arg12[%dma_wait3A_249, %dma_wait3A_250] : memref<10240x64xf32, #tpu.memory_space<vmem_shared>> -> memref<10240x64xf32, #tpu.memory_space<vmem_shared>>
      tpu.wait_indirect_dma semaphore(%arg15 : memref<!tpu.dma_semaphore, #tpu.memory_space<semaphore_mem>>) src(%dma_wait3A_251 : memref<10240x64xf32, #tpu.memory_space<vmem_shared>>) dst(%arg9 : memref<128x64xf32, #tpu.memory_space<vmem>>)
      %dma_start3A_252 = arith.constant 0 : i32
      %dma_start3A_253 = tpu.memref_slice %arg7[%add3A_245, %dma_start3A_252] : memref<32x128xi32, #tpu.memory_space<vmem>> -> memref<1x128xi32, #tpu.memory_space<vmem>>
      %dma_start3A_254 = tpu.memref_squeeze %dma_start3A_253 : memref<1x128xi32, #tpu.memory_space<vmem>> -> memref<128xi32, #tpu.memory_space<vmem>>
      %dma_start3A_255 = arith.constant 0 : i32
      %dma_start3A_256 = arith.constant 0 : i32
      %dma_start3A_257 = tpu.memref_slice %arg13[%dma_start3A_255, %dma_start3A_256] : memref<10240x64xf32, #tpu.memory_space<vmem_shared>> -> memref<10240x64xf32, #tpu.memory_space<vmem_shared>>
      tpu.enqueue_indirect_dma source(%arg9 : memref<128x64xf32, #tpu.memory_space<vmem>>) target(%dma_start3A_257 : memref<10240x64xf32, #tpu.memory_space<vmem_shared>>) offsets(%dma_start3A_254 : memref<128xi32, #tpu.memory_space<vmem>>) semaphore(%arg15 : memref<!tpu.dma_semaphore, #tpu.memory_space<semaphore_mem>>) {add = true}
      %ge3A_258 = arith.constant 2 : i32
      %ge3A_259 = arith.cmpi sge, %add3A_245, %ge3A_258 : i32
      %convert_element_type3A_260 = arith.extui %ge3A_259 : i1 to i32
      %cond3A_261 = arith.constant 0 : i32
      %cond3A_262 = arith.cmpi ne, %convert_element_type3A_260, %cond3A_261 : i32
      scf.if %cond3A_262 {
        %dma_wait3A_327 = arith.constant 0 : i32
        %dma_wait3A_328 = arith.constant 0 : i32
        %dma_wait3A_329 = tpu.memref_slice %arg7[%dma_wait3A_327, %dma_wait3A_328] : memref<32x128xi32, #tpu.memory_space<vmem>> -> memref<1x128xi32, #tpu.memory_space<vmem>>
        %dma_wait3A_330 = tpu.memref_squeeze %dma_wait3A_329 : memref<1x128xi32, #tpu.memory_space<vmem>> -> memref<128xi32, #tpu.memory_space<vmem>>
        %dma_wait3A_331 = arith.constant 0 : i32
        %dma_wait3A_332 = arith.constant 0 : i32
        %dma_wait3A_333 = tpu.memref_slice %arg13[%dma_wait3A_331, %dma_wait3A_332] : memref<10240x64xf32, #tpu.memory_space<vmem_shared>> -> memref<10240x64xf32, #tpu.memory_space<vmem_shared>>
        tpu.wait_indirect_dma semaphore(%arg17 : memref<!tpu.dma_semaphore, #tpu.memory_space<semaphore_mem>>) src(%arg11 : memref<128x64xf32, #tpu.memory_space<vmem>>) dst(%dma_wait3A_333 : memref<10240x64xf32, #tpu.memory_space<vmem_shared>>)
      } else {
      }
      %add3A_263 = arith.constant 2 : i32
      %add3A_264 = arith.addi %add3A_245, %add3A_263 : i32
      %lt3A_265 = arith.constant 32 : i32
      %lt3A_266 = arith.cmpi slt, %add3A_264, %lt3A_265 : i32
      %convert_element_type3A_267 = arith.extui %lt3A_266 : i1 to i32
      %cond3A_268 = arith.constant 0 : i32
      %cond3A_269 = arith.cmpi ne, %convert_element_type3A_267, %cond3A_268 : i32
      scf.if %cond3A_269 {
        %add3A_327 = arith.constant 2 : i32
        %add3A_328 = arith.addi %add3A_245, %add3A_327 : i32
        %dma_start3A_329 = arith.constant 0 : i32
        %dma_start3A_330 = tpu.memref_slice %arg6[%add3A_328, %dma_start3A_329] : memref<32x128xi32, #tpu.memory_space<vmem>> -> memref<1x128xi32, #tpu.memory_space<vmem>>
        %dma_start3A_331 = tpu.memref_squeeze %dma_start3A_330 : memref<1x128xi32, #tpu.memory_space<vmem>> -> memref<128xi32, #tpu.memory_space<vmem>>
        %dma_start3A_332 = arith.constant 0 : i32
        %dma_start3A_333 = arith.constant 0 : i32
        %dma_start3A_334 = tpu.memref_slice %arg12[%dma_start3A_332, %dma_start3A_333] : memref<10240x64xf32, #tpu.memory_space<vmem_shared>> -> memref<10240x64xf32, #tpu.memory_space<vmem_shared>>
        tpu.enqueue_indirect_dma source(%dma_start3A_334 : memref<10240x64xf32, #tpu.memory_space<vmem_shared>>) target(%arg11 : memref<128x64xf32, #tpu.memory_space<vmem>>) offsets(%dma_start3A_331 : memref<128xi32, #tpu.memory_space<vmem>>) semaphore(%arg17 : memref<!tpu.dma_semaphore, #tpu.memory_space<semaphore_mem>>)
      } else {
      }
      %mul3A_270 = arith.constant 4 : i32
      %mul3A_271 = arith.muli %scan3A_216, %mul3A_270 : i32
      %add3A_272 = arith.constant 2 : i32
      %add3A_273 = arith.addi %mul3A_271, %add3A_272 : i32
      %dma_wait3A_274 = arith.constant 0 : i32
      %dma_wait3A_275 = tpu.memref_slice %arg6[%add3A_273, %dma_wait3A_274] : memref<32x128xi32, #tpu.memory_space<vmem>> -> memref<1x128xi32, #tpu.memory_space<vmem>>
      %dma_wait3A_276 = tpu.memref_squeeze %dma_wait3A_275 : memref<1x128xi32, #tpu.memory_space<vmem>> -> memref<128xi32, #tpu.memory_space<vmem>>
      %dma_wait3A_277 = arith.constant 0 : i32
      %dma_wait3A_278 = arith.constant 0 : i32
      %dma_wait3A_279 = tpu.memref_slice %arg12[%dma_wait3A_277, %dma_wait3A_278] : memref<10240x64xf32, #tpu.memory_space<vmem_shared>> -> memref<10240x64xf32, #tpu.memory_space<vmem_shared>>
      tpu.wait_indirect_dma semaphore(%arg16 : memref<!tpu.dma_semaphore, #tpu.memory_space<semaphore_mem>>) src(%dma_wait3A_279 : memref<10240x64xf32, #tpu.memory_space<vmem_shared>>) dst(%arg10 : memref<128x64xf32, #tpu.memory_space<vmem>>)
      %dma_start3A_280 = arith.constant 0 : i32
      %dma_start3A_281 = tpu.memref_slice %arg7[%add3A_273, %dma_start3A_280] : memref<32x128xi32, #tpu.memory_space<vmem>> -> memref<1x128xi32, #tpu.memory_space<vmem>>
      %dma_start3A_282 = tpu.memref_squeeze %dma_start3A_281 : memref<1x128xi32, #tpu.memory_space<vmem>> -> memref<128xi32, #tpu.memory_space<vmem>>
      %dma_start3A_283 = arith.constant 0 : i32
      %dma_start3A_284 = arith.constant 0 : i32
      %dma_start3A_285 = tpu.memref_slice %arg13[%dma_start3A_283, %dma_start3A_284] : memref<10240x64xf32, #tpu.memory_space<vmem_shared>> -> memref<10240x64xf32, #tpu.memory_space<vmem_shared>>
      tpu.enqueue_indirect_dma source(%arg10 : memref<128x64xf32, #tpu.memory_space<vmem>>) target(%dma_start3A_285 : memref<10240x64xf32, #tpu.memory_space<vmem_shared>>) offsets(%dma_start3A_282 : memref<128xi32, #tpu.memory_space<vmem>>) semaphore(%arg16 : memref<!tpu.dma_semaphore, #tpu.memory_space<semaphore_mem>>) {add = true}
      %ge3A_286 = arith.constant 2 : i32
      %ge3A_287 = arith.cmpi sge, %add3A_273, %ge3A_286 : i32
      %convert_element_type3A_288 = arith.extui %ge3A_287 : i1 to i32
      %cond3A_289 = arith.constant 0 : i32
      %cond3A_290 = arith.cmpi ne, %convert_element_type3A_288, %cond3A_289 : i32
      scf.if %cond3A_290 {
        %dma_wait3A_327 = arith.constant 0 : i32
        %dma_wait3A_328 = arith.constant 0 : i32
        %dma_wait3A_329 = tpu.memref_slice %arg7[%dma_wait3A_327, %dma_wait3A_328] : memref<32x128xi32, #tpu.memory_space<vmem>> -> memref<1x128xi32, #tpu.memory_space<vmem>>
        %dma_wait3A_330 = tpu.memref_squeeze %dma_wait3A_329 : memref<1x128xi32, #tpu.memory_space<vmem>> -> memref<128xi32, #tpu.memory_space<vmem>>
        %dma_wait3A_331 = arith.constant 0 : i32
        %dma_wait3A_332 = arith.constant 0 : i32
        %dma_wait3A_333 = tpu.memref_slice %arg13[%dma_wait3A_331, %dma_wait3A_332] : memref<10240x64xf32, #tpu.memory_space<vmem_shared>> -> memref<10240x64xf32, #tpu.memory_space<vmem_shared>>
        tpu.wait_indirect_dma semaphore(%arg14 : memref<!tpu.dma_semaphore, #tpu.memory_space<semaphore_mem>>) src(%arg8 : memref<128x64xf32, #tpu.memory_space<vmem>>) dst(%dma_wait3A_333 : memref<10240x64xf32, #tpu.memory_space<vmem_shared>>)
      } else {
      }
      %add3A_291 = arith.constant 2 : i32
      %add3A_292 = arith.addi %add3A_273, %add3A_291 : i32
      %lt3A_293 = arith.constant 32 : i32
      %lt3A_294 = arith.cmpi slt, %add3A_292, %lt3A_293 : i32
      %convert_element_type3A_295 = arith.extui %lt3A_294 : i1 to i32
      %cond3A_296 = arith.constant 0 : i32
      %cond3A_297 = arith.cmpi ne, %convert_element_type3A_295, %cond3A_296 : i32
      scf.if %cond3A_297 {
        %add3A_327 = arith.constant 2 : i32
        %add3A_328 = arith.addi %add3A_273, %add3A_327 : i32
        %dma_start3A_329 = arith.constant 0 : i32
        %dma_start3A_330 = tpu.memref_slice %arg6[%add3A_328, %dma_start3A_329] : memref<32x128xi32, #tpu.memory_space<vmem>> -> memref<1x128xi32, #tpu.memory_space<vmem>>
        %dma_start3A_331 = tpu.memref_squeeze %dma_start3A_330 : memref<1x128xi32, #tpu.memory_space<vmem>> -> memref<128xi32, #tpu.memory_space<vmem>>
        %dma_start3A_332 = arith.constant 0 : i32
        %dma_start3A_333 = arith.constant 0 : i32
        %dma_start3A_334 = tpu.memref_slice %arg12[%dma_start3A_332, %dma_start3A_333] : memref<10240x64xf32, #tpu.memory_space<vmem_shared>> -> memref<10240x64xf32, #tpu.memory_space<vmem_shared>>
        tpu.enqueue_indirect_dma source(%dma_start3A_334 : memref<10240x64xf32, #tpu.memory_space<vmem_shared>>) target(%arg8 : memref<128x64xf32, #tpu.memory_space<vmem>>) offsets(%dma_start3A_331 : memref<128xi32, #tpu.memory_space<vmem>>) semaphore(%arg14 : memref<!tpu.dma_semaphore, #tpu.memory_space<semaphore_mem>>)
      } else {
      }
      %mul3A_298 = arith.constant 4 : i32
      %mul3A_299 = arith.muli %scan3A_216, %mul3A_298 : i32
      %add3A_300 = arith.constant 3 : i32
      %add3A_301 = arith.addi %mul3A_299, %add3A_300 : i32
      %dma_wait3A_302 = arith.constant 0 : i32
      %dma_wait3A_303 = tpu.memref_slice %arg6[%add3A_301, %dma_wait3A_302] : memref<32x128xi32, #tpu.memory_space<vmem>> -> memref<1x128xi32, #tpu.memory_space<vmem>>
      %dma_wait3A_304 = tpu.memref_squeeze %dma_wait3A_303 : memref<1x128xi32, #tpu.memory_space<vmem>> -> memref<128xi32, #tpu.memory_space<vmem>>
      %dma_wait3A_305 = arith.constant 0 : i32
      %dma_wait3A_306 = arith.constant 0 : i32
      %dma_wait3A_307 = tpu.memref_slice %arg12[%dma_wait3A_305, %dma_wait3A_306] : memref<10240x64xf32, #tpu.memory_space<vmem_shared>> -> memref<10240x64xf32, #tpu.memory_space<vmem_shared>>
      tpu.wait_indirect_dma semaphore(%arg17 : memref<!tpu.dma_semaphore, #tpu.memory_space<semaphore_mem>>) src(%dma_wait3A_307 : memref<10240x64xf32, #tpu.memory_space<vmem_shared>>) dst(%arg11 : memref<128x64xf32, #tpu.memory_space<vmem>>)
      %dma_start3A_308 = arith.constant 0 : i32
      %dma_start3A_309 = tpu.memref_slice %arg7[%add3A_301, %dma_start3A_308] : memref<32x128xi32, #tpu.memory_space<vmem>> -> memref<1x128xi32, #tpu.memory_space<vmem>>
      %dma_start3A_310 = tpu.memref_squeeze %dma_start3A_309 : memref<1x128xi32, #tpu.memory_space<vmem>> -> memref<128xi32, #tpu.memory_space<vmem>>
      %dma_start3A_311 = arith.constant 0 : i32
      %dma_start3A_312 = arith.constant 0 : i32
      %dma_start3A_313 = tpu.memref_slice %arg13[%dma_start3A_311, %dma_start3A_312] : memref<10240x64xf32, #tpu.memory_space<vmem_shared>> -> memref<10240x64xf32, #tpu.memory_space<vmem_shared>>
      tpu.enqueue_indirect_dma source(%arg11 : memref<128x64xf32, #tpu.memory_space<vmem>>) target(%dma_start3A_313 : memref<10240x64xf32, #tpu.memory_space<vmem_shared>>) offsets(%dma_start3A_310 : memref<128xi32, #tpu.memory_space<vmem>>) semaphore(%arg17 : memref<!tpu.dma_semaphore, #tpu.memory_space<semaphore_mem>>) {add = true}
      %ge3A_314 = arith.constant 2 : i32
      %ge3A_315 = arith.cmpi sge, %add3A_301, %ge3A_314 : i32
      %convert_element_type3A_316 = arith.extui %ge3A_315 : i1 to i32
      %cond3A_317 = arith.constant 0 : i32
      %cond3A_318 = arith.cmpi ne, %convert_element_type3A_316, %cond3A_317 : i32
      scf.if %cond3A_318 {
        %dma_wait3A_327 = arith.constant 0 : i32
        %dma_wait3A_328 = arith.constant 0 : i32
        %dma_wait3A_329 = tpu.memref_slice %arg7[%dma_wait3A_327, %dma_wait3A_328] : memref<32x128xi32, #tpu.memory_space<vmem>> -> memref<1x128xi32, #tpu.memory_space<vmem>>
        %dma_wait3A_330 = tpu.memref_squeeze %dma_wait3A_329 : memref<1x128xi32, #tpu.memory_space<vmem>> -> memref<128xi32, #tpu.memory_space<vmem>>
        %dma_wait3A_331 = arith.constant 0 : i32
        %dma_wait3A_332 = arith.constant 0 : i32
        %dma_wait3A_333 = tpu.memref_slice %arg13[%dma_wait3A_331, %dma_wait3A_332] : memref<10240x64xf32, #tpu.memory_space<vmem_shared>> -> memref<10240x64xf32, #tpu.memory_space<vmem_shared>>
        tpu.wait_indirect_dma semaphore(%arg15 : memref<!tpu.dma_semaphore, #tpu.memory_space<semaphore_mem>>) src(%arg9 : memref<128x64xf32, #tpu.memory_space<vmem>>) dst(%dma_wait3A_333 : memref<10240x64xf32, #tpu.memory_space<vmem_shared>>)
      } else {
      }
      %add3A_319 = arith.constant 2 : i32
      %add3A_320 = arith.addi %add3A_301, %add3A_319 : i32
      %lt3A_321 = arith.constant 32 : i32
      %lt3A_322 = arith.cmpi slt, %add3A_320, %lt3A_321 : i32
      %convert_element_type3A_323 = arith.extui %lt3A_322 : i1 to i32
      %cond3A_324 = arith.constant 0 : i32
      %cond3A_325 = arith.cmpi ne, %convert_element_type3A_323, %cond3A_324 : i32
      scf.if %cond3A_325 {
        %add3A_327 = arith.constant 2 : i32
        %add3A_328 = arith.addi %add3A_301, %add3A_327 : i32
        %dma_start3A_329 = arith.constant 0 : i32
        %dma_start3A_330 = tpu.memref_slice %arg6[%add3A_328, %dma_start3A_329] : memref<32x128xi32, #tpu.memory_space<vmem>> -> memref<1x128xi32, #tpu.memory_space<vmem>>
        %dma_start3A_331 = tpu.memref_squeeze %dma_start3A_330 : memref<1x128xi32, #tpu.memory_space<vmem>> -> memref<128xi32, #tpu.memory_space<vmem>>
        %dma_start3A_332 = arith.constant 0 : i32
        %dma_start3A_333 = arith.constant 0 : i32
        %dma_start3A_334 = tpu.memref_slice %arg12[%dma_start3A_332, %dma_start3A_333] : memref<10240x64xf32, #tpu.memory_space<vmem_shared>> -> memref<10240x64xf32, #tpu.memory_space<vmem_shared>>
        tpu.enqueue_indirect_dma source(%dma_start3A_334 : memref<10240x64xf32, #tpu.memory_space<vmem_shared>>) target(%arg9 : memref<128x64xf32, #tpu.memory_space<vmem>>) offsets(%dma_start3A_331 : memref<128xi32, #tpu.memory_space<vmem>>) semaphore(%arg15 : memref<!tpu.dma_semaphore, #tpu.memory_space<semaphore_mem>>)
      } else {
      }
      %scan3A_326 = arith.constant 0 : i32
      scf.yield %scan3A_326 : i32
    }
    %scan3A_196 = arith.constant 8 : i32
    %dma_wait3A_197 = arith.constant 0 : i32
    %dma_wait3A_198 = arith.constant 0 : i32
    %dma_wait3A_199 = tpu.memref_slice %arg7[%dma_wait3A_197, %dma_wait3A_198] : memref<32x128xi32, #tpu.memory_space<vmem>> -> memref<1x128xi32, #tpu.memory_space<vmem>>
    %dma_wait3A_200 = tpu.memref_squeeze %dma_wait3A_199 : memref<1x128xi32, #tpu.memory_space<vmem>> -> memref<128xi32, #tpu.memory_space<vmem>>
    %dma_wait3A_201 = arith.constant 0 : i32
    %dma_wait3A_202 = arith.constant 0 : i32
    %dma_wait3A_203 = tpu.memref_slice %arg13[%dma_wait3A_201, %dma_wait3A_202] : memref<10240x64xf32, #tpu.memory_space<vmem_shared>> -> memref<10240x64xf32, #tpu.memory_space<vmem_shared>>
    tpu.wait_indirect_dma semaphore(%arg16 : memref<!tpu.dma_semaphore, #tpu.memory_space<semaphore_mem>>) src(%arg10 : memref<128x64xf32, #tpu.memory_space<vmem>>) dst(%dma_wait3A_203 : memref<10240x64xf32, #tpu.memory_space<vmem_shared>>)
    %dma_wait3A_204 = arith.constant 0 : i32
    %dma_wait3A_205 = arith.constant 0 : i32
    %dma_wait3A_206 = tpu.memref_slice %arg7[%dma_wait3A_204, %dma_wait3A_205] : memref<32x128xi32, #tpu.memory_space<vmem>> -> memref<1x128xi32, #tpu.memory_space<vmem>>
    %dma_wait3A_207 = tpu.memref_squeeze %dma_wait3A_206 : memref<1x128xi32, #tpu.memory_space<vmem>> -> memref<128xi32, #tpu.memory_space<vmem>>
    %dma_wait3A_208 = arith.constant 0 : i32
    %dma_wait3A_209 = arith.constant 0 : i32
    %dma_wait3A_210 = tpu.memref_slice %arg13[%dma_wait3A_208, %dma_wait3A_209] : memref<10240x64xf32, #tpu.memory_space<vmem_shared>> -> memref<10240x64xf32, #tpu.memory_space<vmem_shared>>
    tpu.wait_indirect_dma semaphore(%arg17 : memref<!tpu.dma_semaphore, #tpu.memory_space<semaphore_mem>>) src(%arg11 : memref<128x64xf32, #tpu.memory_space<vmem>>) dst(%dma_wait3A_210 : memref<10240x64xf32, #tpu.memory_space<vmem_shared>>)
    %barrier3A_211 = arith.constant 0 : index
    tpu.barrier barrier_id(%barrier3A_211)
    %mul3A_212 = arith.constant 640 : i32
    %mul3A_213 = arith.muli %arg1, %mul3A_212 : i32
    %mul3A_214 = arith.constant 640 : i32
    %mul3A_215 = arith.muli %arg1, %mul3A_214 : i32
    "tpu.region"() ({
      %run_scoped3A = tpu.sem_alloc : memref<!tpu.dma_semaphore, #tpu.memory_space<semaphore_mem>>
      %dma_start3A_216 = arith.constant 0 : i32
      %dma_start3A_217 = tpu.memref_slice %arg5[%arg0, %mul3A_215, %dma_start3A_216] : memref<2x10240x64xf32, #tpu.memory_space<hbm>> -> memref<1x640x64xf32, #tpu.memory_space<hbm>>
      %dma_start3A_218 = tpu.memref_squeeze %dma_start3A_217 : memref<1x640x64xf32, #tpu.memory_space<hbm>> -> memref<640x64xf32, #tpu.memory_space<hbm>>
      %dma_start3A_219 = arith.constant 0 : i32
      %dma_start3A_220 = tpu.memref_slice %arg13[%mul3A_213, %dma_start3A_219] : memref<10240x64xf32, #tpu.memory_space<vmem_shared>> -> memref<640x64xf32, #tpu.memory_space<vmem_shared>>
      tpu.enqueue_dma source(%dma_start3A_220 : memref<640x64xf32, #tpu.memory_space<vmem_shared>>) target(%dma_start3A_218 : memref<640x64xf32, #tpu.memory_space<hbm>>) target_semaphore(%run_scoped3A : memref<!tpu.dma_semaphore, #tpu.memory_space<semaphore_mem>>)
      %dma_wait3A_221 = arith.constant 0 : i32
      %dma_wait3A_222 = tpu.memref_slice %arg5[%arg0, %mul3A_215, %dma_wait3A_221] : memref<2x10240x64xf32, #tpu.memory_space<hbm>> -> memref<1x640x64xf32, #tpu.memory_space<hbm>>
      %dma_wait3A_223 = tpu.memref_squeeze %dma_wait3A_222 : memref<1x640x64xf32, #tpu.memory_space<hbm>> -> memref<640x64xf32, #tpu.memory_space<hbm>>
      %dma_wait3A_224 = arith.constant 0 : i32
      %dma_wait3A_225 = tpu.memref_slice %arg13[%mul3A_213, %dma_wait3A_224] : memref<10240x64xf32, #tpu.memory_space<vmem_shared>> -> memref<640x64xf32, #tpu.memory_space<vmem_shared>>
      tpu.wait_dma2 semaphore(%run_scoped3A : memref<!tpu.dma_semaphore, #tpu.memory_space<semaphore_mem>>) src(%dma_wait3A_225 : memref<640x64xf32, #tpu.memory_space<vmem_shared>>) dst(%dma_wait3A_223 : memref<640x64xf32, #tpu.memory_space<hbm>>)
      tpu.yield
    }) : () -> ()
    return
  }
}

module attributes {stable_mosaic.version = 14 : i64} {
  func.func @_g1_body(%arg0: i32, %arg1: memref<1024x128xf32, #tpu.memory_space<vmem>>, %arg2: memref<1024x1xf32, #tpu.memory_space<vmem>>, %arg3: memref<1024x1xf32, #tpu.memory_space<vmem>>, %arg4: memref<128x128xf32, #tpu.memory_space<vmem>>, %arg5: memref<2x1024x64xf32, #tpu.memory_space<vmem>>) attributes {dimension_semantics = [#tpu.dimension_semantics<arbitrary>], iteration_bounds = array<i64: 10>, scalar_prefetch = 0 : i64, scratch_operands = 0 : i64, tpu.core_type = #tpu.core_type<tc>, window_params = [{transform_indices = @transform_0, window_bounds = array<i64: 1024, 128>}, {transform_indices = @transform_1, window_bounds = array<i64: 1024, 1>}, {transform_indices = @transform_2, window_bounds = array<i64: 1024, 1>}, {pipeline_mode = #tpu.pipeline_mode<synchronous>, transform_indices = @transform_3, window_bounds = array<i64: 128, 128>}, {transform_indices = @transform_4, window_bounds = array<i64: 2, 1024, 64>}]} {
    %get3A = arith.constant 0 : index
    %get3A_0 = arith.constant 0 : index
    %get3A_1 = vector.load %arg2[%get3A, %get3A_0] : memref<1024x1xf32, #tpu.memory_space<vmem>>, vector<1024x1xf32>
    %get3A_2 = arith.constant 0 : index
    %get3A_3 = arith.constant 0 : index
    %get3A_4 = vector.load %arg3[%get3A_2, %get3A_3] : memref<1024x1xf32, #tpu.memory_space<vmem>>, vector<1024x1xf32>
    %add3A = arith.addf %get3A_1, %get3A_4 : vector<1024x1xf32>
    %add3A_5 = arith.constant 1.000000e+00 : f32
    %add3A_6 = vector.broadcast %add3A_5 : f32 to vector<1024x1xf32>
    %add3A_7 = arith.addf %add3A, %add3A_6 : vector<1024x1xf32>
    %rsqrt3A = math.rsqrt %add3A_7 : vector<1024x1xf32>
    %get3A_8 = arith.constant 0 : index
    %get3A_9 = arith.constant 0 : index
    %get3A_10 = vector.load %arg1[%get3A_8, %get3A_9] : memref<1024x128xf32, #tpu.memory_space<vmem>>, vector<1024x128xf32>
    %get3A_11 = arith.constant 0 : index
    %get3A_12 = arith.constant 0 : index
    %get3A_13 = vector.load %arg4[%get3A_11, %get3A_12] : memref<128x128xf32, #tpu.memory_space<vmem>>, vector<128x128xf32>
    %dot_general3A = arith.constant dense<0.000000e+00> : vector<1024x128xf32>
    %dot_general3A_14 = tpu.matmul %get3A_10, %get3A_13, %dot_general3A {dimension_numbers = #tpu.dot_dimension_numbers<[1], [0], [0], [1], [0, 0, 1, 1], [], []>, transpose_lhs_hint = false} : vector<1024x128xf32>, vector<128x128xf32>, vector<1024x128xf32> -> vector<1024x128xf32>
    %mul3A = vector.broadcast %rsqrt3A : vector<1024x1xf32> to vector<1024x128xf32>
    %mul3A_15 = arith.mulf %mul3A, %dot_general3A_14 : vector<1024x128xf32>
    %slice3A = vector.extract_strided_slice %mul3A_15 {offsets = [0, 0], sizes = [1024, 64], strides = [1, 1]} : vector<1024x128xf32> to vector<1024x64xf32>
    %swap3A = arith.constant 0 : index
    %swap3A_16 = arith.constant 0 : index
    %swap3A_17 = arith.constant 0 : index
    %swap3A_18 = vector.load %arg5[%swap3A, %swap3A_16, %swap3A_17] : memref<2x1024x64xf32, #tpu.memory_space<vmem>>, vector<1x1024x64xf32>
    %swap3A_19 = vector.shape_cast %swap3A_18 : vector<1x1024x64xf32> to vector<1024x64xf32>
    %swap3A_20 = vector.shape_cast %slice3A : vector<1024x64xf32> to vector<1x1024x64xf32>
    tpu.vector_store %arg5[%swap3A, %swap3A_16, %swap3A_17], %swap3A_20 {strides = array<i32>} : memref<2x1024x64xf32, #tpu.memory_space<vmem>>, vector<1x1024x64xf32>,
    %slice3A_21 = vector.extract_strided_slice %mul3A_15 {offsets = [0, 64], sizes = [1024, 64], strides = [1, 1]} : vector<1024x128xf32> to vector<1024x64xf32>
    %swap3A_22 = arith.constant 1 : index
    %swap3A_23 = arith.constant 0 : index
    %swap3A_24 = arith.constant 0 : index
    %swap3A_25 = vector.load %arg5[%swap3A_22, %swap3A_23, %swap3A_24] : memref<2x1024x64xf32, #tpu.memory_space<vmem>>, vector<1x1024x64xf32>
    %swap3A_26 = vector.shape_cast %swap3A_25 : vector<1x1024x64xf32> to vector<1024x64xf32>
    %swap3A_27 = vector.shape_cast %slice3A_21 : vector<1024x64xf32> to vector<1x1024x64xf32>
    tpu.vector_store %arg5[%swap3A_22, %swap3A_23, %swap3A_24], %swap3A_27 {strides = array<i32>} : memref<2x1024x64xf32, #tpu.memory_space<vmem>>, vector<1x1024x64xf32>,
    return
  }
  func.func @transform_0(%arg0: i32) -> (i32, i32) {
    %c0_i32 = arith.constant 0 : i32
    %c0_i32_0 = arith.constant 0 : i32
    return %arg0, %c0_i32 : i32, i32
  }
  func.func @transform_1(%arg0: i32) -> (i32, i32) {
    %c0_i32 = arith.constant 0 : i32
    %c0_i32_0 = arith.constant 0 : i32
    return %arg0, %c0_i32 : i32, i32
  }
  func.func @transform_2(%arg0: i32) -> (i32, i32) {
    %c0_i32 = arith.constant 0 : i32
    %c0_i32_0 = arith.constant 0 : i32
    return %arg0, %c0_i32 : i32, i32
  }
  func.func @transform_3(%arg0: i32) -> (i32, i32) {
    %c0_i32 = arith.constant 0 : i32
    %c0_i32_0 = arith.constant 0 : i32
    %c0_i32_1 = arith.constant 0 : i32
    return %c0_i32, %c0_i32_0 : i32, i32
  }
  func.func @transform_4(%arg0: i32) -> (i32, i32, i32) {
    %c0_i32 = arith.constant 0 : i32
    %c0_i32_0 = arith.constant 0 : i32
    %c0_i32_1 = arith.constant 0 : i32
    return %c0_i32, %arg0, %c0_i32_0 : i32, i32, i32
  }
}

module attributes {stable_mosaic.version = 14 : i64} {
  func.func @_g2_body(%arg0: i32, %arg1: memref<2x1024x64xf32, #tpu.memory_space<vmem>>, %arg2: memref<2x1024x64xf32, #tpu.memory_space<vmem>>, %arg3: memref<1024x1xf32, #tpu.memory_space<vmem>>, %arg4: memref<1024x1xf32, #tpu.memory_space<vmem>>, %arg5: memref<1x128xf32, #tpu.memory_space<vmem>>, %arg6: memref<128x128xf32, #tpu.memory_space<vmem>>, %arg7: memref<2x1024x64xf32, #tpu.memory_space<vmem>>) attributes {dimension_semantics = [#tpu.dimension_semantics<arbitrary>], iteration_bounds = array<i64: 10>, scalar_prefetch = 0 : i64, scratch_operands = 0 : i64, tpu.core_type = #tpu.core_type<tc>, window_params = [{transform_indices = @transform_0, window_bounds = array<i64: 2, 1024, 64>}, {transform_indices = @transform_1, window_bounds = array<i64: 2, 1024, 64>}, {transform_indices = @transform_2, window_bounds = array<i64: 1024, 1>}, {transform_indices = @transform_3, window_bounds = array<i64: 1024, 1>}, {pipeline_mode = #tpu.pipeline_mode<synchronous>, transform_indices = @transform_4, window_bounds = array<i64: 1, 128>}, {pipeline_mode = #tpu.pipeline_mode<synchronous>, transform_indices = @transform_5, window_bounds = array<i64: 128, 128>}, {transform_indices = @transform_6, window_bounds = array<i64: 2, 1024, 64>}]} {
    %get3A = arith.constant 0 : index
    %get3A_0 = arith.constant 0 : index
    %get3A_1 = vector.load %arg3[%get3A, %get3A_0] : memref<1024x1xf32, #tpu.memory_space<vmem>>, vector<1024x1xf32>
    %get3A_2 = arith.constant 0 : index
    %get3A_3 = arith.constant 0 : index
    %get3A_4 = vector.load %arg4[%get3A_2, %get3A_3] : memref<1024x1xf32, #tpu.memory_space<vmem>>, vector<1024x1xf32>
    %add3A = arith.addf %get3A_1, %get3A_4 : vector<1024x1xf32>
    %add3A_5 = arith.constant 1.000000e+00 : f32
    %add3A_6 = vector.broadcast %add3A_5 : f32 to vector<1024x1xf32>
    %add3A_7 = arith.addf %add3A, %add3A_6 : vector<1024x1xf32>
    %rsqrt3A = math.rsqrt %add3A_7 : vector<1024x1xf32>
    %get3A_8 = arith.constant 0 : index
    %get3A_9 = arith.constant 0 : index
    %get3A_10 = arith.constant 0 : index
    %get3A_11 = vector.load %arg1[%get3A_8, %get3A_9, %get3A_10] : memref<2x1024x64xf32, #tpu.memory_space<vmem>>, vector<1x1024x64xf32>
    %get3A_12 = vector.shape_cast %get3A_11 : vector<1x1024x64xf32> to vector<1024x64xf32>
    %get3A_13 = arith.constant 1 : index
    %get3A_14 = arith.constant 0 : index
    %get3A_15 = arith.constant 0 : index
    %get3A_16 = vector.load %arg1[%get3A_13, %get3A_14, %get3A_15] : memref<2x1024x64xf32, #tpu.memory_space<vmem>>, vector<1x1024x64xf32>
    %get3A_17 = vector.shape_cast %get3A_16 : vector<1x1024x64xf32> to vector<1024x64xf32>
    %concatenate3A = tpu.concatenate %get3A_12, %get3A_17 in 1 : vector<1024x64xf32>, vector<1024x64xf32> -> vector<1024x128xf32>
    %get3A_18 = arith.constant 0 : index
    %get3A_19 = arith.constant 0 : index
    %get3A_20 = arith.constant 0 : index
    %get3A_21 = vector.load %arg2[%get3A_18, %get3A_19, %get3A_20] : memref<2x1024x64xf32, #tpu.memory_space<vmem>>, vector<1x1024x64xf32>
    %get3A_22 = vector.shape_cast %get3A_21 : vector<1x1024x64xf32> to vector<1024x64xf32>
    %get3A_23 = arith.constant 1 : index
    %get3A_24 = arith.constant 0 : index
    %get3A_25 = arith.constant 0 : index
    %get3A_26 = vector.load %arg2[%get3A_23, %get3A_24, %get3A_25] : memref<2x1024x64xf32, #tpu.memory_space<vmem>>, vector<1x1024x64xf32>
    %get3A_27 = vector.shape_cast %get3A_26 : vector<1x1024x64xf32> to vector<1024x64xf32>
    %concatenate3A_28 = tpu.concatenate %get3A_22, %get3A_27 in 1 : vector<1024x64xf32>, vector<1024x64xf32> -> vector<1024x128xf32>
    %add3A_29 = arith.addf %concatenate3A, %concatenate3A_28 : vector<1024x128xf32>
    %mul3A = vector.broadcast %rsqrt3A : vector<1024x1xf32> to vector<1024x128xf32>
    %mul3A_30 = arith.mulf %mul3A, %add3A_29 : vector<1024x128xf32>
    %get3A_31 = arith.constant 0 : index
    %get3A_32 = arith.constant 0 : index
    %get3A_33 = vector.load %arg5[%get3A_31, %get3A_32] : memref<1x128xf32, #tpu.memory_space<vmem>>, vector<1x128xf32>
    %add3A_34 = vector.broadcast %get3A_33 : vector<1x128xf32> to vector<1024x128xf32>
    %add3A_35 = arith.addf %mul3A_30, %add3A_34 : vector<1024x128xf32>
    %max3A = arith.constant 0.000000e+00 : f32
    %max3A_36 = vector.broadcast %max3A : f32 to vector<1024x128xf32>
    %max3A_37 = arith.maximumf %add3A_35, %max3A_36 : vector<1024x128xf32>
    %get3A_38 = arith.constant 0 : index
    %get3A_39 = arith.constant 0 : index
    %get3A_40 = vector.load %arg6[%get3A_38, %get3A_39] : memref<128x128xf32, #tpu.memory_space<vmem>>, vector<128x128xf32>
    %dot_general3A = arith.constant dense<0.000000e+00> : vector<1024x128xf32>
    %dot_general3A_41 = tpu.matmul %max3A_37, %get3A_40, %dot_general3A {dimension_numbers = #tpu.dot_dimension_numbers<[1], [0], [0], [1], [0, 0, 1, 1], [], []>, transpose_lhs_hint = false} : vector<1024x128xf32>, vector<128x128xf32>, vector<1024x128xf32> -> vector<1024x128xf32>
    %mul3A_42 = vector.broadcast %rsqrt3A : vector<1024x1xf32> to vector<1024x128xf32>
    %mul3A_43 = arith.mulf %mul3A_42, %dot_general3A_41 : vector<1024x128xf32>
    %slice3A = vector.extract_strided_slice %mul3A_43 {offsets = [0, 0], sizes = [1024, 64], strides = [1, 1]} : vector<1024x128xf32> to vector<1024x64xf32>
    %swap3A = arith.constant 0 : index
    %swap3A_44 = arith.constant 0 : index
    %swap3A_45 = arith.constant 0 : index
    %swap3A_46 = vector.load %arg7[%swap3A, %swap3A_44, %swap3A_45] : memref<2x1024x64xf32, #tpu.memory_space<vmem>>, vector<1x1024x64xf32>
    %swap3A_47 = vector.shape_cast %swap3A_46 : vector<1x1024x64xf32> to vector<1024x64xf32>
    %swap3A_48 = vector.shape_cast %slice3A : vector<1024x64xf32> to vector<1x1024x64xf32>
    tpu.vector_store %arg7[%swap3A, %swap3A_44, %swap3A_45], %swap3A_48 {strides = array<i32>} : memref<2x1024x64xf32, #tpu.memory_space<vmem>>, vector<1x1024x64xf32>,
    %slice3A_49 = vector.extract_strided_slice %mul3A_43 {offsets = [0, 64], sizes = [1024, 64], strides = [1, 1]} : vector<1024x128xf32> to vector<1024x64xf32>
    %swap3A_50 = arith.constant 1 : index
    %swap3A_51 = arith.constant 0 : index
    %swap3A_52 = arith.constant 0 : index
    %swap3A_53 = vector.load %arg7[%swap3A_50, %swap3A_51, %swap3A_52] : memref<2x1024x64xf32, #tpu.memory_space<vmem>>, vector<1x1024x64xf32>
    %swap3A_54 = vector.shape_cast %swap3A_53 : vector<1x1024x64xf32> to vector<1024x64xf32>
    %swap3A_55 = vector.shape_cast %slice3A_49 : vector<1024x64xf32> to vector<1x1024x64xf32>
    tpu.vector_store %arg7[%swap3A_50, %swap3A_51, %swap3A_52], %swap3A_55 {strides = array<i32>} : memref<2x1024x64xf32, #tpu.memory_space<vmem>>, vector<1x1024x64xf32>,
    return
  }
  func.func @transform_0(%arg0: i32) -> (i32, i32, i32) {
    %c0_i32 = arith.constant 0 : i32
    %c0_i32_0 = arith.constant 0 : i32
    %c0_i32_1 = arith.constant 0 : i32
    return %c0_i32, %arg0, %c0_i32_0 : i32, i32, i32
  }
  func.func @transform_1(%arg0: i32) -> (i32, i32, i32) {
    %c0_i32 = arith.constant 0 : i32
    %c0_i32_0 = arith.constant 0 : i32
    %c0_i32_1 = arith.constant 0 : i32
    return %c0_i32, %arg0, %c0_i32_0 : i32, i32, i32
  }
  func.func @transform_2(%arg0: i32) -> (i32, i32) {
    %c0_i32 = arith.constant 0 : i32
    %c0_i32_0 = arith.constant 0 : i32
    return %arg0, %c0_i32 : i32, i32
  }
  func.func @transform_3(%arg0: i32) -> (i32, i32) {
    %c0_i32 = arith.constant 0 : i32
    %c0_i32_0 = arith.constant 0 : i32
    return %arg0, %c0_i32 : i32, i32
  }
  func.func @transform_4(%arg0: i32) -> (i32, i32) {
    %c0_i32 = arith.constant 0 : i32
    %c0_i32_0 = arith.constant 0 : i32
    %c0_i32_1 = arith.constant 0 : i32
    return %c0_i32, %c0_i32_0 : i32, i32
  }
  func.func @transform_5(%arg0: i32) -> (i32, i32) {
    %c0_i32 = arith.constant 0 : i32
    %c0_i32_0 = arith.constant 0 : i32
    %c0_i32_1 = arith.constant 0 : i32
    return %c0_i32, %c0_i32_0 : i32, i32
  }
  func.func @transform_6(%arg0: i32) -> (i32, i32, i32) {
    %c0_i32 = arith.constant 0 : i32
    %c0_i32_0 = arith.constant 0 : i32
    %c0_i32_1 = arith.constant 0 : i32
    return %c0_i32, %arg0, %c0_i32_0 : i32, i32, i32
  }
}

module attributes {stable_mosaic.version = 14 : i64} {
  func.func @_out_body(%arg0: i32, %arg1: memref<2x1024x64xf32, #tpu.memory_space<vmem>>, %arg2: memref<2x1024x64xf32, #tpu.memory_space<vmem>>, %arg3: memref<1024x1xf32, #tpu.memory_space<vmem>>, %arg4: memref<1024x1xf32, #tpu.memory_space<vmem>>, %arg5: memref<1x128xf32, #tpu.memory_space<vmem>>, %arg6: memref<1024x128xf32, #tpu.memory_space<vmem>>) attributes {dimension_semantics = [#tpu.dimension_semantics<arbitrary>], iteration_bounds = array<i64: 10>, scalar_prefetch = 0 : i64, scratch_operands = 0 : i64, tpu.core_type = #tpu.core_type<tc>, window_params = [{transform_indices = @transform_0, window_bounds = array<i64: 2, 1024, 64>}, {transform_indices = @transform_1, window_bounds = array<i64: 2, 1024, 64>}, {transform_indices = @transform_2, window_bounds = array<i64: 1024, 1>}, {transform_indices = @transform_3, window_bounds = array<i64: 1024, 1>}, {pipeline_mode = #tpu.pipeline_mode<synchronous>, transform_indices = @transform_4, window_bounds = array<i64: 1, 128>}, {transform_indices = @transform_5, window_bounds = array<i64: 1024, 128>}]} {
    %get3A = arith.constant 0 : index
    %get3A_0 = arith.constant 0 : index
    %get3A_1 = vector.load %arg3[%get3A, %get3A_0] : memref<1024x1xf32, #tpu.memory_space<vmem>>, vector<1024x1xf32>
    %get3A_2 = arith.constant 0 : index
    %get3A_3 = arith.constant 0 : index
    %get3A_4 = vector.load %arg4[%get3A_2, %get3A_3] : memref<1024x1xf32, #tpu.memory_space<vmem>>, vector<1024x1xf32>
    %add3A = arith.addf %get3A_1, %get3A_4 : vector<1024x1xf32>
    %add3A_5 = arith.constant 1.000000e+00 : f32
    %add3A_6 = vector.broadcast %add3A_5 : f32 to vector<1024x1xf32>
    %add3A_7 = arith.addf %add3A, %add3A_6 : vector<1024x1xf32>
    %rsqrt3A = math.rsqrt %add3A_7 : vector<1024x1xf32>
    %get3A_8 = arith.constant 0 : index
    %get3A_9 = arith.constant 0 : index
    %get3A_10 = arith.constant 0 : index
    %get3A_11 = vector.load %arg1[%get3A_8, %get3A_9, %get3A_10] : memref<2x1024x64xf32, #tpu.memory_space<vmem>>, vector<1x1024x64xf32>
    %get3A_12 = vector.shape_cast %get3A_11 : vector<1x1024x64xf32> to vector<1024x64xf32>
    %get3A_13 = arith.constant 1 : index
    %get3A_14 = arith.constant 0 : index
    %get3A_15 = arith.constant 0 : index
    %get3A_16 = vector.load %arg1[%get3A_13, %get3A_14, %get3A_15] : memref<2x1024x64xf32, #tpu.memory_space<vmem>>, vector<1x1024x64xf32>
    %get3A_17 = vector.shape_cast %get3A_16 : vector<1x1024x64xf32> to vector<1024x64xf32>
    %concatenate3A = tpu.concatenate %get3A_12, %get3A_17 in 1 : vector<1024x64xf32>, vector<1024x64xf32> -> vector<1024x128xf32>
    %get3A_18 = arith.constant 0 : index
    %get3A_19 = arith.constant 0 : index
    %get3A_20 = arith.constant 0 : index
    %get3A_21 = vector.load %arg2[%get3A_18, %get3A_19, %get3A_20] : memref<2x1024x64xf32, #tpu.memory_space<vmem>>, vector<1x1024x64xf32>
    %get3A_22 = vector.shape_cast %get3A_21 : vector<1x1024x64xf32> to vector<1024x64xf32>
    %get3A_23 = arith.constant 1 : index
    %get3A_24 = arith.constant 0 : index
    %get3A_25 = arith.constant 0 : index
    %get3A_26 = vector.load %arg2[%get3A_23, %get3A_24, %get3A_25] : memref<2x1024x64xf32, #tpu.memory_space<vmem>>, vector<1x1024x64xf32>
    %get3A_27 = vector.shape_cast %get3A_26 : vector<1x1024x64xf32> to vector<1024x64xf32>
    %concatenate3A_28 = tpu.concatenate %get3A_22, %get3A_27 in 1 : vector<1024x64xf32>, vector<1024x64xf32> -> vector<1024x128xf32>
    %add3A_29 = arith.addf %concatenate3A, %concatenate3A_28 : vector<1024x128xf32>
    %mul3A = vector.broadcast %rsqrt3A : vector<1024x1xf32> to vector<1024x128xf32>
    %mul3A_30 = arith.mulf %mul3A, %add3A_29 : vector<1024x128xf32>
    %get3A_31 = arith.constant 0 : index
    %get3A_32 = arith.constant 0 : index
    %get3A_33 = vector.load %arg5[%get3A_31, %get3A_32] : memref<1x128xf32, #tpu.memory_space<vmem>>, vector<1x128xf32>
    %add3A_34 = vector.broadcast %get3A_33 : vector<1x128xf32> to vector<1024x128xf32>
    %add3A_35 = arith.addf %mul3A_30, %add3A_34 : vector<1024x128xf32>
    %swap3A = arith.constant 0 : index
    %swap3A_36 = arith.constant 0 : index
    %swap3A_37 = vector.load %arg6[%swap3A, %swap3A_36] : memref<1024x128xf32, #tpu.memory_space<vmem>>, vector<1024x128xf32>
    tpu.vector_store %arg6[%swap3A, %swap3A_36], %add3A_35 {strides = array<i32>} : memref<1024x128xf32, #tpu.memory_space<vmem>>, vector<1024x128xf32>,
    return
  }
  func.func @transform_0(%arg0: i32) -> (i32, i32, i32) {
    %c0_i32 = arith.constant 0 : i32
    %c0_i32_0 = arith.constant 0 : i32
    %c0_i32_1 = arith.constant 0 : i32
    return %c0_i32, %arg0, %c0_i32_0 : i32, i32, i32
  }
  func.func @transform_1(%arg0: i32) -> (i32, i32, i32) {
    %c0_i32 = arith.constant 0 : i32
    %c0_i32_0 = arith.constant 0 : i32
    %c0_i32_1 = arith.constant 0 : i32
    return %c0_i32, %arg0, %c0_i32_0 : i32, i32, i32
  }
  func.func @transform_2(%arg0: i32) -> (i32, i32) {
    %c0_i32 = arith.constant 0 : i32
    %c0_i32_0 = arith.constant 0 : i32
    return %arg0, %c0_i32 : i32, i32
  }
  func.func @transform_3(%arg0: i32) -> (i32, i32) {
    %c0_i32 = arith.constant 0 : i32
    %c0_i32_0 = arith.constant 0 : i32
    return %arg0, %c0_i32 : i32, i32
  }
  func.func @transform_4(%arg0: i32) -> (i32, i32) {
    %c0_i32 = arith.constant 0 : i32
    %c0_i32_0 = arith.constant 0 : i32
    %c0_i32_1 = arith.constant 0 : i32
    return %c0_i32, %c0_i32_0 : i32, i32
  }
  func.func @transform_5(%arg0: i32) -> (i32, i32) {
    %c0_i32 = arith.constant 0 : i32
    %c0_i32_0 = arith.constant 0 : i32
    return %arg0, %c0_i32 : i32, i32
  }
}

</mosaic_0001>

<sc_bundles>
// kernel: kernel.11.cloned.1.call-start
scs
__scs_entry_jumppad:
0x0: {  	(pc) =	sbr.rel $0x88, $3  }
0x1: {  	(tag) =	ssettag $0x0;
	lr =	simm.s32 $0x1  }
0x2: {  	[smem:$0x3F9B] =	sst lr;
	_ =	strace $0xD0000000  }
0x3: {  	_ = 	snop  }
0x4: {  	_ = 	snop  }
0x5: {  	_ = 	snop  }
0x6: {  	_ = 	snop  }
0x7: {  	_ = 	snop  }
__scs_overlays_trampoline_lowered:
0x8: {  	[smem:$0x3FAA] =	sst s0  }
0x9: {  	[smem:$0x3FAB] =	sst s1  }
0xa: {  	[smem:$0x3FAC] =	sst s2  }
0xb: {  	[smem:$0x3FAD] =	sst s3  }
0xc: {  	[smem:$0x3FAE] =	sst s4  }
0xd: {  	[smem:$0x3FAF] =	sst s5  }
0xe: {  	[smem:$0x3FB0] =	sst s6  }
0xf: {  	[smem:$0x3FB1] =	sst s7  }
0x10: {  	[smem:$0x3FB2] =	sst s8  }
0x11: {  	[smem:$0x3FB3] =	sst s9;
	s0 =	simm.s32 @!p0 $0x0  }
0x12: {  	s1 =	sld [smem:$0x3F99];
	s0 =	simm.s32 @p0 $0x1  }
0x13: {  	[smem:$0x3FB4] =	sst s0;
	s0 =	simm.s32 @!p1 $0x0  }
0x14: {  	s2 =	sld [smem:$0x3F98];
	s0 =	simm.s32 @p1 $0x1  }
0x15: {  	[smem:$0x3FB5] =	sst s0;
	s0 =	simm.s32 @!p2 $0x0  }
0x16: {  	s3 =	sld [smem:$0x3FDB];
	s0 =	simm.s32 @p2 $0x1  }
0x17: {  	s4 =	simm.s32 $0x1BF5;
	[smem:$0x3FB7] =	sst s0  }
0x18: {  	s0 =	sld [smem:$0x3F9A];
	_ =	swait.ge [sflag:s4], $0x0  }
0x19: {  	s7 =	sld [smem:$0x3F9B]  }
0x1a: {  	s8 =	sadd.s32 $0xFFFFE003, lr  }
0x1b: {  	s9 =	sadd.s32 $0xFFFFFEF7, lr;
	s5 =	simm.s32 $0xFFFFFFFF;
	p2 =	slt.u32 s8, $0xFFFFF086  }
0x1c: {  	p1 =	slt.u32 s9, $0xF7A;
	s5 =	simm.s32 @!p2 $0x0  }
0x1d: {  	s5 =	simm.s32 @p1 $0x1;
	p0 =	seq.s32 s7, s2  }
0x1e: {  	s7 =	smul.u32 @!p0 $0xF7A, s2;
	p2 =	seq.s32 @!p0 s5, $0x0  }
0x1f: {  	s9 =	smul.u32 $0xF7A, s1;
	s8 =	simm.s32 @!p0 $0x1BF5;
	p2 =	por !p2, p0  }
0x20: {  	[sflag:s8] =	ssyncset.s32 @!p0 $0xFFFFF086;
	s6 =	sadd.s32 @!p0 s3, s7;
	s7 =	simm.s32 @!p0 $0x108  }
0x21: {  	s3 =	sadd.s32 s3, s9;
	s6 =	sadd.s32 @!p0 $0x88, s6;
	s7 =	simm.s32 @p2 $0x1082  }
0x22: {  	[simem:s7], [sflag:s8] =	dma.local @!p0 [hbm:s6], $0xF7A  }
0x23: {  	s9 =	sor.u32 $0xD0000000, s2;
	s6 =	simm.s32 $0x108;
	_ =	swait.ge @!p0 [sflag:s8], $0x0  }
0x24: {  	s3 =	sadd.s32 $0x88, s3;
	s6 =	simm.s32 @!p1 $0x1082;
	[sflag:s4] =	ssyncset.s32 $0xFFFFF086  }
0x25: {  	[simem:s6], [sflag:s4] =	dma.local [hbm:s3], $0xF7A  }
0x26: {  	[smem:$0x3F9B] =	sst s1;
	(tag) =	ssettag s2;
	_ =	strace s9  }
0x27: {  	s1 =	sld [smem:$0x3FAB]  }
0x28: {  	s2 =	sld [smem:$0x3FAC]  }
0x29: {  	s4 =	sld [smem:$0x3FAE]  }
0x2a: {  	p0 =	seq.s32 s5, $0x0;
	s5 =	sld [smem:$0x3FAF]  }
0x2b: {  	s6 =	sld [smem:$0x3FB0]  }
0x2c: {  	s7 =	sld [smem:$0x3FB1]  }
0x2d: {  	s3 =	simm.s32 $0x108;
	s8 =	sld [smem:$0x3FB2]  }
0x2e: {  	s3 =	simm.s32 @!p0 $0x1082;
	s9 =	sld [smem:$0x3FB3]  }
0x2f: {  	lr =	sadd.s32 s0, s3;
	s0 =	sld [smem:$0x3FAA]  }
0x30: {  	s3 =	sld [smem:$0x3FAD]  }
0x31: {  	[smem:$0x3FB6] =	sst s10  }
0x32: {  	s10 =	sld [smem:$0x3FB4];
	_ =	sdelay $0x3  }
0x33: {  	p0 =	seq.s32 s10, $0x1;
	s10 =	sld [smem:$0x3FB6];
	_ =	sdelay $0x3  }
0x34: {  	[smem:$0x3FB6] =	sst s10  }
0x35: {  	s10 =	sld [smem:$0x3FB5];
	_ =	sdelay $0x3  }
0x36: {  	p1 =	seq.s32 s10, $0x1;
	s10 =	sld [smem:$0x3FB6];
	_ =	sdelay $0x3  }
0x37: {  	[smem:$0x3FB6] =	sst s10  }
0x38: {  	s10 =	sld [smem:$0x3FB7]  }
0x39: {  	_ = 	snop;
	(pc) =	sbr.ind lr, $3  }
0x3a: {  	_ = 	snop  }
0x3b: {  	_ = 	snop  }
0x3c: {  	p2 =	seq.s32 s10, $0x1;
	s10 =	sld [smem:$0x3FB6]  }
0x3d: {  	_ =	shalt  }
0x3e: {  	_ =	shalt  }
0x3f: {  	_ =	shalt  }
0x40: {  	_ =	shalt  }
0x41: {  	_ =	shalt  }
0x42: {  	_ =	shalt  }
0x43: {  	_ =	shalt  }
0x44: {  	_ =	shalt  }
0x45: {  	_ =	shalt  }
0x46: {  	_ =	shalt  }
0x47: {  	_ =	shalt  }
0x48: {  	_ =	shalt  }
0x49: {  	_ =	shalt  }
0x4a: {  	_ =	shalt  }
0x4b: {  	_ =	shalt  }
0x4c: {  	_ =	shalt  }
0x4d: {  	_ =	shalt  }
0x4e: {  	_ =	shalt  }
0x4f: {  	_ =	shalt  }
0x50: {  	_ =	shalt  }
0x51: {  	_ =	shalt  }
0x52: {  	_ =	shalt  }
0x53: {  	_ =	shalt  }
0x54: {  	_ =	shalt  }
0x55: {  	_ =	shalt  }
0x56: {  	_ =	shalt  }
0x57: {  	_ =	shalt  }
0x58: {  	_ =	shalt  }
0x59: {  	_ =	shalt  }
0x5a: {  	_ =	shalt  }
0x5b: {  	_ =	shalt  }
0x5c: {  	_ =	shalt  }
0x5d: {  	_ =	shalt  }
0x5e: {  	_ =	shalt  }
0x5f: {  	_ =	shalt  }
0x60: {  	_ =	shalt  }
0x61: {  	_ =	shalt  }
0x62: {  	_ =	shalt  }
0x63: {  	_ =	shalt  }
0x64: {  	_ =	shalt  }
0x65: {  	_ =	shalt  }
0x66: {  	_ =	shalt  }
0x67: {  	_ =	shalt  }
0x68: {  	_ =	shalt  }
0x69: {  	_ =	shalt  }
0x6a: {  	_ =	shalt  }
0x6b: {  	_ =	shalt  }
0x6c: {  	_ =	shalt  }
0x6d: {  	_ =	shalt  }
0x6e: {  	_ =	shalt  }
0x6f: {  	_ =	shalt  }
0x70: {  	_ =	shalt  }
0x71: {  	_ =	shalt  }
0x72: {  	_ =	shalt  }
0x73: {  	_ =	shalt  }
0x74: {  	_ =	shalt  }
0x75: {  	_ =	shalt  }
0x76: {  	_ =	shalt  }
0x77: {  	_ =	shalt  }
0x78: {  	_ =	shalt  }
0x79: {  	_ =	shalt  }
0x7a: {  	_ =	shalt  }
0x7b: {  	_ =	shalt  }
0x7c: {  	_ =	shalt  }
0x7d: {  	_ =	shalt  }
0x7e: {  	_ =	shalt  }
0x7f: {  	_ =	shalt  }
0x80: {  	_ =	shalt  }
0x81: {  	_ =	shalt  }
0x82: {  	_ =	shalt  }
0x83: {  	_ =	shalt  }
0x84: {  	_ =	shalt  }
0x85: {  	_ =	shalt  }
0x86: {  	_ =	shalt  }
0x87: {  	_ =	shalt  }
.Lfunc_end0:
.L_simem_size_0:
called_computation.1_lowered:
.L_overlay_start_0:
0x88: {  	s2 =	sld [smem:$0x3FD9]  }
0x89: {  	s3 =	sld [smem:$0x3FFE];
	_ =	sdelay $0x1  }
0x8a: {  	s1 =	srdreg.scid  }
0x8b: {  	s0 =	sand.u32 $0x1, s1  }
0x8c: {  	s17 =	sshll.u32 s0, $0xA;
	s2 =	sadd.s32 s3, s2  }
0x8d: {  	s2 =	sadd.s32 s2, s17  }
0x8e: {  	[smem:$0x3FC2] =	sst s2  }
0x8f: {  	_ = 	snop  }
0x90: {  	s2 =	sld [smem:$0x3FD0];
	(tm) =	ssettm $0x1  }
0x91: {  	s18 =	sld [smem:$0x3FFB];
	_ =	sdelay $0x3  }
0x92: {  	_ =	strace s18  }
0x93: {  	s3 =	sld [smem:$0x3FFC];
	_ =	sdelay $0x3  }
0x94: {  	_ =	strace s3  }
0x95: {  	s3 =	sld [smem:$0x3FFD];
	_ =	sdelay $0x3  }
0x96: {  	_ =	strace s3  }
0x97: {  	_ =	strace $0x8FFFFFFF  }
0x98: {  	s19 =	sld [smem:$0x3FDB];
	_ =	sdelay $0x1  }
0x99: {  	s4 =	simm.s32 $_scs_section_size  }
0x9a: {  	s5 =	simm.s32 $_size__tile_overlayer_lowered;
	s6 =	simm.s32 $_tile_overlayer_lowered  }
0x9b: {  	s22 =	simm.s32 $0x1BFF;
	s21 =	sshll.u32 s6, $0x1;
	s3 =	sadd.s32 s4, s19  }
0x9c: {  	s7 =	simm.s32 $0x0;
	s20 =	sshll.u32 s5, $0x1;
	s5 =	sadd.s32 s21, s3  }
0x9d: {  	[timem:s7], [sflag:s22] =	dma.local [hbm:s5], s20  }
0x9e: {  	_ =	swait.ge [sflag:s22], s20  }
0x9f: {  	s4 =	ssub.s32 $0x0, s20;
	[sflag:s22] =	ssyncset.done $0x0  }
0xa0: {  	[sflag:s22] =	ssyncadd.s32 s4;
	_ =	sdelay $0x1  }
0xa1: {  	s23 =	simm.s32 $0x1B8B  }
0xa2: {  	_ =	swait.ge [sflag:s23], $0x1  }
0xa3: {  	[sflag:s23] =	ssyncset.done $0x0  }
0xa4: {  	s25 =	simm.s32 $0x1B8E;
	s24 =	sld [smem:$0x3FFE];
	[sflag:s23] =	ssyncadd.s32 $0xFFFFFFFF  }
0xa5: {  	s26 =	simm.s32 $execute0_lowered;
	[smem:$0x3FD2] =	sst s25  }
0xa6: {  	s5 =	sshll.u32 s26, $0x1;
	_ =	strace $0x80000049;
	[dreg:$0x1] =	wrdreg $0xFFFFFFFF  }
0xa7: {  	s28 =	simm.s32 $_size_execute0_lowered;
	s3 =	sadd.s32 s3, s5;
	[dreg:$0x0] =	wrdreg $0x0  }
0xa8: {  	s5 =	sshll.u32 s28, $0x1;
	[dreg:$0x2] =	wrdreg s3  }
0xa9: {  	[dreg:$0x3] =	wrdreg s5  }
0xaa: {  	[dreg:$0x4] =	wrdreg $0xC0  }
0xab: {  	_ =	task [dreg:s7], $0x5FFFF  }
0xac: {  	[dreg:$0x1] =	wrdreg $0xFFFFFFFF  }
0xad: {  	[dreg:$0x0] =	wrdreg $0x60  }
0xae: {  	[dreg:$0x2] =	wrdreg s24  }
0xaf: {  	[dreg:$0x3] =	wrdreg s2  }
0xb0: {  	[dreg:$0x4] =	wrdreg $0xA0000  }
0xb1: {  	[dreg:$0x5] =	wrdreg $0x140000  }
0xb2: {  	[dreg:$0x6] =	wrdreg $0x9  }
0xb3: {  	_ =	task.clear_ibuf [dreg:s7], $0x7FFFF;
	_ =	strace $0x90000049  }
0xb4: {  	s29 =	simm.s32 $0x9;
	_ =	strace $0x8000004B  }
0xb5: {  	_ =	swait.ge [sflag:s29], $0x1  }
0xb6: {  	[sflag:s29] =	ssyncadd.s32 $0xFFFFFFFF  }
0xb7: {  	_ =	strace $0x9000004B  }
0xb8: {  	_ =	sfence  }
0xb9: {  	s30 =	sld [smem:$0x0];
	_ =	sdelay $0x2  }
0xba: {  	s31 =	sshll.u32 s1, $0xD;
	s1 =	sshrl.u32 s1, $0x2  }
0xbb: {  	s3 =	sand.u32 $0x4000, s31;
	s1 =	sadd.s32 s1, s30  }
0xbc: {  	s0 =	sor.u32 s3, s0;
	s1 =	sshll.u32 s1, $0x11  }
0xbd: {  	s0 =	sor.u32 s1, s0  }
0xbe: {  	s0 =	sadd.s32 $0x8F2B, s0  }
0xbf: {  	[sflag:s0] =	ssyncadd.remote.s32 $0x1  }
0xc0: {  	_ =	sfence.sel $0xFFFF  }
0xc1: {  	[dreg:$0x0] =	wrdreg $0xFFFFFFFF;
	(pc) =	sbr.abs _section_cstart, $3  }
0xc2: {  	[dreg:$0x1] =	wrdreg $0xFFFFFFFF  }
0xc3: {  	_ =	task.clear_ibuf [dreg:s7], $0x2FFFF;
	_ =	strace $0x9FFFFFFF  }
0xc4: {  	(tm) =	ssettm $0x7FFFFFFF  }
0xc5: {  	_ =	shalt  }
tec
execute0_lowered:
.L_overlay_start_1:
0x0: {  	(tag) =	ssettag $0x1  }
0x1: {  	s0 =	rddreg [dreg:$0x0]  }
0x2: {  	s1 =	rddreg [dreg:$0x1]  }
0x3: {  	s2 =	rddreg [dreg:$0x2];
	s4 =	srdreg.scid  }
0x4: {  	s12 =	stileid.u32;
	s3 =	rddreg [dreg:$0x3]  }
0x5: {  	s7 =	simm.s32 $0x0;
	s28 =	simm.s32 $0x2000;
	s5 =	smul.u32 $0xA000, s12  }
0x6: {  	s29 =	simm.s32 $0x1000;
	s30 =	simm.s32 $0x80;
	s24 =	smul.u32 $0x28000, s12  }
0x7: {  	s31 =	simm.s32 $0x4000;
	s4 =	sand.u32 $0x1, s4;
	s10 =	smul.u32 $0x5000, s12  }
0x8: {  	[smem:$0x7FF] =	sst s7;
	s26 =	sshll.u32 s12, $0x6;
	s12 =	smul.u32 $0xA00, s12  }
0x9: {  	s8 =	sadd.s32 $0x2600, s0;
	s6 =	smul.u32 $0xA0000, s4;
	s4 =	ssub.s32 $0x2, s4  }
0xa: {  	_ =	strace $0x8000004A;
	s23 =	sshrl.u32 s4, $0x1;
	s9 =	sadd.s32 s5, s2  }
0xb: {  	s11 =	sshrl.u32 s24, $0x2;
	s10 =	sshrl.u32 s10, $0x3;
	s13 =	sadd.s32 s8, s12  }
0xc: {  	s14 =	sadd.s32 s1, s12;
	s21 =	sadd.s32 s5, s3;
	s12 =	simm.s32 $0x1100  }
0xd: {  	s6 =	sadd.s32 s5, s6;
	s4 =	ssub.s32 s4, s23;
	[dreg:$0x6] =	wrdreg s13  }
0xe: {  	s7 =	sadd.s32 s11, s3;
	[dreg:$0x7] =	wrdreg s14;
	s15 =	sadd.s32 $0x200, s10  }
0xf: {  	s17 =	sadd.s32 $0x400, s10;
	s19 =	sadd.s32 $0x600, s10;
	s10 =	sadd.s32 $0x800, s10  }
0x10: {  	s5 =	simm.s32 $0x2;
	s13 =	simm.s32 $0x200;
	s14 =	simm.s32 $0x4  }
0x11: {  	s6 =	sshrl.u32 s6, $0x3;
	s16 =	sadd.s32 s8, s15;
	s11 =	sadd.s32 s1, s15  }
0x12: {  	s18 =	sadd.s32 s8, s17;
	s20 =	sadd.s32 s8, s19;
	[dreg:$0x8] =	wrdreg s16  }
0x13: {  	s8 =	sadd.s32 s8, s10;
	s24 =	smax.u32 s4, $0x1;
	[dreg:$0x9] =	wrdreg s11  }
0x14: {  	s22 =	sadd.s32 $0x6000, s7;
	s23 =	sadd.s32 $0x8000, s7;
	[dreg:$0xa] =	wrdreg s18  }
0x15: {  	s4 =	simm.s32 $0x6000;
	s15 =	simm.s32 $0x1180;
	[dreg:$0xc] =	wrdreg s20  }
0x16: {  	s0 =	sadd.s32 s6, s0;
	s6 =	sor.u32 $0x1C05, s26;
	[dreg:$0xe] =	wrdreg s8  }
0x17: {  	s11 =	sadd.s32 s1, s17;
	[dreg:$0x11] =	wrdreg s24;
	s26 =	sadd.s32 $0x4000, s7  }
0x18: {  	s24 =	sshrl.u32 s9, $0x3;
	s8 =	simm.s32 $0x1080;
	[dreg:$0xb] =	wrdreg s11  }
0x19: {  	s9 =	simm.s32 $0x180;
	s25 =	sadd.s32 $0x84600, s0;
	[dreg:$0x13] =	wrdreg s26  }
0x1a: {  	s16 =	simm.s32 $0x280;
	s11 =	sadd.s32 s1, s19;
	[dreg:$0x5] =	wrdreg s25  }
.Ltmp0:
0x1b: {  	s1 =	sadd.s32 s1, s10;
	[dreg:$0xd] =	wrdreg s11;
	(pc) =	sbr.rel .LBB2_1-.Ltmp0, $4  }
0x1c: {  	s17 =	simm.s32 $0x0;
	s0 =	sadd.s32 $0xAC600, s0;
	[dreg:$0xf] =	wrdreg s1  }
0x1d: {  	s26 =	simm.s32 $0x5;
	s10 =	simm.s32 $0x8000;
	[dreg:$0x10] =	wrdreg s0  }
0x1e: {  	s25 =	sadd.s32 $0x2000, s7;
	s1 =	simm.s32 $0x1;
	s0 =	simm.s32 $0x100  }
0x1f: {  	v0 =	vimm.f32 $0.0e+00;
	s11 =	simm.s32 $0x3;
	[dreg:$0x12] =	wrdreg s25;
	s25 =	sshrl.u32 s21, $0x3  }
.LBB2_18:
0x20: {  	_ =	swait.ge [sflag:s14], $0x2000  }
0x21: {  	[sflag:s14] =	ssyncset.done $0x0  }
0x22: {  	[sflag:s14] =	ssyncadd.s32 $0xFFFFE000  }
0x23: {  	[spmem:s3] =	stream.indirect.scatter.add.f32 [tilespmem:s10], [sflag:$0x4], $0x40, s20, s30, $0xb8;
	[tilespmem:$0x1E000] =	vst v63  }
0x24: {  	_ =	swait.ge [sflag:s5], $0x2000  }
0x25: {  	[sflag:s5] =	ssyncset.done $0x0  }
0x26: {  	[sflag:s5] =	ssyncadd.s32 $0xFFFFE000  }
0x27: {  	_ =	swait.ge [sflag:s11], $0x2000  }
0x28: {  	[sflag:s11] =	ssyncset.done $0x0  }
0x29: {  	[sflag:s11] =	ssyncadd.s32 $0xFFFFE000  }
0x2a: {  	_ =	swait.ge [sflag:s14], $0x2000  }
0x2b: {  	[sflag:s14] =	ssyncset.done $0x0  }
0x2c: {  	[sflag:s14] =	ssyncadd.s32 $0xFFFFE000  }
0x2d: {  	[bflag:$0x0] =	sbarrier.arrive $0xFFFF  }
0x2e: {  	s18 =	rddreg [dreg:$0x10]  }
0x2f: {  	[hbm:s18], [sflag:s6] =	dma.local [spmem:s25], $0x1400  }
0x30: {  	_ =	swait.ge [sflag:s26], $0x1400  }
0x31: {  	s17 =	sadd.s32 $0x1, s17;
	s21 =	rddreg [dreg:$0x11]  }
0x32: {  	p0 =	sne.s32 s17, s21  }
.Ltmp1:
0x33: {  	_ = 	snop;
	(pc) =	sbr.rel @!p0 .LBB2_19-.Ltmp1, $3  }
0x34: {  	_ =	sdelay $0x1  }
0x35: {  	[sflag:s26] =	ssyncset.done $0x0  }
0x36: {  	[sflag:s26] =	ssyncadd.s32 $0xFFFFEC00  }
.LBB2_1:
0x37: {  	s18 =	rddreg [dreg:$0x5];
	s19 =	simm.s32 $0x0  }
0x38: {  	[spmem:s24], [sflag:s6] =	dma.local [hbm:s18], $0x1400  }
0x39: {  	s21 =	sand.u32 $0x7F00, s19;
	s19 =	sand.u32 $0x30, s19;
	_ =	swait.ge [sflag:s26], $0x1400  }
0x3a: {  	s18 =	simm.s32 $0x40;
	s20 =	sshrl.u32 s21, $0x2;
	[sflag:s26] =	ssyncset.done $0x0  }
0x3b: {  	s20 =	sor.u32 s19, s20;
	s19 =	simm.s32 $0x0;
	[sflag:s26] =	ssyncadd.s32 $0xFFFFEC00  }
.LBB2_2:
0x3c: {  	p0 =	sne.s32 s18, $0x7FC0  }
0x3d: {  	[tilespmem:s20+$0x2000] =	vst v0;
	s19 =	sadd.s32 $0x10, s19;
	s20 =	smov.u32 s18;
	s18 =	sadd.s32 $0x40, s18  }
.Ltmp2:
0x3e: {  	(pc) =	sbr.rel @p0 .LBB2_2-.Ltmp2, $4  }
0x3f: {  	_ = 	snop  }
0x40: {  	s20 =	sand.u32 $0x7F00, s20  }
0x41: {  	s21 =	sand.u32 $0x30, s19;
	s20 =	sshrl.u32 s20, $0x2  }
0x42: {  	s20 =	sor.u32 s21, s20  }
0x43: {  	[tilespmem:s20+$0x2000] =	vst v0  }
0x44: {  	[spmem:s7] =	stream.linear.scatter [tilespmem:s28], [sflag:$0x5], $0x2000, $0x38;
	[tilespmem:$0x1E000] =	vst v63  }
0x45: {  	_ =	swait.ge [sflag:s26], $0x2000  }
0x46: {  	[sflag:s26] =	ssyncset.done $0x0  }
0x47: {  	s18 =	rddreg [dreg:$0x12];
	[sflag:s26] =	ssyncadd.s32 $0xFFFFE000  }
0x48: {  	[spmem:s18] =	stream.linear.scatter [tilespmem:s28], [sflag:$0x5], $0x2000, $0x38;
	[tilespmem:$0x1E000] =	vst v63  }
0x49: {  	_ =	swait.ge [sflag:s26], $0x2000  }
0x4a: {  	[sflag:s26] =	ssyncset.done $0x0  }
0x4b: {  	s20 =	rddreg [dreg:$0x13];
	[sflag:s26] =	ssyncadd.s32 $0xFFFFE000  }
0x4c: {  	[spmem:s20] =	stream.linear.scatter [tilespmem:s28], [sflag:$0x5], $0x2000, $0x38;
	[tilespmem:$0x1E000] =	vst v63  }
0x4d: {  	_ =	swait.ge [sflag:s26], $0x2000  }
0x4e: {  	[sflag:s26] =	ssyncset.done $0x0  }
0x4f: {  	[sflag:s26] =	ssyncadd.s32 $0xFFFFE000  }
0x50: {  	[spmem:s22] =	stream.linear.scatter [tilespmem:s28], [sflag:$0x5], $0x2000, $0x38;
	[tilespmem:$0x1E000] =	vst v63  }
0x51: {  	_ =	swait.ge [sflag:s26], $0x2000  }
0x52: {  	[sflag:s26] =	ssyncset.done $0x0  }
0x53: {  	[sflag:s26] =	ssyncadd.s32 $0xFFFFE000  }
0x54: {  	[spmem:s23] =	stream.linear.scatter [tilespmem:s28], [sflag:$0x5], $0x2000, $0x38;
	[tilespmem:$0x1E000] =	vst v63  }
0x55: {  	_ =	swait.ge [sflag:s26], $0x2000  }
0x56: {  	[sflag:s26] =	ssyncset.done $0x0  }
0x57: {  	[sflag:s26] =	ssyncadd.s32 $0xFFFFE000  }
0x58: {  	[bflag:$0x0] =	sbarrier.arrive $0xFFFF  }
0x59: {  	s18 =	simm.s32 $0x0;
	s19 =	rddreg [dreg:$0x6]  }
0x5a: {  	[tilespmem:s18], [sflag:$0x5] =	stream.linear.gather [hbm4b:s19+s18], $0x1000, $0x38;
	[tilespmem:$0x1E000] =	vst v63  }
0x5b: {  	_ =	swait.ge [sflag:s26], $0x1000  }
0x5c: {  	[sflag:s26] =	ssyncset.done $0x0  }
0x5d: {  	s21 =	rddreg [dreg:$0x7];
	[sflag:s26] =	ssyncadd.s32 $0xFFFFF000  }
0x5e: {  	[tilespmem:s29], [sflag:$0x5] =	stream.linear.gather [hbm4b:s21+s18], $0x1000, $0x38;
	[tilespmem:$0x1E000] =	vst v63  }
0x5f: {  	_ =	swait.ge [sflag:s26], $0x1000  }
0x60: {  	[sflag:s26] =	ssyncset.done $0x0  }
0x61: {  	[sflag:s26] =	ssyncadd.s32 $0xFFFFF000  }
0x62: {  	[tilespmem:s28], [sflag:$0x1] =	stream.indirect.gather [spmem:s2], $0x40, s18, s30, $0xb8;
	[tilespmem:$0x1E000] =	vst v63  }
0x63: {  	_ = 	snop  }
0x64: {  	[tilespmem:s31], [sflag:$0x2] =	stream.indirect.gather [spmem:s2], $0x40, s30, s30, $0xb8;
	[tilespmem:$0x1E000] =	vst v63  }
0x65: {  	_ =	swait.ge [sflag:s1], $0x2000  }
0x66: {  	[sflag:s1] =	ssyncset.done $0x0  }
0x67: {  	[sflag:s1] =	ssyncadd.s32 $0xFFFFE000  }
0x68: {  	[spmem:s3] =	stream.indirect.scatter.add.f32 [tilespmem:s28], [sflag:$0x1], $0x40, s29, s30, $0xb8;
	[tilespmem:$0x1E000] =	vst v63  }
0x69: {  	_ = 	snop  }
0x6a: {  	[tilespmem:s4], [sflag:$0x3] =	stream.indirect.gather [spmem:s2], $0x40, s0, s30, $0xb8;
	[tilespmem:$0x1E000] =	vst v63  }
0x6b: {  	_ =	swait.ge [sflag:s5], $0x2000  }
0x6c: {  	[sflag:s5] =	ssyncset.done $0x0  }
0x6d: {  	[sflag:s5] =	ssyncadd.s32 $0xFFFFE000  }
0x6e: {  	[spmem:s3] =	stream.indirect.scatter.add.f32 [tilespmem:s31], [sflag:$0x2], $0x40, s8, s30, $0xb8;
	[tilespmem:$0x1E000] =	vst v63  }
0x6f: {  	_ = 	snop  }
0x70: {  	[tilespmem:s10], [sflag:$0x4] =	stream.indirect.gather [spmem:s2], $0x40, s9, s30, $0xb8;
	[tilespmem:$0x1E000] =	vst v63  }
0x71: {  	_ =	swait.ge [sflag:s11], $0x2000  }
0x72: {  	[sflag:s11] =	ssyncset.done $0x0  }
0x73: {  	[sflag:s11] =	ssyncadd.s32 $0xFFFFE000  }
0x74: {  	[spmem:s3] =	stream.indirect.scatter.add.f32 [tilespmem:s4], [sflag:$0x3], $0x40, s12, s30, $0xb8;
	[tilespmem:$0x1E000] =	vst v63  }
0x75: {  	_ =	swait.ge [sflag:s1], $0x2000  }
0x76: {  	[sflag:s1] =	ssyncset.done $0x0  }
0x77: {  	[sflag:s1] =	ssyncadd.s32 $0xFFFFE000  }
0x78: {  	[tilespmem:s28], [sflag:$0x1] =	stream.indirect.gather [spmem:s2], $0x40, s13, s30, $0xb8;
	[tilespmem:$0x1E000] =	vst v63  }
0x79: {  	_ =	swait.ge [sflag:s14], $0x2000  }
0x7a: {  	[sflag:s14] =	ssyncset.done $0x0  }
0x7b: {  	[sflag:s14] =	ssyncadd.s32 $0xFFFFE000  }
0x7c: {  	[spmem:s3] =	stream.indirect.scatter.add.f32 [tilespmem:s10], [sflag:$0x4], $0x40, s15, s30, $0xb8;
	[tilespmem:$0x1E000] =	vst v63  }
0x7d: {  	_ =	swait.ge [sflag:s5], $0x2000  }
0x7e: {  	[sflag:s5] =	ssyncset.done $0x0  }
0x7f: {  	[sflag:s5] =	ssyncadd.s32 $0xFFFFE000  }
0x80: {  	[tilespmem:s31], [sflag:$0x2] =	stream.indirect.gather [spmem:s2], $0x40, s16, s30, $0xb8;
	[tilespmem:$0x1E000] =	vst v63  }
.LBB2_4:
0x81: {  	_ =	swait.ge [sflag:s1], $0x2000  }
0x82: {  	s19 =	sshra.s32 s18, $0x2;
	[sflag:s1] =	ssyncset.done $0x0  }
0x83: {  	s20 =	sadd.s32 $0x1200, s19;
	[sflag:s1] =	ssyncadd.s32 $0xFFFFE000  }
0x84: {  	[spmem:s3] =	stream.indirect.scatter.add.f32 [tilespmem:s28], [sflag:$0x1], $0x40, s20, s30, $0xb8;
	[tilespmem:$0x1E000] =	vst v63  }
0x85: {  	_ =	swait.ge [sflag:s11], $0x2000  }
0x86: {  	[sflag:s11] =	ssyncset.done $0x0  }
0x87: {  	s21 =	sadd.s32 $0x300, s19;
	[sflag:s11] =	ssyncadd.s32 $0xFFFFE000  }
0x88: {  	[tilespmem:s4], [sflag:$0x3] =	stream.indirect.gather [spmem:s2], $0x40, s21, s30, $0xb8;
	[tilespmem:$0x1E000] =	vst v63  }
0x89: {  	_ =	swait.ge [sflag:s5], $0x2000  }
0x8a: {  	[sflag:s5] =	ssyncset.done $0x0  }
0x8b: {  	s21 =	sadd.s32 $0x1280, s19;
	[sflag:s5] =	ssyncadd.s32 $0xFFFFE000  }
0x8c: {  	[spmem:s3] =	stream.indirect.scatter.add.f32 [tilespmem:s31], [sflag:$0x2], $0x40, s21, s30, $0xb8;
	[tilespmem:$0x1E000] =	vst v63  }
0x8d: {  	_ =	swait.ge [sflag:s14], $0x2000  }
0x8e: {  	[sflag:s14] =	ssyncset.done $0x0  }
0x8f: {  	s21 =	sadd.s32 $0x380, s19;
	[sflag:s14] =	ssyncadd.s32 $0xFFFFE000  }
0x90: {  	[tilespmem:s10], [sflag:$0x4] =	stream.indirect.gather [spmem:s2], $0x40, s21, s30, $0xb8;
	[tilespmem:$0x1E000] =	vst v63  }
0x91: {  	_ =	swait.ge [sflag:s11], $0x2000  }
0x92: {  	p0 =	seq.s32 s18, $0x3000;
	[sflag:s11] =	ssyncset.done $0x0  }
.Ltmp3:
0x93: {  	s21 =	sadd.s32 $0x1300, s19;
	[sflag:s11] =	ssyncadd.s32 $0xFFFFE000;
	(pc) =	sbr.rel @p0 .LBB2_6-.Ltmp3, $4  }
0x94: {  	[spmem:s3] =	stream.indirect.scatter.add.f32 [tilespmem:s4], [sflag:$0x3], $0x40, s21, s30, $0xb8;
	[tilespmem:$0x1E000] =	vst v63  }
0x95: {  	_ =	swait.ge [sflag:s1], $0x2000  }
0x96: {  	[sflag:s1] =	ssyncset.done $0x0  }
0x97: {  	s20 =	sadd.s32 $0x1380, s19;
	[sflag:s1] =	ssyncadd.s32 $0xFFFFE000  }
0x98: {  	s21 =	sadd.s32 $0x400, s19  }
0x99: {  	[tilespmem:s28], [sflag:$0x1] =	stream.indirect.gather [spmem:s2], $0x40, s21, s30, $0xb8;
	[tilespmem:$0x1E000] =	vst v63  }
0x9a: {  	_ =	swait.ge [sflag:s14], $0x2000  }
0x9b: {  	[sflag:s14] =	ssyncset.done $0x0  }
0x9c: {  	[sflag:s14] =	ssyncadd.s32 $0xFFFFE000  }
0x9d: {  	[spmem:s3] =	stream.indirect.scatter.add.f32 [tilespmem:s10], [sflag:$0x4], $0x40, s20, s30, $0xb8;
	[tilespmem:$0x1E000] =	vst v63  }
.Ltmp4:
0x9e: {  	_ = 	snop;
	(pc) =	sbr.rel .LBB2_4-.Ltmp4, $4  }
0x9f: {  	_ =	swait.ge [sflag:s5], $0x2000  }
0xa0: {  	[sflag:s5] =	ssyncset.done $0x0  }
0xa1: {  	s18 =	sadd.s32 $0x800, s18;
	s21 =	sadd.s32 $0x480, s19;
	[sflag:s5] =	ssyncadd.s32 $0xFFFFE000  }
0xa2: {  	[tilespmem:s31], [sflag:$0x2] =	stream.indirect.gather [spmem:s2], $0x40, s21, s30, $0xb8;
	[tilespmem:$0x1E000] =	vst v63  }
.LBB2_6:
0xa3: {  	_ =	swait.ge [sflag:s14], $0x2000  }
0xa4: {  	[sflag:s14] =	ssyncset.done $0x0  }
0xa5: {  	[sflag:s14] =	ssyncadd.s32 $0xFFFFE000  }
0xa6: {  	[spmem:s3] =	stream.indirect.scatter.add.f32 [tilespmem:s10], [sflag:$0x4], $0x40, s20, s30, $0xb8;
	[tilespmem:$0x1E000] =	vst v63  }
0xa7: {  	_ =	swait.ge [sflag:s5], $0x2000  }
0xa8: {  	[sflag:s5] =	ssyncset.done $0x0  }
0xa9: {  	[sflag:s5] =	ssyncadd.s32 $0xFFFFE000  }
0xaa: {  	_ =	swait.ge [sflag:s11], $0x2000  }
0xab: {  	[sflag:s11] =	ssyncset.done $0x0  }
0xac: {  	[sflag:s11] =	ssyncadd.s32 $0xFFFFE000  }
0xad: {  	_ =	swait.ge [sflag:s14], $0x2000  }
0xae: {  	[sflag:s14] =	ssyncset.done $0x0  }
0xaf: {  	s18 =	simm.s32 $0x0;
	s19 =	rddreg [dreg:$0x8];
	[sflag:s14] =	ssyncadd.s32 $0xFFFFE000  }
0xb0: {  	[tilespmem:s18], [sflag:$0x5] =	stream.linear.gather [hbm4b:s19+s18], $0x1000, $0x38;
	[tilespmem:$0x1E000] =	vst v63  }
0xb1: {  	_ =	swait.ge [sflag:s26], $0x1000  }
0xb2: {  	[sflag:s26] =	ssyncset.done $0x0  }
0xb3: {  	s21 =	rddreg [dreg:$0x9];
	[sflag:s26] =	ssyncadd.s32 $0xFFFFF000  }
0xb4: {  	[tilespmem:s29], [sflag:$0x5] =	stream.linear.gather [hbm4b:s21+s18], $0x1000, $0x38;
	[tilespmem:$0x1E000] =	vst v63  }
0xb5: {  	_ =	swait.ge [sflag:s26], $0x1000  }
0xb6: {  	[sflag:s26] =	ssyncset.done $0x0  }
0xb7: {  	[sflag:s26] =	ssyncadd.s32 $0xFFFFF000  }
0xb8: {  	[tilespmem:s28], [sflag:$0x1] =	stream.indirect.gather [spmem:s2], $0x40, s18, s30, $0xb8;
	[tilespmem:$0x1E000] =	vst v63  }
0xb9: {  	_ = 	snop  }
0xba: {  	[tilespmem:s31], [sflag:$0x2] =	stream.indirect.gather [spmem:s2], $0x40, s30, s30, $0xb8;
	[tilespmem:$0x1E000] =	vst v63  }
0xbb: {  	_ =	swait.ge [sflag:s1], $0x2000  }
0xbc: {  	[sflag:s1] =	ssyncset.done $0x0  }
0xbd: {  	[sflag:s1] =	ssyncadd.s32 $0xFFFFE000  }
0xbe: {  	[spmem:s3] =	stream.indirect.scatter.add.f32 [tilespmem:s28], [sflag:$0x1], $0x40, s29, s30, $0xb8;
	[tilespmem:$0x1E000] =	vst v63  }
0xbf: {  	_ = 	snop  }
0xc0: {  	[tilespmem:s4], [sflag:$0x3] =	stream.indirect.gather [spmem:s2], $0x40, s0, s30, $0xb8;
	[tilespmem:$0x1E000] =	vst v63  }
0xc1: {  	_ =	swait.ge [sflag:s5], $0x2000  }
0xc2: {  	[sflag:s5] =	ssyncset.done $0x0  }
0xc3: {  	[sflag:s5] =	ssyncadd.s32 $0xFFFFE000  }
0xc4: {  	[spmem:s3] =	stream.indirect.scatter.add.f32 [tilespmem:s31], [sflag:$0x2], $0x40, s8, s30, $0xb8;
	[tilespmem:$0x1E000] =	vst v63  }
0xc5: {  	_ = 	snop  }
0xc6: {  	[tilespmem:s10], [sflag:$0x4] =	stream.indirect.gather [spmem:s2], $0x40, s9, s30, $0xb8;
	[tilespmem:$0x1E000] =	vst v63  }
0xc7: {  	_ =	swait.ge [sflag:s11], $0x2000  }
0xc8: {  	[sflag:s11] =	ssyncset.done $0x0  }
0xc9: {  	[sflag:s11] =	ssyncadd.s32 $0xFFFFE000  }
0xca: {  	[spmem:s3] =	stream.indirect.scatter.add.f32 [tilespmem:s4], [sflag:$0x3], $0x40, s12, s30, $0xb8;
	[tilespmem:$0x1E000] =	vst v63  }
0xcb: {  	_ =	swait.ge [sflag:s1], $0x2000  }
0xcc: {  	[sflag:s1] =	ssyncset.done $0x0  }
0xcd: {  	[sflag:s1] =	ssyncadd.s32 $0xFFFFE000  }
0xce: {  	[tilespmem:s28], [sflag:$0x1] =	stream.indirect.gather [spmem:s2], $0x40, s13, s30, $0xb8;
	[tilespmem:$0x1E000] =	vst v63  }
0xcf: {  	_ =	swait.ge [sflag:s14], $0x2000  }
0xd0: {  	[sflag:s14] =	ssyncset.done $0x0  }
0xd1: {  	[sflag:s14] =	ssyncadd.s32 $0xFFFFE000  }
0xd2: {  	[spmem:s3] =	stream.indirect.scatter.add.f32 [tilespmem:s10], [sflag:$0x4], $0x40, s15, s30, $0xb8;
	[tilespmem:$0x1E000] =	vst v63  }
0xd3: {  	_ =	swait.ge [sflag:s5], $0x2000  }
0xd4: {  	[sflag:s5] =	ssyncset.done $0x0  }
0xd5: {  	[sflag:s5] =	ssyncadd.s32 $0xFFFFE000  }
0xd6: {  	[tilespmem:s31], [sflag:$0x2] =	stream.indirect.gather [spmem:s2], $0x40, s16, s30, $0xb8;
	[tilespmem:$0x1E000] =	vst v63  }
.LBB2_7:
0xd7: {  	_ =	swait.ge [sflag:s1], $0x2000  }
0xd8: {  	s19 =	sshra.s32 s18, $0x2;
	[sflag:s1] =	ssyncset.done $0x0  }
0xd9: {  	s20 =	sadd.s32 $0x1200, s19;
	[sflag:s1] =	ssyncadd.s32 $0xFFFFE000  }
0xda: {  	[spmem:s3] =	stream.indirect.scatter.add.f32 [tilespmem:s28], [sflag:$0x1], $0x40, s20, s30, $0xb8;
	[tilespmem:$0x1E000] =	vst v63  }
0xdb: {  	_ =	swait.ge [sflag:s11], $0x2000  }
0xdc: {  	[sflag:s11] =	ssyncset.done $0x0  }
0xdd: {  	s21 =	sadd.s32 $0x300, s19;
	[sflag:s11] =	ssyncadd.s32 $0xFFFFE000  }
0xde: {  	[tilespmem:s4], [sflag:$0x3] =	stream.indirect.gather [spmem:s2], $0x40, s21, s30, $0xb8;
	[tilespmem:$0x1E000] =	vst v63  }
0xdf: {  	_ =	swait.ge [sflag:s5], $0x2000  }
0xe0: {  	[sflag:s5] =	ssyncset.done $0x0  }
0xe1: {  	s21 =	sadd.s32 $0x1280, s19;
	[sflag:s5] =	ssyncadd.s32 $0xFFFFE000  }
0xe2: {  	[spmem:s3] =	stream.indirect.scatter.add.f32 [tilespmem:s31], [sflag:$0x2], $0x40, s21, s30, $0xb8;
	[tilespmem:$0x1E000] =	vst v63  }
0xe3: {  	_ =	swait.ge [sflag:s14], $0x2000  }
0xe4: {  	[sflag:s14] =	ssyncset.done $0x0  }
0xe5: {  	s21 =	sadd.s32 $0x380, s19;
	[sflag:s14] =	ssyncadd.s32 $0xFFFFE000  }
0xe6: {  	[tilespmem:s10], [sflag:$0x4] =	stream.indirect.gather [spmem:s2], $0x40, s21, s30, $0xb8;
	[tilespmem:$0x1E000] =	vst v63  }
0xe7: {  	_ =	swait.ge [sflag:s11], $0x2000  }
0xe8: {  	p0 =	seq.s32 s18, $0x3000;
	[sflag:s11] =	ssyncset.done $0x0  }
.Ltmp5:
0xe9: {  	s21 =	sadd.s32 $0x1300, s19;
	[sflag:s11] =	ssyncadd.s32 $0xFFFFE000;
	(pc) =	sbr.rel @p0 .LBB2_9-.Ltmp5, $4  }
0xea: {  	[spmem:s3] =	stream.indirect.scatter.add.f32 [tilespmem:s4], [sflag:$0x3], $0x40, s21, s30, $0xb8;
	[tilespmem:$0x1E000] =	vst v63  }
0xeb: {  	_ =	swait.ge [sflag:s1], $0x2000  }
0xec: {  	[sflag:s1] =	ssyncset.done $0x0  }
0xed: {  	s20 =	sadd.s32 $0x1380, s19;
	[sflag:s1] =	ssyncadd.s32 $0xFFFFE000  }
0xee: {  	s21 =	sadd.s32 $0x400, s19  }
0xef: {  	[tilespmem:s28], [sflag:$0x1] =	stream.indirect.gather [spmem:s2], $0x40, s21, s30, $0xb8;
	[tilespmem:$0x1E000] =	vst v63  }
0xf0: {  	_ =	swait.ge [sflag:s14], $0x2000  }
0xf1: {  	[sflag:s14] =	ssyncset.done $0x0  }
0xf2: {  	[sflag:s14] =	ssyncadd.s32 $0xFFFFE000  }
0xf3: {  	[spmem:s3] =	stream.indirect.scatter.add.f32 [tilespmem:s10], [sflag:$0x4], $0x40, s20, s30, $0xb8;
	[tilespmem:$0x1E000] =	vst v63  }
.Ltmp6:
0xf4: {  	_ = 	snop;
	(pc) =	sbr.rel .LBB2_7-.Ltmp6, $4  }
0xf5: {  	_ =	swait.ge [sflag:s5], $0x2000  }
0xf6: {  	[sflag:s5] =	ssyncset.done $0x0  }
0xf7: {  	s18 =	sadd.s32 $0x800, s18;
	s21 =	sadd.s32 $0x480, s19;
	[sflag:s5] =	ssyncadd.s32 $0xFFFFE000  }
0xf8: {  	[tilespmem:s31], [sflag:$0x2] =	stream.indirect.gather [spmem:s2], $0x40, s21, s30, $0xb8;
	[tilespmem:$0x1E000] =	vst v63  }
.LBB2_9:
0xf9: {  	_ =	swait.ge [sflag:s14], $0x2000  }
0xfa: {  	[sflag:s14] =	ssyncset.done $0x0  }
0xfb: {  	[sflag:s14] =	ssyncadd.s32 $0xFFFFE000  }
0xfc: {  	[spmem:s3] =	stream.indirect.scatter.add.f32 [tilespmem:s10], [sflag:$0x4], $0x40, s20, s30, $0xb8;
	[tilespmem:$0x1E000] =	vst v63  }
0xfd: {  	_ =	swait.ge [sflag:s5], $0x2000  }
0xfe: {  	[sflag:s5] =	ssyncset.done $0x0  }
0xff: {  	[sflag:s5] =	ssyncadd.s32 $0xFFFFE000  }
0x100: {  	_ =	swait.ge [sflag:s11], $0x2000  }
0x101: {  	[sflag:s11] =	ssyncset.done $0x0  }
0x102: {  	[sflag:s11] =	ssyncadd.s32 $0xFFFFE000  }
0x103: {  	_ =	swait.ge [sflag:s14], $0x2000  }
0x104: {  	[sflag:s14] =	ssyncset.done $0x0  }
0x105: {  	s18 =	simm.s32 $0x0;
	s19 =	rddreg [dreg:$0xa];
	[sflag:s14] =	ssyncadd.s32 $0xFFFFE000  }
0x106: {  	[tilespmem:s18], [sflag:$0x5] =	stream.linear.gather [hbm4b:s19+s18], $0x1000, $0x38;
	[tilespmem:$0x1E000] =	vst v63  }
0x107: {  	_ =	swait.ge [sflag:s26], $0x1000  }
0x108: {  	[sflag:s26] =	ssyncset.done $0x0  }
0x109: {  	s21 =	rddreg [dreg:$0xb];
	[sflag:s26] =	ssyncadd.s32 $0xFFFFF000  }
0x10a: {  	[tilespmem:s29], [sflag:$0x5] =	stream.linear.gather [hbm4b:s21+s18], $0x1000, $0x38;
	[tilespmem:$0x1E000] =	vst v63  }
0x10b: {  	_ =	swait.ge [sflag:s26], $0x1000  }
0x10c: {  	[sflag:s26] =	ssyncset.done $0x0  }
0x10d: {  	[sflag:s26] =	ssyncadd.s32 $0xFFFFF000  }
0x10e: {  	[tilespmem:s28], [sflag:$0x1] =	stream.indirect.gather [spmem:s2], $0x40, s18, s30, $0xb8;
	[tilespmem:$0x1E000] =	vst v63  }
0x10f: {  	_ = 	snop  }
0x110: {  	[tilespmem:s31], [sflag:$0x2] =	stream.indirect.gather [spmem:s2], $0x40, s30, s30, $0xb8;
	[tilespmem:$0x1E000] =	vst v63  }
0x111: {  	_ =	swait.ge [sflag:s1], $0x2000  }
0x112: {  	[sflag:s1] =	ssyncset.done $0x0  }
0x113: {  	[sflag:s1] =	ssyncadd.s32 $0xFFFFE000  }
0x114: {  	[spmem:s3] =	stream.indirect.scatter.add.f32 [tilespmem:s28], [sflag:$0x1], $0x40, s29, s30, $0xb8;
	[tilespmem:$0x1E000] =	vst v63  }
0x115: {  	_ = 	snop  }
0x116: {  	[tilespmem:s4], [sflag:$0x3] =	stream.indirect.gather [spmem:s2], $0x40, s0, s30, $0xb8;
	[tilespmem:$0x1E000] =	vst v63  }
0x117: {  	_ =	swait.ge [sflag:s5], $0x2000  }
0x118: {  	[sflag:s5] =	ssyncset.done $0x0  }
0x119: {  	[sflag:s5] =	ssyncadd.s32 $0xFFFFE000  }
0x11a: {  	[spmem:s3] =	stream.indirect.scatter.add.f32 [tilespmem:s31], [sflag:$0x2], $0x40, s8, s30, $0xb8;
	[tilespmem:$0x1E000] =	vst v63  }
0x11b: {  	_ = 	snop  }
0x11c: {  	[tilespmem:s10], [sflag:$0x4] =	stream.indirect.gather [spmem:s2], $0x40, s9, s30, $0xb8;
	[tilespmem:$0x1E000] =	vst v63  }
0x11d: {  	_ =	swait.ge [sflag:s11], $0x2000  }
0x11e: {  	[sflag:s11] =	ssyncset.done $0x0  }
0x11f: {  	[sflag:s11] =	ssyncadd.s32 $0xFFFFE000  }
0x120: {  	[spmem:s3] =	stream.indirect.scatter.add.f32 [tilespmem:s4], [sflag:$0x3], $0x40, s12, s30, $0xb8;
	[tilespmem:$0x1E000] =	vst v63  }
0x121: {  	_ =	swait.ge [sflag:s1], $0x2000  }
0x122: {  	[sflag:s1] =	ssyncset.done $0x0  }
0x123: {  	[sflag:s1] =	ssyncadd.s32 $0xFFFFE000  }
0x124: {  	[tilespmem:s28], [sflag:$0x1] =	stream.indirect.gather [spmem:s2], $0x40, s13, s30, $0xb8;
	[tilespmem:$0x1E000] =	vst v63  }
0x125: {  	_ =	swait.ge [sflag:s14], $0x2000  }
0x126: {  	[sflag:s14] =	ssyncset.done $0x0  }
0x127: {  	[sflag:s14] =	ssyncadd.s32 $0xFFFFE000  }
0x128: {  	[spmem:s3] =	stream.indirect.scatter.add.f32 [tilespmem:s10], [sflag:$0x4], $0x40, s15, s30, $0xb8;
	[tilespmem:$0x1E000] =	vst v63  }
0x129: {  	_ =	swait.ge [sflag:s5], $0x2000  }
0x12a: {  	[sflag:s5] =	ssyncset.done $0x0  }
0x12b: {  	[sflag:s5] =	ssyncadd.s32 $0xFFFFE000  }
0x12c: {  	[tilespmem:s31], [sflag:$0x2] =	stream.indirect.gather [spmem:s2], $0x40, s16, s30, $0xb8;
	[tilespmem:$0x1E000] =	vst v63  }
.LBB2_10:
0x12d: {  	_ =	swait.ge [sflag:s1], $0x2000  }
0x12e: {  	s19 =	sshra.s32 s18, $0x2;
	[sflag:s1] =	ssyncset.done $0x0  }
0x12f: {  	s20 =	sadd.s32 $0x1200, s19;
	[sflag:s1] =	ssyncadd.s32 $0xFFFFE000  }
0x130: {  	[spmem:s3] =	stream.indirect.scatter.add.f32 [tilespmem:s28], [sflag:$0x1], $0x40, s20, s30, $0xb8;
	[tilespmem:$0x1E000] =	vst v63  }
0x131: {  	_ =	swait.ge [sflag:s11], $0x2000  }
0x132: {  	[sflag:s11] =	ssyncset.done $0x0  }
0x133: {  	s21 =	sadd.s32 $0x300, s19;
	[sflag:s11] =	ssyncadd.s32 $0xFFFFE000  }
0x134: {  	[tilespmem:s4], [sflag:$0x3] =	stream.indirect.gather [spmem:s2], $0x40, s21, s30, $0xb8;
	[tilespmem:$0x1E000] =	vst v63  }
0x135: {  	_ =	swait.ge [sflag:s5], $0x2000  }
0x136: {  	[sflag:s5] =	ssyncset.done $0x0  }
0x137: {  	s21 =	sadd.s32 $0x1280, s19;
	[sflag:s5] =	ssyncadd.s32 $0xFFFFE000  }
0x138: {  	[spmem:s3] =	stream.indirect.scatter.add.f32 [tilespmem:s31], [sflag:$0x2], $0x40, s21, s30, $0xb8;
	[tilespmem:$0x1E000] =	vst v63  }
0x139: {  	_ =	swait.ge [sflag:s14], $0x2000  }
0x13a: {  	[sflag:s14] =	ssyncset.done $0x0  }
0x13b: {  	s21 =	sadd.s32 $0x380, s19;
	[sflag:s14] =	ssyncadd.s32 $0xFFFFE000  }
0x13c: {  	[tilespmem:s10], [sflag:$0x4] =	stream.indirect.gather [spmem:s2], $0x40, s21, s30, $0xb8;
	[tilespmem:$0x1E000] =	vst v63  }
0x13d: {  	_ =	swait.ge [sflag:s11], $0x2000  }
0x13e: {  	p0 =	seq.s32 s18, $0x3000;
	[sflag:s11] =	ssyncset.done $0x0  }
.Ltmp7:
0x13f: {  	s21 =	sadd.s32 $0x1300, s19;
	[sflag:s11] =	ssyncadd.s32 $0xFFFFE000;
	(pc) =	sbr.rel @p0 .LBB2_12-.Ltmp7, $4  }
0x140: {  	[spmem:s3] =	stream.indirect.scatter.add.f32 [tilespmem:s4], [sflag:$0x3], $0x40, s21, s30, $0xb8;
	[tilespmem:$0x1E000] =	vst v63  }
0x141: {  	_ =	swait.ge [sflag:s1], $0x2000  }
0x142: {  	[sflag:s1] =	ssyncset.done $0x0  }
0x143: {  	s20 =	sadd.s32 $0x1380, s19;
	[sflag:s1] =	ssyncadd.s32 $0xFFFFE000  }
0x144: {  	s21 =	sadd.s32 $0x400, s19  }
0x145: {  	[tilespmem:s28], [sflag:$0x1] =	stream.indirect.gather [spmem:s2], $0x40, s21, s30, $0xb8;
	[tilespmem:$0x1E000] =	vst v63  }
0x146: {  	_ =	swait.ge [sflag:s14], $0x2000  }
0x147: {  	[sflag:s14] =	ssyncset.done $0x0  }
0x148: {  	[sflag:s14] =	ssyncadd.s32 $0xFFFFE000  }
0x149: {  	[spmem:s3] =	stream.indirect.scatter.add.f32 [tilespmem:s10], [sflag:$0x4], $0x40, s20, s30, $0xb8;
	[tilespmem:$0x1E000] =	vst v63  }
.Ltmp8:
0x14a: {  	_ = 	snop;
	(pc) =	sbr.rel .LBB2_10-.Ltmp8, $4  }
0x14b: {  	_ =	swait.ge [sflag:s5], $0x2000  }
0x14c: {  	[sflag:s5] =	ssyncset.done $0x0  }
0x14d: {  	s18 =	sadd.s32 $0x800, s18;
	s21 =	sadd.s32 $0x480, s19;
	[sflag:s5] =	ssyncadd.s32 $0xFFFFE000  }
0x14e: {  	[tilespmem:s31], [sflag:$0x2] =	stream.indirect.gather [spmem:s2], $0x40, s21, s30, $0xb8;
	[tilespmem:$0x1E000] =	vst v63  }
.LBB2_12:
0x14f: {  	_ =	swait.ge [sflag:s14], $0x2000  }
0x150: {  	[sflag:s14] =	ssyncset.done $0x0  }
0x151: {  	[sflag:s14] =	ssyncadd.s32 $0xFFFFE000  }
0x152: {  	[spmem:s3] =	stream.indirect.scatter.add.f32 [tilespmem:s10], [sflag:$0x4], $0x40, s20, s30, $0xb8;
	[tilespmem:$0x1E000] =	vst v63  }
0x153: {  	_ =	swait.ge [sflag:s5], $0x2000  }
0x154: {  	[sflag:s5] =	ssyncset.done $0x0  }
0x155: {  	[sflag:s5] =	ssyncadd.s32 $0xFFFFE000  }
0x156: {  	_ =	swait.ge [sflag:s11], $0x2000  }
0x157: {  	[sflag:s11] =	ssyncset.done $0x0  }
0x158: {  	[sflag:s11] =	ssyncadd.s32 $0xFFFFE000  }
0x159: {  	_ =	swait.ge [sflag:s14], $0x2000  }
0x15a: {  	[sflag:s14] =	ssyncset.done $0x0  }
0x15b: {  	s18 =	simm.s32 $0x0;
	s19 =	rddreg [dreg:$0xc];
	[sflag:s14] =	ssyncadd.s32 $0xFFFFE000  }
0x15c: {  	[tilespmem:s18], [sflag:$0x5] =	stream.linear.gather [hbm4b:s19+s18], $0x1000, $0x38;
	[tilespmem:$0x1E000] =	vst v63  }
0x15d: {  	_ =	swait.ge [sflag:s26], $0x1000  }
0x15e: {  	[sflag:s26] =	ssyncset.done $0x0  }
0x15f: {  	s21 =	rddreg [dreg:$0xd];
	[sflag:s26] =	ssyncadd.s32 $0xFFFFF000  }
0x160: {  	[tilespmem:s29], [sflag:$0x5] =	stream.linear.gather [hbm4b:s21+s18], $0x1000, $0x38;
	[tilespmem:$0x1E000] =	vst v63  }
0x161: {  	_ =	swait.ge [sflag:s26], $0x1000  }
0x162: {  	[sflag:s26] =	ssyncset.done $0x0  }
0x163: {  	[sflag:s26] =	ssyncadd.s32 $0xFFFFF000  }
0x164: {  	[tilespmem:s28], [sflag:$0x1] =	stream.indirect.gather [spmem:s2], $0x40, s18, s30, $0xb8;
	[tilespmem:$0x1E000] =	vst v63  }
0x165: {  	_ = 	snop  }
0x166: {  	[tilespmem:s31], [sflag:$0x2] =	stream.indirect.gather [spmem:s2], $0x40, s30, s30, $0xb8;
	[tilespmem:$0x1E000] =	vst v63  }
0x167: {  	_ =	swait.ge [sflag:s1], $0x2000  }
0x168: {  	[sflag:s1] =	ssyncset.done $0x0  }
0x169: {  	[sflag:s1] =	ssyncadd.s32 $0xFFFFE000  }
0x16a: {  	[spmem:s3] =	stream.indirect.scatter.add.f32 [tilespmem:s28], [sflag:$0x1], $0x40, s29, s30, $0xb8;
	[tilespmem:$0x1E000] =	vst v63  }
0x16b: {  	_ = 	snop  }
0x16c: {  	[tilespmem:s4], [sflag:$0x3] =	stream.indirect.gather [spmem:s2], $0x40, s0, s30, $0xb8;
	[tilespmem:$0x1E000] =	vst v63  }
0x16d: {  	_ =	swait.ge [sflag:s5], $0x2000  }
0x16e: {  	[sflag:s5] =	ssyncset.done $0x0  }
0x16f: {  	[sflag:s5] =	ssyncadd.s32 $0xFFFFE000  }
0x170: {  	[spmem:s3] =	stream.indirect.scatter.add.f32 [tilespmem:s31], [sflag:$0x2], $0x40, s8, s30, $0xb8;
	[tilespmem:$0x1E000] =	vst v63  }
0x171: {  	_ = 	snop  }
0x172: {  	[tilespmem:s10], [sflag:$0x4] =	stream.indirect.gather [spmem:s2], $0x40, s9, s30, $0xb8;
	[tilespmem:$0x1E000] =	vst v63  }
0x173: {  	_ =	swait.ge [sflag:s11], $0x2000  }
0x174: {  	[sflag:s11] =	ssyncset.done $0x0  }
0x175: {  	[sflag:s11] =	ssyncadd.s32 $0xFFFFE000  }
0x176: {  	[spmem:s3] =	stream.indirect.scatter.add.f32 [tilespmem:s4], [sflag:$0x3], $0x40, s12, s30, $0xb8;
	[tilespmem:$0x1E000] =	vst v63  }
0x177: {  	_ =	swait.ge [sflag:s1], $0x2000  }
0x178: {  	[sflag:s1] =	ssyncset.done $0x0  }
0x179: {  	[sflag:s1] =	ssyncadd.s32 $0xFFFFE000  }
0x17a: {  	[tilespmem:s28], [sflag:$0x1] =	stream.indirect.gather [spmem:s2], $0x40, s13, s30, $0xb8;
	[tilespmem:$0x1E000] =	vst v63  }
0x17b: {  	_ =	swait.ge [sflag:s14], $0x2000  }
0x17c: {  	[sflag:s14] =	ssyncset.done $0x0  }
0x17d: {  	[sflag:s14] =	ssyncadd.s32 $0xFFFFE000  }
0x17e: {  	[spmem:s3] =	stream.indirect.scatter.add.f32 [tilespmem:s10], [sflag:$0x4], $0x40, s15, s30, $0xb8;
	[tilespmem:$0x1E000] =	vst v63  }
0x17f: {  	_ =	swait.ge [sflag:s5], $0x2000  }
0x180: {  	[sflag:s5] =	ssyncset.done $0x0  }
0x181: {  	[sflag:s5] =	ssyncadd.s32 $0xFFFFE000  }
0x182: {  	[tilespmem:s31], [sflag:$0x2] =	stream.indirect.gather [spmem:s2], $0x40, s16, s30, $0xb8;
	[tilespmem:$0x1E000] =	vst v63  }
.LBB2_13:
0x183: {  	_ =	swait.ge [sflag:s1], $0x2000  }
0x184: {  	s19 =	sshra.s32 s18, $0x2;
	[sflag:s1] =	ssyncset.done $0x0  }
0x185: {  	s20 =	sadd.s32 $0x1200, s19;
	[sflag:s1] =	ssyncadd.s32 $0xFFFFE000  }
0x186: {  	[spmem:s3] =	stream.indirect.scatter.add.f32 [tilespmem:s28], [sflag:$0x1], $0x40, s20, s30, $0xb8;
	[tilespmem:$0x1E000] =	vst v63  }
0x187: {  	_ =	swait.ge [sflag:s11], $0x2000  }
0x188: {  	[sflag:s11] =	ssyncset.done $0x0  }
0x189: {  	s21 =	sadd.s32 $0x300, s19;
	[sflag:s11] =	ssyncadd.s32 $0xFFFFE000  }
0x18a: {  	[tilespmem:s4], [sflag:$0x3] =	stream.indirect.gather [spmem:s2], $0x40, s21, s30, $0xb8;
	[tilespmem:$0x1E000] =	vst v63  }
0x18b: {  	_ =	swait.ge [sflag:s5], $0x2000  }
0x18c: {  	[sflag:s5] =	ssyncset.done $0x0  }
0x18d: {  	s21 =	sadd.s32 $0x1280, s19;
	[sflag:s5] =	ssyncadd.s32 $0xFFFFE000  }
0x18e: {  	[spmem:s3] =	stream.indirect.scatter.add.f32 [tilespmem:s31], [sflag:$0x2], $0x40, s21, s30, $0xb8;
	[tilespmem:$0x1E000] =	vst v63  }
0x18f: {  	_ =	swait.ge [sflag:s14], $0x2000  }
0x190: {  	[sflag:s14] =	ssyncset.done $0x0  }
0x191: {  	s21 =	sadd.s32 $0x380, s19;
	[sflag:s14] =	ssyncadd.s32 $0xFFFFE000  }
0x192: {  	[tilespmem:s10], [sflag:$0x4] =	stream.indirect.gather [spmem:s2], $0x40, s21, s30, $0xb8;
	[tilespmem:$0x1E000] =	vst v63  }
0x193: {  	_ =	swait.ge [sflag:s11], $0x2000  }
0x194: {  	p0 =	seq.s32 s18, $0x3000;
	[sflag:s11] =	ssyncset.done $0x0  }
.Ltmp9:
0x195: {  	s21 =	sadd.s32 $0x1300, s19;
	[sflag:s11] =	ssyncadd.s32 $0xFFFFE000;
	(pc) =	sbr.rel @p0 .LBB2_15-.Ltmp9, $4  }
0x196: {  	[spmem:s3] =	stream.indirect.scatter.add.f32 [tilespmem:s4], [sflag:$0x3], $0x40, s21, s30, $0xb8;
	[tilespmem:$0x1E000] =	vst v63  }
0x197: {  	_ =	swait.ge [sflag:s1], $0x2000  }
0x198: {  	[sflag:s1] =	ssyncset.done $0x0  }
0x199: {  	s20 =	sadd.s32 $0x1380, s19;
	[sflag:s1] =	ssyncadd.s32 $0xFFFFE000  }
0x19a: {  	s21 =	sadd.s32 $0x400, s19  }
0x19b: {  	[tilespmem:s28], [sflag:$0x1] =	stream.indirect.gather [spmem:s2], $0x40, s21, s30, $0xb8;
	[tilespmem:$0x1E000] =	vst v63  }
0x19c: {  	_ =	swait.ge [sflag:s14], $0x2000  }
0x19d: {  	[sflag:s14] =	ssyncset.done $0x0  }
0x19e: {  	[sflag:s14] =	ssyncadd.s32 $0xFFFFE000  }
0x19f: {  	[spmem:s3] =	stream.indirect.scatter.add.f32 [tilespmem:s10], [sflag:$0x4], $0x40, s20, s30, $0xb8;
	[tilespmem:$0x1E000] =	vst v63  }
.Ltmp10:
0x1a0: {  	_ = 	snop;
	(pc) =	sbr.rel .LBB2_13-.Ltmp10, $4  }
0x1a1: {  	_ =	swait.ge [sflag:s5], $0x2000  }
0x1a2: {  	[sflag:s5] =	ssyncset.done $0x0  }
0x1a3: {  	s18 =	sadd.s32 $0x800, s18;
	s21 =	sadd.s32 $0x480, s19;
	[sflag:s5] =	ssyncadd.s32 $0xFFFFE000  }
0x1a4: {  	[tilespmem:s31], [sflag:$0x2] =	stream.indirect.gather [spmem:s2], $0x40, s21, s30, $0xb8;
	[tilespmem:$0x1E000] =	vst v63  }
.LBB2_15:
0x1a5: {  	_ =	swait.ge [sflag:s14], $0x2000  }
0x1a6: {  	[sflag:s14] =	ssyncset.done $0x0  }
0x1a7: {  	[sflag:s14] =	ssyncadd.s32 $0xFFFFE000  }
0x1a8: {  	[spmem:s3] =	stream.indirect.scatter.add.f32 [tilespmem:s10], [sflag:$0x4], $0x40, s20, s30, $0xb8;
	[tilespmem:$0x1E000] =	vst v63  }
0x1a9: {  	_ =	swait.ge [sflag:s5], $0x2000  }
0x1aa: {  	[sflag:s5] =	ssyncset.done $0x0  }
0x1ab: {  	[sflag:s5] =	ssyncadd.s32 $0xFFFFE000  }
0x1ac: {  	_ =	swait.ge [sflag:s11], $0x2000  }
0x1ad: {  	[sflag:s11] =	ssyncset.done $0x0  }
0x1ae: {  	[sflag:s11] =	ssyncadd.s32 $0xFFFFE000  }
0x1af: {  	_ =	swait.ge [sflag:s14], $0x2000  }
0x1b0: {  	[sflag:s14] =	ssyncset.done $0x0  }
0x1b1: {  	s18 =	simm.s32 $0x0;
	s19 =	rddreg [dreg:$0xe];
	[sflag:s14] =	ssyncadd.s32 $0xFFFFE000  }
0x1b2: {  	[tilespmem:s18], [sflag:$0x5] =	stream.linear.gather [hbm4b:s19+s18], $0x1000, $0x38;
	[tilespmem:$0x1E000] =	vst v63  }
0x1b3: {  	_ =	swait.ge [sflag:s26], $0x1000  }
0x1b4: {  	[sflag:s26] =	ssyncset.done $0x0  }
0x1b5: {  	s21 =	rddreg [dreg:$0xf];
	[sflag:s26] =	ssyncadd.s32 $0xFFFFF000  }
0x1b6: {  	[tilespmem:s29], [sflag:$0x5] =	stream.linear.gather [hbm4b:s21+s18], $0x1000, $0x38;
	[tilespmem:$0x1E000] =	vst v63  }
0x1b7: {  	_ =	swait.ge [sflag:s26], $0x1000  }
0x1b8: {  	[sflag:s26] =	ssyncset.done $0x0  }
0x1b9: {  	[sflag:s26] =	ssyncadd.s32 $0xFFFFF000  }
0x1ba: {  	[tilespmem:s28], [sflag:$0x1] =	stream.indirect.gather [spmem:s2], $0x40, s18, s30, $0xb8;
	[tilespmem:$0x1E000] =	vst v63  }
0x1bb: {  	_ = 	snop  }
0x1bc: {  	[tilespmem:s31], [sflag:$0x2] =	stream.indirect.gather [spmem:s2], $0x40, s30, s30, $0xb8;
	[tilespmem:$0x1E000] =	vst v63  }
0x1bd: {  	_ =	swait.ge [sflag:s1], $0x2000  }
0x1be: {  	[sflag:s1] =	ssyncset.done $0x0  }
0x1bf: {  	[sflag:s1] =	ssyncadd.s32 $0xFFFFE000  }
0x1c0: {  	[spmem:s3] =	stream.indirect.scatter.add.f32 [tilespmem:s28], [sflag:$0x1], $0x40, s29, s30, $0xb8;
	[tilespmem:$0x1E000] =	vst v63  }
0x1c1: {  	_ = 	snop  }
0x1c2: {  	[tilespmem:s4], [sflag:$0x3] =	stream.indirect.gather [spmem:s2], $0x40, s0, s30, $0xb8;
	[tilespmem:$0x1E000] =	vst v63  }
0x1c3: {  	_ =	swait.ge [sflag:s5], $0x2000  }
0x1c4: {  	[sflag:s5] =	ssyncset.done $0x0  }
0x1c5: {  	[sflag:s5] =	ssyncadd.s32 $0xFFFFE000  }
0x1c6: {  	[spmem:s3] =	stream.indirect.scatter.add.f32 [tilespmem:s31], [sflag:$0x2], $0x40, s8, s30, $0xb8;
	[tilespmem:$0x1E000] =	vst v63  }
0x1c7: {  	_ = 	snop  }
0x1c8: {  	[tilespmem:s10], [sflag:$0x4] =	stream.indirect.gather [spmem:s2], $0x40, s9, s30, $0xb8;
	[tilespmem:$0x1E000] =	vst v63  }
0x1c9: {  	_ =	swait.ge [sflag:s11], $0x2000  }
0x1ca: {  	[sflag:s11] =	ssyncset.done $0x0  }
0x1cb: {  	[sflag:s11] =	ssyncadd.s32 $0xFFFFE000  }
0x1cc: {  	[spmem:s3] =	stream.indirect.scatter.add.f32 [tilespmem:s4], [sflag:$0x3], $0x40, s12, s30, $0xb8;
	[tilespmem:$0x1E000] =	vst v63  }
0x1cd: {  	_ =	swait.ge [sflag:s1], $0x2000  }
0x1ce: {  	[sflag:s1] =	ssyncset.done $0x0  }
0x1cf: {  	[sflag:s1] =	ssyncadd.s32 $0xFFFFE000  }
0x1d0: {  	[tilespmem:s28], [sflag:$0x1] =	stream.indirect.gather [spmem:s2], $0x40, s13, s30, $0xb8;
	[tilespmem:$0x1E000] =	vst v63  }
0x1d1: {  	_ =	swait.ge [sflag:s14], $0x2000  }
0x1d2: {  	[sflag:s14] =	ssyncset.done $0x0  }
0x1d3: {  	[sflag:s14] =	ssyncadd.s32 $0xFFFFE000  }
0x1d4: {  	[spmem:s3] =	stream.indirect.scatter.add.f32 [tilespmem:s10], [sflag:$0x4], $0x40, s15, s30, $0xb8;
	[tilespmem:$0x1E000] =	vst v63  }
0x1d5: {  	_ =	swait.ge [sflag:s5], $0x2000  }
0x1d6: {  	[sflag:s5] =	ssyncset.done $0x0  }
0x1d7: {  	[sflag:s5] =	ssyncadd.s32 $0xFFFFE000  }
0x1d8: {  	[tilespmem:s31], [sflag:$0x2] =	stream.indirect.gather [spmem:s2], $0x40, s16, s30, $0xb8;
	[tilespmem:$0x1E000] =	vst v63  }
.LBB2_16:
0x1d9: {  	_ =	swait.ge [sflag:s1], $0x2000  }
0x1da: {  	s19 =	sshra.s32 s18, $0x2;
	[sflag:s1] =	ssyncset.done $0x0  }
0x1db: {  	s20 =	sadd.s32 $0x1200, s19;
	[sflag:s1] =	ssyncadd.s32 $0xFFFFE000  }
0x1dc: {  	[spmem:s3] =	stream.indirect.scatter.add.f32 [tilespmem:s28], [sflag:$0x1], $0x40, s20, s30, $0xb8;
	[tilespmem:$0x1E000] =	vst v63  }
0x1dd: {  	_ =	swait.ge [sflag:s11], $0x2000  }
0x1de: {  	[sflag:s11] =	ssyncset.done $0x0  }
0x1df: {  	s21 =	sadd.s32 $0x300, s19;
	[sflag:s11] =	ssyncadd.s32 $0xFFFFE000  }
0x1e0: {  	[tilespmem:s4], [sflag:$0x3] =	stream.indirect.gather [spmem:s2], $0x40, s21, s30, $0xb8;
	[tilespmem:$0x1E000] =	vst v63  }
0x1e1: {  	_ =	swait.ge [sflag:s5], $0x2000  }
0x1e2: {  	[sflag:s5] =	ssyncset.done $0x0  }
0x1e3: {  	s21 =	sadd.s32 $0x1280, s19;
	[sflag:s5] =	ssyncadd.s32 $0xFFFFE000  }
0x1e4: {  	[spmem:s3] =	stream.indirect.scatter.add.f32 [tilespmem:s31], [sflag:$0x2], $0x40, s21, s30, $0xb8;
	[tilespmem:$0x1E000] =	vst v63  }
0x1e5: {  	_ =	swait.ge [sflag:s14], $0x2000  }
0x1e6: {  	[sflag:s14] =	ssyncset.done $0x0  }
0x1e7: {  	s21 =	sadd.s32 $0x380, s19;
	[sflag:s14] =	ssyncadd.s32 $0xFFFFE000  }
0x1e8: {  	[tilespmem:s10], [sflag:$0x4] =	stream.indirect.gather [spmem:s2], $0x40, s21, s30, $0xb8;
	[tilespmem:$0x1E000] =	vst v63  }
0x1e9: {  	_ =	swait.ge [sflag:s11], $0x2000  }
0x1ea: {  	p0 =	seq.s32 s18, $0x3000;
	[sflag:s11] =	ssyncset.done $0x0  }
.Ltmp11:
0x1eb: {  	s21 =	sadd.s32 $0x1300, s19;
	[sflag:s11] =	ssyncadd.s32 $0xFFFFE000;
	(pc) =	sbr.rel @p0 .LBB2_18-.Ltmp11, $4  }
0x1ec: {  	[spmem:s3] =	stream.indirect.scatter.add.f32 [tilespmem:s4], [sflag:$0x3], $0x40, s21, s30, $0xb8;
	[tilespmem:$0x1E000] =	vst v63  }
0x1ed: {  	_ =	swait.ge [sflag:s1], $0x2000  }
0x1ee: {  	[sflag:s1] =	ssyncset.done $0x0  }
0x1ef: {  	s20 =	sadd.s32 $0x1380, s19;
	[sflag:s1] =	ssyncadd.s32 $0xFFFFE000  }
0x1f0: {  	s21 =	sadd.s32 $0x400, s19  }
0x1f1: {  	[tilespmem:s28], [sflag:$0x1] =	stream.indirect.gather [spmem:s2], $0x40, s21, s30, $0xb8;
	[tilespmem:$0x1E000] =	vst v63  }
0x1f2: {  	_ =	swait.ge [sflag:s14], $0x2000  }
0x1f3: {  	[sflag:s14] =	ssyncset.done $0x0  }
0x1f4: {  	[sflag:s14] =	ssyncadd.s32 $0xFFFFE000  }
0x1f5: {  	[spmem:s3] =	stream.indirect.scatter.add.f32 [tilespmem:s10], [sflag:$0x4], $0x40, s20, s30, $0xb8;
	[tilespmem:$0x1E000] =	vst v63  }
.Ltmp12:
0x1f6: {  	_ = 	snop;
	(pc) =	sbr.rel .LBB2_16-.Ltmp12, $4  }
0x1f7: {  	_ =	swait.ge [sflag:s5], $0x2000  }
0x1f8: {  	[sflag:s5] =	ssyncset.done $0x0  }
0x1f9: {  	s18 =	sadd.s32 $0x800, s18;
	s21 =	sadd.s32 $0x480, s19;
	[sflag:s5] =	ssyncadd.s32 $0xFFFFE000  }
0x1fa: {  	[tilespmem:s31], [sflag:$0x2] =	stream.indirect.gather [spmem:s2], $0x40, s21, s30, $0xb8;
	[tilespmem:$0x1E000] =	vst v63  }
.LBB2_19:
0x1fb: {  	_ =	sfence.sel $0x180000  }
0x1fc: {  	[bflag:$0x0] =	sbarrier.arrive $0xFFFF  }
0x1fd: {  	_ =	strace $0x9000004A  }
0x1fe: {  	s0 =	stileid.u32;
	[bflag:$0x2] =	sbarrier.arrive $0xFFFF  }
0x1ff: {  	p0 =	sne.s32 s0, $0x0;
	s0 =	rddreg [dreg:$0x4]  }
0x200: {  	s0 =	sadd.s32 @!p0 $0x100000, s0  }
0x201: {  	[sflag:s0] =	ssyncadd.tile.s32 @!p0 $0x1;
	_ =	shalt  }
.Lfunc_end2:
_tile_overlayer_lowered:
.L_overlay_start_2:
0x202: {  	(tag) =	ssettag $0x2  }
0x203: {  	s0 =	rddreg [dreg:$0x0];
	s2 =	stileid.u32  }
0x204: {  	s1 =	rddreg [dreg:$0x1];
	p0 =	sne.s32 s2, $0x0  }
0x205: {  	s3 =	rddreg [dreg:$0x2];
	[bflag:$0x3] =	sbarrier.arrive $0xFFFF;
	s2 =	simm.s32 @!p0 $0x1C05  }
0x206: {  	[timem:s3], [sflag:s2] =	dma.local @!p0 [hbm:s0], s1  }
0x207: {  	s0 =	simm.s32 @!p0 $0x5  }
0x208: {  	_ =	swait.ge @!p0 [sflag:s0], s1  }
0x209: {  	s1 =	ssub.s32 @!p0 $0x0, s1;
	[sflag:s0] =	ssyncset.done @!p0 $0x0  }
0x20a: {  	[sflag:s0] =	ssyncadd.s32 @!p0 s1  }
0x20b: {  	[bflag:$0x3] =	sbarrier.arrive $0xFFFF  }
0x20c: {  	_ =	shalt  }

// kernel: kernel.14.cloned.1.call-start
scs
__scs_entry_jumppad:
0x0: {  	(pc) =	sbr.rel $0x88, $3  }
0x1: {  	(tag) =	ssettag $0x0;
	lr =	simm.s32 $0x1  }
0x2: {  	[smem:$0x3F9B] =	sst lr;
	_ =	strace $0xD0000000  }
0x3: {  	_ = 	snop  }
0x4: {  	_ = 	snop  }
0x5: {  	_ = 	snop  }
0x6: {  	_ = 	snop  }
0x7: {  	_ = 	snop  }
__scs_overlays_trampoline_lowered:
0x8: {  	[smem:$0x3FAA] =	sst s0  }
0x9: {  	[smem:$0x3FAB] =	sst s1  }
0xa: {  	[smem:$0x3FAC] =	sst s2  }
0xb: {  	[smem:$0x3FAD] =	sst s3  }
0xc: {  	[smem:$0x3FAE] =	sst s4  }
0xd: {  	[smem:$0x3FAF] =	sst s5  }
0xe: {  	[smem:$0x3FB0] =	sst s6  }
0xf: {  	[smem:$0x3FB1] =	sst s7  }
0x10: {  	[smem:$0x3FB2] =	sst s8  }
0x11: {  	[smem:$0x3FB3] =	sst s9;
	s0 =	simm.s32 @!p0 $0x0  }
0x12: {  	s1 =	sld [smem:$0x3F99];
	s0 =	simm.s32 @p0 $0x1  }
0x13: {  	[smem:$0x3FB4] =	sst s0;
	s0 =	simm.s32 @!p1 $0x0  }
0x14: {  	s2 =	sld [smem:$0x3F98];
	s0 =	simm.s32 @p1 $0x1  }
0x15: {  	[smem:$0x3FB5] =	sst s0;
	s0 =	simm.s32 @!p2 $0x0  }
0x16: {  	s3 =	sld [smem:$0x3FDB];
	s0 =	simm.s32 @p2 $0x1  }
0x17: {  	s4 =	simm.s32 $0x1BF5;
	[smem:$0x3FB7] =	sst s0  }
0x18: {  	s0 =	sld [smem:$0x3F9A];
	_ =	swait.ge [sflag:s4], $0x0  }
0x19: {  	s7 =	sld [smem:$0x3F9B]  }
0x1a: {  	s8 =	sadd.s32 $0xFFFFE003, lr  }
0x1b: {  	s9 =	sadd.s32 $0xFFFFFEF7, lr;
	s5 =	simm.s32 $0xFFFFFFFF;
	p2 =	slt.u32 s8, $0xFFFFF086  }
0x1c: {  	p1 =	slt.u32 s9, $0xF7A;
	s5 =	simm.s32 @!p2 $0x0  }
0x1d: {  	s5 =	simm.s32 @p1 $0x1;
	p0 =	seq.s32 s7, s2  }
0x1e: {  	s7 =	smul.u32 @!p0 $0xF7A, s2;
	p2 =	seq.s32 @!p0 s5, $0x0  }
0x1f: {  	s9 =	smul.u32 $0xF7A, s1;
	s8 =	simm.s32 @!p0 $0x1BF5;
	p2 =	por !p2, p0  }
0x20: {  	[sflag:s8] =	ssyncset.s32 @!p0 $0xFFFFF086;
	s6 =	sadd.s32 @!p0 s3, s7;
	s7 =	simm.s32 @!p0 $0x108  }
0x21: {  	s3 =	sadd.s32 s3, s9;
	s6 =	sadd.s32 @!p0 $0x88, s6;
	s7 =	simm.s32 @p2 $0x1082  }
0x22: {  	[simem:s7], [sflag:s8] =	dma.local @!p0 [hbm:s6], $0xF7A  }
0x23: {  	s9 =	sor.u32 $0xD0000000, s2;
	s6 =	simm.s32 $0x108;
	_ =	swait.ge @!p0 [sflag:s8], $0x0  }
0x24: {  	s3 =	sadd.s32 $0x88, s3;
	s6 =	simm.s32 @!p1 $0x1082;
	[sflag:s4] =	ssyncset.s32 $0xFFFFF086  }
0x25: {  	[simem:s6], [sflag:s4] =	dma.local [hbm:s3], $0xF7A  }
0x26: {  	[smem:$0x3F9B] =	sst s1;
	(tag) =	ssettag s2;
	_ =	strace s9  }
0x27: {  	s1 =	sld [smem:$0x3FAB]  }
0x28: {  	s2 =	sld [smem:$0x3FAC]  }
0x29: {  	s4 =	sld [smem:$0x3FAE]  }
0x2a: {  	p0 =	seq.s32 s5, $0x0;
	s5 =	sld [smem:$0x3FAF]  }
0x2b: {  	s6 =	sld [smem:$0x3FB0]  }
0x2c: {  	s7 =	sld [smem:$0x3FB1]  }
0x2d: {  	s3 =	simm.s32 $0x108;
	s8 =	sld [smem:$0x3FB2]  }
0x2e: {  	s3 =	simm.s32 @!p0 $0x1082;
	s9 =	sld [smem:$0x3FB3]  }
0x2f: {  	lr =	sadd.s32 s0, s3;
	s0 =	sld [smem:$0x3FAA]  }
0x30: {  	s3 =	sld [smem:$0x3FAD]  }
0x31: {  	[smem:$0x3FB6] =	sst s10  }
0x32: {  	s10 =	sld [smem:$0x3FB4];
	_ =	sdelay $0x3  }
0x33: {  	p0 =	seq.s32 s10, $0x1;
	s10 =	sld [smem:$0x3FB6];
	_ =	sdelay $0x3  }
0x34: {  	[smem:$0x3FB6] =	sst s10  }
0x35: {  	s10 =	sld [smem:$0x3FB5];
	_ =	sdelay $0x3  }
0x36: {  	p1 =	seq.s32 s10, $0x1;
	s10 =	sld [smem:$0x3FB6];
	_ =	sdelay $0x3  }
0x37: {  	[smem:$0x3FB6] =	sst s10  }
0x38: {  	s10 =	sld [smem:$0x3FB7]  }
0x39: {  	_ = 	snop;
	(pc) =	sbr.ind lr, $3  }
0x3a: {  	_ = 	snop  }
0x3b: {  	_ = 	snop  }
0x3c: {  	p2 =	seq.s32 s10, $0x1;
	s10 =	sld [smem:$0x3FB6]  }
0x3d: {  	_ =	shalt  }
0x3e: {  	_ =	shalt  }
0x3f: {  	_ =	shalt  }
0x40: {  	_ =	shalt  }
0x41: {  	_ =	shalt  }
0x42: {  	_ =	shalt  }
0x43: {  	_ =	shalt  }
0x44: {  	_ =	shalt  }
0x45: {  	_ =	shalt  }
0x46: {  	_ =	shalt  }
0x47: {  	_ =	shalt  }
0x48: {  	_ =	shalt  }
0x49: {  	_ =	shalt  }
0x4a: {  	_ =	shalt  }
0x4b: {  	_ =	shalt  }
0x4c: {  	_ =	shalt  }
0x4d: {  	_ =	shalt  }
0x4e: {  	_ =	shalt  }
0x4f: {  	_ =	shalt  }
0x50: {  	_ =	shalt  }
0x51: {  	_ =	shalt  }
0x52: {  	_ =	shalt  }
0x53: {  	_ =	shalt  }
0x54: {  	_ =	shalt  }
0x55: {  	_ =	shalt  }
0x56: {  	_ =	shalt  }
0x57: {  	_ =	shalt  }
0x58: {  	_ =	shalt  }
0x59: {  	_ =	shalt  }
0x5a: {  	_ =	shalt  }
0x5b: {  	_ =	shalt  }
0x5c: {  	_ =	shalt  }
0x5d: {  	_ =	shalt  }
0x5e: {  	_ =	shalt  }
0x5f: {  	_ =	shalt  }
0x60: {  	_ =	shalt  }
0x61: {  	_ =	shalt  }
0x62: {  	_ =	shalt  }
0x63: {  	_ =	shalt  }
0x64: {  	_ =	shalt  }
0x65: {  	_ =	shalt  }
0x66: {  	_ =	shalt  }
0x67: {  	_ =	shalt  }
0x68: {  	_ =	shalt  }
0x69: {  	_ =	shalt  }
0x6a: {  	_ =	shalt  }
0x6b: {  	_ =	shalt  }
0x6c: {  	_ =	shalt  }
0x6d: {  	_ =	shalt  }
0x6e: {  	_ =	shalt  }
0x6f: {  	_ =	shalt  }
0x70: {  	_ =	shalt  }
0x71: {  	_ =	shalt  }
0x72: {  	_ =	shalt  }
0x73: {  	_ =	shalt  }
0x74: {  	_ =	shalt  }
0x75: {  	_ =	shalt  }
0x76: {  	_ =	shalt  }
0x77: {  	_ =	shalt  }
0x78: {  	_ =	shalt  }
0x79: {  	_ =	shalt  }
0x7a: {  	_ =	shalt  }
0x7b: {  	_ =	shalt  }
0x7c: {  	_ =	shalt  }
0x7d: {  	_ =	shalt  }
0x7e: {  	_ =	shalt  }
0x7f: {  	_ =	shalt  }
0x80: {  	_ =	shalt  }
0x81: {  	_ =	shalt  }
0x82: {  	_ =	shalt  }
0x83: {  	_ =	shalt  }
0x84: {  	_ =	shalt  }
0x85: {  	_ =	shalt  }
0x86: {  	_ =	shalt  }
0x87: {  	_ =	shalt  }
.Lfunc_end0:
.L_simem_size_0:
called_computation.2_lowered:
.L_overlay_start_0:
0x88: {  	s2 =	sld [smem:$0x3FD9]  }
0x89: {  	s3 =	sld [smem:$0x3FFE];
	_ =	sdelay $0x1  }
0x8a: {  	s1 =	srdreg.scid  }
0x8b: {  	s0 =	sand.u32 $0x1, s1  }
0x8c: {  	s17 =	sshll.u32 s0, $0xA;
	s2 =	sadd.s32 s3, s2  }
0x8d: {  	s2 =	sadd.s32 s2, s17  }
0x8e: {  	[smem:$0x3FC2] =	sst s2  }
0x8f: {  	_ = 	snop  }
0x90: {  	s2 =	sld [smem:$0x3FD0];
	(tm) =	ssettm $0x1  }
0x91: {  	s18 =	sld [smem:$0x3FFB];
	_ =	sdelay $0x3  }
0x92: {  	_ =	strace s18  }
0x93: {  	s3 =	sld [smem:$0x3FFC];
	_ =	sdelay $0x3  }
0x94: {  	_ =	strace s3  }
0x95: {  	s3 =	sld [smem:$0x3FFD];
	_ =	sdelay $0x3  }
0x96: {  	_ =	strace s3  }
0x97: {  	_ =	strace $0x8FFFFFFF  }
0x98: {  	s19 =	sld [smem:$0x3FDB];
	_ =	sdelay $0x1  }
0x99: {  	s4 =	simm.s32 $_scs_section_size  }
0x9a: {  	s5 =	simm.s32 $_size__tile_overlayer_lowered;
	s6 =	simm.s32 $_tile_overlayer_lowered  }
0x9b: {  	s22 =	simm.s32 $0x1BFF;
	s21 =	sshll.u32 s6, $0x1;
	s3 =	sadd.s32 s4, s19  }
0x9c: {  	s7 =	simm.s32 $0x0;
	s20 =	sshll.u32 s5, $0x1;
	s5 =	sadd.s32 s21, s3  }
0x9d: {  	[timem:s7], [sflag:s22] =	dma.local [hbm:s5], s20  }
0x9e: {  	_ =	swait.ge [sflag:s22], s20  }
0x9f: {  	s4 =	ssub.s32 $0x0, s20;
	[sflag:s22] =	ssyncset.done $0x0  }
0xa0: {  	[sflag:s22] =	ssyncadd.s32 s4;
	_ =	sdelay $0x1  }
0xa1: {  	s23 =	simm.s32 $0x1B8B  }
0xa2: {  	_ =	swait.ge [sflag:s23], $0x1  }
0xa3: {  	[sflag:s23] =	ssyncset.done $0x0  }
0xa4: {  	s25 =	simm.s32 $0x1B8E;
	s24 =	sld [smem:$0x3FFE];
	[sflag:s23] =	ssyncadd.s32 $0xFFFFFFFF  }
0xa5: {  	s26 =	simm.s32 $execute0_lowered;
	[smem:$0x3FD2] =	sst s25  }
0xa6: {  	s5 =	sshll.u32 s26, $0x1;
	_ =	strace $0x8000004C;
	[dreg:$0x1] =	wrdreg $0xFFFFFFFF  }
0xa7: {  	s28 =	simm.s32 $_size_execute0_lowered;
	s3 =	sadd.s32 s3, s5;
	[dreg:$0x0] =	wrdreg $0x0  }
0xa8: {  	s5 =	sshll.u32 s28, $0x1;
	[dreg:$0x2] =	wrdreg s3  }
0xa9: {  	[dreg:$0x3] =	wrdreg s5  }
0xaa: {  	[dreg:$0x4] =	wrdreg $0xC0  }
0xab: {  	_ =	task [dreg:s7], $0x5FFFF  }
0xac: {  	[dreg:$0x1] =	wrdreg $0xFFFFFFFF  }
0xad: {  	[dreg:$0x0] =	wrdreg $0x60  }
0xae: {  	[dreg:$0x2] =	wrdreg s24  }
0xaf: {  	[dreg:$0x3] =	wrdreg s2  }
0xb0: {  	[dreg:$0x4] =	wrdreg $0xA0000  }
0xb1: {  	[dreg:$0x5] =	wrdreg $0x140000  }
0xb2: {  	[dreg:$0x6] =	wrdreg $0x9  }
0xb3: {  	_ =	task.clear_ibuf [dreg:s7], $0x7FFFF;
	_ =	strace $0x9000004C  }
0xb4: {  	s29 =	simm.s32 $0x9;
	_ =	strace $0x8000004E  }
0xb5: {  	_ =	swait.ge [sflag:s29], $0x1  }
0xb6: {  	[sflag:s29] =	ssyncadd.s32 $0xFFFFFFFF  }
0xb7: {  	_ =	strace $0x9000004E  }
0xb8: {  	_ =	sfence  }
0xb9: {  	s30 =	sld [smem:$0x0];
	_ =	sdelay $0x2  }
0xba: {  	s31 =	sshll.u32 s1, $0xD;
	s1 =	sshrl.u32 s1, $0x2  }
0xbb: {  	s3 =	sand.u32 $0x4000, s31;
	s1 =	sadd.s32 s1, s30  }
0xbc: {  	s0 =	sor.u32 s3, s0;
	s1 =	sshll.u32 s1, $0x11  }
0xbd: {  	s0 =	sor.u32 s1, s0  }
0xbe: {  	s0 =	sadd.s32 $0x8F2B, s0  }
0xbf: {  	[sflag:s0] =	ssyncadd.remote.s32 $0x1  }
0xc0: {  	_ =	sfence.sel $0xFFFF  }
0xc1: {  	[dreg:$0x0] =	wrdreg $0xFFFFFFFF;
	(pc) =	sbr.abs _section_cstart, $3  }
0xc2: {  	[dreg:$0x1] =	wrdreg $0xFFFFFFFF  }
0xc3: {  	_ =	task.clear_ibuf [dreg:s7], $0x2FFFF;
	_ =	strace $0x9FFFFFFF  }
0xc4: {  	(tm) =	ssettm $0x7FFFFFFF  }
0xc5: {  	_ =	shalt  }
tec
execute0_lowered:
.L_overlay_start_1:
0x0: {  	(tag) =	ssettag $0x1  }
0x1: {  	s0 =	rddreg [dreg:$0x0]  }
0x2: {  	s1 =	rddreg [dreg:$0x1]  }
0x3: {  	s2 =	rddreg [dreg:$0x2];
	s4 =	srdreg.scid  }
0x4: {  	s12 =	stileid.u32;
	s3 =	rddreg [dreg:$0x3]  }
0x5: {  	s7 =	simm.s32 $0x0;
	s28 =	simm.s32 $0x2000;
	s5 =	smul.u32 $0xA000, s12  }
0x6: {  	s29 =	simm.s32 $0x1000;
	s30 =	simm.s32 $0x80;
	s24 =	smul.u32 $0x28000, s12  }
0x7: {  	s31 =	simm.s32 $0x4000;
	s4 =	sand.u32 $0x1, s4;
	s10 =	smul.u32 $0x5000, s12  }
0x8: {  	[smem:$0x7FF] =	sst s7;
	s26 =	sshll.u32 s12, $0x6;
	s12 =	smul.u32 $0xA00, s12  }
0x9: {  	s8 =	sadd.s32 $0x2600, s0;
	s6 =	smul.u32 $0xA0000, s4;
	s4 =	ssub.s32 $0x2, s4  }
0xa: {  	_ =	strace $0x8000004D;
	s23 =	sshrl.u32 s4, $0x1;
	s9 =	sadd.s32 s5, s2  }
0xb: {  	s11 =	sshrl.u32 s24, $0x2;
	s10 =	sshrl.u32 s10, $0x3;
	s13 =	sadd.s32 s8, s12  }
0xc: {  	s14 =	sadd.s32 s1, s12;
	s21 =	sadd.s32 s5, s3;
	s12 =	simm.s32 $0x1100  }
0xd: {  	s6 =	sadd.s32 s5, s6;
	s4 =	ssub.s32 s4, s23;
	[dreg:$0x6] =	wrdreg s13  }
0xe: {  	s7 =	sadd.s32 s11, s3;
	[dreg:$0x7] =	wrdreg s14;
	s15 =	sadd.s32 $0x200, s10  }
0xf: {  	s17 =	sadd.s32 $0x400, s10;
	s19 =	sadd.s32 $0x600, s10;
	s10 =	sadd.s32 $0x800, s10  }
0x10: {  	s5 =	simm.s32 $0x2;
	s13 =	simm.s32 $0x200;
	s14 =	simm.s32 $0x4  }
0x11: {  	s6 =	sshrl.u32 s6, $0x3;
	s16 =	sadd.s32 s8, s15;
	s11 =	sadd.s32 s1, s15  }
0x12: {  	s18 =	sadd.s32 s8, s17;
	s20 =	sadd.s32 s8, s19;
	[dreg:$0x8] =	wrdreg s16  }
0x13: {  	s8 =	sadd.s32 s8, s10;
	s24 =	smax.u32 s4, $0x1;
	[dreg:$0x9] =	wrdreg s11  }
0x14: {  	s22 =	sadd.s32 $0x6000, s7;
	s23 =	sadd.s32 $0x8000, s7;
	[dreg:$0xa] =	wrdreg s18  }
0x15: {  	s4 =	simm.s32 $0x6000;
	s15 =	simm.s32 $0x1180;
	[dreg:$0xc] =	wrdreg s20  }
0x16: {  	s0 =	sadd.s32 s6, s0;
	s6 =	sor.u32 $0x1C05, s26;
	[dreg:$0xe] =	wrdreg s8  }
0x17: {  	s11 =	sadd.s32 s1, s17;
	[dreg:$0x11] =	wrdreg s24;
	s26 =	sadd.s32 $0x4000, s7  }
0x18: {  	s24 =	sshrl.u32 s9, $0x3;
	s8 =	simm.s32 $0x1080;
	[dreg:$0xb] =	wrdreg s11  }
0x19: {  	s9 =	simm.s32 $0x180;
	s25 =	sadd.s32 $0x5C600, s0;
	[dreg:$0x13] =	wrdreg s26  }
0x1a: {  	s16 =	simm.s32 $0x280;
	s11 =	sadd.s32 s1, s19;
	[dreg:$0x5] =	wrdreg s25  }
.Ltmp0:
0x1b: {  	s1 =	sadd.s32 s1, s10;
	[dreg:$0xd] =	wrdreg s11;
	(pc) =	sbr.rel .LBB2_1-.Ltmp0, $4  }
0x1c: {  	s17 =	simm.s32 $0x0;
	s0 =	sadd.s32 $0x84600, s0;
	[dreg:$0xf] =	wrdreg s1  }
0x1d: {  	s26 =	simm.s32 $0x5;
	s10 =	simm.s32 $0x8000;
	[dreg:$0x10] =	wrdreg s0  }
0x1e: {  	s25 =	sadd.s32 $0x2000, s7;
	s1 =	simm.s32 $0x1;
	s0 =	simm.s32 $0x100  }
0x1f: {  	v0 =	vimm.f32 $0.0e+00;
	s11 =	simm.s32 $0x3;
	[dreg:$0x12] =	wrdreg s25;
	s25 =	sshrl.u32 s21, $0x3  }
.LBB2_18:
0x20: {  	_ =	swait.ge [sflag:s14], $0x2000  }
0x21: {  	[sflag:s14] =	ssyncset.done $0x0  }
0x22: {  	[sflag:s14] =	ssyncadd.s32 $0xFFFFE000  }
0x23: {  	[spmem:s3] =	stream.indirect.scatter.add.f32 [tilespmem:s10], [sflag:$0x4], $0x40, s20, s30, $0xb8;
	[tilespmem:$0x1E000] =	vst v63  }
0x24: {  	_ =	swait.ge [sflag:s5], $0x2000  }
0x25: {  	[sflag:s5] =	ssyncset.done $0x0  }
0x26: {  	[sflag:s5] =	ssyncadd.s32 $0xFFFFE000  }
0x27: {  	_ =	swait.ge [sflag:s11], $0x2000  }
0x28: {  	[sflag:s11] =	ssyncset.done $0x0  }
0x29: {  	[sflag:s11] =	ssyncadd.s32 $0xFFFFE000  }
0x2a: {  	_ =	swait.ge [sflag:s14], $0x2000  }
0x2b: {  	[sflag:s14] =	ssyncset.done $0x0  }
0x2c: {  	[sflag:s14] =	ssyncadd.s32 $0xFFFFE000  }
0x2d: {  	[bflag:$0x0] =	sbarrier.arrive $0xFFFF  }
0x2e: {  	s18 =	rddreg [dreg:$0x10]  }
0x2f: {  	[hbm:s18], [sflag:s6] =	dma.local [spmem:s25], $0x1400  }
0x30: {  	_ =	swait.ge [sflag:s26], $0x1400  }
0x31: {  	s17 =	sadd.s32 $0x1, s17;
	s21 =	rddreg [dreg:$0x11]  }
0x32: {  	p0 =	sne.s32 s17, s21  }
.Ltmp1:
0x33: {  	_ = 	snop;
	(pc) =	sbr.rel @!p0 .LBB2_19-.Ltmp1, $3  }
0x34: {  	_ =	sdelay $0x1  }
0x35: {  	[sflag:s26] =	ssyncset.done $0x0  }
0x36: {  	[sflag:s26] =	ssyncadd.s32 $0xFFFFEC00  }
.LBB2_1:
0x37: {  	s18 =	rddreg [dreg:$0x5];
	s19 =	simm.s32 $0x0  }
0x38: {  	[spmem:s24], [sflag:s6] =	dma.local [hbm:s18], $0x1400  }
0x39: {  	s21 =	sand.u32 $0x7F00, s19;
	s19 =	sand.u32 $0x30, s19;
	_ =	swait.ge [sflag:s26], $0x1400  }
0x3a: {  	s18 =	simm.s32 $0x40;
	s20 =	sshrl.u32 s21, $0x2;
	[sflag:s26] =	ssyncset.done $0x0  }
0x3b: {  	s20 =	sor.u32 s19, s20;
	s19 =	simm.s32 $0x0;
	[sflag:s26] =	ssyncadd.s32 $0xFFFFEC00  }
.LBB2_2:
0x3c: {  	p0 =	sne.s32 s18, $0x7FC0  }
0x3d: {  	[tilespmem:s20+$0x2000] =	vst v0;
	s19 =	sadd.s32 $0x10, s19;
	s20 =	smov.u32 s18;
	s18 =	sadd.s32 $0x40, s18  }
.Ltmp2:
0x3e: {  	(pc) =	sbr.rel @p0 .LBB2_2-.Ltmp2, $4  }
0x3f: {  	_ = 	snop  }
0x40: {  	s20 =	sand.u32 $0x7F00, s20  }
0x41: {  	s21 =	sand.u32 $0x30, s19;
	s20 =	sshrl.u32 s20, $0x2  }
0x42: {  	s20 =	sor.u32 s21, s20  }
0x43: {  	[tilespmem:s20+$0x2000] =	vst v0  }
0x44: {  	[spmem:s7] =	stream.linear.scatter [tilespmem:s28], [sflag:$0x5], $0x2000, $0x38;
	[tilespmem:$0x1E000] =	vst v63  }
0x45: {  	_ =	swait.ge [sflag:s26], $0x2000  }
0x46: {  	[sflag:s26] =	ssyncset.done $0x0  }
0x47: {  	s18 =	rddreg [dreg:$0x12];
	[sflag:s26] =	ssyncadd.s32 $0xFFFFE000  }
0x48: {  	[spmem:s18] =	stream.linear.scatter [tilespmem:s28], [sflag:$0x5], $0x2000, $0x38;
	[tilespmem:$0x1E000] =	vst v63  }
0x49: {  	_ =	swait.ge [sflag:s26], $0x2000  }
0x4a: {  	[sflag:s26] =	ssyncset.done $0x0  }
0x4b: {  	s20 =	rddreg [dreg:$0x13];
	[sflag:s26] =	ssyncadd.s32 $0xFFFFE000  }
0x4c: {  	[spmem:s20] =	stream.linear.scatter [tilespmem:s28], [sflag:$0x5], $0x2000, $0x38;
	[tilespmem:$0x1E000] =	vst v63  }
0x4d: {  	_ =	swait.ge [sflag:s26], $0x2000  }
0x4e: {  	[sflag:s26] =	ssyncset.done $0x0  }
0x4f: {  	[sflag:s26] =	ssyncadd.s32 $0xFFFFE000  }
0x50: {  	[spmem:s22] =	stream.linear.scatter [tilespmem:s28], [sflag:$0x5], $0x2000, $0x38;
	[tilespmem:$0x1E000] =	vst v63  }
0x51: {  	_ =	swait.ge [sflag:s26], $0x2000  }
0x52: {  	[sflag:s26] =	ssyncset.done $0x0  }
0x53: {  	[sflag:s26] =	ssyncadd.s32 $0xFFFFE000  }
0x54: {  	[spmem:s23] =	stream.linear.scatter [tilespmem:s28], [sflag:$0x5], $0x2000, $0x38;
	[tilespmem:$0x1E000] =	vst v63  }
0x55: {  	_ =	swait.ge [sflag:s26], $0x2000  }
0x56: {  	[sflag:s26] =	ssyncset.done $0x0  }
0x57: {  	[sflag:s26] =	ssyncadd.s32 $0xFFFFE000  }
0x58: {  	[bflag:$0x0] =	sbarrier.arrive $0xFFFF  }
0x59: {  	s18 =	simm.s32 $0x0;
	s19 =	rddreg [dreg:$0x6]  }
0x5a: {  	[tilespmem:s18], [sflag:$0x5] =	stream.linear.gather [hbm4b:s19+s18], $0x1000, $0x38;
	[tilespmem:$0x1E000] =	vst v63  }
0x5b: {  	_ =	swait.ge [sflag:s26], $0x1000  }
0x5c: {  	[sflag:s26] =	ssyncset.done $0x0  }
0x5d: {  	s21 =	rddreg [dreg:$0x7];
	[sflag:s26] =	ssyncadd.s32 $0xFFFFF000  }
0x5e: {  	[tilespmem:s29], [sflag:$0x5] =	stream.linear.gather [hbm4b:s21+s18], $0x1000, $0x38;
	[tilespmem:$0x1E000] =	vst v63  }
0x5f: {  	_ =	swait.ge [sflag:s26], $0x1000  }
0x60: {  	[sflag:s26] =	ssyncset.done $0x0  }
0x61: {  	[sflag:s26] =	ssyncadd.s32 $0xFFFFF000  }
0x62: {  	[tilespmem:s28], [sflag:$0x1] =	stream.indirect.gather [spmem:s2], $0x40, s18, s30, $0xb8;
	[tilespmem:$0x1E000] =	vst v63  }
0x63: {  	_ = 	snop  }
0x64: {  	[tilespmem:s31], [sflag:$0x2] =	stream.indirect.gather [spmem:s2], $0x40, s30, s30, $0xb8;
	[tilespmem:$0x1E000] =	vst v63  }
0x65: {  	_ =	swait.ge [sflag:s1], $0x2000  }
0x66: {  	[sflag:s1] =	ssyncset.done $0x0  }
0x67: {  	[sflag:s1] =	ssyncadd.s32 $0xFFFFE000  }
0x68: {  	[spmem:s3] =	stream.indirect.scatter.add.f32 [tilespmem:s28], [sflag:$0x1], $0x40, s29, s30, $0xb8;
	[tilespmem:$0x1E000] =	vst v63  }
0x69: {  	_ = 	snop  }
0x6a: {  	[tilespmem:s4], [sflag:$0x3] =	stream.indirect.gather [spmem:s2], $0x40, s0, s30, $0xb8;
	[tilespmem:$0x1E000] =	vst v63  }
0x6b: {  	_ =	swait.ge [sflag:s5], $0x2000  }
0x6c: {  	[sflag:s5] =	ssyncset.done $0x0  }
0x6d: {  	[sflag:s5] =	ssyncadd.s32 $0xFFFFE000  }
0x6e: {  	[spmem:s3] =	stream.indirect.scatter.add.f32 [tilespmem:s31], [sflag:$0x2], $0x40, s8, s30, $0xb8;
	[tilespmem:$0x1E000] =	vst v63  }
0x6f: {  	_ = 	snop  }
0x70: {  	[tilespmem:s10], [sflag:$0x4] =	stream.indirect.gather [spmem:s2], $0x40, s9, s30, $0xb8;
	[tilespmem:$0x1E000] =	vst v63  }
0x71: {  	_ =	swait.ge [sflag:s11], $0x2000  }
0x72: {  	[sflag:s11] =	ssyncset.done $0x0  }
0x73: {  	[sflag:s11] =	ssyncadd.s32 $0xFFFFE000  }
0x74: {  	[spmem:s3] =	stream.indirect.scatter.add.f32 [tilespmem:s4], [sflag:$0x3], $0x40, s12, s30, $0xb8;
	[tilespmem:$0x1E000] =	vst v63  }
0x75: {  	_ =	swait.ge [sflag:s1], $0x2000  }
0x76: {  	[sflag:s1] =	ssyncset.done $0x0  }
0x77: {  	[sflag:s1] =	ssyncadd.s32 $0xFFFFE000  }
0x78: {  	[tilespmem:s28], [sflag:$0x1] =	stream.indirect.gather [spmem:s2], $0x40, s13, s30, $0xb8;
	[tilespmem:$0x1E000] =	vst v63  }
0x79: {  	_ =	swait.ge [sflag:s14], $0x2000  }
0x7a: {  	[sflag:s14] =	ssyncset.done $0x0  }
0x7b: {  	[sflag:s14] =	ssyncadd.s32 $0xFFFFE000  }
0x7c: {  	[spmem:s3] =	stream.indirect.scatter.add.f32 [tilespmem:s10], [sflag:$0x4], $0x40, s15, s30, $0xb8;
	[tilespmem:$0x1E000] =	vst v63  }
0x7d: {  	_ =	swait.ge [sflag:s5], $0x2000  }
0x7e: {  	[sflag:s5] =	ssyncset.done $0x0  }
0x7f: {  	[sflag:s5] =	ssyncadd.s32 $0xFFFFE000  }
0x80: {  	[tilespmem:s31], [sflag:$0x2] =	stream.indirect.gather [spmem:s2], $0x40, s16, s30, $0xb8;
	[tilespmem:$0x1E000] =	vst v63  }
.LBB2_4:
0x81: {  	_ =	swait.ge [sflag:s1], $0x2000  }
0x82: {  	s19 =	sshra.s32 s18, $0x2;
	[sflag:s1] =	ssyncset.done $0x0  }
0x83: {  	s20 =	sadd.s32 $0x1200, s19;
	[sflag:s1] =	ssyncadd.s32 $0xFFFFE000  }
0x84: {  	[spmem:s3] =	stream.indirect.scatter.add.f32 [tilespmem:s28], [sflag:$0x1], $0x40, s20, s30, $0xb8;
	[tilespmem:$0x1E000] =	vst v63  }
0x85: {  	_ =	swait.ge [sflag:s11], $0x2000  }
0x86: {  	[sflag:s11] =	ssyncset.done $0x0  }
0x87: {  	s21 =	sadd.s32 $0x300, s19;
	[sflag:s11] =	ssyncadd.s32 $0xFFFFE000  }
0x88: {  	[tilespmem:s4], [sflag:$0x3] =	stream.indirect.gather [spmem:s2], $0x40, s21, s30, $0xb8;
	[tilespmem:$0x1E000] =	vst v63  }
0x89: {  	_ =	swait.ge [sflag:s5], $0x2000  }
0x8a: {  	[sflag:s5] =	ssyncset.done $0x0  }
0x8b: {  	s21 =	sadd.s32 $0x1280, s19;
	[sflag:s5] =	ssyncadd.s32 $0xFFFFE000  }
0x8c: {  	[spmem:s3] =	stream.indirect.scatter.add.f32 [tilespmem:s31], [sflag:$0x2], $0x40, s21, s30, $0xb8;
	[tilespmem:$0x1E000] =	vst v63  }
0x8d: {  	_ =	swait.ge [sflag:s14], $0x2000  }
0x8e: {  	[sflag:s14] =	ssyncset.done $0x0  }
0x8f: {  	s21 =	sadd.s32 $0x380, s19;
	[sflag:s14] =	ssyncadd.s32 $0xFFFFE000  }
0x90: {  	[tilespmem:s10], [sflag:$0x4] =	stream.indirect.gather [spmem:s2], $0x40, s21, s30, $0xb8;
	[tilespmem:$0x1E000] =	vst v63  }
0x91: {  	_ =	swait.ge [sflag:s11], $0x2000  }
0x92: {  	p0 =	seq.s32 s18, $0x3000;
	[sflag:s11] =	ssyncset.done $0x0  }
.Ltmp3:
0x93: {  	s21 =	sadd.s32 $0x1300, s19;
	[sflag:s11] =	ssyncadd.s32 $0xFFFFE000;
	(pc) =	sbr.rel @p0 .LBB2_6-.Ltmp3, $4  }
0x94: {  	[spmem:s3] =	stream.indirect.scatter.add.f32 [tilespmem:s4], [sflag:$0x3], $0x40, s21, s30, $0xb8;
	[tilespmem:$0x1E000] =	vst v63  }
0x95: {  	_ =	swait.ge [sflag:s1], $0x2000  }
0x96: {  	[sflag:s1] =	ssyncset.done $0x0  }
0x97: {  	s20 =	sadd.s32 $0x1380, s19;
	[sflag:s1] =	ssyncadd.s32 $0xFFFFE000  }
0x98: {  	s21 =	sadd.s32 $0x400, s19  }
0x99: {  	[tilespmem:s28], [sflag:$0x1] =	stream.indirect.gather [spmem:s2], $0x40, s21, s30, $0xb8;
	[tilespmem:$0x1E000] =	vst v63  }
0x9a: {  	_ =	swait.ge [sflag:s14], $0x2000  }
0x9b: {  	[sflag:s14] =	ssyncset.done $0x0  }
0x9c: {  	[sflag:s14] =	ssyncadd.s32 $0xFFFFE000  }
0x9d: {  	[spmem:s3] =	stream.indirect.scatter.add.f32 [tilespmem:s10], [sflag:$0x4], $0x40, s20, s30, $0xb8;
	[tilespmem:$0x1E000] =	vst v63  }
.Ltmp4:
0x9e: {  	_ = 	snop;
	(pc) =	sbr.rel .LBB2_4-.Ltmp4, $4  }
0x9f: {  	_ =	swait.ge [sflag:s5], $0x2000  }
0xa0: {  	[sflag:s5] =	ssyncset.done $0x0  }
0xa1: {  	s18 =	sadd.s32 $0x800, s18;
	s21 =	sadd.s32 $0x480, s19;
	[sflag:s5] =	ssyncadd.s32 $0xFFFFE000  }
0xa2: {  	[tilespmem:s31], [sflag:$0x2] =	stream.indirect.gather [spmem:s2], $0x40, s21, s30, $0xb8;
	[tilespmem:$0x1E000] =	vst v63  }
.LBB2_6:
0xa3: {  	_ =	swait.ge [sflag:s14], $0x2000  }
0xa4: {  	[sflag:s14] =	ssyncset.done $0x0  }
0xa5: {  	[sflag:s14] =	ssyncadd.s32 $0xFFFFE000  }
0xa6: {  	[spmem:s3] =	stream.indirect.scatter.add.f32 [tilespmem:s10], [sflag:$0x4], $0x40, s20, s30, $0xb8;
	[tilespmem:$0x1E000] =	vst v63  }
0xa7: {  	_ =	swait.ge [sflag:s5], $0x2000  }
0xa8: {  	[sflag:s5] =	ssyncset.done $0x0  }
0xa9: {  	[sflag:s5] =	ssyncadd.s32 $0xFFFFE000  }
0xaa: {  	_ =	swait.ge [sflag:s11], $0x2000  }
0xab: {  	[sflag:s11] =	ssyncset.done $0x0  }
0xac: {  	[sflag:s11] =	ssyncadd.s32 $0xFFFFE000  }
0xad: {  	_ =	swait.ge [sflag:s14], $0x2000  }
0xae: {  	[sflag:s14] =	ssyncset.done $0x0  }
0xaf: {  	s18 =	simm.s32 $0x0;
	s19 =	rddreg [dreg:$0x8];
	[sflag:s14] =	ssyncadd.s32 $0xFFFFE000  }
0xb0: {  	[tilespmem:s18], [sflag:$0x5] =	stream.linear.gather [hbm4b:s19+s18], $0x1000, $0x38;
	[tilespmem:$0x1E000] =	vst v63  }
0xb1: {  	_ =	swait.ge [sflag:s26], $0x1000  }
0xb2: {  	[sflag:s26] =	ssyncset.done $0x0  }
0xb3: {  	s21 =	rddreg [dreg:$0x9];
	[sflag:s26] =	ssyncadd.s32 $0xFFFFF000  }
0xb4: {  	[tilespmem:s29], [sflag:$0x5] =	stream.linear.gather [hbm4b:s21+s18], $0x1000, $0x38;
	[tilespmem:$0x1E000] =	vst v63  }
0xb5: {  	_ =	swait.ge [sflag:s26], $0x1000  }
0xb6: {  	[sflag:s26] =	ssyncset.done $0x0  }
0xb7: {  	[sflag:s26] =	ssyncadd.s32 $0xFFFFF000  }
0xb8: {  	[tilespmem:s28], [sflag:$0x1] =	stream.indirect.gather [spmem:s2], $0x40, s18, s30, $0xb8;
	[tilespmem:$0x1E000] =	vst v63  }
0xb9: {  	_ = 	snop  }
0xba: {  	[tilespmem:s31], [sflag:$0x2] =	stream.indirect.gather [spmem:s2], $0x40, s30, s30, $0xb8;
	[tilespmem:$0x1E000] =	vst v63  }
0xbb: {  	_ =	swait.ge [sflag:s1], $0x2000  }
0xbc: {  	[sflag:s1] =	ssyncset.done $0x0  }
0xbd: {  	[sflag:s1] =	ssyncadd.s32 $0xFFFFE000  }
0xbe: {  	[spmem:s3] =	stream.indirect.scatter.add.f32 [tilespmem:s28], [sflag:$0x1], $0x40, s29, s30, $0xb8;
	[tilespmem:$0x1E000] =	vst v63  }
0xbf: {  	_ = 	snop  }
0xc0: {  	[tilespmem:s4], [sflag:$0x3] =	stream.indirect.gather [spmem:s2], $0x40, s0, s30, $0xb8;
	[tilespmem:$0x1E000] =	vst v63  }
0xc1: {  	_ =	swait.ge [sflag:s5], $0x2000  }
0xc2: {  	[sflag:s5] =	ssyncset.done $0x0  }
0xc3: {  	[sflag:s5] =	ssyncadd.s32 $0xFFFFE000  }
0xc4: {  	[spmem:s3] =	stream.indirect.scatter.add.f32 [tilespmem:s31], [sflag:$0x2], $0x40, s8, s30, $0xb8;
	[tilespmem:$0x1E000] =	vst v63  }
0xc5: {  	_ = 	snop  }
0xc6: {  	[tilespmem:s10], [sflag:$0x4] =	stream.indirect.gather [spmem:s2], $0x40, s9, s30, $0xb8;
	[tilespmem:$0x1E000] =	vst v63  }
0xc7: {  	_ =	swait.ge [sflag:s11], $0x2000  }
0xc8: {  	[sflag:s11] =	ssyncset.done $0x0  }
0xc9: {  	[sflag:s11] =	ssyncadd.s32 $0xFFFFE000  }
0xca: {  	[spmem:s3] =	stream.indirect.scatter.add.f32 [tilespmem:s4], [sflag:$0x3], $0x40, s12, s30, $0xb8;
	[tilespmem:$0x1E000] =	vst v63  }
0xcb: {  	_ =	swait.ge [sflag:s1], $0x2000  }
0xcc: {  	[sflag:s1] =	ssyncset.done $0x0  }
0xcd: {  	[sflag:s1] =	ssyncadd.s32 $0xFFFFE000  }
0xce: {  	[tilespmem:s28], [sflag:$0x1] =	stream.indirect.gather [spmem:s2], $0x40, s13, s30, $0xb8;
	[tilespmem:$0x1E000] =	vst v63  }
0xcf: {  	_ =	swait.ge [sflag:s14], $0x2000  }
0xd0: {  	[sflag:s14] =	ssyncset.done $0x0  }
0xd1: {  	[sflag:s14] =	ssyncadd.s32 $0xFFFFE000  }
0xd2: {  	[spmem:s3] =	stream.indirect.scatter.add.f32 [tilespmem:s10], [sflag:$0x4], $0x40, s15, s30, $0xb8;
	[tilespmem:$0x1E000] =	vst v63  }
0xd3: {  	_ =	swait.ge [sflag:s5], $0x2000  }
0xd4: {  	[sflag:s5] =	ssyncset.done $0x0  }
0xd5: {  	[sflag:s5] =	ssyncadd.s32 $0xFFFFE000  }
0xd6: {  	[tilespmem:s31], [sflag:$0x2] =	stream.indirect.gather [spmem:s2], $0x40, s16, s30, $0xb8;
	[tilespmem:$0x1E000] =	vst v63  }
.LBB2_7:
0xd7: {  	_ =	swait.ge [sflag:s1], $0x2000  }
0xd8: {  	s19 =	sshra.s32 s18, $0x2;
	[sflag:s1] =	ssyncset.done $0x0  }
0xd9: {  	s20 =	sadd.s32 $0x1200, s19;
	[sflag:s1] =	ssyncadd.s32 $0xFFFFE000  }
0xda: {  	[spmem:s3] =	stream.indirect.scatter.add.f32 [tilespmem:s28], [sflag:$0x1], $0x40, s20, s30, $0xb8;
	[tilespmem:$0x1E000] =	vst v63  }
0xdb: {  	_ =	swait.ge [sflag:s11], $0x2000  }
0xdc: {  	[sflag:s11] =	ssyncset.done $0x0  }
0xdd: {  	s21 =	sadd.s32 $0x300, s19;
	[sflag:s11] =	ssyncadd.s32 $0xFFFFE000  }
0xde: {  	[tilespmem:s4], [sflag:$0x3] =	stream.indirect.gather [spmem:s2], $0x40, s21, s30, $0xb8;
	[tilespmem:$0x1E000] =	vst v63  }
0xdf: {  	_ =	swait.ge [sflag:s5], $0x2000  }
0xe0: {  	[sflag:s5] =	ssyncset.done $0x0  }
0xe1: {  	s21 =	sadd.s32 $0x1280, s19;
	[sflag:s5] =	ssyncadd.s32 $0xFFFFE000  }
0xe2: {  	[spmem:s3] =	stream.indirect.scatter.add.f32 [tilespmem:s31], [sflag:$0x2], $0x40, s21, s30, $0xb8;
	[tilespmem:$0x1E000] =	vst v63  }
0xe3: {  	_ =	swait.ge [sflag:s14], $0x2000  }
0xe4: {  	[sflag:s14] =	ssyncset.done $0x0  }
0xe5: {  	s21 =	sadd.s32 $0x380, s19;
	[sflag:s14] =	ssyncadd.s32 $0xFFFFE000  }
0xe6: {  	[tilespmem:s10], [sflag:$0x4] =	stream.indirect.gather [spmem:s2], $0x40, s21, s30, $0xb8;
	[tilespmem:$0x1E000] =	vst v63  }
0xe7: {  	_ =	swait.ge [sflag:s11], $0x2000  }
0xe8: {  	p0 =	seq.s32 s18, $0x3000;
	[sflag:s11] =	ssyncset.done $0x0  }
.Ltmp5:
0xe9: {  	s21 =	sadd.s32 $0x1300, s19;
	[sflag:s11] =	ssyncadd.s32 $0xFFFFE000;
	(pc) =	sbr.rel @p0 .LBB2_9-.Ltmp5, $4  }
0xea: {  	[spmem:s3] =	stream.indirect.scatter.add.f32 [tilespmem:s4], [sflag:$0x3], $0x40, s21, s30, $0xb8;
	[tilespmem:$0x1E000] =	vst v63  }
0xeb: {  	_ =	swait.ge [sflag:s1], $0x2000  }
0xec: {  	[sflag:s1] =	ssyncset.done $0x0  }
0xed: {  	s20 =	sadd.s32 $0x1380, s19;
	[sflag:s1] =	ssyncadd.s32 $0xFFFFE000  }
0xee: {  	s21 =	sadd.s32 $0x400, s19  }
0xef: {  	[tilespmem:s28], [sflag:$0x1] =	stream.indirect.gather [spmem:s2], $0x40, s21, s30, $0xb8;
	[tilespmem:$0x1E000] =	vst v63  }
0xf0: {  	_ =	swait.ge [sflag:s14], $0x2000  }
0xf1: {  	[sflag:s14] =	ssyncset.done $0x0  }
0xf2: {  	[sflag:s14] =	ssyncadd.s32 $0xFFFFE000  }
0xf3: {  	[spmem:s3] =	stream.indirect.scatter.add.f32 [tilespmem:s10], [sflag:$0x4], $0x40, s20, s30, $0xb8;
	[tilespmem:$0x1E000] =	vst v63  }
.Ltmp6:
0xf4: {  	_ = 	snop;
	(pc) =	sbr.rel .LBB2_7-.Ltmp6, $4  }
0xf5: {  	_ =	swait.ge [sflag:s5], $0x2000  }
0xf6: {  	[sflag:s5] =	ssyncset.done $0x0  }
0xf7: {  	s18 =	sadd.s32 $0x800, s18;
	s21 =	sadd.s32 $0x480, s19;
	[sflag:s5] =	ssyncadd.s32 $0xFFFFE000  }
0xf8: {  	[tilespmem:s31], [sflag:$0x2] =	stream.indirect.gather [spmem:s2], $0x40, s21, s30, $0xb8;
	[tilespmem:$0x1E000] =	vst v63  }
.LBB2_9:
0xf9: {  	_ =	swait.ge [sflag:s14], $0x2000  }
0xfa: {  	[sflag:s14] =	ssyncset.done $0x0  }
0xfb: {  	[sflag:s14] =	ssyncadd.s32 $0xFFFFE000  }
0xfc: {  	[spmem:s3] =	stream.indirect.scatter.add.f32 [tilespmem:s10], [sflag:$0x4], $0x40, s20, s30, $0xb8;
	[tilespmem:$0x1E000] =	vst v63  }
0xfd: {  	_ =	swait.ge [sflag:s5], $0x2000  }
0xfe: {  	[sflag:s5] =	ssyncset.done $0x0  }
0xff: {  	[sflag:s5] =	ssyncadd.s32 $0xFFFFE000  }
0x100: {  	_ =	swait.ge [sflag:s11], $0x2000  }
0x101: {  	[sflag:s11] =	ssyncset.done $0x0  }
0x102: {  	[sflag:s11] =	ssyncadd.s32 $0xFFFFE000  }
0x103: {  	_ =	swait.ge [sflag:s14], $0x2000  }
0x104: {  	[sflag:s14] =	ssyncset.done $0x0  }
0x105: {  	s18 =	simm.s32 $0x0;
	s19 =	rddreg [dreg:$0xa];
	[sflag:s14] =	ssyncadd.s32 $0xFFFFE000  }
0x106: {  	[tilespmem:s18], [sflag:$0x5] =	stream.linear.gather [hbm4b:s19+s18], $0x1000, $0x38;
	[tilespmem:$0x1E000] =	vst v63  }
0x107: {  	_ =	swait.ge [sflag:s26], $0x1000  }
0x108: {  	[sflag:s26] =	ssyncset.done $0x0  }
0x109: {  	s21 =	rddreg [dreg:$0xb];
	[sflag:s26] =	ssyncadd.s32 $0xFFFFF000  }
0x10a: {  	[tilespmem:s29], [sflag:$0x5] =	stream.linear.gather [hbm4b:s21+s18], $0x1000, $0x38;
	[tilespmem:$0x1E000] =	vst v63  }
0x10b: {  	_ =	swait.ge [sflag:s26], $0x1000  }
0x10c: {  	[sflag:s26] =	ssyncset.done $0x0  }
0x10d: {  	[sflag:s26] =	ssyncadd.s32 $0xFFFFF000  }
0x10e: {  	[tilespmem:s28], [sflag:$0x1] =	stream.indirect.gather [spmem:s2], $0x40, s18, s30, $0xb8;
	[tilespmem:$0x1E000] =	vst v63  }
0x10f: {  	_ = 	snop  }
0x110: {  	[tilespmem:s31], [sflag:$0x2] =	stream.indirect.gather [spmem:s2], $0x40, s30, s30, $0xb8;
	[tilespmem:$0x1E000] =	vst v63  }
0x111: {  	_ =	swait.ge [sflag:s1], $0x2000  }
0x112: {  	[sflag:s1] =	ssyncset.done $0x0  }
0x113: {  	[sflag:s1] =	ssyncadd.s32 $0xFFFFE000  }
0x114: {  	[spmem:s3] =	stream.indirect.scatter.add.f32 [tilespmem:s28], [sflag:$0x1], $0x40, s29, s30, $0xb8;
	[tilespmem:$0x1E000] =	vst v63  }
0x115: {  	_ = 	snop  }
0x116: {  	[tilespmem:s4], [sflag:$0x3] =	stream.indirect.gather [spmem:s2], $0x40, s0, s30, $0xb8;
	[tilespmem:$0x1E000] =	vst v63  }
0x117: {  	_ =	swait.ge [sflag:s5], $0x2000  }
0x118: {  	[sflag:s5] =	ssyncset.done $0x0  }
0x119: {  	[sflag:s5] =	ssyncadd.s32 $0xFFFFE000  }
0x11a: {  	[spmem:s3] =	stream.indirect.scatter.add.f32 [tilespmem:s31], [sflag:$0x2], $0x40, s8, s30, $0xb8;
	[tilespmem:$0x1E000] =	vst v63  }
0x11b: {  	_ = 	snop  }
0x11c: {  	[tilespmem:s10], [sflag:$0x4] =	stream.indirect.gather [spmem:s2], $0x40, s9, s30, $0xb8;
	[tilespmem:$0x1E000] =	vst v63  }
0x11d: {  	_ =	swait.ge [sflag:s11], $0x2000  }
0x11e: {  	[sflag:s11] =	ssyncset.done $0x0  }
0x11f: {  	[sflag:s11] =	ssyncadd.s32 $0xFFFFE000  }
0x120: {  	[spmem:s3] =	stream.indirect.scatter.add.f32 [tilespmem:s4], [sflag:$0x3], $0x40, s12, s30, $0xb8;
	[tilespmem:$0x1E000] =	vst v63  }
0x121: {  	_ =	swait.ge [sflag:s1], $0x2000  }
0x122: {  	[sflag:s1] =	ssyncset.done $0x0  }
0x123: {  	[sflag:s1] =	ssyncadd.s32 $0xFFFFE000  }
0x124: {  	[tilespmem:s28], [sflag:$0x1] =	stream.indirect.gather [spmem:s2], $0x40, s13, s30, $0xb8;
	[tilespmem:$0x1E000] =	vst v63  }
0x125: {  	_ =	swait.ge [sflag:s14], $0x2000  }
0x126: {  	[sflag:s14] =	ssyncset.done $0x0  }
0x127: {  	[sflag:s14] =	ssyncadd.s32 $0xFFFFE000  }
0x128: {  	[spmem:s3] =	stream.indirect.scatter.add.f32 [tilespmem:s10], [sflag:$0x4], $0x40, s15, s30, $0xb8;
	[tilespmem:$0x1E000] =	vst v63  }
0x129: {  	_ =	swait.ge [sflag:s5], $0x2000  }
0x12a: {  	[sflag:s5] =	ssyncset.done $0x0  }
0x12b: {  	[sflag:s5] =	ssyncadd.s32 $0xFFFFE000  }
0x12c: {  	[tilespmem:s31], [sflag:$0x2] =	stream.indirect.gather [spmem:s2], $0x40, s16, s30, $0xb8;
	[tilespmem:$0x1E000] =	vst v63  }
.LBB2_10:
0x12d: {  	_ =	swait.ge [sflag:s1], $0x2000  }
0x12e: {  	s19 =	sshra.s32 s18, $0x2;
	[sflag:s1] =	ssyncset.done $0x0  }
0x12f: {  	s20 =	sadd.s32 $0x1200, s19;
	[sflag:s1] =	ssyncadd.s32 $0xFFFFE000  }
0x130: {  	[spmem:s3] =	stream.indirect.scatter.add.f32 [tilespmem:s28], [sflag:$0x1], $0x40, s20, s30, $0xb8;
	[tilespmem:$0x1E000] =	vst v63  }
0x131: {  	_ =	swait.ge [sflag:s11], $0x2000  }
0x132: {  	[sflag:s11] =	ssyncset.done $0x0  }
0x133: {  	s21 =	sadd.s32 $0x300, s19;
	[sflag:s11] =	ssyncadd.s32 $0xFFFFE000  }
0x134: {  	[tilespmem:s4], [sflag:$0x3] =	stream.indirect.gather [spmem:s2], $0x40, s21, s30, $0xb8;
	[tilespmem:$0x1E000] =	vst v63  }
0x135: {  	_ =	swait.ge [sflag:s5], $0x2000  }
0x136: {  	[sflag:s5] =	ssyncset.done $0x0  }
0x137: {  	s21 =	sadd.s32 $0x1280, s19;
	[sflag:s5] =	ssyncadd.s32 $0xFFFFE000  }
0x138: {  	[spmem:s3] =	stream.indirect.scatter.add.f32 [tilespmem:s31], [sflag:$0x2], $0x40, s21, s30, $0xb8;
	[tilespmem:$0x1E000] =	vst v63  }
0x139: {  	_ =	swait.ge [sflag:s14], $0x2000  }
0x13a: {  	[sflag:s14] =	ssyncset.done $0x0  }
0x13b: {  	s21 =	sadd.s32 $0x380, s19;
	[sflag:s14] =	ssyncadd.s32 $0xFFFFE000  }
0x13c: {  	[tilespmem:s10], [sflag:$0x4] =	stream.indirect.gather [spmem:s2], $0x40, s21, s30, $0xb8;
	[tilespmem:$0x1E000] =	vst v63  }
0x13d: {  	_ =	swait.ge [sflag:s11], $0x2000  }
0x13e: {  	p0 =	seq.s32 s18, $0x3000;
	[sflag:s11] =	ssyncset.done $0x0  }
.Ltmp7:
0x13f: {  	s21 =	sadd.s32 $0x1300, s19;
	[sflag:s11] =	ssyncadd.s32 $0xFFFFE000;
	(pc) =	sbr.rel @p0 .LBB2_12-.Ltmp7, $4  }
0x140: {  	[spmem:s3] =	stream.indirect.scatter.add.f32 [tilespmem:s4], [sflag:$0x3], $0x40, s21, s30, $0xb8;
	[tilespmem:$0x1E000] =	vst v63  }
0x141: {  	_ =	swait.ge [sflag:s1], $0x2000  }
0x142: {  	[sflag:s1] =	ssyncset.done $0x0  }
0x143: {  	s20 =	sadd.s32 $0x1380, s19;
	[sflag:s1] =	ssyncadd.s32 $0xFFFFE000  }
0x144: {  	s21 =	sadd.s32 $0x400, s19  }
0x145: {  	[tilespmem:s28], [sflag:$0x1] =	stream.indirect.gather [spmem:s2], $0x40, s21, s30, $0xb8;
	[tilespmem:$0x1E000] =	vst v63  }
0x146: {  	_ =	swait.ge [sflag:s14], $0x2000  }
0x147: {  	[sflag:s14] =	ssyncset.done $0x0  }
0x148: {  	[sflag:s14] =	ssyncadd.s32 $0xFFFFE000  }
0x149: {  	[spmem:s3] =	stream.indirect.scatter.add.f32 [tilespmem:s10], [sflag:$0x4], $0x40, s20, s30, $0xb8;
	[tilespmem:$0x1E000] =	vst v63  }
.Ltmp8:
0x14a: {  	_ = 	snop;
	(pc) =	sbr.rel .LBB2_10-.Ltmp8, $4  }
0x14b: {  	_ =	swait.ge [sflag:s5], $0x2000  }
0x14c: {  	[sflag:s5] =	ssyncset.done $0x0  }
0x14d: {  	s18 =	sadd.s32 $0x800, s18;
	s21 =	sadd.s32 $0x480, s19;
	[sflag:s5] =	ssyncadd.s32 $0xFFFFE000  }
0x14e: {  	[tilespmem:s31], [sflag:$0x2] =	stream.indirect.gather [spmem:s2], $0x40, s21, s30, $0xb8;
	[tilespmem:$0x1E000] =	vst v63  }
.LBB2_12:
0x14f: {  	_ =	swait.ge [sflag:s14], $0x2000  }
0x150: {  	[sflag:s14] =	ssyncset.done $0x0  }
0x151: {  	[sflag:s14] =	ssyncadd.s32 $0xFFFFE000  }
0x152: {  	[spmem:s3] =	stream.indirect.scatter.add.f32 [tilespmem:s10], [sflag:$0x4], $0x40, s20, s30, $0xb8;
	[tilespmem:$0x1E000] =	vst v63  }
0x153: {  	_ =	swait.ge [sflag:s5], $0x2000  }
0x154: {  	[sflag:s5] =	ssyncset.done $0x0  }
0x155: {  	[sflag:s5] =	ssyncadd.s32 $0xFFFFE000  }
0x156: {  	_ =	swait.ge [sflag:s11], $0x2000  }
0x157: {  	[sflag:s11] =	ssyncset.done $0x0  }
0x158: {  	[sflag:s11] =	ssyncadd.s32 $0xFFFFE000  }
0x159: {  	_ =	swait.ge [sflag:s14], $0x2000  }
0x15a: {  	[sflag:s14] =	ssyncset.done $0x0  }
0x15b: {  	s18 =	simm.s32 $0x0;
	s19 =	rddreg [dreg:$0xc];
	[sflag:s14] =	ssyncadd.s32 $0xFFFFE000  }
0x15c: {  	[tilespmem:s18], [sflag:$0x5] =	stream.linear.gather [hbm4b:s19+s18], $0x1000, $0x38;
	[tilespmem:$0x1E000] =	vst v63  }
0x15d: {  	_ =	swait.ge [sflag:s26], $0x1000  }
0x15e: {  	[sflag:s26] =	ssyncset.done $0x0  }
0x15f: {  	s21 =	rddreg [dreg:$0xd];
	[sflag:s26] =	ssyncadd.s32 $0xFFFFF000  }
0x160: {  	[tilespmem:s29], [sflag:$0x5] =	stream.linear.gather [hbm4b:s21+s18], $0x1000, $0x38;
	[tilespmem:$0x1E000] =	vst v63  }
0x161: {  	_ =	swait.ge [sflag:s26], $0x1000  }
0x162: {  	[sflag:s26] =	ssyncset.done $0x0  }
0x163: {  	[sflag:s26] =	ssyncadd.s32 $0xFFFFF000  }
0x164: {  	[tilespmem:s28], [sflag:$0x1] =	stream.indirect.gather [spmem:s2], $0x40, s18, s30, $0xb8;
	[tilespmem:$0x1E000] =	vst v63  }
0x165: {  	_ = 	snop  }
0x166: {  	[tilespmem:s31], [sflag:$0x2] =	stream.indirect.gather [spmem:s2], $0x40, s30, s30, $0xb8;
	[tilespmem:$0x1E000] =	vst v63  }
0x167: {  	_ =	swait.ge [sflag:s1], $0x2000  }
0x168: {  	[sflag:s1] =	ssyncset.done $0x0  }
0x169: {  	[sflag:s1] =	ssyncadd.s32 $0xFFFFE000  }
0x16a: {  	[spmem:s3] =	stream.indirect.scatter.add.f32 [tilespmem:s28], [sflag:$0x1], $0x40, s29, s30, $0xb8;
	[tilespmem:$0x1E000] =	vst v63  }
0x16b: {  	_ = 	snop  }
0x16c: {  	[tilespmem:s4], [sflag:$0x3] =	stream.indirect.gather [spmem:s2], $0x40, s0, s30, $0xb8;
	[tilespmem:$0x1E000] =	vst v63  }
0x16d: {  	_ =	swait.ge [sflag:s5], $0x2000  }
0x16e: {  	[sflag:s5] =	ssyncset.done $0x0  }
0x16f: {  	[sflag:s5] =	ssyncadd.s32 $0xFFFFE000  }
0x170: {  	[spmem:s3] =	stream.indirect.scatter.add.f32 [tilespmem:s31], [sflag:$0x2], $0x40, s8, s30, $0xb8;
	[tilespmem:$0x1E000] =	vst v63  }
0x171: {  	_ = 	snop  }
0x172: {  	[tilespmem:s10], [sflag:$0x4] =	stream.indirect.gather [spmem:s2], $0x40, s9, s30, $0xb8;
	[tilespmem:$0x1E000] =	vst v63  }
0x173: {  	_ =	swait.ge [sflag:s11], $0x2000  }
0x174: {  	[sflag:s11] =	ssyncset.done $0x0  }
0x175: {  	[sflag:s11] =	ssyncadd.s32 $0xFFFFE000  }
0x176: {  	[spmem:s3] =	stream.indirect.scatter.add.f32 [tilespmem:s4], [sflag:$0x3], $0x40, s12, s30, $0xb8;
	[tilespmem:$0x1E000] =	vst v63  }
0x177: {  	_ =	swait.ge [sflag:s1], $0x2000  }
0x178: {  	[sflag:s1] =	ssyncset.done $0x0  }
0x179: {  	[sflag:s1] =	ssyncadd.s32 $0xFFFFE000  }
0x17a: {  	[tilespmem:s28], [sflag:$0x1] =	stream.indirect.gather [spmem:s2], $0x40, s13, s30, $0xb8;
	[tilespmem:$0x1E000] =	vst v63  }
0x17b: {  	_ =	swait.ge [sflag:s14], $0x2000  }
0x17c: {  	[sflag:s14] =	ssyncset.done $0x0  }
0x17d: {  	[sflag:s14] =	ssyncadd.s32 $0xFFFFE000  }
0x17e: {  	[spmem:s3] =	stream.indirect.scatter.add.f32 [tilespmem:s10], [sflag:$0x4], $0x40, s15, s30, $0xb8;
	[tilespmem:$0x1E000] =	vst v63  }
0x17f: {  	_ =	swait.ge [sflag:s5], $0x2000  }
0x180: {  	[sflag:s5] =	ssyncset.done $0x0  }
0x181: {  	[sflag:s5] =	ssyncadd.s32 $0xFFFFE000  }
0x182: {  	[tilespmem:s31], [sflag:$0x2] =	stream.indirect.gather [spmem:s2], $0x40, s16, s30, $0xb8;
	[tilespmem:$0x1E000] =	vst v63  }
.LBB2_13:
0x183: {  	_ =	swait.ge [sflag:s1], $0x2000  }
0x184: {  	s19 =	sshra.s32 s18, $0x2;
	[sflag:s1] =	ssyncset.done $0x0  }
0x185: {  	s20 =	sadd.s32 $0x1200, s19;
	[sflag:s1] =	ssyncadd.s32 $0xFFFFE000  }
0x186: {  	[spmem:s3] =	stream.indirect.scatter.add.f32 [tilespmem:s28], [sflag:$0x1], $0x40, s20, s30, $0xb8;
	[tilespmem:$0x1E000] =	vst v63  }
0x187: {  	_ =	swait.ge [sflag:s11], $0x2000  }
0x188: {  	[sflag:s11] =	ssyncset.done $0x0  }
0x189: {  	s21 =	sadd.s32 $0x300, s19;
	[sflag:s11] =	ssyncadd.s32 $0xFFFFE000  }
0x18a: {  	[tilespmem:s4], [sflag:$0x3] =	stream.indirect.gather [spmem:s2], $0x40, s21, s30, $0xb8;
	[tilespmem:$0x1E000] =	vst v63  }
0x18b: {  	_ =	swait.ge [sflag:s5], $0x2000  }
0x18c: {  	[sflag:s5] =	ssyncset.done $0x0  }
0x18d: {  	s21 =	sadd.s32 $0x1280, s19;
	[sflag:s5] =	ssyncadd.s32 $0xFFFFE000  }
0x18e: {  	[spmem:s3] =	stream.indirect.scatter.add.f32 [tilespmem:s31], [sflag:$0x2], $0x40, s21, s30, $0xb8;
	[tilespmem:$0x1E000] =	vst v63  }
0x18f: {  	_ =	swait.ge [sflag:s14], $0x2000  }
0x190: {  	[sflag:s14] =	ssyncset.done $0x0  }
0x191: {  	s21 =	sadd.s32 $0x380, s19;
	[sflag:s14] =	ssyncadd.s32 $0xFFFFE000  }
0x192: {  	[tilespmem:s10], [sflag:$0x4] =	stream.indirect.gather [spmem:s2], $0x40, s21, s30, $0xb8;
	[tilespmem:$0x1E000] =	vst v63  }
0x193: {  	_ =	swait.ge [sflag:s11], $0x2000  }
0x194: {  	p0 =	seq.s32 s18, $0x3000;
	[sflag:s11] =	ssyncset.done $0x0  }
.Ltmp9:
0x195: {  	s21 =	sadd.s32 $0x1300, s19;
	[sflag:s11] =	ssyncadd.s32 $0xFFFFE000;
	(pc) =	sbr.rel @p0 .LBB2_15-.Ltmp9, $4  }
0x196: {  	[spmem:s3] =	stream.indirect.scatter.add.f32 [tilespmem:s4], [sflag:$0x3], $0x40, s21, s30, $0xb8;
	[tilespmem:$0x1E000] =	vst v63  }
0x197: {  	_ =	swait.ge [sflag:s1], $0x2000  }
0x198: {  	[sflag:s1] =	ssyncset.done $0x0  }
0x199: {  	s20 =	sadd.s32 $0x1380, s19;
	[sflag:s1] =	ssyncadd.s32 $0xFFFFE000  }
0x19a: {  	s21 =	sadd.s32 $0x400, s19  }
0x19b: {  	[tilespmem:s28], [sflag:$0x1] =	stream.indirect.gather [spmem:s2], $0x40, s21, s30, $0xb8;
	[tilespmem:$0x1E000] =	vst v63  }
0x19c: {  	_ =	swait.ge [sflag:s14], $0x2000  }
0x19d: {  	[sflag:s14] =	ssyncset.done $0x0  }
0x19e: {  	[sflag:s14] =	ssyncadd.s32 $0xFFFFE000  }
0x19f: {  	[spmem:s3] =	stream.indirect.scatter.add.f32 [tilespmem:s10], [sflag:$0x4], $0x40, s20, s30, $0xb8;
	[tilespmem:$0x1E000] =	vst v63  }
.Ltmp10:
0x1a0: {  	_ = 	snop;
	(pc) =	sbr.rel .LBB2_13-.Ltmp10, $4  }
0x1a1: {  	_ =	swait.ge [sflag:s5], $0x2000  }
0x1a2: {  	[sflag:s5] =	ssyncset.done $0x0  }
0x1a3: {  	s18 =	sadd.s32 $0x800, s18;
	s21 =	sadd.s32 $0x480, s19;
	[sflag:s5] =	ssyncadd.s32 $0xFFFFE000  }
0x1a4: {  	[tilespmem:s31], [sflag:$0x2] =	stream.indirect.gather [spmem:s2], $0x40, s21, s30, $0xb8;
	[tilespmem:$0x1E000] =	vst v63  }
.LBB2_15:
0x1a5: {  	_ =	swait.ge [sflag:s14], $0x2000  }
0x1a6: {  	[sflag:s14] =	ssyncset.done $0x0  }
0x1a7: {  	[sflag:s14] =	ssyncadd.s32 $0xFFFFE000  }
0x1a8: {  	[spmem:s3] =	stream.indirect.scatter.add.f32 [tilespmem:s10], [sflag:$0x4], $0x40, s20, s30, $0xb8;
	[tilespmem:$0x1E000] =	vst v63  }
0x1a9: {  	_ =	swait.ge [sflag:s5], $0x2000  }
0x1aa: {  	[sflag:s5] =	ssyncset.done $0x0  }
0x1ab: {  	[sflag:s5] =	ssyncadd.s32 $0xFFFFE000  }
0x1ac: {  	_ =	swait.ge [sflag:s11], $0x2000  }
0x1ad: {  	[sflag:s11] =	ssyncset.done $0x0  }
0x1ae: {  	[sflag:s11] =	ssyncadd.s32 $0xFFFFE000  }
0x1af: {  	_ =	swait.ge [sflag:s14], $0x2000  }
0x1b0: {  	[sflag:s14] =	ssyncset.done $0x0  }
0x1b1: {  	s18 =	simm.s32 $0x0;
	s19 =	rddreg [dreg:$0xe];
	[sflag:s14] =	ssyncadd.s32 $0xFFFFE000  }
0x1b2: {  	[tilespmem:s18], [sflag:$0x5] =	stream.linear.gather [hbm4b:s19+s18], $0x1000, $0x38;
	[tilespmem:$0x1E000] =	vst v63  }
0x1b3: {  	_ =	swait.ge [sflag:s26], $0x1000  }
0x1b4: {  	[sflag:s26] =	ssyncset.done $0x0  }
0x1b5: {  	s21 =	rddreg [dreg:$0xf];
	[sflag:s26] =	ssyncadd.s32 $0xFFFFF000  }
0x1b6: {  	[tilespmem:s29], [sflag:$0x5] =	stream.linear.gather [hbm4b:s21+s18], $0x1000, $0x38;
	[tilespmem:$0x1E000] =	vst v63  }
0x1b7: {  	_ =	swait.ge [sflag:s26], $0x1000  }
0x1b8: {  	[sflag:s26] =	ssyncset.done $0x0  }
0x1b9: {  	[sflag:s26] =	ssyncadd.s32 $0xFFFFF000  }
0x1ba: {  	[tilespmem:s28], [sflag:$0x1] =	stream.indirect.gather [spmem:s2], $0x40, s18, s30, $0xb8;
	[tilespmem:$0x1E000] =	vst v63  }
0x1bb: {  	_ = 	snop  }
0x1bc: {  	[tilespmem:s31], [sflag:$0x2] =	stream.indirect.gather [spmem:s2], $0x40, s30, s30, $0xb8;
	[tilespmem:$0x1E000] =	vst v63  }
0x1bd: {  	_ =	swait.ge [sflag:s1], $0x2000  }
0x1be: {  	[sflag:s1] =	ssyncset.done $0x0  }
0x1bf: {  	[sflag:s1] =	ssyncadd.s32 $0xFFFFE000  }
0x1c0: {  	[spmem:s3] =	stream.indirect.scatter.add.f32 [tilespmem:s28], [sflag:$0x1], $0x40, s29, s30, $0xb8;
	[tilespmem:$0x1E000] =	vst v63  }
0x1c1: {  	_ = 	snop  }
0x1c2: {  	[tilespmem:s4], [sflag:$0x3] =	stream.indirect.gather [spmem:s2], $0x40, s0, s30, $0xb8;
	[tilespmem:$0x1E000] =	vst v63  }
0x1c3: {  	_ =	swait.ge [sflag:s5], $0x2000  }
0x1c4: {  	[sflag:s5] =	ssyncset.done $0x0  }
0x1c5: {  	[sflag:s5] =	ssyncadd.s32 $0xFFFFE000  }
0x1c6: {  	[spmem:s3] =	stream.indirect.scatter.add.f32 [tilespmem:s31], [sflag:$0x2], $0x40, s8, s30, $0xb8;
	[tilespmem:$0x1E000] =	vst v63  }
0x1c7: {  	_ = 	snop  }
0x1c8: {  	[tilespmem:s10], [sflag:$0x4] =	stream.indirect.gather [spmem:s2], $0x40, s9, s30, $0xb8;
	[tilespmem:$0x1E000] =	vst v63  }
0x1c9: {  	_ =	swait.ge [sflag:s11], $0x2000  }
0x1ca: {  	[sflag:s11] =	ssyncset.done $0x0  }
0x1cb: {  	[sflag:s11] =	ssyncadd.s32 $0xFFFFE000  }
0x1cc: {  	[spmem:s3] =	stream.indirect.scatter.add.f32 [tilespmem:s4], [sflag:$0x3], $0x40, s12, s30, $0xb8;
	[tilespmem:$0x1E000] =	vst v63  }
0x1cd: {  	_ =	swait.ge [sflag:s1], $0x2000  }
0x1ce: {  	[sflag:s1] =	ssyncset.done $0x0  }
0x1cf: {  	[sflag:s1] =	ssyncadd.s32 $0xFFFFE000  }
0x1d0: {  	[tilespmem:s28], [sflag:$0x1] =	stream.indirect.gather [spmem:s2], $0x40, s13, s30, $0xb8;
	[tilespmem:$0x1E000] =	vst v63  }
0x1d1: {  	_ =	swait.ge [sflag:s14], $0x2000  }
0x1d2: {  	[sflag:s14] =	ssyncset.done $0x0  }
0x1d3: {  	[sflag:s14] =	ssyncadd.s32 $0xFFFFE000  }
0x1d4: {  	[spmem:s3] =	stream.indirect.scatter.add.f32 [tilespmem:s10], [sflag:$0x4], $0x40, s15, s30, $0xb8;
	[tilespmem:$0x1E000] =	vst v63  }
0x1d5: {  	_ =	swait.ge [sflag:s5], $0x2000  }
0x1d6: {  	[sflag:s5] =	ssyncset.done $0x0  }
0x1d7: {  	[sflag:s5] =	ssyncadd.s32 $0xFFFFE000  }
0x1d8: {  	[tilespmem:s31], [sflag:$0x2] =	stream.indirect.gather [spmem:s2], $0x40, s16, s30, $0xb8;
	[tilespmem:$0x1E000] =	vst v63  }
.LBB2_16:
0x1d9: {  	_ =	swait.ge [sflag:s1], $0x2000  }
0x1da: {  	s19 =	sshra.s32 s18, $0x2;
	[sflag:s1] =	ssyncset.done $0x0  }
0x1db: {  	s20 =	sadd.s32 $0x1200, s19;
	[sflag:s1] =	ssyncadd.s32 $0xFFFFE000  }
0x1dc: {  	[spmem:s3] =	stream.indirect.scatter.add.f32 [tilespmem:s28], [sflag:$0x1], $0x40, s20, s30, $0xb8;
	[tilespmem:$0x1E000] =	vst v63  }
0x1dd: {  	_ =	swait.ge [sflag:s11], $0x2000  }
0x1de: {  	[sflag:s11] =	ssyncset.done $0x0  }
0x1df: {  	s21 =	sadd.s32 $0x300, s19;
	[sflag:s11] =	ssyncadd.s32 $0xFFFFE000  }
0x1e0: {  	[tilespmem:s4], [sflag:$0x3] =	stream.indirect.gather [spmem:s2], $0x40, s21, s30, $0xb8;
	[tilespmem:$0x1E000] =	vst v63  }
0x1e1: {  	_ =	swait.ge [sflag:s5], $0x2000  }
0x1e2: {  	[sflag:s5] =	ssyncset.done $0x0  }
0x1e3: {  	s21 =	sadd.s32 $0x1280, s19;
	[sflag:s5] =	ssyncadd.s32 $0xFFFFE000  }
0x1e4: {  	[spmem:s3] =	stream.indirect.scatter.add.f32 [tilespmem:s31], [sflag:$0x2], $0x40, s21, s30, $0xb8;
	[tilespmem:$0x1E000] =	vst v63  }
0x1e5: {  	_ =	swait.ge [sflag:s14], $0x2000  }
0x1e6: {  	[sflag:s14] =	ssyncset.done $0x0  }
0x1e7: {  	s21 =	sadd.s32 $0x380, s19;
	[sflag:s14] =	ssyncadd.s32 $0xFFFFE000  }
0x1e8: {  	[tilespmem:s10], [sflag:$0x4] =	stream.indirect.gather [spmem:s2], $0x40, s21, s30, $0xb8;
	[tilespmem:$0x1E000] =	vst v63  }
0x1e9: {  	_ =	swait.ge [sflag:s11], $0x2000  }
0x1ea: {  	p0 =	seq.s32 s18, $0x3000;
	[sflag:s11] =	ssyncset.done $0x0  }
.Ltmp11:
0x1eb: {  	s21 =	sadd.s32 $0x1300, s19;
	[sflag:s11] =	ssyncadd.s32 $0xFFFFE000;
	(pc) =	sbr.rel @p0 .LBB2_18-.Ltmp11, $4  }
0x1ec: {  	[spmem:s3] =	stream.indirect.scatter.add.f32 [tilespmem:s4], [sflag:$0x3], $0x40, s21, s30, $0xb8;
	[tilespmem:$0x1E000] =	vst v63  }
0x1ed: {  	_ =	swait.ge [sflag:s1], $0x2000  }
0x1ee: {  	[sflag:s1] =	ssyncset.done $0x0  }
0x1ef: {  	s20 =	sadd.s32 $0x1380, s19;
	[sflag:s1] =	ssyncadd.s32 $0xFFFFE000  }
0x1f0: {  	s21 =	sadd.s32 $0x400, s19  }
0x1f1: {  	[tilespmem:s28], [sflag:$0x1] =	stream.indirect.gather [spmem:s2], $0x40, s21, s30, $0xb8;
	[tilespmem:$0x1E000] =	vst v63  }
0x1f2: {  	_ =	swait.ge [sflag:s14], $0x2000  }
0x1f3: {  	[sflag:s14] =	ssyncset.done $0x0  }
0x1f4: {  	[sflag:s14] =	ssyncadd.s32 $0xFFFFE000  }
0x1f5: {  	[spmem:s3] =	stream.indirect.scatter.add.f32 [tilespmem:s10], [sflag:$0x4], $0x40, s20, s30, $0xb8;
	[tilespmem:$0x1E000] =	vst v63  }
.Ltmp12:
0x1f6: {  	_ = 	snop;
	(pc) =	sbr.rel .LBB2_16-.Ltmp12, $4  }
0x1f7: {  	_ =	swait.ge [sflag:s5], $0x2000  }
0x1f8: {  	[sflag:s5] =	ssyncset.done $0x0  }
0x1f9: {  	s18 =	sadd.s32 $0x800, s18;
	s21 =	sadd.s32 $0x480, s19;
	[sflag:s5] =	ssyncadd.s32 $0xFFFFE000  }
0x1fa: {  	[tilespmem:s31], [sflag:$0x2] =	stream.indirect.gather [spmem:s2], $0x40, s21, s30, $0xb8;
	[tilespmem:$0x1E000] =	vst v63  }
.LBB2_19:
0x1fb: {  	_ =	sfence.sel $0x180000  }
0x1fc: {  	[bflag:$0x0] =	sbarrier.arrive $0xFFFF  }
0x1fd: {  	_ =	strace $0x9000004D  }
0x1fe: {  	s0 =	stileid.u32;
	[bflag:$0x2] =	sbarrier.arrive $0xFFFF  }
0x1ff: {  	p0 =	sne.s32 s0, $0x0;
	s0 =	rddreg [dreg:$0x4]  }
0x200: {  	s0 =	sadd.s32 @!p0 $0x100000, s0  }
0x201: {  	[sflag:s0] =	ssyncadd.tile.s32 @!p0 $0x1;
	_ =	shalt  }
.Lfunc_end2:
_tile_overlayer_lowered:
.L_overlay_start_2:
0x202: {  	(tag) =	ssettag $0x2  }
0x203: {  	s0 =	rddreg [dreg:$0x0];
	s2 =	stileid.u32  }
0x204: {  	s1 =	rddreg [dreg:$0x1];
	p0 =	sne.s32 s2, $0x0  }
0x205: {  	s3 =	rddreg [dreg:$0x2];
	[bflag:$0x3] =	sbarrier.arrive $0xFFFF;
	s2 =	simm.s32 @!p0 $0x1C05  }
0x206: {  	[timem:s3], [sflag:s2] =	dma.local @!p0 [hbm:s0], s1  }
0x207: {  	s0 =	simm.s32 @!p0 $0x5  }
0x208: {  	_ =	swait.ge @!p0 [sflag:s0], s1  }
0x209: {  	s1 =	ssub.s32 @!p0 $0x0, s1;
	[sflag:s0] =	ssyncset.done @!p0 $0x0  }
0x20a: {  	[sflag:s0] =	ssyncadd.s32 @!p0 s1  }
0x20b: {  	[bflag:$0x3] =	sbarrier.arrive $0xFFFF  }
0x20c: {  	_ =	shalt  }

// kernel: kernel.8.cloned.1.call-start
scs
__scs_entry_jumppad:
0x0: {  	(pc) =	sbr.rel $0x88, $3  }
0x1: {  	(tag) =	ssettag $0x0;
	lr =	simm.s32 $0x1  }
0x2: {  	[smem:$0x3F9B] =	sst lr;
	_ =	strace $0xD0000000  }
0x3: {  	_ = 	snop  }
0x4: {  	_ = 	snop  }
0x5: {  	_ = 	snop  }
0x6: {  	_ = 	snop  }
0x7: {  	_ = 	snop  }
__scs_overlays_trampoline_lowered:
0x8: {  	[smem:$0x3FAA] =	sst s0  }
0x9: {  	[smem:$0x3FAB] =	sst s1  }
0xa: {  	[smem:$0x3FAC] =	sst s2  }
0xb: {  	[smem:$0x3FAD] =	sst s3  }
0xc: {  	[smem:$0x3FAE] =	sst s4  }
0xd: {  	[smem:$0x3FAF] =	sst s5  }
0xe: {  	[smem:$0x3FB0] =	sst s6  }
0xf: {  	[smem:$0x3FB1] =	sst s7  }
0x10: {  	[smem:$0x3FB2] =	sst s8  }
0x11: {  	[smem:$0x3FB3] =	sst s9;
	s0 =	simm.s32 @!p0 $0x0  }
0x12: {  	s1 =	sld [smem:$0x3F99];
	s0 =	simm.s32 @p0 $0x1  }
0x13: {  	[smem:$0x3FB4] =	sst s0;
	s0 =	simm.s32 @!p1 $0x0  }
0x14: {  	s2 =	sld [smem:$0x3F98];
	s0 =	simm.s32 @p1 $0x1  }
0x15: {  	[smem:$0x3FB5] =	sst s0;
	s0 =	simm.s32 @!p2 $0x0  }
0x16: {  	s3 =	sld [smem:$0x3FDB];
	s0 =	simm.s32 @p2 $0x1  }
0x17: {  	s4 =	simm.s32 $0x1BF5;
	[smem:$0x3FB7] =	sst s0  }
0x18: {  	s0 =	sld [smem:$0x3F9A];
	_ =	swait.ge [sflag:s4], $0x0  }
0x19: {  	s7 =	sld [smem:$0x3F9B]  }
0x1a: {  	s8 =	sadd.s32 $0xFFFFE003, lr  }
0x1b: {  	s9 =	sadd.s32 $0xFFFFFEF7, lr;
	s5 =	simm.s32 $0xFFFFFFFF;
	p2 =	slt.u32 s8, $0xFFFFF086  }
0x1c: {  	p1 =	slt.u32 s9, $0xF7A;
	s5 =	simm.s32 @!p2 $0x0  }
0x1d: {  	s5 =	simm.s32 @p1 $0x1;
	p0 =	seq.s32 s7, s2  }
0x1e: {  	s7 =	smul.u32 @!p0 $0xF7A, s2;
	p2 =	seq.s32 @!p0 s5, $0x0  }
0x1f: {  	s9 =	smul.u32 $0xF7A, s1;
	s8 =	simm.s32 @!p0 $0x1BF5;
	p2 =	por !p2, p0  }
0x20: {  	[sflag:s8] =	ssyncset.s32 @!p0 $0xFFFFF086;
	s6 =	sadd.s32 @!p0 s3, s7;
	s7 =	simm.s32 @!p0 $0x108  }
0x21: {  	s3 =	sadd.s32 s3, s9;
	s6 =	sadd.s32 @!p0 $0x88, s6;
	s7 =	simm.s32 @p2 $0x1082  }
0x22: {  	[simem:s7], [sflag:s8] =	dma.local @!p0 [hbm:s6], $0xF7A  }
0x23: {  	s9 =	sor.u32 $0xD0000000, s2;
	s6 =	simm.s32 $0x108;
	_ =	swait.ge @!p0 [sflag:s8], $0x0  }
0x24: {  	s3 =	sadd.s32 $0x88, s3;
	s6 =	simm.s32 @!p1 $0x1082;
	[sflag:s4] =	ssyncset.s32 $0xFFFFF086  }
0x25: {  	[simem:s6], [sflag:s4] =	dma.local [hbm:s3], $0xF7A  }
0x26: {  	[smem:$0x3F9B] =	sst s1;
	(tag) =	ssettag s2;
	_ =	strace s9  }
0x27: {  	s1 =	sld [smem:$0x3FAB]  }
0x28: {  	s2 =	sld [smem:$0x3FAC]  }
0x29: {  	s4 =	sld [smem:$0x3FAE]  }
0x2a: {  	p0 =	seq.s32 s5, $0x0;
	s5 =	sld [smem:$0x3FAF]  }
0x2b: {  	s6 =	sld [smem:$0x3FB0]  }
0x2c: {  	s7 =	sld [smem:$0x3FB1]  }
0x2d: {  	s3 =	simm.s32 $0x108;
	s8 =	sld [smem:$0x3FB2]  }
0x2e: {  	s3 =	simm.s32 @!p0 $0x1082;
	s9 =	sld [smem:$0x3FB3]  }
0x2f: {  	lr =	sadd.s32 s0, s3;
	s0 =	sld [smem:$0x3FAA]  }
0x30: {  	s3 =	sld [smem:$0x3FAD]  }
0x31: {  	[smem:$0x3FB6] =	sst s10  }
0x32: {  	s10 =	sld [smem:$0x3FB4];
	_ =	sdelay $0x3  }
0x33: {  	p0 =	seq.s32 s10, $0x1;
	s10 =	sld [smem:$0x3FB6];
	_ =	sdelay $0x3  }
0x34: {  	[smem:$0x3FB6] =	sst s10  }
0x35: {  	s10 =	sld [smem:$0x3FB5];
	_ =	sdelay $0x3  }
0x36: {  	p1 =	seq.s32 s10, $0x1;
	s10 =	sld [smem:$0x3FB6];
	_ =	sdelay $0x3  }
0x37: {  	[smem:$0x3FB6] =	sst s10  }
0x38: {  	s10 =	sld [smem:$0x3FB7]  }
0x39: {  	_ = 	snop;
	(pc) =	sbr.ind lr, $3  }
0x3a: {  	_ = 	snop  }
0x3b: {  	_ = 	snop  }
0x3c: {  	p2 =	seq.s32 s10, $0x1;
	s10 =	sld [smem:$0x3FB6]  }
0x3d: {  	_ =	shalt  }
0x3e: {  	_ =	shalt  }
0x3f: {  	_ =	shalt  }
0x40: {  	_ =	shalt  }
0x41: {  	_ =	shalt  }
0x42: {  	_ =	shalt  }
0x43: {  	_ =	shalt  }
0x44: {  	_ =	shalt  }
0x45: {  	_ =	shalt  }
0x46: {  	_ =	shalt  }
0x47: {  	_ =	shalt  }
0x48: {  	_ =	shalt  }
0x49: {  	_ =	shalt  }
0x4a: {  	_ =	shalt  }
0x4b: {  	_ =	shalt  }
0x4c: {  	_ =	shalt  }
0x4d: {  	_ =	shalt  }
0x4e: {  	_ =	shalt  }
0x4f: {  	_ =	shalt  }
0x50: {  	_ =	shalt  }
0x51: {  	_ =	shalt  }
0x52: {  	_ =	shalt  }
0x53: {  	_ =	shalt  }
0x54: {  	_ =	shalt  }
0x55: {  	_ =	shalt  }
0x56: {  	_ =	shalt  }
0x57: {  	_ =	shalt  }
0x58: {  	_ =	shalt  }
0x59: {  	_ =	shalt  }
0x5a: {  	_ =	shalt  }
0x5b: {  	_ =	shalt  }
0x5c: {  	_ =	shalt  }
0x5d: {  	_ =	shalt  }
0x5e: {  	_ =	shalt  }
0x5f: {  	_ =	shalt  }
0x60: {  	_ =	shalt  }
0x61: {  	_ =	shalt  }
0x62: {  	_ =	shalt  }
0x63: {  	_ =	shalt  }
0x64: {  	_ =	shalt  }
0x65: {  	_ =	shalt  }
0x66: {  	_ =	shalt  }
0x67: {  	_ =	shalt  }
0x68: {  	_ =	shalt  }
0x69: {  	_ =	shalt  }
0x6a: {  	_ =	shalt  }
0x6b: {  	_ =	shalt  }
0x6c: {  	_ =	shalt  }
0x6d: {  	_ =	shalt  }
0x6e: {  	_ =	shalt  }
0x6f: {  	_ =	shalt  }
0x70: {  	_ =	shalt  }
0x71: {  	_ =	shalt  }
0x72: {  	_ =	shalt  }
0x73: {  	_ =	shalt  }
0x74: {  	_ =	shalt  }
0x75: {  	_ =	shalt  }
0x76: {  	_ =	shalt  }
0x77: {  	_ =	shalt  }
0x78: {  	_ =	shalt  }
0x79: {  	_ =	shalt  }
0x7a: {  	_ =	shalt  }
0x7b: {  	_ =	shalt  }
0x7c: {  	_ =	shalt  }
0x7d: {  	_ =	shalt  }
0x7e: {  	_ =	shalt  }
0x7f: {  	_ =	shalt  }
0x80: {  	_ =	shalt  }
0x81: {  	_ =	shalt  }
0x82: {  	_ =	shalt  }
0x83: {  	_ =	shalt  }
0x84: {  	_ =	shalt  }
0x85: {  	_ =	shalt  }
0x86: {  	_ =	shalt  }
0x87: {  	_ =	shalt  }
.Lfunc_end0:
.L_simem_size_0:
called_computation_lowered:
.L_overlay_start_0:
0x88: {  	s2 =	sld [smem:$0x3FD9]  }
0x89: {  	s3 =	sld [smem:$0x3FFE];
	_ =	sdelay $0x1  }
0x8a: {  	s1 =	srdreg.scid  }
0x8b: {  	s0 =	sand.u32 $0x1, s1  }
0x8c: {  	s17 =	sshll.u32 s0, $0xA;
	s2 =	sadd.s32 s3, s2  }
0x8d: {  	s2 =	sadd.s32 s2, s17  }
0x8e: {  	[smem:$0x3FC2] =	sst s2  }
0x8f: {  	_ = 	snop  }
0x90: {  	s2 =	sld [smem:$0x3FD0];
	(tm) =	ssettm $0x1  }
0x91: {  	s18 =	sld [smem:$0x3FFB];
	_ =	sdelay $0x3  }
0x92: {  	_ =	strace s18  }
0x93: {  	s3 =	sld [smem:$0x3FFC];
	_ =	sdelay $0x3  }
0x94: {  	_ =	strace s3  }
0x95: {  	s3 =	sld [smem:$0x3FFD];
	_ =	sdelay $0x3  }
0x96: {  	_ =	strace s3  }
0x97: {  	_ =	strace $0x8FFFFFFF  }
0x98: {  	s19 =	sld [smem:$0x3FDB];
	_ =	sdelay $0x1  }
0x99: {  	s4 =	simm.s32 $_scs_section_size  }
0x9a: {  	s5 =	simm.s32 $_size__tile_overlayer_lowered;
	s6 =	simm.s32 $_tile_overlayer_lowered  }
0x9b: {  	s22 =	simm.s32 $0x1BFF;
	s21 =	sshll.u32 s6, $0x1;
	s3 =	sadd.s32 s4, s19  }
0x9c: {  	s7 =	simm.s32 $0x0;
	s20 =	sshll.u32 s5, $0x1;
	s5 =	sadd.s32 s21, s3  }
0x9d: {  	[timem:s7], [sflag:s22] =	dma.local [hbm:s5], s20  }
0x9e: {  	_ =	swait.ge [sflag:s22], s20  }
0x9f: {  	s4 =	ssub.s32 $0x0, s20;
	[sflag:s22] =	ssyncset.done $0x0  }
0xa0: {  	[sflag:s22] =	ssyncadd.s32 s4;
	_ =	sdelay $0x1  }
0xa1: {  	s23 =	simm.s32 $0x1B8B  }
0xa2: {  	_ =	swait.ge [sflag:s23], $0x1  }
0xa3: {  	[sflag:s23] =	ssyncset.done $0x0  }
0xa4: {  	s25 =	simm.s32 $0x1B8E;
	s24 =	sld [smem:$0x3FFE];
	[sflag:s23] =	ssyncadd.s32 $0xFFFFFFFF  }
0xa5: {  	s26 =	simm.s32 $execute0_lowered;
	[smem:$0x3FD2] =	sst s25  }
0xa6: {  	s5 =	sshll.u32 s26, $0x1;
	_ =	strace $0x80000046;
	[dreg:$0x1] =	wrdreg $0xFFFFFFFF  }
0xa7: {  	s28 =	simm.s32 $_size_execute0_lowered;
	s3 =	sadd.s32 s3, s5;
	[dreg:$0x0] =	wrdreg $0x0  }
0xa8: {  	s5 =	sshll.u32 s28, $0x1;
	[dreg:$0x2] =	wrdreg s3  }
0xa9: {  	[dreg:$0x3] =	wrdreg s5  }
0xaa: {  	[dreg:$0x4] =	wrdreg $0xC0  }
0xab: {  	_ =	task [dreg:s7], $0x5FFFF  }
0xac: {  	[dreg:$0x1] =	wrdreg $0xFFFFFFFF  }
0xad: {  	[dreg:$0x0] =	wrdreg $0x60  }
0xae: {  	[dreg:$0x2] =	wrdreg s2  }
0xaf: {  	[dreg:$0x3] =	wrdreg s24  }
0xb0: {  	[dreg:$0x4] =	wrdreg $0x78500  }
0xb1: {  	[dreg:$0x5] =	wrdreg $0x9  }
0xb2: {  	_ =	task.clear_ibuf [dreg:s7], $0x6FFFF;
	_ =	strace $0x90000046  }
0xb3: {  	s29 =	simm.s32 $0x9;
	_ =	strace $0x80000048  }
0xb4: {  	_ =	swait.ge [sflag:s29], $0x1  }
0xb5: {  	[sflag:s29] =	ssyncadd.s32 $0xFFFFFFFF  }
0xb6: {  	_ =	strace $0x90000048  }
0xb7: {  	_ =	sfence  }
0xb8: {  	s30 =	sld [smem:$0x0];
	_ =	sdelay $0x2  }
0xb9: {  	s31 =	sshll.u32 s1, $0xD;
	s1 =	sshrl.u32 s1, $0x2  }
0xba: {  	s3 =	sand.u32 $0x4000, s31;
	s1 =	sadd.s32 s1, s30  }
0xbb: {  	s0 =	sor.u32 s3, s0;
	s1 =	sshll.u32 s1, $0x11  }
0xbc: {  	s0 =	sor.u32 s1, s0  }
0xbd: {  	s0 =	sadd.s32 $0x8F2B, s0  }
0xbe: {  	[sflag:s0] =	ssyncadd.remote.s32 $0x1  }
0xbf: {  	_ =	sfence.sel $0xFFFF  }
0xc0: {  	[dreg:$0x0] =	wrdreg $0xFFFFFFFF;
	(pc) =	sbr.abs _section_cstart, $3  }
0xc1: {  	[dreg:$0x1] =	wrdreg $0xFFFFFFFF  }
0xc2: {  	_ =	task.clear_ibuf [dreg:s7], $0x2FFFF;
	_ =	strace $0x9FFFFFFF  }
0xc3: {  	(tm) =	ssettm $0x7FFFFFFF  }
tec
execute0_lowered:
.L_overlay_start_1:
0x0: {  	(tag) =	ssettag $0x1  }
0x1: {  	s4 =	rddreg [dreg:$0x0]  }
0x2: {  	s5 =	rddreg [dreg:$0x1]  }
0x3: {  	s2 =	rddreg [dreg:$0x2]  }
0x4: {  	s3 =	srdreg.scid;
	s1 =	stileid.u32  }
0x5: {  	s0 =	rddreg [dreg:$0x3];
	s10 =	simm.s32 $0x0;
	s6 =	sand.u32 $0x1, s3  }
0x6: {  	s7 =	sshll.u32 s1, $0x1;
	s3 =	simm.s32 $0x0;
	p0 =	seq.s32 s1, $0x0  }
0x7: {  	s8 =	smul.u32 $0x500, s6;
	s7 =	sor.u32 s6, s7;
	[smem:$0x7FF] =	sst s3  }
0x8: {  	s6 =	ssub.s32 $0x2, s6;
	s9 =	sshrl.u32 @p0 s2, $0x3;
	s7 =	smul.u32 $0x500, s7  }
0x9: {  	v0 =	vlaneseq.u32;
	_ =	strace $0x80000047;
	s31 =	sshrl.u32 s6, $0x1;
	s5 =	sadd.s32 s8, s5  }
0xa: {  	v1 =	vimm.f32 $0.0e+00;
	v6 =	vimm.f32 $1.000000000e+00;
	v2 =	vor.u32 $0x10, v0;
	s6 =	ssub.s32 s6, s31;
	s8 =	simm.s32 $0x2800;
	s4 =	sadd.s32 s4, s7  }
0xb: {  	v3 =	vor.u32 $0x20, v0;
	v4 =	vor.u32 $0x30, v0;
	v5 =	vor.u32 $0x40, v0;
	s5 =	sadd.s32 $0x1C00, s5;
	s6 =	smax.u32 s6, $0x1;
	s7 =	simm.s32 $0x1  }
.LBB2_1:
0xc: {  	[tilespmem:s3], [sflag:$0x1] =	stream.linear.gather [hbm4b:s4+s3], $0x2800, $0x38;
	[tilespmem:$0x7AD0] =	vst v63  }
0xd: {  	_ =	swait.ge [sflag:s7], $0x2800  }
0xe: {  	[sflag:s7] =	ssyncset.done $0x0  }
0xf: {  	s11 =	simm.s32 $0x40;
	s12 =	simm.s32 $0x0;
	[sflag:s7] =	ssyncadd.s32 $0xFFFFD800  }
.LBB2_2:
0x10: {  	p1 =	sne.s32 s11, $0x9FC0;
	[tilespmem:s12+$0x2800] =	vst v1;
	s12 =	smov.u32 s11;
	s11 =	sadd.s32 $0x40, s11  }
.Ltmp0:
0x11: {  	(pc) =	sbr.rel @p1 .LBB2_2-.Ltmp0, $2  }
0x12: {  	_ =	sdelay $0x2  }
0x13: {  	s12 =	sshra.s32 s12, $0x2  }
0x14: {  	[tilespmem:s12+$0x2800] =	vst v1  }
0x15: {  	[tilespmem:$0x7800] =	vst v0  }
0x16: {  	s12 =	simm.s32 $0x0;
	[tilespmem:$0x7810] =	vst v2  }
0x17: {  	[tilespmem:$0x7820] =	vst v3;
	s11 =	sand.u32 $0xFE00, s12  }
0x18: {  	[tilespmem:$0x7830] =	vst v4;
	s14 =	sand.u32 $0x70, s12;
	s13 =	sshrl.u32 s11, $0x2  }
0x19: {  	[tilespmem:$0x7840] =	vst v5;
	s14 =	sor.u32 s14, s13  }
0x1a: {  	v7 =	vld [tilespmem:s14+$0x0];
	_ =	sdelay $0x4  }
0x1b: {  	s11 =	simm.s32 $0x40  }
0x1c: {  	s15 =	simm.s32 $0x80;
	s16 =	sand.u32 $0xFE00, s11;
	s14 =	simm.s32 $0x10  }
.LBB2_4:
0x1d: {  	p1 =	sne.s32 s15, $0x9FC0;
	s17 =	sand.u32 $0x70, s14;
	s16 =	sshrl.u32 s16, $0x2  }
0x1e: {  	s16 =	sor.u32 s17, s16;
	[tilespmem:v7+s8+$0x0] =	vst.idx.add.f32.msk $0xffff, v6  }
0x1f: {  	v7 =	vld [tilespmem:s16+$0x0];
	_ =	sdelay $0x1  }
.Ltmp1:
0x20: {  	(pc) =	sbr.rel @p1 .LBB2_4-.Ltmp1, $2  }
0x21: {  	_ =	sdelay $0x2  }
0x22: {  	s14 =	sadd.s32 $0x10, s14;
	s16 =	sand.u32 $0xFE00, s15;
	s15 =	sadd.s32 $0x40, s15  }
0x23: {  	_ =	sdelay $0x2  }
0x24: {  	s14 =	sand.u32 $0x70, s14;
	s15 =	sshrl.u32 s16, $0x2  }
0x25: {  	[tilespmem:v7+s8+$0x0] =	vst.idx.add.f32.msk $0xffff, v6;
	s14 =	sor.u32 s14, s15  }
0x26: {  	v7 =	vld [tilespmem:s14+$0x0];
	_ =	sdelay $0x7  }
0x27: {  	s30 =	simm.s32 $0x0;
	[tilespmem:v7+s8+$0x0] =	vst.idx.add.f32.msk $0xffff, v6  }
0x28: {  	v7 =	vld [tilespmem:s30+$0x2800];
	_ =	sdelay $0x1  }
0x29: {  	s31 =	sand.u32 $0x70, s12  }
0x2a: {  	s12 =	simm.s32 $0x10;
	s13 =	sor.u32 s31, s13  }
.LBB2_6:
0x2b: {  	s14 =	sshra.s32 s11, $0x2  }
0x2c: {  	p1 =	sne.s32 s12, $0x27F0;
	[tilespmem:s13+$0x5000] =	vst v7;
	s13 =	smov.u32 s12;
	s12 =	sadd.s32 $0x10, s12  }
.Ltmp2:
0x2d: {  	v7 =	vld [tilespmem:s14+$0x2800];
	(pc) =	sbr.rel @p1 .LBB2_6-.Ltmp2, $4  }
0x2e: {  	_ = 	snop  }
0x2f: {  	s14 =	sand.u32 $0xFE00, s11  }
0x30: {  	s13 =	sand.u32 $0x70, s13;
	s14 =	sshrl.u32 s14, $0x2  }
0x31: {  	s11 =	sadd.s32 $0x40, s11;
	s13 =	sor.u32 s13, s14  }
0x32: {  	[tilespmem:s13+$0x5000] =	vst v7;
	s11 =	simm.s32 @p0 $0x5000  }
0x33: {  	[spmem:s2] =	stream.linear.scatter @p0 [tilespmem:s11], [sflag:$0x1], $0x2800, $0x38;
	[tilespmem:$0x7AD0] =	vst v63  }
0x34: {  	s11 =	simm.s32 @p0 $0x1  }
0x35: {  	_ =	swait.ge @p0 [sflag:s11], $0x2800  }
0x36: {  	[sflag:s11] =	ssyncset.done @p0 $0x0  }
0x37: {  	[sflag:s11] =	ssyncadd.s32 @p0 $0xFFFFD800  }
0x38: {  	[bflag:$0x0] =	sbarrier.arrive @p0 $0xFFFF  }
0x39: {  	s12 =	simm.s32 @p0 $0x1C01;
	[bflag:$0x0] =	sbarrier.arrive @p0 $0xFFFF  }
0x3a: {  	[hbm:s5], [sflag:s12] =	dma.local @p0 [spmem:s9], $0x500  }
0x3b: {  	_ =	swait.ge @p0 [sflag:s11], $0x500  }
0x3c: {  	[sflag:s11] =	ssyncset.done @p0 $0x0  }
0x3d: {  	s13 =	simm.s32 @!p0 $0x5000;
	s10 =	sadd.s32 $0x1, s10;
	[sflag:s11] =	ssyncadd.s32 @p0 $0xFFFFFB00  }
0x3e: {  	s12 =	simm.s32 @!p0 $0x7800;
	s11 =	simm.s32 @!p0 $0x50;
	[bflag:$0x0] =	sbarrier.arrive @!p0 $0xFFFF  }
0x3f: {  	[spmem:s2] =	stream.indirect.scatter.add.f32 @!p0 [tilespmem:s13], [sflag:$0x1], $0x80, s12, s11, $0xb8;
	[tilespmem:$0x7AD0] =	vst v63  }
0x40: {  	p1 =	sne.s32 s10, s6;
	s11 =	simm.s32 @!p0 $0x1  }
.Ltmp3:
0x41: {  	_ =	swait.ge @!p0 [sflag:s11], $0x2800;
	(pc) =	sbr.rel @p1 .LBB2_1-.Ltmp3, $3  }
0x42: {  	[sflag:s11] =	ssyncset.done @!p0 $0x0  }
0x43: {  	[sflag:s11] =	ssyncadd.s32 @!p0 $0xFFFFD800  }
0x44: {  	[bflag:$0x0] =	sbarrier.arrive @!p0 $0xFFFF;
	_ =	sdelay $0x1  }
0x45: {  	_ =	sfence.sel $0x180000  }
0x46: {  	[bflag:$0x0] =	sbarrier.arrive $0xFFFF  }
0x47: {  	p0 =	sne.s32 s1, $0x0;
	_ =	strace $0x90000047  }
0x48: {  	s0 =	sadd.s32 @!p0 $0x100000, s0;
	[bflag:$0x2] =	sbarrier.arrive $0xFFFF  }
0x49: {  	[sflag:s0] =	ssyncadd.tile.s32 @!p0 $0x1;
	_ =	shalt  }
.Lfunc_end2:
_tile_overlayer_lowered:
.L_overlay_start_2:
0x4a: {  	(tag) =	ssettag $0x2  }
0x4b: {  	s0 =	rddreg [dreg:$0x0];
	s2 =	stileid.u32  }
0x4c: {  	s1 =	rddreg [dreg:$0x1];
	p0 =	sne.s32 s2, $0x0  }
0x4d: {  	s3 =	rddreg [dreg:$0x2];
	[bflag:$0x3] =	sbarrier.arrive $0xFFFF;
	s2 =	simm.s32 @!p0 $0x1C01  }
0x4e: {  	[timem:s3], [sflag:s2] =	dma.local @!p0 [hbm:s0], s1  }
0x4f: {  	s0 =	simm.s32 @!p0 $0x1  }
0x50: {  	_ =	swait.ge @!p0 [sflag:s0], s1  }
0x51: {  	s1 =	ssub.s32 @!p0 $0x0, s1;
	[sflag:s0] =	ssyncset.done @!p0 $0x0  }
0x52: {  	[sflag:s0] =	ssyncadd.s32 @!p0 s1  }
0x53: {  	[bflag:$0x3] =	sbarrier.arrive $0xFFFF  }
0x54: {  	_ =	shalt  }

</sc_bundles>
